<compile_context>
chip_gen: v7x
topology: tpu7x:2x2x1
jax: 0.10.2.dev20260603
libtpu: 0.0.44.dev20260713+nightly
codegen_flags: <defaults>
</compile_context>

<pallas_src>
import functools

import jax
import jax.numpy as jnp
from jax import lax
from jax.experimental import pallas as pl
from jax.experimental.pallas import tpu as pltpu
from jax.experimental.pallas import tpu_sc as plsc

N = 10000
E = 320000
G = 10
NPG = N // G
IN_DIM = 128
H = 128
NC_CLS = 10
NL = 3

NCORES = 2
NSUB = 16
NW = NCORES * NSUB
EPS = E // NSUB
CH = 80
NCHUNK = EPS // CH
HR = 5120
ACCR = HR + 80
RPC = HR // NSUB
ZB = 64
NBUF = 2
DW = 128
DCH = 80
DNCHUNK = EPS // DCH


def _sc_degrees_body(srcm_hbm, dstm_hbm, ones_hbm, zrows_hbm, out_hbm,
                     srcm_v, dstm_v, ones_v, buf_v, acc_sh):
    c = lax.axis_index("c")
    s = lax.axis_index("s")
    wid = c * NSUB + s
    pltpu.sync_copy(srcm_hbm.at[wid], srcm_v)
    pltpu.sync_copy(dstm_hbm.at[wid], dstm_v)
    pltpu.sync_copy(ones_hbm, ones_v)
    r0 = s * RPC
    for p, idx_v in ((0, srcm_v), (1, dstm_v)):
        pltpu.sync_copy(zrows_hbm, buf_v)
        for k in range(RPC // ZB):
            pltpu.sync_copy(buf_v, acc_sh.at[pl.ds(r0 + k * ZB, ZB)])
        plsc.subcore_barrier()

        def body(j, carry):
            pltpu.sync_copy(ones_v, acc_sh.at[idx_v.at[j]], add=True)
            return carry

        lax.fori_loop(0, DNCHUNK, body, 0)
        plsc.subcore_barrier()
        for k in range(RPC // ZB):
            pltpu.sync_copy(acc_sh.at[pl.ds(r0 + k * ZB, ZB)], buf_v)
            pltpu.sync_copy(buf_v, out_hbm.at[c, p, pl.ds(r0 + k * ZB, ZB)])
        plsc.subcore_barrier()


def _sc_segsum_body(src_hbm, dstm_hbm, h_hbm, zrows_hbm, out_hbm,
                    src_v, dst_v, rows_v, acc_sh, sem0, sem1):
    c = lax.axis_index("c")
    s = lax.axis_index("s")
    wid = c * NSUB + s
    sems = (sem0, sem1)
    pltpu.sync_copy(src_hbm.at[wid], src_v)
    pltpu.sync_copy(dstm_hbm.at[wid], dst_v)
    pltpu.sync_copy(zrows_hbm, rows_v.at[0])
    r0 = s * RPC
    for k in range(RPC // CH):
        pltpu.sync_copy(rows_v.at[0], acc_sh.at[pl.ds(r0 + k * CH, CH)])
    plsc.subcore_barrier()

    for b in range(NBUF):
        pltpu.async_copy(h_hbm.at[src_v.at[b]], rows_v.at[b], sems[b])

    def body(g, carry):
        for b in range(NBUF):
            j = g * NBUF + b
            pltpu.make_async_copy(
                h_hbm.at[src_v.at[j]], rows_v.at[b], sems[b]).wait()
            pltpu.sync_copy(rows_v.at[b], acc_sh.at[dst_v.at[j]], add=True)
            jn = jnp.minimum(j + NBUF, NCHUNK - 1)
            pltpu.async_copy(h_hbm.at[src_v.at[jn]], rows_v.at[b], sems[b])
        return carry

    lax.fori_loop(0, NCHUNK // NBUF, body, 0)
    for b in range(NBUF):
        pltpu.make_async_copy(
            h_hbm.at[src_v.at[NCHUNK - 1]], rows_v.at[b], sems[b]).wait()
    plsc.subcore_barrier()
    for k in range(RPC // CH):
        pltpu.sync_copy(acc_sh.at[pl.ds(r0 + k * CH, CH)], rows_v.at[0])
        pltpu.sync_copy(rows_v.at[0], out_hbm.at[c, pl.ds(r0 + k * CH, CH)])


@functools.cache
def _sc_kernels():
    mesh = plsc.VectorSubcoreMesh(
        core_axis_name="c", subcore_axis_name="s",
        num_cores=NCORES, num_subcores=NSUB)
    sc_degrees = pl.kernel(
        _sc_degrees_body,
        out_type=jax.ShapeDtypeStruct((NCORES, 2, HR, DW), jnp.float32),
        mesh=mesh,
        scratch_types=[
            pltpu.VMEM((DNCHUNK, DCH), jnp.int32),
            pltpu.VMEM((DNCHUNK, DCH), jnp.int32),
            pltpu.VMEM((DCH, DW), jnp.float32),
            pltpu.VMEM((ZB, DW), jnp.float32),
            pltpu.VMEM_SHARED((ACCR, DW), jnp.float32),
        ],
    )
    sc_segsum = pl.kernel(
        _sc_segsum_body,
        out_type=jax.ShapeDtypeStruct((NCORES, HR, H), jnp.float32),
        mesh=mesh,
        scratch_types=[
            pltpu.VMEM((NCHUNK, CH), jnp.int32),
            pltpu.VMEM((NCHUNK, CH), jnp.int32),
            pltpu.VMEM((NBUF, CH, H), jnp.float32),
            pltpu.VMEM_SHARED((ACCR, H), jnp.float32),
            pltpu.SemaphoreType.DMA,
            pltpu.SemaphoreType.DMA,
        ],
    )
    return sc_degrees, sc_segsum


def _degrees_from(degp):
    out_deg = jnp.concatenate(
        [degp[0, 0, :, 0:1], degp[1, 0, 0:N - HR, 0:1]], axis=0)
    in_deg = jnp.concatenate(
        [degp[0, 1, :, 0:1], degp[1, 1, 0:N - HR, 0:1]], axis=0)
    return out_deg, in_deg


def _tc_prep_body(feat, wemb, bemb, wg0, bg0, degp,
                  x0_o, hpre_o, ns_o, nd_o):
    x0 = jnp.dot(feat[...], wemb[...], preferred_element_type=jnp.float32)
    x0 = x0 + bemb[...]
    out_deg, in_deg = _degrees_from(degp)
    ns = lax.rsqrt(jnp.maximum(out_deg, 1.0))
    nd = lax.rsqrt(jnp.maximum(in_deg, 1.0))
    x0_o[...] = x0
    hpre_o[...] = (jnp.dot(x0, wg0[...], preferred_element_type=jnp.float32)
                   + bg0[...]) * ns
    ns_o[...] = ns
    nd_o[...] = nd


_tc_prep = pl.pallas_call(
    _tc_prep_body,
    out_shape=[
        jax.ShapeDtypeStruct((N, H), jnp.float32),
        jax.ShapeDtypeStruct((N, H), jnp.float32),
        jax.ShapeDtypeStruct((N, 1), jnp.float32),
        jax.ShapeDtypeStruct((N, 1), jnp.float32),
    ],
)


def _bn_relu_residual(p, x, nd, gam, bet):
    agg = jnp.concatenate([p[0], p[1, 0:N - HR]], axis=0)
    h = agg * nd[...]
    mu = jnp.mean(h, axis=0, keepdims=True)
    hc = h - mu
    var = jnp.mean(hc * hc, axis=0, keepdims=True)
    hn = gam[...] * hc * lax.rsqrt(var + 1e-5) + bet[...]
    return x[...] + jnp.maximum(hn, 0.0)


def _tc_layer_body(p, x, nd, gam, bet, wgn, bgn, ns, xo, hpo):
    xn = _bn_relu_residual(p, x, nd, gam, bet)
    xo[...] = xn
    hpo[...] = (jnp.dot(xn, wgn[...], preferred_element_type=jnp.float32)
                + bgn[...]) * ns[...]


_tc_layer = pl.pallas_call(
    _tc_layer_body,
    out_shape=[
        jax.ShapeDtypeStruct((N, H), jnp.float32),
        jax.ShapeDtypeStruct((N, H), jnp.float32),
    ],
)


def _tc_final_body(p, x, nd, gam, bet,
                   wmg0, bmg0, wmg1, bmg1, wmg2, bmg2,
                   wmn0, bmn0, wmn1, bmn1, wmn2, bmn2,
                   xo, xgo, go):
    x3 = _bn_relu_residual(p, x, nd, gam, bet)
    xo[...] = x3
    xr = x3.reshape(G, NPG, H)
    avg = jnp.mean(xr, axis=1)
    mx = jnp.max(xr, axis=1)
    hg = jnp.concatenate([avg, mx], axis=-1)

    g = jnp.dot(hg, wmg0[...], preferred_element_type=jnp.float32) + bmg0[...]
    g = jnp.maximum(g, 0.0)
    g = jnp.dot(g, wmg1[...], preferred_element_type=jnp.float32) + bmg1[...]
    g = jnp.maximum(g, 0.0)
    go[...] = jnp.dot(g, wmg2[...], preferred_element_type=jnp.float32) + bmg2[...]

    hgr = jnp.broadcast_to(hg[:, None, :], (G, NPG, 2 * H)).reshape(N, 2 * H)
    xin = jnp.concatenate([hgr, x3], axis=1)
    y = jnp.dot(xin, wmn0[...], preferred_element_type=jnp.float32) + bmn0[...]
    y = jnp.maximum(y, 0.0)
    y = jnp.dot(y, wmn1[...], preferred_element_type=jnp.float32) + bmn1[...]
    y = jnp.maximum(y, 0.0)
    xgo[...] = jnp.dot(y, wmn2[...], preferred_element_type=jnp.float32) + bmn2[...]


_tc_final = pl.pallas_call(
    _tc_final_body,
    out_shape=[
        jax.ShapeDtypeStruct((N, H), jnp.float32),
        jax.ShapeDtypeStruct((N, NC_CLS), jnp.float32),
        jax.ShapeDtypeStruct((G, NC_CLS), jnp.float32),
    ],
)


def kernel(feature, edge_index, labels, W_emb, b_emb, Wg, bg, gam, bet,
           Wmg0, bmg0, Wmg1, bmg1, Wmg2, bmg2,
           Wmn0, bmn0, Wmn1, bmn1, Wmn2, bmn2):
    src = edge_index[0]
    dst = edge_index[1]
    srcr = src.reshape(NSUB, NCHUNK, CH)
    src_w = jnp.broadcast_to(
        srcr[None], (NCORES, NSUB, NCHUNK, CH)).reshape(NW, NCHUNK, CH)

    bases = (jnp.arange(NCORES, dtype=jnp.int32) * HR).reshape(NCORES, 1, 1, 1)

    dummy = HR + jnp.arange(CH, dtype=jnp.int32)

    def core_masked(idx):
        loc = idx.reshape(1, NSUB, NCHUNK, CH) - bases
        ok = (loc >= 0) & (loc < HR)
        return jnp.where(ok, loc, dummy).astype(jnp.int32).reshape(
            NW, NCHUNK, CH)

    srcm_w = core_masked(src)
    dstm_w = core_masked(dst)

    ones = jnp.ones((DCH, DW), jnp.float32)
    zdeg = jnp.zeros((ZB, DW), jnp.float32)
    zrows = jnp.zeros((CH, H), jnp.float32)

    sc_degrees, sc_segsum = _sc_kernels()
    degp = sc_degrees(srcm_w.reshape(NW, DNCHUNK, DCH),
                      dstm_w.reshape(NW, DNCHUNK, DCH), ones, zdeg)
    x, hpre, ns, nd = _tc_prep(feature, W_emb, b_emb, Wg[0], bg[0], degp)

    x3 = x_g = g = None
    for l in range(NL):
        p = sc_segsum(src_w, dstm_w, hpre, zrows)
        if l < NL - 1:
            x, hpre = _tc_layer(p, x, nd, gam[l], bet[l],
                                Wg[l + 1], bg[l + 1], ns)
        else:
            x3, x_g, g = _tc_final(p, x, nd, gam[l], bet[l],
                                   Wmg0, bmg0, Wmg1, bmg1, Wmg2, bmg2,
                                   Wmn0, bmn0, Wmn1, bmn1, Wmn2, bmn2)

    node_label = jnp.repeat(labels, NPG, axis=0)
    return x3, x_g, g, node_label

# --- scband reference (transcript-rebuilt; emitter-appended) ---
"""Pipeline reference for scband-node-graph-net-89060441850434 (READ-ONLY COPY).

The authoritative reference and input builder live on the scoring server;
editing this copy changes nothing except your own understanding.
"""

import jax, jax.numpy as jnp
import numpy as np

N = 10000
E = 320000
G = 10
NPG = N // G
IN_DIM = 128
H = 128
NC = 10
NL = 3

def setup_inputs(seed: int = 0):
    key = jax.random.key(seed)
    ks = jax.random.split(key, 16)
    def dense(k, din, dout):
        return (jax.random.normal(k, (din, dout), dtype=jnp.float32) / np.sqrt(din)).astype(jnp.float32)
    inp = {}
    inp["feature"] = jax.random.normal(ks[0], (N, IN_DIM), dtype=jnp.float32)
    inp["edge_index"] = jax.random.randint(ks[1], (2, E), 0, N, dtype=jnp.int32)
    inp["labels"] = jax.random.randint(ks[2], (G,), 0, NC, dtype=jnp.int32)
    inp["W_emb"] = dense(ks[3], IN_DIM, H)
    inp["b_emb"] = jnp.zeros((H,), jnp.float32)
    inp["Wg"] = (jax.random.normal(ks[4], (NL, H, H), dtype=jnp.float32) / np.sqrt(H)).astype(jnp.float32)
    inp["bg"] = jnp.zeros((NL, H), jnp.float32)
    inp["gam"] = jnp.ones((NL, H), jnp.float32)
    inp["bet"] = jnp.zeros((NL, H), jnp.float32)
    inp["Wmg0"] = dense(ks[5], 2 * H, H)
    inp["bmg0"] = jnp.zeros((H,), jnp.float32)
    inp["Wmg1"] = dense(ks[6], H, H // 2)
    inp["bmg1"] = jnp.zeros((H // 2,), jnp.float32)
    inp["Wmg2"] = dense(ks[7], H // 2, NC)
    inp["bmg2"] = jnp.zeros((NC,), jnp.float32)
    inp["Wmn0"] = dense(ks[8], 3 * H, 3 * H // 2)
    inp["bmn0"] = jnp.zeros((3 * H // 2,), jnp.float32)
    inp["Wmn1"] = dense(ks[9], 3 * H // 2, 3 * H // 4)
    inp["bmn1"] = jnp.zeros((3 * H // 4,), jnp.float32)
    inp["Wmn2"] = dense(ks[10], 3 * H // 4, NC)
    inp["bmn2"] = jnp.zeros((NC,), jnp.float32)
    return inp

def _mlp_readout(y, W0, b0, W1, b1, W2, b2):
    y = jax.nn.relu(y @ W0 + b0)
    y = jax.nn.relu(y @ W1 + b1)
    return y @ W2 + b2

def _forward(feature, W_emb, b_emb, Wg, bg, gam, bet, Wmg0, bmg0, Wmg1, bmg1, Wmg2, bmg2, Wmn0, bmn0, Wmn1, bmn1, Wmn2, bmn2, edge_index, labels):
    src = edge_index[0]
    dst = edge_index[1]
    out_deg = jnp.maximum(jnp.bincount(src, length=N).astype(jnp.float32), 1.0)
    in_deg = jnp.maximum(jnp.bincount(dst, length=N).astype(jnp.float32), 1.0)
    norm_src = out_deg ** -0.5
    norm_dst = in_deg ** -0.5
    x = feature @ W_emb + b_emb
    for l in range(NL):
        h_in = x
        h = (x @ Wg[l] + bg[l]) * norm_src[:, None]
        agg = jax.ops.segment_sum(h[src], dst, num_segments=N)
        h = agg * norm_dst[:, None]
        mu = jnp.mean(h, axis=0)
        var = jnp.var(h, axis=0)
        h = gam[l] * (h - mu) / jnp.sqrt(var + 1e-5) + bet[l]
        h = jax.nn.relu(h)
        x = h_in + h
    gid = jnp.arange(N) // NPG
    avg = jax.ops.segment_sum(x, gid, num_segments=G) / float(NPG)
    mx = jax.ops.segment_max(x, gid, num_segments=G)
    hg = jnp.concatenate([avg, mx], axis=-1)
    hg_rep = jnp.repeat(hg, NPG, axis=0)
    x_g_in = jnp.concatenate([hg_rep, x], axis=1)
    node_label = jnp.repeat(labels, NPG, axis=0)
    g = _mlp_readout(hg, Wmg0, bmg0, Wmg1, bmg1, Wmg2, bmg2)
    x_g = _mlp_readout(x_g_in, Wmn0, bmn0, Wmn1, bmn1, Wmn2, bmn2)
    return x, x_g, g, node_label

def reference(feature, edge_index, labels, W_emb, b_emb, Wg, bg, gam, bet, Wmg0, bmg0, Wmg1, bmg1, Wmg2, bmg2, Wmn0, bmn0, Wmn1, bmn1, Wmn2, bmn2):
    return _forward(feature, W_emb, b_emb, Wg, bg, gam, bet, Wmg0, bmg0, Wmg1, bmg1, Wmg2, bmg2, Wmn0, bmn0, Wmn1, bmn1, Wmn2, bmn2, edge_index, labels)

if __name__ == "__main__":
    import jax
    _d = setup_inputs()
    print(jax.jit(kernel)(*tuple(_d.values())))

</pallas_src>

<mosaic_0001>
#map = affine_map<(d0, d1) -> (0, 0, 0)>
#map1 = affine_map<(d0, d1) -> (0, 0)>
#map2 = affine_map<(d0, d1) -> (0, 0, 0, 0)>
module attributes {stable_mosaic.version = 14 : i64} {
  func.func @_sc_degrees_body(%arg0: i32, %arg1: i32, %arg2: memref<32x250x80xi32, #tpu.memory_space<hbm>>, %arg3: memref<32x250x80xi32, #tpu.memory_space<hbm>>, %arg4: memref<80x128xf32, #tpu.memory_space<hbm>>, %arg5: memref<64x128xf32, #tpu.memory_space<hbm>>, %arg6: memref<2x2x5120x128xf32, #tpu.memory_space<hbm>>, %arg7: memref<250x80xi32, #tpu.memory_space<vmem>>, %arg8: memref<250x80xi32, #tpu.memory_space<vmem>>, %arg9: memref<80x128xf32, #tpu.memory_space<vmem>>, %arg10: memref<64x128xf32, #tpu.memory_space<vmem>>, %arg11: memref<5200x128xf32, #tpu.memory_space<vmem_shared>>) attributes {dimension_semantics = [#tpu.dimension_semantics<core_parallel>, #tpu.dimension_semantics<subcore_parallel>], iteration_bounds = array<i64: 2, 16>, scalar_prefetch = 0 : i64, scratch_operands = 5 : i64, tpu.core_type = #tpu.core_type<sc_vector_subcore>, window_params = [{transform_indices = #map}, {transform_indices = #map}, {transform_indices = #map1}, {transform_indices = #map1}, {transform_indices = #map2}]} {
    %mul3A = arith.constant 16 : i32
    %mul3A_0 = arith.muli %arg0, %mul3A : i32
    %add3A = arith.addi %mul3A_0, %arg1 : i32
    "tpu.region"() ({
      %run_scoped3A_88 = tpu.sem_alloc : memref<!tpu.dma_semaphore, #tpu.memory_space<semaphore_mem>>
      %dma_start3A = arith.constant 0 : i32
      %dma_start3A_89 = arith.constant 0 : i32
      %dma_start3A_90 = tpu.memref_slice %arg2[%add3A, %dma_start3A, %dma_start3A_89] : memref<32x250x80xi32, #tpu.memory_space<hbm>> -> memref<1x250x80xi32, #tpu.memory_space<hbm>>
      %dma_start3A_91 = tpu.memref_squeeze %dma_start3A_90 : memref<1x250x80xi32, #tpu.memory_space<hbm>> -> memref<250x80xi32, #tpu.memory_space<hbm>>
      %dma_start3A_92 = arith.constant 0 : i32
      %dma_start3A_93 = arith.constant 0 : i32
      %dma_start3A_94 = tpu.memref_slice %arg2[%add3A, %dma_start3A_92, %dma_start3A_93] : memref<32x250x80xi32, #tpu.memory_space<hbm>> -> memref<1x250x80xi32, #tpu.memory_space<hbm>>
      %dma_start3A_95 = tpu.memref_squeeze %dma_start3A_94 : memref<1x250x80xi32, #tpu.memory_space<hbm>> -> memref<250x80xi32, #tpu.memory_space<hbm>>
      tpu.enqueue_dma source(%dma_start3A_95 : memref<250x80xi32, #tpu.memory_space<hbm>>) target(%arg7 : memref<250x80xi32, #tpu.memory_space<vmem>>) target_semaphore(%run_scoped3A_88 : memref<!tpu.dma_semaphore, #tpu.memory_space<semaphore_mem>>)
      %dma_wait3A = arith.constant 0 : i32
      %dma_wait3A_96 = arith.constant 0 : i32
      %dma_wait3A_97 = tpu.memref_slice %arg2[%add3A, %dma_wait3A, %dma_wait3A_96] : memref<32x250x80xi32, #tpu.memory_space<hbm>> -> memref<1x250x80xi32, #tpu.memory_space<hbm>>
      %dma_wait3A_98 = tpu.memref_squeeze %dma_wait3A_97 : memref<1x250x80xi32, #tpu.memory_space<hbm>> -> memref<250x80xi32, #tpu.memory_space<hbm>>
      %dma_wait3A_99 = arith.constant 0 : i32
      %dma_wait3A_100 = arith.constant 0 : i32
      %dma_wait3A_101 = tpu.memref_slice %arg2[%add3A, %dma_wait3A_99, %dma_wait3A_100] : memref<32x250x80xi32, #tpu.memory_space<hbm>> -> memref<1x250x80xi32, #tpu.memory_space<hbm>>
      %dma_wait3A_102 = tpu.memref_squeeze %dma_wait3A_101 : memref<1x250x80xi32, #tpu.memory_space<hbm>> -> memref<250x80xi32, #tpu.memory_space<hbm>>
      tpu.wait_dma2 semaphore(%run_scoped3A_88 : memref<!tpu.dma_semaphore, #tpu.memory_space<semaphore_mem>>) src(%dma_wait3A_102 : memref<250x80xi32, #tpu.memory_space<hbm>>) dst(%arg7 : memref<250x80xi32, #tpu.memory_space<vmem>>)
      tpu.yield
    }) : () -> ()
    "tpu.region"() ({
      %run_scoped3A_88 = tpu.sem_alloc : memref<!tpu.dma_semaphore, #tpu.memory_space<semaphore_mem>>
      %dma_start3A = arith.constant 0 : i32
      %dma_start3A_89 = arith.constant 0 : i32
      %dma_start3A_90 = tpu.memref_slice %arg3[%add3A, %dma_start3A, %dma_start3A_89] : memref<32x250x80xi32, #tpu.memory_space<hbm>> -> memref<1x250x80xi32, #tpu.memory_space<hbm>>
      %dma_start3A_91 = tpu.memref_squeeze %dma_start3A_90 : memref<1x250x80xi32, #tpu.memory_space<hbm>> -> memref<250x80xi32, #tpu.memory_space<hbm>>
      %dma_start3A_92 = arith.constant 0 : i32
      %dma_start3A_93 = arith.constant 0 : i32
      %dma_start3A_94 = tpu.memref_slice %arg3[%add3A, %dma_start3A_92, %dma_start3A_93] : memref<32x250x80xi32, #tpu.memory_space<hbm>> -> memref<1x250x80xi32, #tpu.memory_space<hbm>>
      %dma_start3A_95 = tpu.memref_squeeze %dma_start3A_94 : memref<1x250x80xi32, #tpu.memory_space<hbm>> -> memref<250x80xi32, #tpu.memory_space<hbm>>
      tpu.enqueue_dma source(%dma_start3A_95 : memref<250x80xi32, #tpu.memory_space<hbm>>) target(%arg8 : memref<250x80xi32, #tpu.memory_space<vmem>>) target_semaphore(%run_scoped3A_88 : memref<!tpu.dma_semaphore, #tpu.memory_space<semaphore_mem>>)
      %dma_wait3A = arith.constant 0 : i32
      %dma_wait3A_96 = arith.constant 0 : i32
      %dma_wait3A_97 = tpu.memref_slice %arg3[%add3A, %dma_wait3A, %dma_wait3A_96] : memref<32x250x80xi32, #tpu.memory_space<hbm>> -> memref<1x250x80xi32, #tpu.memory_space<hbm>>
      %dma_wait3A_98 = tpu.memref_squeeze %dma_wait3A_97 : memref<1x250x80xi32, #tpu.memory_space<hbm>> -> memref<250x80xi32, #tpu.memory_space<hbm>>
      %dma_wait3A_99 = arith.constant 0 : i32
      %dma_wait3A_100 = arith.constant 0 : i32
      %dma_wait3A_101 = tpu.memref_slice %arg3[%add3A, %dma_wait3A_99, %dma_wait3A_100] : memref<32x250x80xi32, #tpu.memory_space<hbm>> -> memref<1x250x80xi32, #tpu.memory_space<hbm>>
      %dma_wait3A_102 = tpu.memref_squeeze %dma_wait3A_101 : memref<1x250x80xi32, #tpu.memory_space<hbm>> -> memref<250x80xi32, #tpu.memory_space<hbm>>
      tpu.wait_dma2 semaphore(%run_scoped3A_88 : memref<!tpu.dma_semaphore, #tpu.memory_space<semaphore_mem>>) src(%dma_wait3A_102 : memref<250x80xi32, #tpu.memory_space<hbm>>) dst(%arg8 : memref<250x80xi32, #tpu.memory_space<vmem>>)
      tpu.yield
    }) : () -> ()
    "tpu.region"() ({
      %run_scoped3A_88 = tpu.sem_alloc : memref<!tpu.dma_semaphore, #tpu.memory_space<semaphore_mem>>
      tpu.enqueue_dma source(%arg4 : memref<80x128xf32, #tpu.memory_space<hbm>>) target(%arg9 : memref<80x128xf32, #tpu.memory_space<vmem>>) target_semaphore(%run_scoped3A_88 : memref<!tpu.dma_semaphore, #tpu.memory_space<semaphore_mem>>)
      tpu.wait_dma2 semaphore(%run_scoped3A_88 : memref<!tpu.dma_semaphore, #tpu.memory_space<semaphore_mem>>) src(%arg4 : memref<80x128xf32, #tpu.memory_space<hbm>>) dst(%arg9 : memref<80x128xf32, #tpu.memory_space<vmem>>)
      tpu.yield
    }) : () -> ()
    %mul3A_1 = arith.constant 320 : i32
    %mul3A_2 = arith.muli %arg1, %mul3A_1 : i32
    "tpu.region"() ({
      %run_scoped3A_88 = tpu.sem_alloc : memref<!tpu.dma_semaphore, #tpu.memory_space<semaphore_mem>>
      tpu.enqueue_dma source(%arg5 : memref<64x128xf32, #tpu.memory_space<hbm>>) target(%arg10 : memref<64x128xf32, #tpu.memory_space<vmem>>) target_semaphore(%run_scoped3A_88 : memref<!tpu.dma_semaphore, #tpu.memory_space<semaphore_mem>>)
      tpu.wait_dma2 semaphore(%run_scoped3A_88 : memref<!tpu.dma_semaphore, #tpu.memory_space<semaphore_mem>>) src(%arg5 : memref<64x128xf32, #tpu.memory_space<hbm>>) dst(%arg10 : memref<64x128xf32, #tpu.memory_space<vmem>>)
      tpu.yield
    }) : () -> ()
    %add3A_3 = arith.constant 0 : i32
    %add3A_4 = arith.addi %mul3A_2, %add3A_3 : i32
    "tpu.region"() ({
      %run_scoped3A_88 = tpu.sem_alloc : memref<!tpu.dma_semaphore, #tpu.memory_space<semaphore_mem>>
      %dma_start3A = arith.constant 0 : i32
      %dma_start3A_89 = tpu.memref_slice %arg11[%add3A_4, %dma_start3A] : memref<5200x128xf32, #tpu.memory_space<vmem_shared>> -> memref<64x128xf32, #tpu.memory_space<vmem_shared>>
      %dma_start3A_90 = arith.constant 0 : i32
      %dma_start3A_91 = tpu.memref_slice %arg11[%add3A_4, %dma_start3A_90] : memref<5200x128xf32, #tpu.memory_space<vmem_shared>> -> memref<64x128xf32, #tpu.memory_space<vmem_shared>>
      tpu.enqueue_dma source(%arg10 : memref<64x128xf32, #tpu.memory_space<vmem>>) target(%dma_start3A_91 : memref<64x128xf32, #tpu.memory_space<vmem_shared>>) target_semaphore(%run_scoped3A_88 : memref<!tpu.dma_semaphore, #tpu.memory_space<semaphore_mem>>)
      %dma_wait3A = arith.constant 0 : i32
      %dma_wait3A_92 = tpu.memref_slice %arg11[%add3A_4, %dma_wait3A] : memref<5200x128xf32, #tpu.memory_space<vmem_shared>> -> memref<64x128xf32, #tpu.memory_space<vmem_shared>>
      %dma_wait3A_93 = arith.constant 0 : i32
      %dma_wait3A_94 = tpu.memref_slice %arg11[%add3A_4, %dma_wait3A_93] : memref<5200x128xf32, #tpu.memory_space<vmem_shared>> -> memref<64x128xf32, #tpu.memory_space<vmem_shared>>
      tpu.wait_dma2 semaphore(%run_scoped3A_88 : memref<!tpu.dma_semaphore, #tpu.memory_space<semaphore_mem>>) src(%arg10 : memref<64x128xf32, #tpu.memory_space<vmem>>) dst(%dma_wait3A_94 : memref<64x128xf32, #tpu.memory_space<vmem_shared>>)
      tpu.yield
    }) : () -> ()
    %add3A_5 = arith.constant 64 : i32
    %add3A_6 = arith.addi %mul3A_2, %add3A_5 : i32
    "tpu.region"() ({
      %run_scoped3A_88 = tpu.sem_alloc : memref<!tpu.dma_semaphore, #tpu.memory_space<semaphore_mem>>
      %dma_start3A = arith.constant 0 : i32
      %dma_start3A_89 = tpu.memref_slice %arg11[%add3A_6, %dma_start3A] : memref<5200x128xf32, #tpu.memory_space<vmem_shared>> -> memref<64x128xf32, #tpu.memory_space<vmem_shared>>
      %dma_start3A_90 = arith.constant 0 : i32
      %dma_start3A_91 = tpu.memref_slice %arg11[%add3A_6, %dma_start3A_90] : memref<5200x128xf32, #tpu.memory_space<vmem_shared>> -> memref<64x128xf32, #tpu.memory_space<vmem_shared>>
      tpu.enqueue_dma source(%arg10 : memref<64x128xf32, #tpu.memory_space<vmem>>) target(%dma_start3A_91 : memref<64x128xf32, #tpu.memory_space<vmem_shared>>) target_semaphore(%run_scoped3A_88 : memref<!tpu.dma_semaphore, #tpu.memory_space<semaphore_mem>>)
      %dma_wait3A = arith.constant 0 : i32
      %dma_wait3A_92 = tpu.memref_slice %arg11[%add3A_6, %dma_wait3A] : memref<5200x128xf32, #tpu.memory_space<vmem_shared>> -> memref<64x128xf32, #tpu.memory_space<vmem_shared>>
      %dma_wait3A_93 = arith.constant 0 : i32
      %dma_wait3A_94 = tpu.memref_slice %arg11[%add3A_6, %dma_wait3A_93] : memref<5200x128xf32, #tpu.memory_space<vmem_shared>> -> memref<64x128xf32, #tpu.memory_space<vmem_shared>>
      tpu.wait_dma2 semaphore(%run_scoped3A_88 : memref<!tpu.dma_semaphore, #tpu.memory_space<semaphore_mem>>) src(%arg10 : memref<64x128xf32, #tpu.memory_space<vmem>>) dst(%dma_wait3A_94 : memref<64x128xf32, #tpu.memory_space<vmem_shared>>)
      tpu.yield
    }) : () -> ()
    %add3A_7 = arith.constant 128 : i32
    %add3A_8 = arith.addi %mul3A_2, %add3A_7 : i32
    "tpu.region"() ({
      %run_scoped3A_88 = tpu.sem_alloc : memref<!tpu.dma_semaphore, #tpu.memory_space<semaphore_mem>>
      %dma_start3A = arith.constant 0 : i32
      %dma_start3A_89 = tpu.memref_slice %arg11[%add3A_8, %dma_start3A] : memref<5200x128xf32, #tpu.memory_space<vmem_shared>> -> memref<64x128xf32, #tpu.memory_space<vmem_shared>>
      %dma_start3A_90 = arith.constant 0 : i32
      %dma_start3A_91 = tpu.memref_slice %arg11[%add3A_8, %dma_start3A_90] : memref<5200x128xf32, #tpu.memory_space<vmem_shared>> -> memref<64x128xf32, #tpu.memory_space<vmem_shared>>
      tpu.enqueue_dma source(%arg10 : memref<64x128xf32, #tpu.memory_space<vmem>>) target(%dma_start3A_91 : memref<64x128xf32, #tpu.memory_space<vmem_shared>>) target_semaphore(%run_scoped3A_88 : memref<!tpu.dma_semaphore, #tpu.memory_space<semaphore_mem>>)
      %dma_wait3A = arith.constant 0 : i32
      %dma_wait3A_92 = tpu.memref_slice %arg11[%add3A_8, %dma_wait3A] : memref<5200x128xf32, #tpu.memory_space<vmem_shared>> -> memref<64x128xf32, #tpu.memory_space<vmem_shared>>
      %dma_wait3A_93 = arith.constant 0 : i32
      %dma_wait3A_94 = tpu.memref_slice %arg11[%add3A_8, %dma_wait3A_93] : memref<5200x128xf32, #tpu.memory_space<vmem_shared>> -> memref<64x128xf32, #tpu.memory_space<vmem_shared>>
      tpu.wait_dma2 semaphore(%run_scoped3A_88 : memref<!tpu.dma_semaphore, #tpu.memory_space<semaphore_mem>>) src(%arg10 : memref<64x128xf32, #tpu.memory_space<vmem>>) dst(%dma_wait3A_94 : memref<64x128xf32, #tpu.memory_space<vmem_shared>>)
      tpu.yield
    }) : () -> ()
    %add3A_9 = arith.constant 192 : i32
    %add3A_10 = arith.addi %mul3A_2, %add3A_9 : i32
    "tpu.region"() ({
      %run_scoped3A_88 = tpu.sem_alloc : memref<!tpu.dma_semaphore, #tpu.memory_space<semaphore_mem>>
      %dma_start3A = arith.constant 0 : i32
      %dma_start3A_89 = tpu.memref_slice %arg11[%add3A_10, %dma_start3A] : memref<5200x128xf32, #tpu.memory_space<vmem_shared>> -> memref<64x128xf32, #tpu.memory_space<vmem_shared>>
      %dma_start3A_90 = arith.constant 0 : i32
      %dma_start3A_91 = tpu.memref_slice %arg11[%add3A_10, %dma_start3A_90] : memref<5200x128xf32, #tpu.memory_space<vmem_shared>> -> memref<64x128xf32, #tpu.memory_space<vmem_shared>>
      tpu.enqueue_dma source(%arg10 : memref<64x128xf32, #tpu.memory_space<vmem>>) target(%dma_start3A_91 : memref<64x128xf32, #tpu.memory_space<vmem_shared>>) target_semaphore(%run_scoped3A_88 : memref<!tpu.dma_semaphore, #tpu.memory_space<semaphore_mem>>)
      %dma_wait3A = arith.constant 0 : i32
      %dma_wait3A_92 = tpu.memref_slice %arg11[%add3A_10, %dma_wait3A] : memref<5200x128xf32, #tpu.memory_space<vmem_shared>> -> memref<64x128xf32, #tpu.memory_space<vmem_shared>>
      %dma_wait3A_93 = arith.constant 0 : i32
      %dma_wait3A_94 = tpu.memref_slice %arg11[%add3A_10, %dma_wait3A_93] : memref<5200x128xf32, #tpu.memory_space<vmem_shared>> -> memref<64x128xf32, #tpu.memory_space<vmem_shared>>
      tpu.wait_dma2 semaphore(%run_scoped3A_88 : memref<!tpu.dma_semaphore, #tpu.memory_space<semaphore_mem>>) src(%arg10 : memref<64x128xf32, #tpu.memory_space<vmem>>) dst(%dma_wait3A_94 : memref<64x128xf32, #tpu.memory_space<vmem_shared>>)
      tpu.yield
    }) : () -> ()
    %add3A_11 = arith.constant 256 : i32
    %add3A_12 = arith.addi %mul3A_2, %add3A_11 : i32
    "tpu.region"() ({
      %run_scoped3A_88 = tpu.sem_alloc : memref<!tpu.dma_semaphore, #tpu.memory_space<semaphore_mem>>
      %dma_start3A = arith.constant 0 : i32
      %dma_start3A_89 = tpu.memref_slice %arg11[%add3A_12, %dma_start3A] : memref<5200x128xf32, #tpu.memory_space<vmem_shared>> -> memref<64x128xf32, #tpu.memory_space<vmem_shared>>
      %dma_start3A_90 = arith.constant 0 : i32
      %dma_start3A_91 = tpu.memref_slice %arg11[%add3A_12, %dma_start3A_90] : memref<5200x128xf32, #tpu.memory_space<vmem_shared>> -> memref<64x128xf32, #tpu.memory_space<vmem_shared>>
      tpu.enqueue_dma source(%arg10 : memref<64x128xf32, #tpu.memory_space<vmem>>) target(%dma_start3A_91 : memref<64x128xf32, #tpu.memory_space<vmem_shared>>) target_semaphore(%run_scoped3A_88 : memref<!tpu.dma_semaphore, #tpu.memory_space<semaphore_mem>>)
      %dma_wait3A = arith.constant 0 : i32
      %dma_wait3A_92 = tpu.memref_slice %arg11[%add3A_12, %dma_wait3A] : memref<5200x128xf32, #tpu.memory_space<vmem_shared>> -> memref<64x128xf32, #tpu.memory_space<vmem_shared>>
      %dma_wait3A_93 = arith.constant 0 : i32
      %dma_wait3A_94 = tpu.memref_slice %arg11[%add3A_12, %dma_wait3A_93] : memref<5200x128xf32, #tpu.memory_space<vmem_shared>> -> memref<64x128xf32, #tpu.memory_space<vmem_shared>>
      tpu.wait_dma2 semaphore(%run_scoped3A_88 : memref<!tpu.dma_semaphore, #tpu.memory_space<semaphore_mem>>) src(%arg10 : memref<64x128xf32, #tpu.memory_space<vmem>>) dst(%dma_wait3A_94 : memref<64x128xf32, #tpu.memory_space<vmem_shared>>)
      tpu.yield
    }) : () -> ()
    %barrier3A = arith.constant 0 : index
    tpu.barrier barrier_id(%barrier3A)
    %scan3A = arith.constant 0 : i32
    %scan3A_13 = arith.constant 0 : i32
    %scan3A_14 = arith.constant 250 : i32
    %scan3A_15 = arith.addi %scan3A_13, %scan3A_14 : i32
    %scan3A_16 = arith.constant 1 : i32
    scf.for %scan3A_88 = %scan3A_13 to %scan3A_15 step %scan3A_16  : i32 {
      "tpu.region"() ({
        %run_scoped3A_89 = tpu.sem_alloc : memref<!tpu.dma_semaphore, #tpu.memory_space<semaphore_mem>>
        %dma_start3A = arith.constant 0 : i32
        %dma_start3A_90 = tpu.memref_slice %arg7[%scan3A_88, %dma_start3A] : memref<250x80xi32, #tpu.memory_space<vmem>> -> memref<1x80xi32, #tpu.memory_space<vmem>>
        %dma_start3A_91 = tpu.memref_squeeze %dma_start3A_90 : memref<1x80xi32, #tpu.memory_space<vmem>> -> memref<80xi32, #tpu.memory_space<vmem>>
        %dma_start3A_92 = arith.constant 0 : i32
        %dma_start3A_93 = arith.constant 0 : i32
        %dma_start3A_94 = tpu.memref_slice %arg11[%dma_start3A_92, %dma_start3A_93] : memref<5200x128xf32, #tpu.memory_space<vmem_shared>> -> memref<5200x128xf32, #tpu.memory_space<vmem_shared>>
        tpu.enqueue_indirect_dma source(%arg9 : memref<80x128xf32, #tpu.memory_space<vmem>>) target(%dma_start3A_94 : memref<5200x128xf32, #tpu.memory_space<vmem_shared>>) offsets(%dma_start3A_91 : memref<80xi32, #tpu.memory_space<vmem>>) semaphore(%run_scoped3A_89 : memref<!tpu.dma_semaphore, #tpu.memory_space<semaphore_mem>>) {add = true}
        %dma_wait3A = arith.constant 0 : i32
        %dma_wait3A_95 = tpu.memref_slice %arg7[%scan3A_88, %dma_wait3A] : memref<250x80xi32, #tpu.memory_space<vmem>> -> memref<1x80xi32, #tpu.memory_space<vmem>>
        %dma_wait3A_96 = tpu.memref_squeeze %dma_wait3A_95 : memref<1x80xi32, #tpu.memory_space<vmem>> -> memref<80xi32, #tpu.memory_space<vmem>>
        %dma_wait3A_97 = arith.constant 0 : i32
        %dma_wait3A_98 = arith.constant 0 : i32
        %dma_wait3A_99 = tpu.memref_slice %arg11[%dma_wait3A_97, %dma_wait3A_98] : memref<5200x128xf32, #tpu.memory_space<vmem_shared>> -> memref<5200x128xf32, #tpu.memory_space<vmem_shared>>
        tpu.wait_indirect_dma semaphore(%run_scoped3A_89 : memref<!tpu.dma_semaphore, #tpu.memory_space<semaphore_mem>>) src(%arg9 : memref<80x128xf32, #tpu.memory_space<vmem>>) dst(%dma_wait3A_99 : memref<5200x128xf32, #tpu.memory_space<vmem_shared>>)
        tpu.yield
      }) : () -> ()
    }
    %scan3A_17 = arith.constant 250 : i32
    %barrier3A_18 = arith.constant 0 : index
    tpu.barrier barrier_id(%barrier3A_18)
    %add3A_19 = arith.constant 0 : i32
    %add3A_20 = arith.addi %mul3A_2, %add3A_19 : i32
    "tpu.region"() ({
      %run_scoped3A_88 = tpu.sem_alloc : memref<!tpu.dma_semaphore, #tpu.memory_space<semaphore_mem>>
      %dma_start3A = arith.constant 0 : i32
      %dma_start3A_89 = tpu.memref_slice %arg11[%add3A_20, %dma_start3A] : memref<5200x128xf32, #tpu.memory_space<vmem_shared>> -> memref<64x128xf32, #tpu.memory_space<vmem_shared>>
      %dma_start3A_90 = arith.constant 0 : i32
      %dma_start3A_91 = tpu.memref_slice %arg11[%add3A_20, %dma_start3A_90] : memref<5200x128xf32, #tpu.memory_space<vmem_shared>> -> memref<64x128xf32, #tpu.memory_space<vmem_shared>>
      tpu.enqueue_dma source(%dma_start3A_91 : memref<64x128xf32, #tpu.memory_space<vmem_shared>>) target(%arg10 : memref<64x128xf32, #tpu.memory_space<vmem>>) target_semaphore(%run_scoped3A_88 : memref<!tpu.dma_semaphore, #tpu.memory_space<semaphore_mem>>)
      %dma_wait3A = arith.constant 0 : i32
      %dma_wait3A_92 = tpu.memref_slice %arg11[%add3A_20, %dma_wait3A] : memref<5200x128xf32, #tpu.memory_space<vmem_shared>> -> memref<64x128xf32, #tpu.memory_space<vmem_shared>>
      %dma_wait3A_93 = arith.constant 0 : i32
      %dma_wait3A_94 = tpu.memref_slice %arg11[%add3A_20, %dma_wait3A_93] : memref<5200x128xf32, #tpu.memory_space<vmem_shared>> -> memref<64x128xf32, #tpu.memory_space<vmem_shared>>
      tpu.wait_dma2 semaphore(%run_scoped3A_88 : memref<!tpu.dma_semaphore, #tpu.memory_space<semaphore_mem>>) src(%dma_wait3A_94 : memref<64x128xf32, #tpu.memory_space<vmem_shared>>) dst(%arg10 : memref<64x128xf32, #tpu.memory_space<vmem>>)
      tpu.yield
    }) : () -> ()
    %add3A_21 = arith.constant 0 : i32
    %add3A_22 = arith.addi %mul3A_2, %add3A_21 : i32
    %run_scoped3A = arith.constant 0 : i32
    "tpu.region"() ({
      %run_scoped3A_88 = tpu.sem_alloc : memref<!tpu.dma_semaphore, #tpu.memory_space<semaphore_mem>>
      %dma_start3A = arith.constant 0 : i32
      %dma_start3A_89 = tpu.memref_slice %arg6[%arg0, %run_scoped3A, %add3A_22, %dma_start3A] : memref<2x2x5120x128xf32, #tpu.memory_space<hbm>> -> memref<1x1x64x128xf32, #tpu.memory_space<hbm>>
      %dma_start3A_90 = tpu.memref_squeeze %dma_start3A_89 : memref<1x1x64x128xf32, #tpu.memory_space<hbm>> -> memref<64x128xf32, #tpu.memory_space<hbm>>
      %dma_start3A_91 = arith.constant 0 : i32
      %dma_start3A_92 = tpu.memref_slice %arg6[%arg0, %run_scoped3A, %add3A_22, %dma_start3A_91] : memref<2x2x5120x128xf32, #tpu.memory_space<hbm>> -> memref<1x1x64x128xf32, #tpu.memory_space<hbm>>
      %dma_start3A_93 = tpu.memref_squeeze %dma_start3A_92 : memref<1x1x64x128xf32, #tpu.memory_space<hbm>> -> memref<64x128xf32, #tpu.memory_space<hbm>>
      tpu.enqueue_dma source(%arg10 : memref<64x128xf32, #tpu.memory_space<vmem>>) target(%dma_start3A_93 : memref<64x128xf32, #tpu.memory_space<hbm>>) target_semaphore(%run_scoped3A_88 : memref<!tpu.dma_semaphore, #tpu.memory_space<semaphore_mem>>)
      %dma_wait3A = arith.constant 0 : i32
      %dma_wait3A_94 = tpu.memref_slice %arg6[%arg0, %run_scoped3A, %add3A_22, %dma_wait3A] : memref<2x2x5120x128xf32, #tpu.memory_space<hbm>> -> memref<1x1x64x128xf32, #tpu.memory_space<hbm>>
      %dma_wait3A_95 = tpu.memref_squeeze %dma_wait3A_94 : memref<1x1x64x128xf32, #tpu.memory_space<hbm>> -> memref<64x128xf32, #tpu.memory_space<hbm>>
      %dma_wait3A_96 = arith.constant 0 : i32
      %dma_wait3A_97 = tpu.memref_slice %arg6[%arg0, %run_scoped3A, %add3A_22, %dma_wait3A_96] : memref<2x2x5120x128xf32, #tpu.memory_space<hbm>> -> memref<1x1x64x128xf32, #tpu.memory_space<hbm>>
      %dma_wait3A_98 = tpu.memref_squeeze %dma_wait3A_97 : memref<1x1x64x128xf32, #tpu.memory_space<hbm>> -> memref<64x128xf32, #tpu.memory_space<hbm>>
      tpu.wait_dma2 semaphore(%run_scoped3A_88 : memref<!tpu.dma_semaphore, #tpu.memory_space<semaphore_mem>>) src(%arg10 : memref<64x128xf32, #tpu.memory_space<vmem>>) dst(%dma_wait3A_98 : memref<64x128xf32, #tpu.memory_space<hbm>>)
      tpu.yield
    }) : () -> ()
    %add3A_23 = arith.constant 64 : i32
    %add3A_24 = arith.addi %mul3A_2, %add3A_23 : i32
    "tpu.region"() ({
      %run_scoped3A_88 = tpu.sem_alloc : memref<!tpu.dma_semaphore, #tpu.memory_space<semaphore_mem>>
      %dma_start3A = arith.constant 0 : i32
      %dma_start3A_89 = tpu.memref_slice %arg11[%add3A_24, %dma_start3A] : memref<5200x128xf32, #tpu.memory_space<vmem_shared>> -> memref<64x128xf32, #tpu.memory_space<vmem_shared>>
      %dma_start3A_90 = arith.constant 0 : i32
      %dma_start3A_91 = tpu.memref_slice %arg11[%add3A_24, %dma_start3A_90] : memref<5200x128xf32, #tpu.memory_space<vmem_shared>> -> memref<64x128xf32, #tpu.memory_space<vmem_shared>>
      tpu.enqueue_dma source(%dma_start3A_91 : memref<64x128xf32, #tpu.memory_space<vmem_shared>>) target(%arg10 : memref<64x128xf32, #tpu.memory_space<vmem>>) target_semaphore(%run_scoped3A_88 : memref<!tpu.dma_semaphore, #tpu.memory_space<semaphore_mem>>)
      %dma_wait3A = arith.constant 0 : i32
      %dma_wait3A_92 = tpu.memref_slice %arg11[%add3A_24, %dma_wait3A] : memref<5200x128xf32, #tpu.memory_space<vmem_shared>> -> memref<64x128xf32, #tpu.memory_space<vmem_shared>>
      %dma_wait3A_93 = arith.constant 0 : i32
      %dma_wait3A_94 = tpu.memref_slice %arg11[%add3A_24, %dma_wait3A_93] : memref<5200x128xf32, #tpu.memory_space<vmem_shared>> -> memref<64x128xf32, #tpu.memory_space<vmem_shared>>
      tpu.wait_dma2 semaphore(%run_scoped3A_88 : memref<!tpu.dma_semaphore, #tpu.memory_space<semaphore_mem>>) src(%dma_wait3A_94 : memref<64x128xf32, #tpu.memory_space<vmem_shared>>) dst(%arg10 : memref<64x128xf32, #tpu.memory_space<vmem>>)
      tpu.yield
    }) : () -> ()
    %add3A_25 = arith.constant 64 : i32
    %add3A_26 = arith.addi %mul3A_2, %add3A_25 : i32
    %run_scoped3A_27 = arith.constant 0 : i32
    "tpu.region"() ({
      %run_scoped3A_88 = tpu.sem_alloc : memref<!tpu.dma_semaphore, #tpu.memory_space<semaphore_mem>>
      %dma_start3A = arith.constant 0 : i32
      %dma_start3A_89 = tpu.memref_slice %arg6[%arg0, %run_scoped3A_27, %add3A_26, %dma_start3A] : memref<2x2x5120x128xf32, #tpu.memory_space<hbm>> -> memref<1x1x64x128xf32, #tpu.memory_space<hbm>>
      %dma_start3A_90 = tpu.memref_squeeze %dma_start3A_89 : memref<1x1x64x128xf32, #tpu.memory_space<hbm>> -> memref<64x128xf32, #tpu.memory_space<hbm>>
      %dma_start3A_91 = arith.constant 0 : i32
      %dma_start3A_92 = tpu.memref_slice %arg6[%arg0, %run_scoped3A_27, %add3A_26, %dma_start3A_91] : memref<2x2x5120x128xf32, #tpu.memory_space<hbm>> -> memref<1x1x64x128xf32, #tpu.memory_space<hbm>>
      %dma_start3A_93 = tpu.memref_squeeze %dma_start3A_92 : memref<1x1x64x128xf32, #tpu.memory_space<hbm>> -> memref<64x128xf32, #tpu.memory_space<hbm>>
      tpu.enqueue_dma source(%arg10 : memref<64x128xf32, #tpu.memory_space<vmem>>) target(%dma_start3A_93 : memref<64x128xf32, #tpu.memory_space<hbm>>) target_semaphore(%run_scoped3A_88 : memref<!tpu.dma_semaphore, #tpu.memory_space<semaphore_mem>>)
      %dma_wait3A = arith.constant 0 : i32
      %dma_wait3A_94 = tpu.memref_slice %arg6[%arg0, %run_scoped3A_27, %add3A_26, %dma_wait3A] : memref<2x2x5120x128xf32, #tpu.memory_space<hbm>> -> memref<1x1x64x128xf32, #tpu.memory_space<hbm>>
      %dma_wait3A_95 = tpu.memref_squeeze %dma_wait3A_94 : memref<1x1x64x128xf32, #tpu.memory_space<hbm>> -> memref<64x128xf32, #tpu.memory_space<hbm>>
      %dma_wait3A_96 = arith.constant 0 : i32
      %dma_wait3A_97 = tpu.memref_slice %arg6[%arg0, %run_scoped3A_27, %add3A_26, %dma_wait3A_96] : memref<2x2x5120x128xf32, #tpu.memory_space<hbm>> -> memref<1x1x64x128xf32, #tpu.memory_space<hbm>>
      %dma_wait3A_98 = tpu.memref_squeeze %dma_wait3A_97 : memref<1x1x64x128xf32, #tpu.memory_space<hbm>> -> memref<64x128xf32, #tpu.memory_space<hbm>>
      tpu.wait_dma2 semaphore(%run_scoped3A_88 : memref<!tpu.dma_semaphore, #tpu.memory_space<semaphore_mem>>) src(%arg10 : memref<64x128xf32, #tpu.memory_space<vmem>>) dst(%dma_wait3A_98 : memref<64x128xf32, #tpu.memory_space<hbm>>)
      tpu.yield
    }) : () -> ()
    %add3A_28 = arith.constant 128 : i32
    %add3A_29 = arith.addi %mul3A_2, %add3A_28 : i32
    "tpu.region"() ({
      %run_scoped3A_88 = tpu.sem_alloc : memref<!tpu.dma_semaphore, #tpu.memory_space<semaphore_mem>>
      %dma_start3A = arith.constant 0 : i32
      %dma_start3A_89 = tpu.memref_slice %arg11[%add3A_29, %dma_start3A] : memref<5200x128xf32, #tpu.memory_space<vmem_shared>> -> memref<64x128xf32, #tpu.memory_space<vmem_shared>>
      %dma_start3A_90 = arith.constant 0 : i32
      %dma_start3A_91 = tpu.memref_slice %arg11[%add3A_29, %dma_start3A_90] : memref<5200x128xf32, #tpu.memory_space<vmem_shared>> -> memref<64x128xf32, #tpu.memory_space<vmem_shared>>
      tpu.enqueue_dma source(%dma_start3A_91 : memref<64x128xf32, #tpu.memory_space<vmem_shared>>) target(%arg10 : memref<64x128xf32, #tpu.memory_space<vmem>>) target_semaphore(%run_scoped3A_88 : memref<!tpu.dma_semaphore, #tpu.memory_space<semaphore_mem>>)
      %dma_wait3A = arith.constant 0 : i32
      %dma_wait3A_92 = tpu.memref_slice %arg11[%add3A_29, %dma_wait3A] : memref<5200x128xf32, #tpu.memory_space<vmem_shared>> -> memref<64x128xf32, #tpu.memory_space<vmem_shared>>
      %dma_wait3A_93 = arith.constant 0 : i32
      %dma_wait3A_94 = tpu.memref_slice %arg11[%add3A_29, %dma_wait3A_93] : memref<5200x128xf32, #tpu.memory_space<vmem_shared>> -> memref<64x128xf32, #tpu.memory_space<vmem_shared>>
      tpu.wait_dma2 semaphore(%run_scoped3A_88 : memref<!tpu.dma_semaphore, #tpu.memory_space<semaphore_mem>>) src(%dma_wait3A_94 : memref<64x128xf32, #tpu.memory_space<vmem_shared>>) dst(%arg10 : memref<64x128xf32, #tpu.memory_space<vmem>>)
      tpu.yield
    }) : () -> ()
    %add3A_30 = arith.constant 128 : i32
    %add3A_31 = arith.addi %mul3A_2, %add3A_30 : i32
    %run_scoped3A_32 = arith.constant 0 : i32
    "tpu.region"() ({
      %run_scoped3A_88 = tpu.sem_alloc : memref<!tpu.dma_semaphore, #tpu.memory_space<semaphore_mem>>
      %dma_start3A = arith.constant 0 : i32
      %dma_start3A_89 = tpu.memref_slice %arg6[%arg0, %run_scoped3A_32, %add3A_31, %dma_start3A] : memref<2x2x5120x128xf32, #tpu.memory_space<hbm>> -> memref<1x1x64x128xf32, #tpu.memory_space<hbm>>
      %dma_start3A_90 = tpu.memref_squeeze %dma_start3A_89 : memref<1x1x64x128xf32, #tpu.memory_space<hbm>> -> memref<64x128xf32, #tpu.memory_space<hbm>>
      %dma_start3A_91 = arith.constant 0 : i32
      %dma_start3A_92 = tpu.memref_slice %arg6[%arg0, %run_scoped3A_32, %add3A_31, %dma_start3A_91] : memref<2x2x5120x128xf32, #tpu.memory_space<hbm>> -> memref<1x1x64x128xf32, #tpu.memory_space<hbm>>
      %dma_start3A_93 = tpu.memref_squeeze %dma_start3A_92 : memref<1x1x64x128xf32, #tpu.memory_space<hbm>> -> memref<64x128xf32, #tpu.memory_space<hbm>>
      tpu.enqueue_dma source(%arg10 : memref<64x128xf32, #tpu.memory_space<vmem>>) target(%dma_start3A_93 : memref<64x128xf32, #tpu.memory_space<hbm>>) target_semaphore(%run_scoped3A_88 : memref<!tpu.dma_semaphore, #tpu.memory_space<semaphore_mem>>)
      %dma_wait3A = arith.constant 0 : i32
      %dma_wait3A_94 = tpu.memref_slice %arg6[%arg0, %run_scoped3A_32, %add3A_31, %dma_wait3A] : memref<2x2x5120x128xf32, #tpu.memory_space<hbm>> -> memref<1x1x64x128xf32, #tpu.memory_space<hbm>>
      %dma_wait3A_95 = tpu.memref_squeeze %dma_wait3A_94 : memref<1x1x64x128xf32, #tpu.memory_space<hbm>> -> memref<64x128xf32, #tpu.memory_space<hbm>>
      %dma_wait3A_96 = arith.constant 0 : i32
      %dma_wait3A_97 = tpu.memref_slice %arg6[%arg0, %run_scoped3A_32, %add3A_31, %dma_wait3A_96] : memref<2x2x5120x128xf32, #tpu.memory_space<hbm>> -> memref<1x1x64x128xf32, #tpu.memory_space<hbm>>
      %dma_wait3A_98 = tpu.memref_squeeze %dma_wait3A_97 : memref<1x1x64x128xf32, #tpu.memory_space<hbm>> -> memref<64x128xf32, #tpu.memory_space<hbm>>
      tpu.wait_dma2 semaphore(%run_scoped3A_88 : memref<!tpu.dma_semaphore, #tpu.memory_space<semaphore_mem>>) src(%arg10 : memref<64x128xf32, #tpu.memory_space<vmem>>) dst(%dma_wait3A_98 : memref<64x128xf32, #tpu.memory_space<hbm>>)
      tpu.yield
    }) : () -> ()
    %add3A_33 = arith.constant 192 : i32
    %add3A_34 = arith.addi %mul3A_2, %add3A_33 : i32
    "tpu.region"() ({
      %run_scoped3A_88 = tpu.sem_alloc : memref<!tpu.dma_semaphore, #tpu.memory_space<semaphore_mem>>
      %dma_start3A = arith.constant 0 : i32
      %dma_start3A_89 = tpu.memref_slice %arg11[%add3A_34, %dma_start3A] : memref<5200x128xf32, #tpu.memory_space<vmem_shared>> -> memref<64x128xf32, #tpu.memory_space<vmem_shared>>
      %dma_start3A_90 = arith.constant 0 : i32
      %dma_start3A_91 = tpu.memref_slice %arg11[%add3A_34, %dma_start3A_90] : memref<5200x128xf32, #tpu.memory_space<vmem_shared>> -> memref<64x128xf32, #tpu.memory_space<vmem_shared>>
      tpu.enqueue_dma source(%dma_start3A_91 : memref<64x128xf32, #tpu.memory_space<vmem_shared>>) target(%arg10 : memref<64x128xf32, #tpu.memory_space<vmem>>) target_semaphore(%run_scoped3A_88 : memref<!tpu.dma_semaphore, #tpu.memory_space<semaphore_mem>>)
      %dma_wait3A = arith.constant 0 : i32
      %dma_wait3A_92 = tpu.memref_slice %arg11[%add3A_34, %dma_wait3A] : memref<5200x128xf32, #tpu.memory_space<vmem_shared>> -> memref<64x128xf32, #tpu.memory_space<vmem_shared>>
      %dma_wait3A_93 = arith.constant 0 : i32
      %dma_wait3A_94 = tpu.memref_slice %arg11[%add3A_34, %dma_wait3A_93] : memref<5200x128xf32, #tpu.memory_space<vmem_shared>> -> memref<64x128xf32, #tpu.memory_space<vmem_shared>>
      tpu.wait_dma2 semaphore(%run_scoped3A_88 : memref<!tpu.dma_semaphore, #tpu.memory_space<semaphore_mem>>) src(%dma_wait3A_94 : memref<64x128xf32, #tpu.memory_space<vmem_shared>>) dst(%arg10 : memref<64x128xf32, #tpu.memory_space<vmem>>)
      tpu.yield
    }) : () -> ()
    %add3A_35 = arith.constant 192 : i32
    %add3A_36 = arith.addi %mul3A_2, %add3A_35 : i32
    %run_scoped3A_37 = arith.constant 0 : i32
    "tpu.region"() ({
      %run_scoped3A_88 = tpu.sem_alloc : memref<!tpu.dma_semaphore, #tpu.memory_space<semaphore_mem>>
      %dma_start3A = arith.constant 0 : i32
      %dma_start3A_89 = tpu.memref_slice %arg6[%arg0, %run_scoped3A_37, %add3A_36, %dma_start3A] : memref<2x2x5120x128xf32, #tpu.memory_space<hbm>> -> memref<1x1x64x128xf32, #tpu.memory_space<hbm>>
      %dma_start3A_90 = tpu.memref_squeeze %dma_start3A_89 : memref<1x1x64x128xf32, #tpu.memory_space<hbm>> -> memref<64x128xf32, #tpu.memory_space<hbm>>
      %dma_start3A_91 = arith.constant 0 : i32
      %dma_start3A_92 = tpu.memref_slice %arg6[%arg0, %run_scoped3A_37, %add3A_36, %dma_start3A_91] : memref<2x2x5120x128xf32, #tpu.memory_space<hbm>> -> memref<1x1x64x128xf32, #tpu.memory_space<hbm>>
      %dma_start3A_93 = tpu.memref_squeeze %dma_start3A_92 : memref<1x1x64x128xf32, #tpu.memory_space<hbm>> -> memref<64x128xf32, #tpu.memory_space<hbm>>
      tpu.enqueue_dma source(%arg10 : memref<64x128xf32, #tpu.memory_space<vmem>>) target(%dma_start3A_93 : memref<64x128xf32, #tpu.memory_space<hbm>>) target_semaphore(%run_scoped3A_88 : memref<!tpu.dma_semaphore, #tpu.memory_space<semaphore_mem>>)
      %dma_wait3A = arith.constant 0 : i32
      %dma_wait3A_94 = tpu.memref_slice %arg6[%arg0, %run_scoped3A_37, %add3A_36, %dma_wait3A] : memref<2x2x5120x128xf32, #tpu.memory_space<hbm>> -> memref<1x1x64x128xf32, #tpu.memory_space<hbm>>
      %dma_wait3A_95 = tpu.memref_squeeze %dma_wait3A_94 : memref<1x1x64x128xf32, #tpu.memory_space<hbm>> -> memref<64x128xf32, #tpu.memory_space<hbm>>
      %dma_wait3A_96 = arith.constant 0 : i32
      %dma_wait3A_97 = tpu.memref_slice %arg6[%arg0, %run_scoped3A_37, %add3A_36, %dma_wait3A_96] : memref<2x2x5120x128xf32, #tpu.memory_space<hbm>> -> memref<1x1x64x128xf32, #tpu.memory_space<hbm>>
      %dma_wait3A_98 = tpu.memref_squeeze %dma_wait3A_97 : memref<1x1x64x128xf32, #tpu.memory_space<hbm>> -> memref<64x128xf32, #tpu.memory_space<hbm>>
      tpu.wait_dma2 semaphore(%run_scoped3A_88 : memref<!tpu.dma_semaphore, #tpu.memory_space<semaphore_mem>>) src(%arg10 : memref<64x128xf32, #tpu.memory_space<vmem>>) dst(%dma_wait3A_98 : memref<64x128xf32, #tpu.memory_space<hbm>>)
      tpu.yield
    }) : () -> ()
    %add3A_38 = arith.constant 256 : i32
    %add3A_39 = arith.addi %mul3A_2, %add3A_38 : i32
    "tpu.region"() ({
      %run_scoped3A_88 = tpu.sem_alloc : memref<!tpu.dma_semaphore, #tpu.memory_space<semaphore_mem>>
      %dma_start3A = arith.constant 0 : i32
      %dma_start3A_89 = tpu.memref_slice %arg11[%add3A_39, %dma_start3A] : memref<5200x128xf32, #tpu.memory_space<vmem_shared>> -> memref<64x128xf32, #tpu.memory_space<vmem_shared>>
      %dma_start3A_90 = arith.constant 0 : i32
      %dma_start3A_91 = tpu.memref_slice %arg11[%add3A_39, %dma_start3A_90] : memref<5200x128xf32, #tpu.memory_space<vmem_shared>> -> memref<64x128xf32, #tpu.memory_space<vmem_shared>>
      tpu.enqueue_dma source(%dma_start3A_91 : memref<64x128xf32, #tpu.memory_space<vmem_shared>>) target(%arg10 : memref<64x128xf32, #tpu.memory_space<vmem>>) target_semaphore(%run_scoped3A_88 : memref<!tpu.dma_semaphore, #tpu.memory_space<semaphore_mem>>)
      %dma_wait3A = arith.constant 0 : i32
      %dma_wait3A_92 = tpu.memref_slice %arg11[%add3A_39, %dma_wait3A] : memref<5200x128xf32, #tpu.memory_space<vmem_shared>> -> memref<64x128xf32, #tpu.memory_space<vmem_shared>>
      %dma_wait3A_93 = arith.constant 0 : i32
      %dma_wait3A_94 = tpu.memref_slice %arg11[%add3A_39, %dma_wait3A_93] : memref<5200x128xf32, #tpu.memory_space<vmem_shared>> -> memref<64x128xf32, #tpu.memory_space<vmem_shared>>
      tpu.wait_dma2 semaphore(%run_scoped3A_88 : memref<!tpu.dma_semaphore, #tpu.memory_space<semaphore_mem>>) src(%dma_wait3A_94 : memref<64x128xf32, #tpu.memory_space<vmem_shared>>) dst(%arg10 : memref<64x128xf32, #tpu.memory_space<vmem>>)
      tpu.yield
    }) : () -> ()
    %add3A_40 = arith.constant 256 : i32
    %add3A_41 = arith.addi %mul3A_2, %add3A_40 : i32
    %run_scoped3A_42 = arith.constant 0 : i32
    "tpu.region"() ({
      %run_scoped3A_88 = tpu.sem_alloc : memref<!tpu.dma_semaphore, #tpu.memory_space<semaphore_mem>>
      %dma_start3A = arith.constant 0 : i32
      %dma_start3A_89 = tpu.memref_slice %arg6[%arg0, %run_scoped3A_42, %add3A_41, %dma_start3A] : memref<2x2x5120x128xf32, #tpu.memory_space<hbm>> -> memref<1x1x64x128xf32, #tpu.memory_space<hbm>>
      %dma_start3A_90 = tpu.memref_squeeze %dma_start3A_89 : memref<1x1x64x128xf32, #tpu.memory_space<hbm>> -> memref<64x128xf32, #tpu.memory_space<hbm>>
      %dma_start3A_91 = arith.constant 0 : i32
      %dma_start3A_92 = tpu.memref_slice %arg6[%arg0, %run_scoped3A_42, %add3A_41, %dma_start3A_91] : memref<2x2x5120x128xf32, #tpu.memory_space<hbm>> -> memref<1x1x64x128xf32, #tpu.memory_space<hbm>>
      %dma_start3A_93 = tpu.memref_squeeze %dma_start3A_92 : memref<1x1x64x128xf32, #tpu.memory_space<hbm>> -> memref<64x128xf32, #tpu.memory_space<hbm>>
      tpu.enqueue_dma source(%arg10 : memref<64x128xf32, #tpu.memory_space<vmem>>) target(%dma_start3A_93 : memref<64x128xf32, #tpu.memory_space<hbm>>) target_semaphore(%run_scoped3A_88 : memref<!tpu.dma_semaphore, #tpu.memory_space<semaphore_mem>>)
      %dma_wait3A = arith.constant 0 : i32
      %dma_wait3A_94 = tpu.memref_slice %arg6[%arg0, %run_scoped3A_42, %add3A_41, %dma_wait3A] : memref<2x2x5120x128xf32, #tpu.memory_space<hbm>> -> memref<1x1x64x128xf32, #tpu.memory_space<hbm>>
      %dma_wait3A_95 = tpu.memref_squeeze %dma_wait3A_94 : memref<1x1x64x128xf32, #tpu.memory_space<hbm>> -> memref<64x128xf32, #tpu.memory_space<hbm>>
      %dma_wait3A_96 = arith.constant 0 : i32
      %dma_wait3A_97 = tpu.memref_slice %arg6[%arg0, %run_scoped3A_42, %add3A_41, %dma_wait3A_96] : memref<2x2x5120x128xf32, #tpu.memory_space<hbm>> -> memref<1x1x64x128xf32, #tpu.memory_space<hbm>>
      %dma_wait3A_98 = tpu.memref_squeeze %dma_wait3A_97 : memref<1x1x64x128xf32, #tpu.memory_space<hbm>> -> memref<64x128xf32, #tpu.memory_space<hbm>>
      tpu.wait_dma2 semaphore(%run_scoped3A_88 : memref<!tpu.dma_semaphore, #tpu.memory_space<semaphore_mem>>) src(%arg10 : memref<64x128xf32, #tpu.memory_space<vmem>>) dst(%dma_wait3A_98 : memref<64x128xf32, #tpu.memory_space<hbm>>)
      tpu.yield
    }) : () -> ()
    %barrier3A_43 = arith.constant 0 : index
    tpu.barrier barrier_id(%barrier3A_43)
    "tpu.region"() ({
      %run_scoped3A_88 = tpu.sem_alloc : memref<!tpu.dma_semaphore, #tpu.memory_space<semaphore_mem>>
      tpu.enqueue_dma source(%arg5 : memref<64x128xf32, #tpu.memory_space<hbm>>) target(%arg10 : memref<64x128xf32, #tpu.memory_space<vmem>>) target_semaphore(%run_scoped3A_88 : memref<!tpu.dma_semaphore, #tpu.memory_space<semaphore_mem>>)
      tpu.wait_dma2 semaphore(%run_scoped3A_88 : memref<!tpu.dma_semaphore, #tpu.memory_space<semaphore_mem>>) src(%arg5 : memref<64x128xf32, #tpu.memory_space<hbm>>) dst(%arg10 : memref<64x128xf32, #tpu.memory_space<vmem>>)
      tpu.yield
    }) : () -> ()
    %add3A_44 = arith.constant 0 : i32
    %add3A_45 = arith.addi %mul3A_2, %add3A_44 : i32
    "tpu.region"() ({
      %run_scoped3A_88 = tpu.sem_alloc : memref<!tpu.dma_semaphore, #tpu.memory_space<semaphore_mem>>
      %dma_start3A = arith.constant 0 : i32
      %dma_start3A_89 = tpu.memref_slice %arg11[%add3A_45, %dma_start3A] : memref<5200x128xf32, #tpu.memory_space<vmem_shared>> -> memref<64x128xf32, #tpu.memory_space<vmem_shared>>
      %dma_start3A_90 = arith.constant 0 : i32
      %dma_start3A_91 = tpu.memref_slice %arg11[%add3A_45, %dma_start3A_90] : memref<5200x128xf32, #tpu.memory_space<vmem_shared>> -> memref<64x128xf32, #tpu.memory_space<vmem_shared>>
      tpu.enqueue_dma source(%arg10 : memref<64x128xf32, #tpu.memory_space<vmem>>) target(%dma_start3A_91 : memref<64x128xf32, #tpu.memory_space<vmem_shared>>) target_semaphore(%run_scoped3A_88 : memref<!tpu.dma_semaphore, #tpu.memory_space<semaphore_mem>>)
      %dma_wait3A = arith.constant 0 : i32
      %dma_wait3A_92 = tpu.memref_slice %arg11[%add3A_45, %dma_wait3A] : memref<5200x128xf32, #tpu.memory_space<vmem_shared>> -> memref<64x128xf32, #tpu.memory_space<vmem_shared>>
      %dma_wait3A_93 = arith.constant 0 : i32
      %dma_wait3A_94 = tpu.memref_slice %arg11[%add3A_45, %dma_wait3A_93] : memref<5200x128xf32, #tpu.memory_space<vmem_shared>> -> memref<64x128xf32, #tpu.memory_space<vmem_shared>>
      tpu.wait_dma2 semaphore(%run_scoped3A_88 : memref<!tpu.dma_semaphore, #tpu.memory_space<semaphore_mem>>) src(%arg10 : memref<64x128xf32, #tpu.memory_space<vmem>>) dst(%dma_wait3A_94 : memref<64x128xf32, #tpu.memory_space<vmem_shared>>)
      tpu.yield
    }) : () -> ()
    %add3A_46 = arith.constant 64 : i32
    %add3A_47 = arith.addi %mul3A_2, %add3A_46 : i32
    "tpu.region"() ({
      %run_scoped3A_88 = tpu.sem_alloc : memref<!tpu.dma_semaphore, #tpu.memory_space<semaphore_mem>>
      %dma_start3A = arith.constant 0 : i32
      %dma_start3A_89 = tpu.memref_slice %arg11[%add3A_47, %dma_start3A] : memref<5200x128xf32, #tpu.memory_space<vmem_shared>> -> memref<64x128xf32, #tpu.memory_space<vmem_shared>>
      %dma_start3A_90 = arith.constant 0 : i32
      %dma_start3A_91 = tpu.memref_slice %arg11[%add3A_47, %dma_start3A_90] : memref<5200x128xf32, #tpu.memory_space<vmem_shared>> -> memref<64x128xf32, #tpu.memory_space<vmem_shared>>
      tpu.enqueue_dma source(%arg10 : memref<64x128xf32, #tpu.memory_space<vmem>>) target(%dma_start3A_91 : memref<64x128xf32, #tpu.memory_space<vmem_shared>>) target_semaphore(%run_scoped3A_88 : memref<!tpu.dma_semaphore, #tpu.memory_space<semaphore_mem>>)
      %dma_wait3A = arith.constant 0 : i32
      %dma_wait3A_92 = tpu.memref_slice %arg11[%add3A_47, %dma_wait3A] : memref<5200x128xf32, #tpu.memory_space<vmem_shared>> -> memref<64x128xf32, #tpu.memory_space<vmem_shared>>
      %dma_wait3A_93 = arith.constant 0 : i32
      %dma_wait3A_94 = tpu.memref_slice %arg11[%add3A_47, %dma_wait3A_93] : memref<5200x128xf32, #tpu.memory_space<vmem_shared>> -> memref<64x128xf32, #tpu.memory_space<vmem_shared>>
      tpu.wait_dma2 semaphore(%run_scoped3A_88 : memref<!tpu.dma_semaphore, #tpu.memory_space<semaphore_mem>>) src(%arg10 : memref<64x128xf32, #tpu.memory_space<vmem>>) dst(%dma_wait3A_94 : memref<64x128xf32, #tpu.memory_space<vmem_shared>>)
      tpu.yield
    }) : () -> ()
    %add3A_48 = arith.constant 128 : i32
    %add3A_49 = arith.addi %mul3A_2, %add3A_48 : i32
    "tpu.region"() ({
      %run_scoped3A_88 = tpu.sem_alloc : memref<!tpu.dma_semaphore, #tpu.memory_space<semaphore_mem>>
      %dma_start3A = arith.constant 0 : i32
      %dma_start3A_89 = tpu.memref_slice %arg11[%add3A_49, %dma_start3A] : memref<5200x128xf32, #tpu.memory_space<vmem_shared>> -> memref<64x128xf32, #tpu.memory_space<vmem_shared>>
      %dma_start3A_90 = arith.constant 0 : i32
      %dma_start3A_91 = tpu.memref_slice %arg11[%add3A_49, %dma_start3A_90] : memref<5200x128xf32, #tpu.memory_space<vmem_shared>> -> memref<64x128xf32, #tpu.memory_space<vmem_shared>>
      tpu.enqueue_dma source(%arg10 : memref<64x128xf32, #tpu.memory_space<vmem>>) target(%dma_start3A_91 : memref<64x128xf32, #tpu.memory_space<vmem_shared>>) target_semaphore(%run_scoped3A_88 : memref<!tpu.dma_semaphore, #tpu.memory_space<semaphore_mem>>)
      %dma_wait3A = arith.constant 0 : i32
      %dma_wait3A_92 = tpu.memref_slice %arg11[%add3A_49, %dma_wait3A] : memref<5200x128xf32, #tpu.memory_space<vmem_shared>> -> memref<64x128xf32, #tpu.memory_space<vmem_shared>>
      %dma_wait3A_93 = arith.constant 0 : i32
      %dma_wait3A_94 = tpu.memref_slice %arg11[%add3A_49, %dma_wait3A_93] : memref<5200x128xf32, #tpu.memory_space<vmem_shared>> -> memref<64x128xf32, #tpu.memory_space<vmem_shared>>
      tpu.wait_dma2 semaphore(%run_scoped3A_88 : memref<!tpu.dma_semaphore, #tpu.memory_space<semaphore_mem>>) src(%arg10 : memref<64x128xf32, #tpu.memory_space<vmem>>) dst(%dma_wait3A_94 : memref<64x128xf32, #tpu.memory_space<vmem_shared>>)
      tpu.yield
    }) : () -> ()
    %add3A_50 = arith.constant 192 : i32
    %add3A_51 = arith.addi %mul3A_2, %add3A_50 : i32
    "tpu.region"() ({
      %run_scoped3A_88 = tpu.sem_alloc : memref<!tpu.dma_semaphore, #tpu.memory_space<semaphore_mem>>
      %dma_start3A = arith.constant 0 : i32
      %dma_start3A_89 = tpu.memref_slice %arg11[%add3A_51, %dma_start3A] : memref<5200x128xf32, #tpu.memory_space<vmem_shared>> -> memref<64x128xf32, #tpu.memory_space<vmem_shared>>
      %dma_start3A_90 = arith.constant 0 : i32
      %dma_start3A_91 = tpu.memref_slice %arg11[%add3A_51, %dma_start3A_90] : memref<5200x128xf32, #tpu.memory_space<vmem_shared>> -> memref<64x128xf32, #tpu.memory_space<vmem_shared>>
      tpu.enqueue_dma source(%arg10 : memref<64x128xf32, #tpu.memory_space<vmem>>) target(%dma_start3A_91 : memref<64x128xf32, #tpu.memory_space<vmem_shared>>) target_semaphore(%run_scoped3A_88 : memref<!tpu.dma_semaphore, #tpu.memory_space<semaphore_mem>>)
      %dma_wait3A = arith.constant 0 : i32
      %dma_wait3A_92 = tpu.memref_slice %arg11[%add3A_51, %dma_wait3A] : memref<5200x128xf32, #tpu.memory_space<vmem_shared>> -> memref<64x128xf32, #tpu.memory_space<vmem_shared>>
      %dma_wait3A_93 = arith.constant 0 : i32
      %dma_wait3A_94 = tpu.memref_slice %arg11[%add3A_51, %dma_wait3A_93] : memref<5200x128xf32, #tpu.memory_space<vmem_shared>> -> memref<64x128xf32, #tpu.memory_space<vmem_shared>>
      tpu.wait_dma2 semaphore(%run_scoped3A_88 : memref<!tpu.dma_semaphore, #tpu.memory_space<semaphore_mem>>) src(%arg10 : memref<64x128xf32, #tpu.memory_space<vmem>>) dst(%dma_wait3A_94 : memref<64x128xf32, #tpu.memory_space<vmem_shared>>)
      tpu.yield
    }) : () -> ()
    %add3A_52 = arith.constant 256 : i32
    %add3A_53 = arith.addi %mul3A_2, %add3A_52 : i32
    "tpu.region"() ({
      %run_scoped3A_88 = tpu.sem_alloc : memref<!tpu.dma_semaphore, #tpu.memory_space<semaphore_mem>>
      %dma_start3A = arith.constant 0 : i32
      %dma_start3A_89 = tpu.memref_slice %arg11[%add3A_53, %dma_start3A] : memref<5200x128xf32, #tpu.memory_space<vmem_shared>> -> memref<64x128xf32, #tpu.memory_space<vmem_shared>>
      %dma_start3A_90 = arith.constant 0 : i32
      %dma_start3A_91 = tpu.memref_slice %arg11[%add3A_53, %dma_start3A_90] : memref<5200x128xf32, #tpu.memory_space<vmem_shared>> -> memref<64x128xf32, #tpu.memory_space<vmem_shared>>
      tpu.enqueue_dma source(%arg10 : memref<64x128xf32, #tpu.memory_space<vmem>>) target(%dma_start3A_91 : memref<64x128xf32, #tpu.memory_space<vmem_shared>>) target_semaphore(%run_scoped3A_88 : memref<!tpu.dma_semaphore, #tpu.memory_space<semaphore_mem>>)
      %dma_wait3A = arith.constant 0 : i32
      %dma_wait3A_92 = tpu.memref_slice %arg11[%add3A_53, %dma_wait3A] : memref<5200x128xf32, #tpu.memory_space<vmem_shared>> -> memref<64x128xf32, #tpu.memory_space<vmem_shared>>
      %dma_wait3A_93 = arith.constant 0 : i32
      %dma_wait3A_94 = tpu.memref_slice %arg11[%add3A_53, %dma_wait3A_93] : memref<5200x128xf32, #tpu.memory_space<vmem_shared>> -> memref<64x128xf32, #tpu.memory_space<vmem_shared>>
      tpu.wait_dma2 semaphore(%run_scoped3A_88 : memref<!tpu.dma_semaphore, #tpu.memory_space<semaphore_mem>>) src(%arg10 : memref<64x128xf32, #tpu.memory_space<vmem>>) dst(%dma_wait3A_94 : memref<64x128xf32, #tpu.memory_space<vmem_shared>>)
      tpu.yield
    }) : () -> ()
    %barrier3A_54 = arith.constant 0 : index
    tpu.barrier barrier_id(%barrier3A_54)
    %scan3A_55 = arith.constant 0 : i32
    %scan3A_56 = arith.constant 0 : i32
    %scan3A_57 = arith.constant 250 : i32
    %scan3A_58 = arith.addi %scan3A_56, %scan3A_57 : i32
    %scan3A_59 = arith.constant 1 : i32
    scf.for %scan3A_88 = %scan3A_56 to %scan3A_58 step %scan3A_59  : i32 {
      "tpu.region"() ({
        %run_scoped3A_89 = tpu.sem_alloc : memref<!tpu.dma_semaphore, #tpu.memory_space<semaphore_mem>>
        %dma_start3A = arith.constant 0 : i32
        %dma_start3A_90 = tpu.memref_slice %arg8[%scan3A_88, %dma_start3A] : memref<250x80xi32, #tpu.memory_space<vmem>> -> memref<1x80xi32, #tpu.memory_space<vmem>>
        %dma_start3A_91 = tpu.memref_squeeze %dma_start3A_90 : memref<1x80xi32, #tpu.memory_space<vmem>> -> memref<80xi32, #tpu.memory_space<vmem>>
        %dma_start3A_92 = arith.constant 0 : i32
        %dma_start3A_93 = arith.constant 0 : i32
        %dma_start3A_94 = tpu.memref_slice %arg11[%dma_start3A_92, %dma_start3A_93] : memref<5200x128xf32, #tpu.memory_space<vmem_shared>> -> memref<5200x128xf32, #tpu.memory_space<vmem_shared>>
        tpu.enqueue_indirect_dma source(%arg9 : memref<80x128xf32, #tpu.memory_space<vmem>>) target(%dma_start3A_94 : memref<5200x128xf32, #tpu.memory_space<vmem_shared>>) offsets(%dma_start3A_91 : memref<80xi32, #tpu.memory_space<vmem>>) semaphore(%run_scoped3A_89 : memref<!tpu.dma_semaphore, #tpu.memory_space<semaphore_mem>>) {add = true}
        %dma_wait3A = arith.constant 0 : i32
        %dma_wait3A_95 = tpu.memref_slice %arg8[%scan3A_88, %dma_wait3A] : memref<250x80xi32, #tpu.memory_space<vmem>> -> memref<1x80xi32, #tpu.memory_space<vmem>>
        %dma_wait3A_96 = tpu.memref_squeeze %dma_wait3A_95 : memref<1x80xi32, #tpu.memory_space<vmem>> -> memref<80xi32, #tpu.memory_space<vmem>>
        %dma_wait3A_97 = arith.constant 0 : i32
        %dma_wait3A_98 = arith.constant 0 : i32
        %dma_wait3A_99 = tpu.memref_slice %arg11[%dma_wait3A_97, %dma_wait3A_98] : memref<5200x128xf32, #tpu.memory_space<vmem_shared>> -> memref<5200x128xf32, #tpu.memory_space<vmem_shared>>
        tpu.wait_indirect_dma semaphore(%run_scoped3A_89 : memref<!tpu.dma_semaphore, #tpu.memory_space<semaphore_mem>>) src(%arg9 : memref<80x128xf32, #tpu.memory_space<vmem>>) dst(%dma_wait3A_99 : memref<5200x128xf32, #tpu.memory_space<vmem_shared>>)
        tpu.yield
      }) : () -> ()
    }
    %scan3A_60 = arith.constant 250 : i32
    %barrier3A_61 = arith.constant 0 : index
    tpu.barrier barrier_id(%barrier3A_61)
    %add3A_62 = arith.constant 0 : i32
    %add3A_63 = arith.addi %mul3A_2, %add3A_62 : i32
    "tpu.region"() ({
      %run_scoped3A_88 = tpu.sem_alloc : memref<!tpu.dma_semaphore, #tpu.memory_space<semaphore_mem>>
      %dma_start3A = arith.constant 0 : i32
      %dma_start3A_89 = tpu.memref_slice %arg11[%add3A_63, %dma_start3A] : memref<5200x128xf32, #tpu.memory_space<vmem_shared>> -> memref<64x128xf32, #tpu.memory_space<vmem_shared>>
      %dma_start3A_90 = arith.constant 0 : i32
      %dma_start3A_91 = tpu.memref_slice %arg11[%add3A_63, %dma_start3A_90] : memref<5200x128xf32, #tpu.memory_space<vmem_shared>> -> memref<64x128xf32, #tpu.memory_space<vmem_shared>>
      tpu.enqueue_dma source(%dma_start3A_91 : memref<64x128xf32, #tpu.memory_space<vmem_shared>>) target(%arg10 : memref<64x128xf32, #tpu.memory_space<vmem>>) target_semaphore(%run_scoped3A_88 : memref<!tpu.dma_semaphore, #tpu.memory_space<semaphore_mem>>)
      %dma_wait3A = arith.constant 0 : i32
      %dma_wait3A_92 = tpu.memref_slice %arg11[%add3A_63, %dma_wait3A] : memref<5200x128xf32, #tpu.memory_space<vmem_shared>> -> memref<64x128xf32, #tpu.memory_space<vmem_shared>>
      %dma_wait3A_93 = arith.constant 0 : i32
      %dma_wait3A_94 = tpu.memref_slice %arg11[%add3A_63, %dma_wait3A_93] : memref<5200x128xf32, #tpu.memory_space<vmem_shared>> -> memref<64x128xf32, #tpu.memory_space<vmem_shared>>
      tpu.wait_dma2 semaphore(%run_scoped3A_88 : memref<!tpu.dma_semaphore, #tpu.memory_space<semaphore_mem>>) src(%dma_wait3A_94 : memref<64x128xf32, #tpu.memory_space<vmem_shared>>) dst(%arg10 : memref<64x128xf32, #tpu.memory_space<vmem>>)
      tpu.yield
    }) : () -> ()
    %add3A_64 = arith.constant 0 : i32
    %add3A_65 = arith.addi %mul3A_2, %add3A_64 : i32
    %run_scoped3A_66 = arith.constant 1 : i32
    "tpu.region"() ({
      %run_scoped3A_88 = tpu.sem_alloc : memref<!tpu.dma_semaphore, #tpu.memory_space<semaphore_mem>>
      %dma_start3A = arith.constant 0 : i32
      %dma_start3A_89 = tpu.memref_slice %arg6[%arg0, %run_scoped3A_66, %add3A_65, %dma_start3A] : memref<2x2x5120x128xf32, #tpu.memory_space<hbm>> -> memref<1x1x64x128xf32, #tpu.memory_space<hbm>>
      %dma_start3A_90 = tpu.memref_squeeze %dma_start3A_89 : memref<1x1x64x128xf32, #tpu.memory_space<hbm>> -> memref<64x128xf32, #tpu.memory_space<hbm>>
      %dma_start3A_91 = arith.constant 0 : i32
      %dma_start3A_92 = tpu.memref_slice %arg6[%arg0, %run_scoped3A_66, %add3A_65, %dma_start3A_91] : memref<2x2x5120x128xf32, #tpu.memory_space<hbm>> -> memref<1x1x64x128xf32, #tpu.memory_space<hbm>>
      %dma_start3A_93 = tpu.memref_squeeze %dma_start3A_92 : memref<1x1x64x128xf32, #tpu.memory_space<hbm>> -> memref<64x128xf32, #tpu.memory_space<hbm>>
      tpu.enqueue_dma source(%arg10 : memref<64x128xf32, #tpu.memory_space<vmem>>) target(%dma_start3A_93 : memref<64x128xf32, #tpu.memory_space<hbm>>) target_semaphore(%run_scoped3A_88 : memref<!tpu.dma_semaphore, #tpu.memory_space<semaphore_mem>>)
      %dma_wait3A = arith.constant 0 : i32
      %dma_wait3A_94 = tpu.memref_slice %arg6[%arg0, %run_scoped3A_66, %add3A_65, %dma_wait3A] : memref<2x2x5120x128xf32, #tpu.memory_space<hbm>> -> memref<1x1x64x128xf32, #tpu.memory_space<hbm>>
      %dma_wait3A_95 = tpu.memref_squeeze %dma_wait3A_94 : memref<1x1x64x128xf32, #tpu.memory_space<hbm>> -> memref<64x128xf32, #tpu.memory_space<hbm>>
      %dma_wait3A_96 = arith.constant 0 : i32
      %dma_wait3A_97 = tpu.memref_slice %arg6[%arg0, %run_scoped3A_66, %add3A_65, %dma_wait3A_96] : memref<2x2x5120x128xf32, #tpu.memory_space<hbm>> -> memref<1x1x64x128xf32, #tpu.memory_space<hbm>>
      %dma_wait3A_98 = tpu.memref_squeeze %dma_wait3A_97 : memref<1x1x64x128xf32, #tpu.memory_space<hbm>> -> memref<64x128xf32, #tpu.memory_space<hbm>>
      tpu.wait_dma2 semaphore(%run_scoped3A_88 : memref<!tpu.dma_semaphore, #tpu.memory_space<semaphore_mem>>) src(%arg10 : memref<64x128xf32, #tpu.memory_space<vmem>>) dst(%dma_wait3A_98 : memref<64x128xf32, #tpu.memory_space<hbm>>)
      tpu.yield
    }) : () -> ()
    %add3A_67 = arith.constant 64 : i32
    %add3A_68 = arith.addi %mul3A_2, %add3A_67 : i32
    "tpu.region"() ({
      %run_scoped3A_88 = tpu.sem_alloc : memref<!tpu.dma_semaphore, #tpu.memory_space<semaphore_mem>>
      %dma_start3A = arith.constant 0 : i32
      %dma_start3A_89 = tpu.memref_slice %arg11[%add3A_68, %dma_start3A] : memref<5200x128xf32, #tpu.memory_space<vmem_shared>> -> memref<64x128xf32, #tpu.memory_space<vmem_shared>>
      %dma_start3A_90 = arith.constant 0 : i32
      %dma_start3A_91 = tpu.memref_slice %arg11[%add3A_68, %dma_start3A_90] : memref<5200x128xf32, #tpu.memory_space<vmem_shared>> -> memref<64x128xf32, #tpu.memory_space<vmem_shared>>
      tpu.enqueue_dma source(%dma_start3A_91 : memref<64x128xf32, #tpu.memory_space<vmem_shared>>) target(%arg10 : memref<64x128xf32, #tpu.memory_space<vmem>>) target_semaphore(%run_scoped3A_88 : memref<!tpu.dma_semaphore, #tpu.memory_space<semaphore_mem>>)
      %dma_wait3A = arith.constant 0 : i32
      %dma_wait3A_92 = tpu.memref_slice %arg11[%add3A_68, %dma_wait3A] : memref<5200x128xf32, #tpu.memory_space<vmem_shared>> -> memref<64x128xf32, #tpu.memory_space<vmem_shared>>
      %dma_wait3A_93 = arith.constant 0 : i32
      %dma_wait3A_94 = tpu.memref_slice %arg11[%add3A_68, %dma_wait3A_93] : memref<5200x128xf32, #tpu.memory_space<vmem_shared>> -> memref<64x128xf32, #tpu.memory_space<vmem_shared>>
      tpu.wait_dma2 semaphore(%run_scoped3A_88 : memref<!tpu.dma_semaphore, #tpu.memory_space<semaphore_mem>>) src(%dma_wait3A_94 : memref<64x128xf32, #tpu.memory_space<vmem_shared>>) dst(%arg10 : memref<64x128xf32, #tpu.memory_space<vmem>>)
      tpu.yield
    }) : () -> ()
    %add3A_69 = arith.constant 64 : i32
    %add3A_70 = arith.addi %mul3A_2, %add3A_69 : i32
    %run_scoped3A_71 = arith.constant 1 : i32
    "tpu.region"() ({
      %run_scoped3A_88 = tpu.sem_alloc : memref<!tpu.dma_semaphore, #tpu.memory_space<semaphore_mem>>
      %dma_start3A = arith.constant 0 : i32
      %dma_start3A_89 = tpu.memref_slice %arg6[%arg0, %run_scoped3A_71, %add3A_70, %dma_start3A] : memref<2x2x5120x128xf32, #tpu.memory_space<hbm>> -> memref<1x1x64x128xf32, #tpu.memory_space<hbm>>
      %dma_start3A_90 = tpu.memref_squeeze %dma_start3A_89 : memref<1x1x64x128xf32, #tpu.memory_space<hbm>> -> memref<64x128xf32, #tpu.memory_space<hbm>>
      %dma_start3A_91 = arith.constant 0 : i32
      %dma_start3A_92 = tpu.memref_slice %arg6[%arg0, %run_scoped3A_71, %add3A_70, %dma_start3A_91] : memref<2x2x5120x128xf32, #tpu.memory_space<hbm>> -> memref<1x1x64x128xf32, #tpu.memory_space<hbm>>
      %dma_start3A_93 = tpu.memref_squeeze %dma_start3A_92 : memref<1x1x64x128xf32, #tpu.memory_space<hbm>> -> memref<64x128xf32, #tpu.memory_space<hbm>>
      tpu.enqueue_dma source(%arg10 : memref<64x128xf32, #tpu.memory_space<vmem>>) target(%dma_start3A_93 : memref<64x128xf32, #tpu.memory_space<hbm>>) target_semaphore(%run_scoped3A_88 : memref<!tpu.dma_semaphore, #tpu.memory_space<semaphore_mem>>)
      %dma_wait3A = arith.constant 0 : i32
      %dma_wait3A_94 = tpu.memref_slice %arg6[%arg0, %run_scoped3A_71, %add3A_70, %dma_wait3A] : memref<2x2x5120x128xf32, #tpu.memory_space<hbm>> -> memref<1x1x64x128xf32, #tpu.memory_space<hbm>>
      %dma_wait3A_95 = tpu.memref_squeeze %dma_wait3A_94 : memref<1x1x64x128xf32, #tpu.memory_space<hbm>> -> memref<64x128xf32, #tpu.memory_space<hbm>>
      %dma_wait3A_96 = arith.constant 0 : i32
      %dma_wait3A_97 = tpu.memref_slice %arg6[%arg0, %run_scoped3A_71, %add3A_70, %dma_wait3A_96] : memref<2x2x5120x128xf32, #tpu.memory_space<hbm>> -> memref<1x1x64x128xf32, #tpu.memory_space<hbm>>
      %dma_wait3A_98 = tpu.memref_squeeze %dma_wait3A_97 : memref<1x1x64x128xf32, #tpu.memory_space<hbm>> -> memref<64x128xf32, #tpu.memory_space<hbm>>
      tpu.wait_dma2 semaphore(%run_scoped3A_88 : memref<!tpu.dma_semaphore, #tpu.memory_space<semaphore_mem>>) src(%arg10 : memref<64x128xf32, #tpu.memory_space<vmem>>) dst(%dma_wait3A_98 : memref<64x128xf32, #tpu.memory_space<hbm>>)
      tpu.yield
    }) : () -> ()
    %add3A_72 = arith.constant 128 : i32
    %add3A_73 = arith.addi %mul3A_2, %add3A_72 : i32
    "tpu.region"() ({
      %run_scoped3A_88 = tpu.sem_alloc : memref<!tpu.dma_semaphore, #tpu.memory_space<semaphore_mem>>
      %dma_start3A = arith.constant 0 : i32
      %dma_start3A_89 = tpu.memref_slice %arg11[%add3A_73, %dma_start3A] : memref<5200x128xf32, #tpu.memory_space<vmem_shared>> -> memref<64x128xf32, #tpu.memory_space<vmem_shared>>
      %dma_start3A_90 = arith.constant 0 : i32
      %dma_start3A_91 = tpu.memref_slice %arg11[%add3A_73, %dma_start3A_90] : memref<5200x128xf32, #tpu.memory_space<vmem_shared>> -> memref<64x128xf32, #tpu.memory_space<vmem_shared>>
      tpu.enqueue_dma source(%dma_start3A_91 : memref<64x128xf32, #tpu.memory_space<vmem_shared>>) target(%arg10 : memref<64x128xf32, #tpu.memory_space<vmem>>) target_semaphore(%run_scoped3A_88 : memref<!tpu.dma_semaphore, #tpu.memory_space<semaphore_mem>>)
      %dma_wait3A = arith.constant 0 : i32
      %dma_wait3A_92 = tpu.memref_slice %arg11[%add3A_73, %dma_wait3A] : memref<5200x128xf32, #tpu.memory_space<vmem_shared>> -> memref<64x128xf32, #tpu.memory_space<vmem_shared>>
      %dma_wait3A_93 = arith.constant 0 : i32
      %dma_wait3A_94 = tpu.memref_slice %arg11[%add3A_73, %dma_wait3A_93] : memref<5200x128xf32, #tpu.memory_space<vmem_shared>> -> memref<64x128xf32, #tpu.memory_space<vmem_shared>>
      tpu.wait_dma2 semaphore(%run_scoped3A_88 : memref<!tpu.dma_semaphore, #tpu.memory_space<semaphore_mem>>) src(%dma_wait3A_94 : memref<64x128xf32, #tpu.memory_space<vmem_shared>>) dst(%arg10 : memref<64x128xf32, #tpu.memory_space<vmem>>)
      tpu.yield
    }) : () -> ()
    %add3A_74 = arith.constant 128 : i32
    %add3A_75 = arith.addi %mul3A_2, %add3A_74 : i32
    %run_scoped3A_76 = arith.constant 1 : i32
    "tpu.region"() ({
      %run_scoped3A_88 = tpu.sem_alloc : memref<!tpu.dma_semaphore, #tpu.memory_space<semaphore_mem>>
      %dma_start3A = arith.constant 0 : i32
      %dma_start3A_89 = tpu.memref_slice %arg6[%arg0, %run_scoped3A_76, %add3A_75, %dma_start3A] : memref<2x2x5120x128xf32, #tpu.memory_space<hbm>> -> memref<1x1x64x128xf32, #tpu.memory_space<hbm>>
      %dma_start3A_90 = tpu.memref_squeeze %dma_start3A_89 : memref<1x1x64x128xf32, #tpu.memory_space<hbm>> -> memref<64x128xf32, #tpu.memory_space<hbm>>
      %dma_start3A_91 = arith.constant 0 : i32
      %dma_start3A_92 = tpu.memref_slice %arg6[%arg0, %run_scoped3A_76, %add3A_75, %dma_start3A_91] : memref<2x2x5120x128xf32, #tpu.memory_space<hbm>> -> memref<1x1x64x128xf32, #tpu.memory_space<hbm>>
      %dma_start3A_93 = tpu.memref_squeeze %dma_start3A_92 : memref<1x1x64x128xf32, #tpu.memory_space<hbm>> -> memref<64x128xf32, #tpu.memory_space<hbm>>
      tpu.enqueue_dma source(%arg10 : memref<64x128xf32, #tpu.memory_space<vmem>>) target(%dma_start3A_93 : memref<64x128xf32, #tpu.memory_space<hbm>>) target_semaphore(%run_scoped3A_88 : memref<!tpu.dma_semaphore, #tpu.memory_space<semaphore_mem>>)
      %dma_wait3A = arith.constant 0 : i32
      %dma_wait3A_94 = tpu.memref_slice %arg6[%arg0, %run_scoped3A_76, %add3A_75, %dma_wait3A] : memref<2x2x5120x128xf32, #tpu.memory_space<hbm>> -> memref<1x1x64x128xf32, #tpu.memory_space<hbm>>
      %dma_wait3A_95 = tpu.memref_squeeze %dma_wait3A_94 : memref<1x1x64x128xf32, #tpu.memory_space<hbm>> -> memref<64x128xf32, #tpu.memory_space<hbm>>
      %dma_wait3A_96 = arith.constant 0 : i32
      %dma_wait3A_97 = tpu.memref_slice %arg6[%arg0, %run_scoped3A_76, %add3A_75, %dma_wait3A_96] : memref<2x2x5120x128xf32, #tpu.memory_space<hbm>> -> memref<1x1x64x128xf32, #tpu.memory_space<hbm>>
      %dma_wait3A_98 = tpu.memref_squeeze %dma_wait3A_97 : memref<1x1x64x128xf32, #tpu.memory_space<hbm>> -> memref<64x128xf32, #tpu.memory_space<hbm>>
      tpu.wait_dma2 semaphore(%run_scoped3A_88 : memref<!tpu.dma_semaphore, #tpu.memory_space<semaphore_mem>>) src(%arg10 : memref<64x128xf32, #tpu.memory_space<vmem>>) dst(%dma_wait3A_98 : memref<64x128xf32, #tpu.memory_space<hbm>>)
      tpu.yield
    }) : () -> ()
    %add3A_77 = arith.constant 192 : i32
    %add3A_78 = arith.addi %mul3A_2, %add3A_77 : i32
    "tpu.region"() ({
      %run_scoped3A_88 = tpu.sem_alloc : memref<!tpu.dma_semaphore, #tpu.memory_space<semaphore_mem>>
      %dma_start3A = arith.constant 0 : i32
      %dma_start3A_89 = tpu.memref_slice %arg11[%add3A_78, %dma_start3A] : memref<5200x128xf32, #tpu.memory_space<vmem_shared>> -> memref<64x128xf32, #tpu.memory_space<vmem_shared>>
      %dma_start3A_90 = arith.constant 0 : i32
      %dma_start3A_91 = tpu.memref_slice %arg11[%add3A_78, %dma_start3A_90] : memref<5200x128xf32, #tpu.memory_space<vmem_shared>> -> memref<64x128xf32, #tpu.memory_space<vmem_shared>>
      tpu.enqueue_dma source(%dma_start3A_91 : memref<64x128xf32, #tpu.memory_space<vmem_shared>>) target(%arg10 : memref<64x128xf32, #tpu.memory_space<vmem>>) target_semaphore(%run_scoped3A_88 : memref<!tpu.dma_semaphore, #tpu.memory_space<semaphore_mem>>)
      %dma_wait3A = arith.constant 0 : i32
      %dma_wait3A_92 = tpu.memref_slice %arg11[%add3A_78, %dma_wait3A] : memref<5200x128xf32, #tpu.memory_space<vmem_shared>> -> memref<64x128xf32, #tpu.memory_space<vmem_shared>>
      %dma_wait3A_93 = arith.constant 0 : i32
      %dma_wait3A_94 = tpu.memref_slice %arg11[%add3A_78, %dma_wait3A_93] : memref<5200x128xf32, #tpu.memory_space<vmem_shared>> -> memref<64x128xf32, #tpu.memory_space<vmem_shared>>
      tpu.wait_dma2 semaphore(%run_scoped3A_88 : memref<!tpu.dma_semaphore, #tpu.memory_space<semaphore_mem>>) src(%dma_wait3A_94 : memref<64x128xf32, #tpu.memory_space<vmem_shared>>) dst(%arg10 : memref<64x128xf32, #tpu.memory_space<vmem>>)
      tpu.yield
    }) : () -> ()
    %add3A_79 = arith.constant 192 : i32
    %add3A_80 = arith.addi %mul3A_2, %add3A_79 : i32
    %run_scoped3A_81 = arith.constant 1 : i32
    "tpu.region"() ({
      %run_scoped3A_88 = tpu.sem_alloc : memref<!tpu.dma_semaphore, #tpu.memory_space<semaphore_mem>>
      %dma_start3A = arith.constant 0 : i32
      %dma_start3A_89 = tpu.memref_slice %arg6[%arg0, %run_scoped3A_81, %add3A_80, %dma_start3A] : memref<2x2x5120x128xf32, #tpu.memory_space<hbm>> -> memref<1x1x64x128xf32, #tpu.memory_space<hbm>>
      %dma_start3A_90 = tpu.memref_squeeze %dma_start3A_89 : memref<1x1x64x128xf32, #tpu.memory_space<hbm>> -> memref<64x128xf32, #tpu.memory_space<hbm>>
      %dma_start3A_91 = arith.constant 0 : i32
      %dma_start3A_92 = tpu.memref_slice %arg6[%arg0, %run_scoped3A_81, %add3A_80, %dma_start3A_91] : memref<2x2x5120x128xf32, #tpu.memory_space<hbm>> -> memref<1x1x64x128xf32, #tpu.memory_space<hbm>>
      %dma_start3A_93 = tpu.memref_squeeze %dma_start3A_92 : memref<1x1x64x128xf32, #tpu.memory_space<hbm>> -> memref<64x128xf32, #tpu.memory_space<hbm>>
      tpu.enqueue_dma source(%arg10 : memref<64x128xf32, #tpu.memory_space<vmem>>) target(%dma_start3A_93 : memref<64x128xf32, #tpu.memory_space<hbm>>) target_semaphore(%run_scoped3A_88 : memref<!tpu.dma_semaphore, #tpu.memory_space<semaphore_mem>>)
      %dma_wait3A = arith.constant 0 : i32
      %dma_wait3A_94 = tpu.memref_slice %arg6[%arg0, %run_scoped3A_81, %add3A_80, %dma_wait3A] : memref<2x2x5120x128xf32, #tpu.memory_space<hbm>> -> memref<1x1x64x128xf32, #tpu.memory_space<hbm>>
      %dma_wait3A_95 = tpu.memref_squeeze %dma_wait3A_94 : memref<1x1x64x128xf32, #tpu.memory_space<hbm>> -> memref<64x128xf32, #tpu.memory_space<hbm>>
      %dma_wait3A_96 = arith.constant 0 : i32
      %dma_wait3A_97 = tpu.memref_slice %arg6[%arg0, %run_scoped3A_81, %add3A_80, %dma_wait3A_96] : memref<2x2x5120x128xf32, #tpu.memory_space<hbm>> -> memref<1x1x64x128xf32, #tpu.memory_space<hbm>>
      %dma_wait3A_98 = tpu.memref_squeeze %dma_wait3A_97 : memref<1x1x64x128xf32, #tpu.memory_space<hbm>> -> memref<64x128xf32, #tpu.memory_space<hbm>>
      tpu.wait_dma2 semaphore(%run_scoped3A_88 : memref<!tpu.dma_semaphore, #tpu.memory_space<semaphore_mem>>) src(%arg10 : memref<64x128xf32, #tpu.memory_space<vmem>>) dst(%dma_wait3A_98 : memref<64x128xf32, #tpu.memory_space<hbm>>)
      tpu.yield
    }) : () -> ()
    %add3A_82 = arith.constant 256 : i32
    %add3A_83 = arith.addi %mul3A_2, %add3A_82 : i32
    "tpu.region"() ({
      %run_scoped3A_88 = tpu.sem_alloc : memref<!tpu.dma_semaphore, #tpu.memory_space<semaphore_mem>>
      %dma_start3A = arith.constant 0 : i32
      %dma_start3A_89 = tpu.memref_slice %arg11[%add3A_83, %dma_start3A] : memref<5200x128xf32, #tpu.memory_space<vmem_shared>> -> memref<64x128xf32, #tpu.memory_space<vmem_shared>>
      %dma_start3A_90 = arith.constant 0 : i32
      %dma_start3A_91 = tpu.memref_slice %arg11[%add3A_83, %dma_start3A_90] : memref<5200x128xf32, #tpu.memory_space<vmem_shared>> -> memref<64x128xf32, #tpu.memory_space<vmem_shared>>
      tpu.enqueue_dma source(%dma_start3A_91 : memref<64x128xf32, #tpu.memory_space<vmem_shared>>) target(%arg10 : memref<64x128xf32, #tpu.memory_space<vmem>>) target_semaphore(%run_scoped3A_88 : memref<!tpu.dma_semaphore, #tpu.memory_space<semaphore_mem>>)
      %dma_wait3A = arith.constant 0 : i32
      %dma_wait3A_92 = tpu.memref_slice %arg11[%add3A_83, %dma_wait3A] : memref<5200x128xf32, #tpu.memory_space<vmem_shared>> -> memref<64x128xf32, #tpu.memory_space<vmem_shared>>
      %dma_wait3A_93 = arith.constant 0 : i32
      %dma_wait3A_94 = tpu.memref_slice %arg11[%add3A_83, %dma_wait3A_93] : memref<5200x128xf32, #tpu.memory_space<vmem_shared>> -> memref<64x128xf32, #tpu.memory_space<vmem_shared>>
      tpu.wait_dma2 semaphore(%run_scoped3A_88 : memref<!tpu.dma_semaphore, #tpu.memory_space<semaphore_mem>>) src(%dma_wait3A_94 : memref<64x128xf32, #tpu.memory_space<vmem_shared>>) dst(%arg10 : memref<64x128xf32, #tpu.memory_space<vmem>>)
      tpu.yield
    }) : () -> ()
    %add3A_84 = arith.constant 256 : i32
    %add3A_85 = arith.addi %mul3A_2, %add3A_84 : i32
    %run_scoped3A_86 = arith.constant 1 : i32
    "tpu.region"() ({
      %run_scoped3A_88 = tpu.sem_alloc : memref<!tpu.dma_semaphore, #tpu.memory_space<semaphore_mem>>
      %dma_start3A = arith.constant 0 : i32
      %dma_start3A_89 = tpu.memref_slice %arg6[%arg0, %run_scoped3A_86, %add3A_85, %dma_start3A] : memref<2x2x5120x128xf32, #tpu.memory_space<hbm>> -> memref<1x1x64x128xf32, #tpu.memory_space<hbm>>
      %dma_start3A_90 = tpu.memref_squeeze %dma_start3A_89 : memref<1x1x64x128xf32, #tpu.memory_space<hbm>> -> memref<64x128xf32, #tpu.memory_space<hbm>>
      %dma_start3A_91 = arith.constant 0 : i32
      %dma_start3A_92 = tpu.memref_slice %arg6[%arg0, %run_scoped3A_86, %add3A_85, %dma_start3A_91] : memref<2x2x5120x128xf32, #tpu.memory_space<hbm>> -> memref<1x1x64x128xf32, #tpu.memory_space<hbm>>
      %dma_start3A_93 = tpu.memref_squeeze %dma_start3A_92 : memref<1x1x64x128xf32, #tpu.memory_space<hbm>> -> memref<64x128xf32, #tpu.memory_space<hbm>>
      tpu.enqueue_dma source(%arg10 : memref<64x128xf32, #tpu.memory_space<vmem>>) target(%dma_start3A_93 : memref<64x128xf32, #tpu.memory_space<hbm>>) target_semaphore(%run_scoped3A_88 : memref<!tpu.dma_semaphore, #tpu.memory_space<semaphore_mem>>)
      %dma_wait3A = arith.constant 0 : i32
      %dma_wait3A_94 = tpu.memref_slice %arg6[%arg0, %run_scoped3A_86, %add3A_85, %dma_wait3A] : memref<2x2x5120x128xf32, #tpu.memory_space<hbm>> -> memref<1x1x64x128xf32, #tpu.memory_space<hbm>>
      %dma_wait3A_95 = tpu.memref_squeeze %dma_wait3A_94 : memref<1x1x64x128xf32, #tpu.memory_space<hbm>> -> memref<64x128xf32, #tpu.memory_space<hbm>>
      %dma_wait3A_96 = arith.constant 0 : i32
      %dma_wait3A_97 = tpu.memref_slice %arg6[%arg0, %run_scoped3A_86, %add3A_85, %dma_wait3A_96] : memref<2x2x5120x128xf32, #tpu.memory_space<hbm>> -> memref<1x1x64x128xf32, #tpu.memory_space<hbm>>
      %dma_wait3A_98 = tpu.memref_squeeze %dma_wait3A_97 : memref<1x1x64x128xf32, #tpu.memory_space<hbm>> -> memref<64x128xf32, #tpu.memory_space<hbm>>
      tpu.wait_dma2 semaphore(%run_scoped3A_88 : memref<!tpu.dma_semaphore, #tpu.memory_space<semaphore_mem>>) src(%arg10 : memref<64x128xf32, #tpu.memory_space<vmem>>) dst(%dma_wait3A_98 : memref<64x128xf32, #tpu.memory_space<hbm>>)
      tpu.yield
    }) : () -> ()
    %barrier3A_87 = arith.constant 0 : index
    tpu.barrier barrier_id(%barrier3A_87)
    return
  }
}

#map = affine_map<(d0, d1) -> (0, 0, 0)>
#map1 = affine_map<(d0, d1) -> (0, 0)>
module attributes {stable_mosaic.version = 14 : i64} {
  func.func @_sc_segsum_body(%arg0: i32, %arg1: i32, %arg2: memref<32x250x80xi32, #tpu.memory_space<hbm>>, %arg3: memref<32x250x80xi32, #tpu.memory_space<hbm>>, %arg4: memref<10000x128xf32, #tpu.memory_space<hbm>>, %arg5: memref<80x128xf32, #tpu.memory_space<hbm>>, %arg6: memref<2x5120x128xf32, #tpu.memory_space<hbm>>, %arg7: memref<250x80xi32, #tpu.memory_space<vmem>>, %arg8: memref<250x80xi32, #tpu.memory_space<vmem>>, %arg9: memref<2x80x128xf32, #tpu.memory_space<vmem>>, %arg10: memref<5200x128xf32, #tpu.memory_space<vmem_shared>>, %arg11: memref<!tpu.dma_semaphore, #tpu.memory_space<semaphore_mem>>, %arg12: memref<!tpu.dma_semaphore, #tpu.memory_space<semaphore_mem>>) attributes {dimension_semantics = [#tpu.dimension_semantics<core_parallel>, #tpu.dimension_semantics<subcore_parallel>], iteration_bounds = array<i64: 2, 16>, scalar_prefetch = 0 : i64, scratch_operands = 6 : i64, tpu.core_type = #tpu.core_type<sc_vector_subcore>, window_params = [{transform_indices = #map}, {transform_indices = #map}, {transform_indices = #map1}, {transform_indices = #map1}, {transform_indices = #map}]} {
    %mul3A = arith.constant 16 : i32
    %mul3A_0 = arith.muli %arg0, %mul3A : i32
    %add3A = arith.addi %mul3A_0, %arg1 : i32
    "tpu.region"() ({
      %run_scoped3A_91 = tpu.sem_alloc : memref<!tpu.dma_semaphore, #tpu.memory_space<semaphore_mem>>
      %dma_start3A_92 = arith.constant 0 : i32
      %dma_start3A_93 = arith.constant 0 : i32
      %dma_start3A_94 = tpu.memref_slice %arg2[%add3A, %dma_start3A_92, %dma_start3A_93] : memref<32x250x80xi32, #tpu.memory_space<hbm>> -> memref<1x250x80xi32, #tpu.memory_space<hbm>>
      %dma_start3A_95 = tpu.memref_squeeze %dma_start3A_94 : memref<1x250x80xi32, #tpu.memory_space<hbm>> -> memref<250x80xi32, #tpu.memory_space<hbm>>
      %dma_start3A_96 = arith.constant 0 : i32
      %dma_start3A_97 = arith.constant 0 : i32
      %dma_start3A_98 = tpu.memref_slice %arg2[%add3A, %dma_start3A_96, %dma_start3A_97] : memref<32x250x80xi32, #tpu.memory_space<hbm>> -> memref<1x250x80xi32, #tpu.memory_space<hbm>>
      %dma_start3A_99 = tpu.memref_squeeze %dma_start3A_98 : memref<1x250x80xi32, #tpu.memory_space<hbm>> -> memref<250x80xi32, #tpu.memory_space<hbm>>
      tpu.enqueue_dma source(%dma_start3A_99 : memref<250x80xi32, #tpu.memory_space<hbm>>) target(%arg7 : memref<250x80xi32, #tpu.memory_space<vmem>>) target_semaphore(%run_scoped3A_91 : memref<!tpu.dma_semaphore, #tpu.memory_space<semaphore_mem>>)
      %dma_wait3A_100 = arith.constant 0 : i32
      %dma_wait3A_101 = arith.constant 0 : i32
      %dma_wait3A_102 = tpu.memref_slice %arg2[%add3A, %dma_wait3A_100, %dma_wait3A_101] : memref<32x250x80xi32, #tpu.memory_space<hbm>> -> memref<1x250x80xi32, #tpu.memory_space<hbm>>
      %dma_wait3A_103 = tpu.memref_squeeze %dma_wait3A_102 : memref<1x250x80xi32, #tpu.memory_space<hbm>> -> memref<250x80xi32, #tpu.memory_space<hbm>>
      %dma_wait3A_104 = arith.constant 0 : i32
      %dma_wait3A_105 = arith.constant 0 : i32
      %dma_wait3A_106 = tpu.memref_slice %arg2[%add3A, %dma_wait3A_104, %dma_wait3A_105] : memref<32x250x80xi32, #tpu.memory_space<hbm>> -> memref<1x250x80xi32, #tpu.memory_space<hbm>>
      %dma_wait3A_107 = tpu.memref_squeeze %dma_wait3A_106 : memref<1x250x80xi32, #tpu.memory_space<hbm>> -> memref<250x80xi32, #tpu.memory_space<hbm>>
      tpu.wait_dma2 semaphore(%run_scoped3A_91 : memref<!tpu.dma_semaphore, #tpu.memory_space<semaphore_mem>>) src(%dma_wait3A_107 : memref<250x80xi32, #tpu.memory_space<hbm>>) dst(%arg7 : memref<250x80xi32, #tpu.memory_space<vmem>>)
      tpu.yield
    }) : () -> ()
    "tpu.region"() ({
      %run_scoped3A_91 = tpu.sem_alloc : memref<!tpu.dma_semaphore, #tpu.memory_space<semaphore_mem>>
      %dma_start3A_92 = arith.constant 0 : i32
      %dma_start3A_93 = arith.constant 0 : i32
      %dma_start3A_94 = tpu.memref_slice %arg3[%add3A, %dma_start3A_92, %dma_start3A_93] : memref<32x250x80xi32, #tpu.memory_space<hbm>> -> memref<1x250x80xi32, #tpu.memory_space<hbm>>
      %dma_start3A_95 = tpu.memref_squeeze %dma_start3A_94 : memref<1x250x80xi32, #tpu.memory_space<hbm>> -> memref<250x80xi32, #tpu.memory_space<hbm>>
      %dma_start3A_96 = arith.constant 0 : i32
      %dma_start3A_97 = arith.constant 0 : i32
      %dma_start3A_98 = tpu.memref_slice %arg3[%add3A, %dma_start3A_96, %dma_start3A_97] : memref<32x250x80xi32, #tpu.memory_space<hbm>> -> memref<1x250x80xi32, #tpu.memory_space<hbm>>
      %dma_start3A_99 = tpu.memref_squeeze %dma_start3A_98 : memref<1x250x80xi32, #tpu.memory_space<hbm>> -> memref<250x80xi32, #tpu.memory_space<hbm>>
      tpu.enqueue_dma source(%dma_start3A_99 : memref<250x80xi32, #tpu.memory_space<hbm>>) target(%arg8 : memref<250x80xi32, #tpu.memory_space<vmem>>) target_semaphore(%run_scoped3A_91 : memref<!tpu.dma_semaphore, #tpu.memory_space<semaphore_mem>>)
      %dma_wait3A_100 = arith.constant 0 : i32
      %dma_wait3A_101 = arith.constant 0 : i32
      %dma_wait3A_102 = tpu.memref_slice %arg3[%add3A, %dma_wait3A_100, %dma_wait3A_101] : memref<32x250x80xi32, #tpu.memory_space<hbm>> -> memref<1x250x80xi32, #tpu.memory_space<hbm>>
      %dma_wait3A_103 = tpu.memref_squeeze %dma_wait3A_102 : memref<1x250x80xi32, #tpu.memory_space<hbm>> -> memref<250x80xi32, #tpu.memory_space<hbm>>
      %dma_wait3A_104 = arith.constant 0 : i32
      %dma_wait3A_105 = arith.constant 0 : i32
      %dma_wait3A_106 = tpu.memref_slice %arg3[%add3A, %dma_wait3A_104, %dma_wait3A_105] : memref<32x250x80xi32, #tpu.memory_space<hbm>> -> memref<1x250x80xi32, #tpu.memory_space<hbm>>
      %dma_wait3A_107 = tpu.memref_squeeze %dma_wait3A_106 : memref<1x250x80xi32, #tpu.memory_space<hbm>> -> memref<250x80xi32, #tpu.memory_space<hbm>>
      tpu.wait_dma2 semaphore(%run_scoped3A_91 : memref<!tpu.dma_semaphore, #tpu.memory_space<semaphore_mem>>) src(%dma_wait3A_107 : memref<250x80xi32, #tpu.memory_space<hbm>>) dst(%arg8 : memref<250x80xi32, #tpu.memory_space<vmem>>)
      tpu.yield
    }) : () -> ()
    %run_scoped3A = arith.constant 0 : i32
    "tpu.region"() ({
      %run_scoped3A_91 = tpu.sem_alloc : memref<!tpu.dma_semaphore, #tpu.memory_space<semaphore_mem>>
      %dma_start3A_92 = arith.constant 0 : i32
      %dma_start3A_93 = arith.constant 0 : i32
      %dma_start3A_94 = tpu.memref_slice %arg9[%run_scoped3A, %dma_start3A_92, %dma_start3A_93] : memref<2x80x128xf32, #tpu.memory_space<vmem>> -> memref<1x80x128xf32, #tpu.memory_space<vmem>>
      %dma_start3A_95 = tpu.memref_squeeze %dma_start3A_94 : memref<1x80x128xf32, #tpu.memory_space<vmem>> -> memref<80x128xf32, #tpu.memory_space<vmem>>
      %dma_start3A_96 = arith.constant 0 : i32
      %dma_start3A_97 = arith.constant 0 : i32
      %dma_start3A_98 = tpu.memref_slice %arg9[%run_scoped3A, %dma_start3A_96, %dma_start3A_97] : memref<2x80x128xf32, #tpu.memory_space<vmem>> -> memref<1x80x128xf32, #tpu.memory_space<vmem>>
      %dma_start3A_99 = tpu.memref_squeeze %dma_start3A_98 : memref<1x80x128xf32, #tpu.memory_space<vmem>> -> memref<80x128xf32, #tpu.memory_space<vmem>>
      tpu.enqueue_dma source(%arg5 : memref<80x128xf32, #tpu.memory_space<hbm>>) target(%dma_start3A_99 : memref<80x128xf32, #tpu.memory_space<vmem>>) target_semaphore(%run_scoped3A_91 : memref<!tpu.dma_semaphore, #tpu.memory_space<semaphore_mem>>)
      %dma_wait3A_100 = arith.constant 0 : i32
      %dma_wait3A_101 = arith.constant 0 : i32
      %dma_wait3A_102 = tpu.memref_slice %arg9[%run_scoped3A, %dma_wait3A_100, %dma_wait3A_101] : memref<2x80x128xf32, #tpu.memory_space<vmem>> -> memref<1x80x128xf32, #tpu.memory_space<vmem>>
      %dma_wait3A_103 = tpu.memref_squeeze %dma_wait3A_102 : memref<1x80x128xf32, #tpu.memory_space<vmem>> -> memref<80x128xf32, #tpu.memory_space<vmem>>
      %dma_wait3A_104 = arith.constant 0 : i32
      %dma_wait3A_105 = arith.constant 0 : i32
      %dma_wait3A_106 = tpu.memref_slice %arg9[%run_scoped3A, %dma_wait3A_104, %dma_wait3A_105] : memref<2x80x128xf32, #tpu.memory_space<vmem>> -> memref<1x80x128xf32, #tpu.memory_space<vmem>>
      %dma_wait3A_107 = tpu.memref_squeeze %dma_wait3A_106 : memref<1x80x128xf32, #tpu.memory_space<vmem>> -> memref<80x128xf32, #tpu.memory_space<vmem>>
      tpu.wait_dma2 semaphore(%run_scoped3A_91 : memref<!tpu.dma_semaphore, #tpu.memory_space<semaphore_mem>>) src(%arg5 : memref<80x128xf32, #tpu.memory_space<hbm>>) dst(%dma_wait3A_107 : memref<80x128xf32, #tpu.memory_space<vmem>>)
      tpu.yield
    }) : () -> ()
    %mul3A_1 = arith.constant 320 : i32
    %mul3A_2 = arith.muli %arg1, %mul3A_1 : i32
    %add3A_3 = arith.constant 0 : i32
    %add3A_4 = arith.addi %mul3A_2, %add3A_3 : i32
    %run_scoped3A_5 = arith.constant 0 : i32
    "tpu.region"() ({
      %run_scoped3A_91 = tpu.sem_alloc : memref<!tpu.dma_semaphore, #tpu.memory_space<semaphore_mem>>
      %dma_start3A_92 = arith.constant 0 : i32
      %dma_start3A_93 = arith.constant 0 : i32
      %dma_start3A_94 = tpu.memref_slice %arg9[%run_scoped3A_5, %dma_start3A_92, %dma_start3A_93] : memref<2x80x128xf32, #tpu.memory_space<vmem>> -> memref<1x80x128xf32, #tpu.memory_space<vmem>>
      %dma_start3A_95 = tpu.memref_squeeze %dma_start3A_94 : memref<1x80x128xf32, #tpu.memory_space<vmem>> -> memref<80x128xf32, #tpu.memory_space<vmem>>
      %dma_start3A_96 = arith.constant 0 : i32
      %dma_start3A_97 = tpu.memref_slice %arg10[%add3A_4, %dma_start3A_96] : memref<5200x128xf32, #tpu.memory_space<vmem_shared>> -> memref<80x128xf32, #tpu.memory_space<vmem_shared>>
      %dma_start3A_98 = arith.constant 0 : i32
      %dma_start3A_99 = tpu.memref_slice %arg10[%add3A_4, %dma_start3A_98] : memref<5200x128xf32, #tpu.memory_space<vmem_shared>> -> memref<80x128xf32, #tpu.memory_space<vmem_shared>>
      %dma_start3A_100 = arith.constant 0 : i32
      %dma_start3A_101 = arith.constant 0 : i32
      %dma_start3A_102 = tpu.memref_slice %arg9[%run_scoped3A_5, %dma_start3A_100, %dma_start3A_101] : memref<2x80x128xf32, #tpu.memory_space<vmem>> -> memref<1x80x128xf32, #tpu.memory_space<vmem>>
      %dma_start3A_103 = tpu.memref_squeeze %dma_start3A_102 : memref<1x80x128xf32, #tpu.memory_space<vmem>> -> memref<80x128xf32, #tpu.memory_space<vmem>>
      tpu.enqueue_dma source(%dma_start3A_103 : memref<80x128xf32, #tpu.memory_space<vmem>>) target(%dma_start3A_99 : memref<80x128xf32, #tpu.memory_space<vmem_shared>>) target_semaphore(%run_scoped3A_91 : memref<!tpu.dma_semaphore, #tpu.memory_space<semaphore_mem>>)
      %dma_wait3A_104 = arith.constant 0 : i32
      %dma_wait3A_105 = arith.constant 0 : i32
      %dma_wait3A_106 = tpu.memref_slice %arg9[%run_scoped3A_5, %dma_wait3A_104, %dma_wait3A_105] : memref<2x80x128xf32, #tpu.memory_space<vmem>> -> memref<1x80x128xf32, #tpu.memory_space<vmem>>
      %dma_wait3A_107 = tpu.memref_squeeze %dma_wait3A_106 : memref<1x80x128xf32, #tpu.memory_space<vmem>> -> memref<80x128xf32, #tpu.memory_space<vmem>>
      %dma_wait3A_108 = arith.constant 0 : i32
      %dma_wait3A_109 = tpu.memref_slice %arg10[%add3A_4, %dma_wait3A_108] : memref<5200x128xf32, #tpu.memory_space<vmem_shared>> -> memref<80x128xf32, #tpu.memory_space<vmem_shared>>
      %dma_wait3A_110 = arith.constant 0 : i32
      %dma_wait3A_111 = tpu.memref_slice %arg10[%add3A_4, %dma_wait3A_110] : memref<5200x128xf32, #tpu.memory_space<vmem_shared>> -> memref<80x128xf32, #tpu.memory_space<vmem_shared>>
      %dma_wait3A_112 = arith.constant 0 : i32
      %dma_wait3A_113 = arith.constant 0 : i32
      %dma_wait3A_114 = tpu.memref_slice %arg9[%run_scoped3A_5, %dma_wait3A_112, %dma_wait3A_113] : memref<2x80x128xf32, #tpu.memory_space<vmem>> -> memref<1x80x128xf32, #tpu.memory_space<vmem>>
      %dma_wait3A_115 = tpu.memref_squeeze %dma_wait3A_114 : memref<1x80x128xf32, #tpu.memory_space<vmem>> -> memref<80x128xf32, #tpu.memory_space<vmem>>
      tpu.wait_dma2 semaphore(%run_scoped3A_91 : memref<!tpu.dma_semaphore, #tpu.memory_space<semaphore_mem>>) src(%dma_wait3A_115 : memref<80x128xf32, #tpu.memory_space<vmem>>) dst(%dma_wait3A_111 : memref<80x128xf32, #tpu.memory_space<vmem_shared>>)
      tpu.yield
    }) : () -> ()
    %add3A_6 = arith.constant 80 : i32
    %add3A_7 = arith.addi %mul3A_2, %add3A_6 : i32
    %run_scoped3A_8 = arith.constant 0 : i32
    "tpu.region"() ({
      %run_scoped3A_91 = tpu.sem_alloc : memref<!tpu.dma_semaphore, #tpu.memory_space<semaphore_mem>>
      %dma_start3A_92 = arith.constant 0 : i32
      %dma_start3A_93 = arith.constant 0 : i32
      %dma_start3A_94 = tpu.memref_slice %arg9[%run_scoped3A_8, %dma_start3A_92, %dma_start3A_93] : memref<2x80x128xf32, #tpu.memory_space<vmem>> -> memref<1x80x128xf32, #tpu.memory_space<vmem>>
      %dma_start3A_95 = tpu.memref_squeeze %dma_start3A_94 : memref<1x80x128xf32, #tpu.memory_space<vmem>> -> memref<80x128xf32, #tpu.memory_space<vmem>>
      %dma_start3A_96 = arith.constant 0 : i32
      %dma_start3A_97 = tpu.memref_slice %arg10[%add3A_7, %dma_start3A_96] : memref<5200x128xf32, #tpu.memory_space<vmem_shared>> -> memref<80x128xf32, #tpu.memory_space<vmem_shared>>
      %dma_start3A_98 = arith.constant 0 : i32
      %dma_start3A_99 = tpu.memref_slice %arg10[%add3A_7, %dma_start3A_98] : memref<5200x128xf32, #tpu.memory_space<vmem_shared>> -> memref<80x128xf32, #tpu.memory_space<vmem_shared>>
      %dma_start3A_100 = arith.constant 0 : i32
      %dma_start3A_101 = arith.constant 0 : i32
      %dma_start3A_102 = tpu.memref_slice %arg9[%run_scoped3A_8, %dma_start3A_100, %dma_start3A_101] : memref<2x80x128xf32, #tpu.memory_space<vmem>> -> memref<1x80x128xf32, #tpu.memory_space<vmem>>
      %dma_start3A_103 = tpu.memref_squeeze %dma_start3A_102 : memref<1x80x128xf32, #tpu.memory_space<vmem>> -> memref<80x128xf32, #tpu.memory_space<vmem>>
      tpu.enqueue_dma source(%dma_start3A_103 : memref<80x128xf32, #tpu.memory_space<vmem>>) target(%dma_start3A_99 : memref<80x128xf32, #tpu.memory_space<vmem_shared>>) target_semaphore(%run_scoped3A_91 : memref<!tpu.dma_semaphore, #tpu.memory_space<semaphore_mem>>)
      %dma_wait3A_104 = arith.constant 0 : i32
      %dma_wait3A_105 = arith.constant 0 : i32
      %dma_wait3A_106 = tpu.memref_slice %arg9[%run_scoped3A_8, %dma_wait3A_104, %dma_wait3A_105] : memref<2x80x128xf32, #tpu.memory_space<vmem>> -> memref<1x80x128xf32, #tpu.memory_space<vmem>>
      %dma_wait3A_107 = tpu.memref_squeeze %dma_wait3A_106 : memref<1x80x128xf32, #tpu.memory_space<vmem>> -> memref<80x128xf32, #tpu.memory_space<vmem>>
      %dma_wait3A_108 = arith.constant 0 : i32
      %dma_wait3A_109 = tpu.memref_slice %arg10[%add3A_7, %dma_wait3A_108] : memref<5200x128xf32, #tpu.memory_space<vmem_shared>> -> memref<80x128xf32, #tpu.memory_space<vmem_shared>>
      %dma_wait3A_110 = arith.constant 0 : i32
      %dma_wait3A_111 = tpu.memref_slice %arg10[%add3A_7, %dma_wait3A_110] : memref<5200x128xf32, #tpu.memory_space<vmem_shared>> -> memref<80x128xf32, #tpu.memory_space<vmem_shared>>
      %dma_wait3A_112 = arith.constant 0 : i32
      %dma_wait3A_113 = arith.constant 0 : i32
      %dma_wait3A_114 = tpu.memref_slice %arg9[%run_scoped3A_8, %dma_wait3A_112, %dma_wait3A_113] : memref<2x80x128xf32, #tpu.memory_space<vmem>> -> memref<1x80x128xf32, #tpu.memory_space<vmem>>
      %dma_wait3A_115 = tpu.memref_squeeze %dma_wait3A_114 : memref<1x80x128xf32, #tpu.memory_space<vmem>> -> memref<80x128xf32, #tpu.memory_space<vmem>>
      tpu.wait_dma2 semaphore(%run_scoped3A_91 : memref<!tpu.dma_semaphore, #tpu.memory_space<semaphore_mem>>) src(%dma_wait3A_115 : memref<80x128xf32, #tpu.memory_space<vmem>>) dst(%dma_wait3A_111 : memref<80x128xf32, #tpu.memory_space<vmem_shared>>)
      tpu.yield
    }) : () -> ()
    %add3A_9 = arith.constant 160 : i32
    %add3A_10 = arith.addi %mul3A_2, %add3A_9 : i32
    %run_scoped3A_11 = arith.constant 0 : i32
    "tpu.region"() ({
      %run_scoped3A_91 = tpu.sem_alloc : memref<!tpu.dma_semaphore, #tpu.memory_space<semaphore_mem>>
      %dma_start3A_92 = arith.constant 0 : i32
      %dma_start3A_93 = arith.constant 0 : i32
      %dma_start3A_94 = tpu.memref_slice %arg9[%run_scoped3A_11, %dma_start3A_92, %dma_start3A_93] : memref<2x80x128xf32, #tpu.memory_space<vmem>> -> memref<1x80x128xf32, #tpu.memory_space<vmem>>
      %dma_start3A_95 = tpu.memref_squeeze %dma_start3A_94 : memref<1x80x128xf32, #tpu.memory_space<vmem>> -> memref<80x128xf32, #tpu.memory_space<vmem>>
      %dma_start3A_96 = arith.constant 0 : i32
      %dma_start3A_97 = tpu.memref_slice %arg10[%add3A_10, %dma_start3A_96] : memref<5200x128xf32, #tpu.memory_space<vmem_shared>> -> memref<80x128xf32, #tpu.memory_space<vmem_shared>>
      %dma_start3A_98 = arith.constant 0 : i32
      %dma_start3A_99 = tpu.memref_slice %arg10[%add3A_10, %dma_start3A_98] : memref<5200x128xf32, #tpu.memory_space<vmem_shared>> -> memref<80x128xf32, #tpu.memory_space<vmem_shared>>
      %dma_start3A_100 = arith.constant 0 : i32
      %dma_start3A_101 = arith.constant 0 : i32
      %dma_start3A_102 = tpu.memref_slice %arg9[%run_scoped3A_11, %dma_start3A_100, %dma_start3A_101] : memref<2x80x128xf32, #tpu.memory_space<vmem>> -> memref<1x80x128xf32, #tpu.memory_space<vmem>>
      %dma_start3A_103 = tpu.memref_squeeze %dma_start3A_102 : memref<1x80x128xf32, #tpu.memory_space<vmem>> -> memref<80x128xf32, #tpu.memory_space<vmem>>
      tpu.enqueue_dma source(%dma_start3A_103 : memref<80x128xf32, #tpu.memory_space<vmem>>) target(%dma_start3A_99 : memref<80x128xf32, #tpu.memory_space<vmem_shared>>) target_semaphore(%run_scoped3A_91 : memref<!tpu.dma_semaphore, #tpu.memory_space<semaphore_mem>>)
      %dma_wait3A_104 = arith.constant 0 : i32
      %dma_wait3A_105 = arith.constant 0 : i32
      %dma_wait3A_106 = tpu.memref_slice %arg9[%run_scoped3A_11, %dma_wait3A_104, %dma_wait3A_105] : memref<2x80x128xf32, #tpu.memory_space<vmem>> -> memref<1x80x128xf32, #tpu.memory_space<vmem>>
      %dma_wait3A_107 = tpu.memref_squeeze %dma_wait3A_106 : memref<1x80x128xf32, #tpu.memory_space<vmem>> -> memref<80x128xf32, #tpu.memory_space<vmem>>
      %dma_wait3A_108 = arith.constant 0 : i32
      %dma_wait3A_109 = tpu.memref_slice %arg10[%add3A_10, %dma_wait3A_108] : memref<5200x128xf32, #tpu.memory_space<vmem_shared>> -> memref<80x128xf32, #tpu.memory_space<vmem_shared>>
      %dma_wait3A_110 = arith.constant 0 : i32
      %dma_wait3A_111 = tpu.memref_slice %arg10[%add3A_10, %dma_wait3A_110] : memref<5200x128xf32, #tpu.memory_space<vmem_shared>> -> memref<80x128xf32, #tpu.memory_space<vmem_shared>>
      %dma_wait3A_112 = arith.constant 0 : i32
      %dma_wait3A_113 = arith.constant 0 : i32
      %dma_wait3A_114 = tpu.memref_slice %arg9[%run_scoped3A_11, %dma_wait3A_112, %dma_wait3A_113] : memref<2x80x128xf32, #tpu.memory_space<vmem>> -> memref<1x80x128xf32, #tpu.memory_space<vmem>>
      %dma_wait3A_115 = tpu.memref_squeeze %dma_wait3A_114 : memref<1x80x128xf32, #tpu.memory_space<vmem>> -> memref<80x128xf32, #tpu.memory_space<vmem>>
      tpu.wait_dma2 semaphore(%run_scoped3A_91 : memref<!tpu.dma_semaphore, #tpu.memory_space<semaphore_mem>>) src(%dma_wait3A_115 : memref<80x128xf32, #tpu.memory_space<vmem>>) dst(%dma_wait3A_111 : memref<80x128xf32, #tpu.memory_space<vmem_shared>>)
      tpu.yield
    }) : () -> ()
    %add3A_12 = arith.constant 240 : i32
    %add3A_13 = arith.addi %mul3A_2, %add3A_12 : i32
    %run_scoped3A_14 = arith.constant 0 : i32
    "tpu.region"() ({
      %run_scoped3A_91 = tpu.sem_alloc : memref<!tpu.dma_semaphore, #tpu.memory_space<semaphore_mem>>
      %dma_start3A_92 = arith.constant 0 : i32
      %dma_start3A_93 = arith.constant 0 : i32
      %dma_start3A_94 = tpu.memref_slice %arg9[%run_scoped3A_14, %dma_start3A_92, %dma_start3A_93] : memref<2x80x128xf32, #tpu.memory_space<vmem>> -> memref<1x80x128xf32, #tpu.memory_space<vmem>>
      %dma_start3A_95 = tpu.memref_squeeze %dma_start3A_94 : memref<1x80x128xf32, #tpu.memory_space<vmem>> -> memref<80x128xf32, #tpu.memory_space<vmem>>
      %dma_start3A_96 = arith.constant 0 : i32
      %dma_start3A_97 = tpu.memref_slice %arg10[%add3A_13, %dma_start3A_96] : memref<5200x128xf32, #tpu.memory_space<vmem_shared>> -> memref<80x128xf32, #tpu.memory_space<vmem_shared>>
      %dma_start3A_98 = arith.constant 0 : i32
      %dma_start3A_99 = tpu.memref_slice %arg10[%add3A_13, %dma_start3A_98] : memref<5200x128xf32, #tpu.memory_space<vmem_shared>> -> memref<80x128xf32, #tpu.memory_space<vmem_shared>>
      %dma_start3A_100 = arith.constant 0 : i32
      %dma_start3A_101 = arith.constant 0 : i32
      %dma_start3A_102 = tpu.memref_slice %arg9[%run_scoped3A_14, %dma_start3A_100, %dma_start3A_101] : memref<2x80x128xf32, #tpu.memory_space<vmem>> -> memref<1x80x128xf32, #tpu.memory_space<vmem>>
      %dma_start3A_103 = tpu.memref_squeeze %dma_start3A_102 : memref<1x80x128xf32, #tpu.memory_space<vmem>> -> memref<80x128xf32, #tpu.memory_space<vmem>>
      tpu.enqueue_dma source(%dma_start3A_103 : memref<80x128xf32, #tpu.memory_space<vmem>>) target(%dma_start3A_99 : memref<80x128xf32, #tpu.memory_space<vmem_shared>>) target_semaphore(%run_scoped3A_91 : memref<!tpu.dma_semaphore, #tpu.memory_space<semaphore_mem>>)
      %dma_wait3A_104 = arith.constant 0 : i32
      %dma_wait3A_105 = arith.constant 0 : i32
      %dma_wait3A_106 = tpu.memref_slice %arg9[%run_scoped3A_14, %dma_wait3A_104, %dma_wait3A_105] : memref<2x80x128xf32, #tpu.memory_space<vmem>> -> memref<1x80x128xf32, #tpu.memory_space<vmem>>
      %dma_wait3A_107 = tpu.memref_squeeze %dma_wait3A_106 : memref<1x80x128xf32, #tpu.memory_space<vmem>> -> memref<80x128xf32, #tpu.memory_space<vmem>>
      %dma_wait3A_108 = arith.constant 0 : i32
      %dma_wait3A_109 = tpu.memref_slice %arg10[%add3A_13, %dma_wait3A_108] : memref<5200x128xf32, #tpu.memory_space<vmem_shared>> -> memref<80x128xf32, #tpu.memory_space<vmem_shared>>
      %dma_wait3A_110 = arith.constant 0 : i32
      %dma_wait3A_111 = tpu.memref_slice %arg10[%add3A_13, %dma_wait3A_110] : memref<5200x128xf32, #tpu.memory_space<vmem_shared>> -> memref<80x128xf32, #tpu.memory_space<vmem_shared>>
      %dma_wait3A_112 = arith.constant 0 : i32
      %dma_wait3A_113 = arith.constant 0 : i32
      %dma_wait3A_114 = tpu.memref_slice %arg9[%run_scoped3A_14, %dma_wait3A_112, %dma_wait3A_113] : memref<2x80x128xf32, #tpu.memory_space<vmem>> -> memref<1x80x128xf32, #tpu.memory_space<vmem>>
      %dma_wait3A_115 = tpu.memref_squeeze %dma_wait3A_114 : memref<1x80x128xf32, #tpu.memory_space<vmem>> -> memref<80x128xf32, #tpu.memory_space<vmem>>
      tpu.wait_dma2 semaphore(%run_scoped3A_91 : memref<!tpu.dma_semaphore, #tpu.memory_space<semaphore_mem>>) src(%dma_wait3A_115 : memref<80x128xf32, #tpu.memory_space<vmem>>) dst(%dma_wait3A_111 : memref<80x128xf32, #tpu.memory_space<vmem_shared>>)
      tpu.yield
    }) : () -> ()
    %barrier3A = arith.constant 0 : index
    tpu.barrier barrier_id(%barrier3A)
    %dma_start3A = arith.constant 0 : i32
    %dma_start3A_15 = arith.constant 0 : i32
    %dma_start3A_16 = arith.constant 0 : i32
    %dma_start3A_17 = arith.constant 0 : i32
    %dma_start3A_18 = tpu.memref_slice %arg9[%dma_start3A_15, %dma_start3A_16, %dma_start3A_17] : memref<2x80x128xf32, #tpu.memory_space<vmem>> -> memref<1x80x128xf32, #tpu.memory_space<vmem>>
    %dma_start3A_19 = tpu.memref_squeeze %dma_start3A_18 : memref<1x80x128xf32, #tpu.memory_space<vmem>> -> memref<80x128xf32, #tpu.memory_space<vmem>>
    %dma_start3A_20 = arith.constant 0 : i32
    %dma_start3A_21 = tpu.memref_slice %arg7[%dma_start3A, %dma_start3A_20] : memref<250x80xi32, #tpu.memory_space<vmem>> -> memref<1x80xi32, #tpu.memory_space<vmem>>
    %dma_start3A_22 = tpu.memref_squeeze %dma_start3A_21 : memref<1x80xi32, #tpu.memory_space<vmem>> -> memref<80xi32, #tpu.memory_space<vmem>>
    %dma_start3A_23 = arith.constant 0 : i32
    %dma_start3A_24 = arith.constant 0 : i32
    %dma_start3A_25 = tpu.memref_slice %arg4[%dma_start3A_23, %dma_start3A_24] : memref<10000x128xf32, #tpu.memory_space<hbm>> -> memref<10000x128xf32, #tpu.memory_space<hbm>>
    tpu.enqueue_indirect_dma source(%dma_start3A_25 : memref<10000x128xf32, #tpu.memory_space<hbm>>) target(%dma_start3A_19 : memref<80x128xf32, #tpu.memory_space<vmem>>) offsets(%dma_start3A_22 : memref<80xi32, #tpu.memory_space<vmem>>) semaphore(%arg11 : memref<!tpu.dma_semaphore, #tpu.memory_space<semaphore_mem>>)
    %dma_start3A_26 = arith.constant 1 : i32
    %dma_start3A_27 = arith.constant 1 : i32
    %dma_start3A_28 = arith.constant 0 : i32
    %dma_start3A_29 = arith.constant 0 : i32
    %dma_start3A_30 = tpu.memref_slice %arg9[%dma_start3A_27, %dma_start3A_28, %dma_start3A_29] : memref<2x80x128xf32, #tpu.memory_space<vmem>> -> memref<1x80x128xf32, #tpu.memory_space<vmem>>
    %dma_start3A_31 = tpu.memref_squeeze %dma_start3A_30 : memref<1x80x128xf32, #tpu.memory_space<vmem>> -> memref<80x128xf32, #tpu.memory_space<vmem>>
    %dma_start3A_32 = arith.constant 0 : i32
    %dma_start3A_33 = tpu.memref_slice %arg7[%dma_start3A_26, %dma_start3A_32] : memref<250x80xi32, #tpu.memory_space<vmem>> -> memref<1x80xi32, #tpu.memory_space<vmem>>
    %dma_start3A_34 = tpu.memref_squeeze %dma_start3A_33 : memref<1x80xi32, #tpu.memory_space<vmem>> -> memref<80xi32, #tpu.memory_space<vmem>>
    %dma_start3A_35 = arith.constant 0 : i32
    %dma_start3A_36 = arith.constant 0 : i32
    %dma_start3A_37 = tpu.memref_slice %arg4[%dma_start3A_35, %dma_start3A_36] : memref<10000x128xf32, #tpu.memory_space<hbm>> -> memref<10000x128xf32, #tpu.memory_space<hbm>>
    tpu.enqueue_indirect_dma source(%dma_start3A_37 : memref<10000x128xf32, #tpu.memory_space<hbm>>) target(%dma_start3A_31 : memref<80x128xf32, #tpu.memory_space<vmem>>) offsets(%dma_start3A_34 : memref<80xi32, #tpu.memory_space<vmem>>) semaphore(%arg12 : memref<!tpu.dma_semaphore, #tpu.memory_space<semaphore_mem>>)
    %scan3A = arith.constant 0 : i32
    %scan3A_38 = arith.constant 0 : i32
    %scan3A_39 = arith.constant 125 : i32
    %scan3A_40 = arith.addi %scan3A_38, %scan3A_39 : i32
    %scan3A_41 = arith.constant 1 : i32
    scf.for %scan3A_91 = %scan3A_38 to %scan3A_40 step %scan3A_41  : i32 {
      %mul3A_92 = arith.constant 2 : i32
      %mul3A_93 = arith.muli %scan3A_91, %mul3A_92 : i32
      %add3A_94 = arith.constant 0 : i32
      %add3A_95 = arith.addi %mul3A_93, %add3A_94 : i32
      %dma_wait3A_96 = arith.constant 0 : i32
      %dma_wait3A_97 = arith.constant 0 : i32
      %dma_wait3A_98 = arith.constant 0 : i32
      %dma_wait3A_99 = tpu.memref_slice %arg9[%dma_wait3A_96, %dma_wait3A_97, %dma_wait3A_98] : memref<2x80x128xf32, #tpu.memory_space<vmem>> -> memref<1x80x128xf32, #tpu.memory_space<vmem>>
      %dma_wait3A_100 = tpu.memref_squeeze %dma_wait3A_99 : memref<1x80x128xf32, #tpu.memory_space<vmem>> -> memref<80x128xf32, #tpu.memory_space<vmem>>
      %dma_wait3A_101 = arith.constant 0 : i32
      %dma_wait3A_102 = tpu.memref_slice %arg7[%add3A_95, %dma_wait3A_101] : memref<250x80xi32, #tpu.memory_space<vmem>> -> memref<1x80xi32, #tpu.memory_space<vmem>>
      %dma_wait3A_103 = tpu.memref_squeeze %dma_wait3A_102 : memref<1x80xi32, #tpu.memory_space<vmem>> -> memref<80xi32, #tpu.memory_space<vmem>>
      %dma_wait3A_104 = arith.constant 0 : i32
      %dma_wait3A_105 = arith.constant 0 : i32
      %dma_wait3A_106 = tpu.memref_slice %arg4[%dma_wait3A_104, %dma_wait3A_105] : memref<10000x128xf32, #tpu.memory_space<hbm>> -> memref<10000x128xf32, #tpu.memory_space<hbm>>
      tpu.wait_indirect_dma semaphore(%arg11 : memref<!tpu.dma_semaphore, #tpu.memory_space<semaphore_mem>>) src(%dma_wait3A_106 : memref<10000x128xf32, #tpu.memory_space<hbm>>) dst(%dma_wait3A_100 : memref<80x128xf32, #tpu.memory_space<vmem>>)
      %run_scoped3A_107 = arith.constant 0 : i32
      "tpu.region"() ({
        %run_scoped3A_153 = tpu.sem_alloc : memref<!tpu.dma_semaphore, #tpu.memory_space<semaphore_mem>>
        %dma_start3A_154 = arith.constant 0 : i32
        %dma_start3A_155 = arith.constant 0 : i32
        %dma_start3A_156 = tpu.memref_slice %arg9[%run_scoped3A_107, %dma_start3A_154, %dma_start3A_155] : memref<2x80x128xf32, #tpu.memory_space<vmem>> -> memref<1x80x128xf32, #tpu.memory_space<vmem>>
        %dma_start3A_157 = tpu.memref_squeeze %dma_start3A_156 : memref<1x80x128xf32, #tpu.memory_space<vmem>> -> memref<80x128xf32, #tpu.memory_space<vmem>>
        %dma_start3A_158 = arith.constant 0 : i32
        %dma_start3A_159 = tpu.memref_slice %arg8[%add3A_95, %dma_start3A_158] : memref<250x80xi32, #tpu.memory_space<vmem>> -> memref<1x80xi32, #tpu.memory_space<vmem>>
        %dma_start3A_160 = tpu.memref_squeeze %dma_start3A_159 : memref<1x80xi32, #tpu.memory_space<vmem>> -> memref<80xi32, #tpu.memory_space<vmem>>
        %dma_start3A_161 = arith.constant 0 : i32
        %dma_start3A_162 = arith.constant 0 : i32
        %dma_start3A_163 = tpu.memref_slice %arg10[%dma_start3A_161, %dma_start3A_162] : memref<5200x128xf32, #tpu.memory_space<vmem_shared>> -> memref<5200x128xf32, #tpu.memory_space<vmem_shared>>
        tpu.enqueue_indirect_dma source(%dma_start3A_157 : memref<80x128xf32, #tpu.memory_space<vmem>>) target(%dma_start3A_163 : memref<5200x128xf32, #tpu.memory_space<vmem_shared>>) offsets(%dma_start3A_160 : memref<80xi32, #tpu.memory_space<vmem>>) semaphore(%run_scoped3A_153 : memref<!tpu.dma_semaphore, #tpu.memory_space<semaphore_mem>>) {add = true}
        %dma_wait3A_164 = arith.constant 0 : i32
        %dma_wait3A_165 = arith.constant 0 : i32
        %dma_wait3A_166 = tpu.memref_slice %arg9[%run_scoped3A_107, %dma_wait3A_164, %dma_wait3A_165] : memref<2x80x128xf32, #tpu.memory_space<vmem>> -> memref<1x80x128xf32, #tpu.memory_space<vmem>>
        %dma_wait3A_167 = tpu.memref_squeeze %dma_wait3A_166 : memref<1x80x128xf32, #tpu.memory_space<vmem>> -> memref<80x128xf32, #tpu.memory_space<vmem>>
        %dma_wait3A_168 = arith.constant 0 : i32
        %dma_wait3A_169 = tpu.memref_slice %arg8[%add3A_95, %dma_wait3A_168] : memref<250x80xi32, #tpu.memory_space<vmem>> -> memref<1x80xi32, #tpu.memory_space<vmem>>
        %dma_wait3A_170 = tpu.memref_squeeze %dma_wait3A_169 : memref<1x80xi32, #tpu.memory_space<vmem>> -> memref<80xi32, #tpu.memory_space<vmem>>
        %dma_wait3A_171 = arith.constant 0 : i32
        %dma_wait3A_172 = arith.constant 0 : i32
        %dma_wait3A_173 = tpu.memref_slice %arg10[%dma_wait3A_171, %dma_wait3A_172] : memref<5200x128xf32, #tpu.memory_space<vmem_shared>> -> memref<5200x128xf32, #tpu.memory_space<vmem_shared>>
        tpu.wait_indirect_dma semaphore(%run_scoped3A_153 : memref<!tpu.dma_semaphore, #tpu.memory_space<semaphore_mem>>) src(%dma_wait3A_167 : memref<80x128xf32, #tpu.memory_space<vmem>>) dst(%dma_wait3A_173 : memref<5200x128xf32, #tpu.memory_space<vmem_shared>>)
        tpu.yield
      }) : () -> ()
      %add3A_108 = arith.constant 2 : i32
      %add3A_109 = arith.addi %add3A_95, %add3A_108 : i32
      %min3A = arith.constant 249 : i32
      %min3A_110 = arith.minsi %add3A_109, %min3A : i32
      %dma_start3A_111 = arith.constant 0 : i32
      %dma_start3A_112 = arith.constant 0 : i32
      %dma_start3A_113 = arith.constant 0 : i32
      %dma_start3A_114 = tpu.memref_slice %arg9[%dma_start3A_111, %dma_start3A_112, %dma_start3A_113] : memref<2x80x128xf32, #tpu.memory_space<vmem>> -> memref<1x80x128xf32, #tpu.memory_space<vmem>>
      %dma_start3A_115 = tpu.memref_squeeze %dma_start3A_114 : memref<1x80x128xf32, #tpu.memory_space<vmem>> -> memref<80x128xf32, #tpu.memory_space<vmem>>
      %dma_start3A_116 = arith.constant 0 : i32
      %dma_start3A_117 = tpu.memref_slice %arg7[%min3A_110, %dma_start3A_116] : memref<250x80xi32, #tpu.memory_space<vmem>> -> memref<1x80xi32, #tpu.memory_space<vmem>>
      %dma_start3A_118 = tpu.memref_squeeze %dma_start3A_117 : memref<1x80xi32, #tpu.memory_space<vmem>> -> memref<80xi32, #tpu.memory_space<vmem>>
      %dma_start3A_119 = arith.constant 0 : i32
      %dma_start3A_120 = arith.constant 0 : i32
      %dma_start3A_121 = tpu.memref_slice %arg4[%dma_start3A_119, %dma_start3A_120] : memref<10000x128xf32, #tpu.memory_space<hbm>> -> memref<10000x128xf32, #tpu.memory_space<hbm>>
      tpu.enqueue_indirect_dma source(%dma_start3A_121 : memref<10000x128xf32, #tpu.memory_space<hbm>>) target(%dma_start3A_115 : memref<80x128xf32, #tpu.memory_space<vmem>>) offsets(%dma_start3A_118 : memref<80xi32, #tpu.memory_space<vmem>>) semaphore(%arg11 : memref<!tpu.dma_semaphore, #tpu.memory_space<semaphore_mem>>)
      %mul3A_122 = arith.constant 2 : i32
      %mul3A_123 = arith.muli %scan3A_91, %mul3A_122 : i32
      %add3A_124 = arith.constant 1 : i32
      %add3A_125 = arith.addi %mul3A_123, %add3A_124 : i32
      %dma_wait3A_126 = arith.constant 1 : i32
      %dma_wait3A_127 = arith.constant 0 : i32
      %dma_wait3A_128 = arith.constant 0 : i32
      %dma_wait3A_129 = tpu.memref_slice %arg9[%dma_wait3A_126, %dma_wait3A_127, %dma_wait3A_128] : memref<2x80x128xf32, #tpu.memory_space<vmem>> -> memref<1x80x128xf32, #tpu.memory_space<vmem>>
      %dma_wait3A_130 = tpu.memref_squeeze %dma_wait3A_129 : memref<1x80x128xf32, #tpu.memory_space<vmem>> -> memref<80x128xf32, #tpu.memory_space<vmem>>
      %dma_wait3A_131 = arith.constant 0 : i32
      %dma_wait3A_132 = tpu.memref_slice %arg7[%add3A_125, %dma_wait3A_131] : memref<250x80xi32, #tpu.memory_space<vmem>> -> memref<1x80xi32, #tpu.memory_space<vmem>>
      %dma_wait3A_133 = tpu.memref_squeeze %dma_wait3A_132 : memref<1x80xi32, #tpu.memory_space<vmem>> -> memref<80xi32, #tpu.memory_space<vmem>>
      %dma_wait3A_134 = arith.constant 0 : i32
      %dma_wait3A_135 = arith.constant 0 : i32
      %dma_wait3A_136 = tpu.memref_slice %arg4[%dma_wait3A_134, %dma_wait3A_135] : memref<10000x128xf32, #tpu.memory_space<hbm>> -> memref<10000x128xf32, #tpu.memory_space<hbm>>
      tpu.wait_indirect_dma semaphore(%arg12 : memref<!tpu.dma_semaphore, #tpu.memory_space<semaphore_mem>>) src(%dma_wait3A_136 : memref<10000x128xf32, #tpu.memory_space<hbm>>) dst(%dma_wait3A_130 : memref<80x128xf32, #tpu.memory_space<vmem>>)
      %run_scoped3A_137 = arith.constant 1 : i32
      "tpu.region"() ({
        %run_scoped3A_153 = tpu.sem_alloc : memref<!tpu.dma_semaphore, #tpu.memory_space<semaphore_mem>>
        %dma_start3A_154 = arith.constant 0 : i32
        %dma_start3A_155 = arith.constant 0 : i32
        %dma_start3A_156 = tpu.memref_slice %arg9[%run_scoped3A_137, %dma_start3A_154, %dma_start3A_155] : memref<2x80x128xf32, #tpu.memory_space<vmem>> -> memref<1x80x128xf32, #tpu.memory_space<vmem>>
        %dma_start3A_157 = tpu.memref_squeeze %dma_start3A_156 : memref<1x80x128xf32, #tpu.memory_space<vmem>> -> memref<80x128xf32, #tpu.memory_space<vmem>>
        %dma_start3A_158 = arith.constant 0 : i32
        %dma_start3A_159 = tpu.memref_slice %arg8[%add3A_125, %dma_start3A_158] : memref<250x80xi32, #tpu.memory_space<vmem>> -> memref<1x80xi32, #tpu.memory_space<vmem>>
        %dma_start3A_160 = tpu.memref_squeeze %dma_start3A_159 : memref<1x80xi32, #tpu.memory_space<vmem>> -> memref<80xi32, #tpu.memory_space<vmem>>
        %dma_start3A_161 = arith.constant 0 : i32
        %dma_start3A_162 = arith.constant 0 : i32
        %dma_start3A_163 = tpu.memref_slice %arg10[%dma_start3A_161, %dma_start3A_162] : memref<5200x128xf32, #tpu.memory_space<vmem_shared>> -> memref<5200x128xf32, #tpu.memory_space<vmem_shared>>
        tpu.enqueue_indirect_dma source(%dma_start3A_157 : memref<80x128xf32, #tpu.memory_space<vmem>>) target(%dma_start3A_163 : memref<5200x128xf32, #tpu.memory_space<vmem_shared>>) offsets(%dma_start3A_160 : memref<80xi32, #tpu.memory_space<vmem>>) semaphore(%run_scoped3A_153 : memref<!tpu.dma_semaphore, #tpu.memory_space<semaphore_mem>>) {add = true}
        %dma_wait3A_164 = arith.constant 0 : i32
        %dma_wait3A_165 = arith.constant 0 : i32
        %dma_wait3A_166 = tpu.memref_slice %arg9[%run_scoped3A_137, %dma_wait3A_164, %dma_wait3A_165] : memref<2x80x128xf32, #tpu.memory_space<vmem>> -> memref<1x80x128xf32, #tpu.memory_space<vmem>>
        %dma_wait3A_167 = tpu.memref_squeeze %dma_wait3A_166 : memref<1x80x128xf32, #tpu.memory_space<vmem>> -> memref<80x128xf32, #tpu.memory_space<vmem>>
        %dma_wait3A_168 = arith.constant 0 : i32
        %dma_wait3A_169 = tpu.memref_slice %arg8[%add3A_125, %dma_wait3A_168] : memref<250x80xi32, #tpu.memory_space<vmem>> -> memref<1x80xi32, #tpu.memory_space<vmem>>
        %dma_wait3A_170 = tpu.memref_squeeze %dma_wait3A_169 : memref<1x80xi32, #tpu.memory_space<vmem>> -> memref<80xi32, #tpu.memory_space<vmem>>
        %dma_wait3A_171 = arith.constant 0 : i32
        %dma_wait3A_172 = arith.constant 0 : i32
        %dma_wait3A_173 = tpu.memref_slice %arg10[%dma_wait3A_171, %dma_wait3A_172] : memref<5200x128xf32, #tpu.memory_space<vmem_shared>> -> memref<5200x128xf32, #tpu.memory_space<vmem_shared>>
        tpu.wait_indirect_dma semaphore(%run_scoped3A_153 : memref<!tpu.dma_semaphore, #tpu.memory_space<semaphore_mem>>) src(%dma_wait3A_167 : memref<80x128xf32, #tpu.memory_space<vmem>>) dst(%dma_wait3A_173 : memref<5200x128xf32, #tpu.memory_space<vmem_shared>>)
        tpu.yield
      }) : () -> ()
      %add3A_138 = arith.constant 2 : i32
      %add3A_139 = arith.addi %add3A_125, %add3A_138 : i32
      %min3A_140 = arith.constant 249 : i32
      %min3A_141 = arith.minsi %add3A_139, %min3A_140 : i32
      %dma_start3A_142 = arith.constant 1 : i32
      %dma_start3A_143 = arith.constant 0 : i32
      %dma_start3A_144 = arith.constant 0 : i32
      %dma_start3A_145 = tpu.memref_slice %arg9[%dma_start3A_142, %dma_start3A_143, %dma_start3A_144] : memref<2x80x128xf32, #tpu.memory_space<vmem>> -> memref<1x80x128xf32, #tpu.memory_space<vmem>>
      %dma_start3A_146 = tpu.memref_squeeze %dma_start3A_145 : memref<1x80x128xf32, #tpu.memory_space<vmem>> -> memref<80x128xf32, #tpu.memory_space<vmem>>
      %dma_start3A_147 = arith.constant 0 : i32
      %dma_start3A_148 = tpu.memref_slice %arg7[%min3A_141, %dma_start3A_147] : memref<250x80xi32, #tpu.memory_space<vmem>> -> memref<1x80xi32, #tpu.memory_space<vmem>>
      %dma_start3A_149 = tpu.memref_squeeze %dma_start3A_148 : memref<1x80xi32, #tpu.memory_space<vmem>> -> memref<80xi32, #tpu.memory_space<vmem>>
      %dma_start3A_150 = arith.constant 0 : i32
      %dma_start3A_151 = arith.constant 0 : i32
      %dma_start3A_152 = tpu.memref_slice %arg4[%dma_start3A_150, %dma_start3A_151] : memref<10000x128xf32, #tpu.memory_space<hbm>> -> memref<10000x128xf32, #tpu.memory_space<hbm>>
      tpu.enqueue_indirect_dma source(%dma_start3A_152 : memref<10000x128xf32, #tpu.memory_space<hbm>>) target(%dma_start3A_146 : memref<80x128xf32, #tpu.memory_space<vmem>>) offsets(%dma_start3A_149 : memref<80xi32, #tpu.memory_space<vmem>>) semaphore(%arg12 : memref<!tpu.dma_semaphore, #tpu.memory_space<semaphore_mem>>)
    }
    %scan3A_42 = arith.constant 125 : i32
    %dma_wait3A = arith.constant 249 : i32
    %dma_wait3A_43 = arith.constant 0 : i32
    %dma_wait3A_44 = arith.constant 0 : i32
    %dma_wait3A_45 = arith.constant 0 : i32
    %dma_wait3A_46 = tpu.memref_slice %arg9[%dma_wait3A_43, %dma_wait3A_44, %dma_wait3A_45] : memref<2x80x128xf32, #tpu.memory_space<vmem>> -> memref<1x80x128xf32, #tpu.memory_space<vmem>>
    %dma_wait3A_47 = tpu.memref_squeeze %dma_wait3A_46 : memref<1x80x128xf32, #tpu.memory_space<vmem>> -> memref<80x128xf32, #tpu.memory_space<vmem>>
    %dma_wait3A_48 = arith.constant 0 : i32
    %dma_wait3A_49 = tpu.memref_slice %arg7[%dma_wait3A, %dma_wait3A_48] : memref<250x80xi32, #tpu.memory_space<vmem>> -> memref<1x80xi32, #tpu.memory_space<vmem>>
    %dma_wait3A_50 = tpu.memref_squeeze %dma_wait3A_49 : memref<1x80xi32, #tpu.memory_space<vmem>> -> memref<80xi32, #tpu.memory_space<vmem>>
    %dma_wait3A_51 = arith.constant 0 : i32
    %dma_wait3A_52 = arith.constant 0 : i32
    %dma_wait3A_53 = tpu.memref_slice %arg4[%dma_wait3A_51, %dma_wait3A_52] : memref<10000x128xf32, #tpu.memory_space<hbm>> -> memref<10000x128xf32, #tpu.memory_space<hbm>>
    tpu.wait_indirect_dma semaphore(%arg11 : memref<!tpu.dma_semaphore, #tpu.memory_space<semaphore_mem>>) src(%dma_wait3A_53 : memref<10000x128xf32, #tpu.memory_space<hbm>>) dst(%dma_wait3A_47 : memref<80x128xf32, #tpu.memory_space<vmem>>)
    %dma_wait3A_54 = arith.constant 249 : i32
    %dma_wait3A_55 = arith.constant 1 : i32
    %dma_wait3A_56 = arith.constant 0 : i32
    %dma_wait3A_57 = arith.constant 0 : i32
    %dma_wait3A_58 = tpu.memref_slice %arg9[%dma_wait3A_55, %dma_wait3A_56, %dma_wait3A_57] : memref<2x80x128xf32, #tpu.memory_space<vmem>> -> memref<1x80x128xf32, #tpu.memory_space<vmem>>
    %dma_wait3A_59 = tpu.memref_squeeze %dma_wait3A_58 : memref<1x80x128xf32, #tpu.memory_space<vmem>> -> memref<80x128xf32, #tpu.memory_space<vmem>>
    %dma_wait3A_60 = arith.constant 0 : i32
    %dma_wait3A_61 = tpu.memref_slice %arg7[%dma_wait3A_54, %dma_wait3A_60] : memref<250x80xi32, #tpu.memory_space<vmem>> -> memref<1x80xi32, #tpu.memory_space<vmem>>
    %dma_wait3A_62 = tpu.memref_squeeze %dma_wait3A_61 : memref<1x80xi32, #tpu.memory_space<vmem>> -> memref<80xi32, #tpu.memory_space<vmem>>
    %dma_wait3A_63 = arith.constant 0 : i32
    %dma_wait3A_64 = arith.constant 0 : i32
    %dma_wait3A_65 = tpu.memref_slice %arg4[%dma_wait3A_63, %dma_wait3A_64] : memref<10000x128xf32, #tpu.memory_space<hbm>> -> memref<10000x128xf32, #tpu.memory_space<hbm>>
    tpu.wait_indirect_dma semaphore(%arg12 : memref<!tpu.dma_semaphore, #tpu.memory_space<semaphore_mem>>) src(%dma_wait3A_65 : memref<10000x128xf32, #tpu.memory_space<hbm>>) dst(%dma_wait3A_59 : memref<80x128xf32, #tpu.memory_space<vmem>>)
    %barrier3A_66 = arith.constant 0 : index
    tpu.barrier barrier_id(%barrier3A_66)
    %add3A_67 = arith.constant 0 : i32
    %add3A_68 = arith.addi %mul3A_2, %add3A_67 : i32
    %run_scoped3A_69 = arith.constant 0 : i32
    "tpu.region"() ({
      %run_scoped3A_91 = tpu.sem_alloc : memref<!tpu.dma_semaphore, #tpu.memory_space<semaphore_mem>>
      %dma_start3A_92 = arith.constant 0 : i32
      %dma_start3A_93 = arith.constant 0 : i32
      %dma_start3A_94 = tpu.memref_slice %arg9[%run_scoped3A_69, %dma_start3A_92, %dma_start3A_93] : memref<2x80x128xf32, #tpu.memory_space<vmem>> -> memref<1x80x128xf32, #tpu.memory_space<vmem>>
      %dma_start3A_95 = tpu.memref_squeeze %dma_start3A_94 : memref<1x80x128xf32, #tpu.memory_space<vmem>> -> memref<80x128xf32, #tpu.memory_space<vmem>>
      %dma_start3A_96 = arith.constant 0 : i32
      %dma_start3A_97 = tpu.memref_slice %arg10[%add3A_68, %dma_start3A_96] : memref<5200x128xf32, #tpu.memory_space<vmem_shared>> -> memref<80x128xf32, #tpu.memory_space<vmem_shared>>
      %dma_start3A_98 = arith.constant 0 : i32
      %dma_start3A_99 = arith.constant 0 : i32
      %dma_start3A_100 = tpu.memref_slice %arg9[%run_scoped3A_69, %dma_start3A_98, %dma_start3A_99] : memref<2x80x128xf32, #tpu.memory_space<vmem>> -> memref<1x80x128xf32, #tpu.memory_space<vmem>>
      %dma_start3A_101 = tpu.memref_squeeze %dma_start3A_100 : memref<1x80x128xf32, #tpu.memory_space<vmem>> -> memref<80x128xf32, #tpu.memory_space<vmem>>
      %dma_start3A_102 = arith.constant 0 : i32
      %dma_start3A_103 = tpu.memref_slice %arg10[%add3A_68, %dma_start3A_102] : memref<5200x128xf32, #tpu.memory_space<vmem_shared>> -> memref<80x128xf32, #tpu.memory_space<vmem_shared>>
      tpu.enqueue_dma source(%dma_start3A_103 : memref<80x128xf32, #tpu.memory_space<vmem_shared>>) target(%dma_start3A_101 : memref<80x128xf32, #tpu.memory_space<vmem>>) target_semaphore(%run_scoped3A_91 : memref<!tpu.dma_semaphore, #tpu.memory_space<semaphore_mem>>)
      %dma_wait3A_104 = arith.constant 0 : i32
      %dma_wait3A_105 = arith.constant 0 : i32
      %dma_wait3A_106 = tpu.memref_slice %arg9[%run_scoped3A_69, %dma_wait3A_104, %dma_wait3A_105] : memref<2x80x128xf32, #tpu.memory_space<vmem>> -> memref<1x80x128xf32, #tpu.memory_space<vmem>>
      %dma_wait3A_107 = tpu.memref_squeeze %dma_wait3A_106 : memref<1x80x128xf32, #tpu.memory_space<vmem>> -> memref<80x128xf32, #tpu.memory_space<vmem>>
      %dma_wait3A_108 = arith.constant 0 : i32
      %dma_wait3A_109 = tpu.memref_slice %arg10[%add3A_68, %dma_wait3A_108] : memref<5200x128xf32, #tpu.memory_space<vmem_shared>> -> memref<80x128xf32, #tpu.memory_space<vmem_shared>>
      %dma_wait3A_110 = arith.constant 0 : i32
      %dma_wait3A_111 = arith.constant 0 : i32
      %dma_wait3A_112 = tpu.memref_slice %arg9[%run_scoped3A_69, %dma_wait3A_110, %dma_wait3A_111] : memref<2x80x128xf32, #tpu.memory_space<vmem>> -> memref<1x80x128xf32, #tpu.memory_space<vmem>>
      %dma_wait3A_113 = tpu.memref_squeeze %dma_wait3A_112 : memref<1x80x128xf32, #tpu.memory_space<vmem>> -> memref<80x128xf32, #tpu.memory_space<vmem>>
      %dma_wait3A_114 = arith.constant 0 : i32
      %dma_wait3A_115 = tpu.memref_slice %arg10[%add3A_68, %dma_wait3A_114] : memref<5200x128xf32, #tpu.memory_space<vmem_shared>> -> memref<80x128xf32, #tpu.memory_space<vmem_shared>>
      tpu.wait_dma2 semaphore(%run_scoped3A_91 : memref<!tpu.dma_semaphore, #tpu.memory_space<semaphore_mem>>) src(%dma_wait3A_115 : memref<80x128xf32, #tpu.memory_space<vmem_shared>>) dst(%dma_wait3A_113 : memref<80x128xf32, #tpu.memory_space<vmem>>)
      tpu.yield
    }) : () -> ()
    %add3A_70 = arith.constant 0 : i32
    %add3A_71 = arith.addi %mul3A_2, %add3A_70 : i32
    %run_scoped3A_72 = arith.constant 0 : i32
    "tpu.region"() ({
      %run_scoped3A_91 = tpu.sem_alloc : memref<!tpu.dma_semaphore, #tpu.memory_space<semaphore_mem>>
      %dma_start3A_92 = arith.constant 0 : i32
      %dma_start3A_93 = arith.constant 0 : i32
      %dma_start3A_94 = tpu.memref_slice %arg9[%run_scoped3A_72, %dma_start3A_92, %dma_start3A_93] : memref<2x80x128xf32, #tpu.memory_space<vmem>> -> memref<1x80x128xf32, #tpu.memory_space<vmem>>
      %dma_start3A_95 = tpu.memref_squeeze %dma_start3A_94 : memref<1x80x128xf32, #tpu.memory_space<vmem>> -> memref<80x128xf32, #tpu.memory_space<vmem>>
      %dma_start3A_96 = arith.constant 0 : i32
      %dma_start3A_97 = tpu.memref_slice %arg6[%arg0, %add3A_71, %dma_start3A_96] : memref<2x5120x128xf32, #tpu.memory_space<hbm>> -> memref<1x80x128xf32, #tpu.memory_space<hbm>>
      %dma_start3A_98 = tpu.memref_squeeze %dma_start3A_97 : memref<1x80x128xf32, #tpu.memory_space<hbm>> -> memref<80x128xf32, #tpu.memory_space<hbm>>
      %dma_start3A_99 = arith.constant 0 : i32
      %dma_start3A_100 = tpu.memref_slice %arg6[%arg0, %add3A_71, %dma_start3A_99] : memref<2x5120x128xf32, #tpu.memory_space<hbm>> -> memref<1x80x128xf32, #tpu.memory_space<hbm>>
      %dma_start3A_101 = tpu.memref_squeeze %dma_start3A_100 : memref<1x80x128xf32, #tpu.memory_space<hbm>> -> memref<80x128xf32, #tpu.memory_space<hbm>>
      %dma_start3A_102 = arith.constant 0 : i32
      %dma_start3A_103 = arith.constant 0 : i32
      %dma_start3A_104 = tpu.memref_slice %arg9[%run_scoped3A_72, %dma_start3A_102, %dma_start3A_103] : memref<2x80x128xf32, #tpu.memory_space<vmem>> -> memref<1x80x128xf32, #tpu.memory_space<vmem>>
      %dma_start3A_105 = tpu.memref_squeeze %dma_start3A_104 : memref<1x80x128xf32, #tpu.memory_space<vmem>> -> memref<80x128xf32, #tpu.memory_space<vmem>>
      tpu.enqueue_dma source(%dma_start3A_105 : memref<80x128xf32, #tpu.memory_space<vmem>>) target(%dma_start3A_101 : memref<80x128xf32, #tpu.memory_space<hbm>>) target_semaphore(%run_scoped3A_91 : memref<!tpu.dma_semaphore, #tpu.memory_space<semaphore_mem>>)
      %dma_wait3A_106 = arith.constant 0 : i32
      %dma_wait3A_107 = arith.constant 0 : i32
      %dma_wait3A_108 = tpu.memref_slice %arg9[%run_scoped3A_72, %dma_wait3A_106, %dma_wait3A_107] : memref<2x80x128xf32, #tpu.memory_space<vmem>> -> memref<1x80x128xf32, #tpu.memory_space<vmem>>
      %dma_wait3A_109 = tpu.memref_squeeze %dma_wait3A_108 : memref<1x80x128xf32, #tpu.memory_space<vmem>> -> memref<80x128xf32, #tpu.memory_space<vmem>>
      %dma_wait3A_110 = arith.constant 0 : i32
      %dma_wait3A_111 = tpu.memref_slice %arg6[%arg0, %add3A_71, %dma_wait3A_110] : memref<2x5120x128xf32, #tpu.memory_space<hbm>> -> memref<1x80x128xf32, #tpu.memory_space<hbm>>
      %dma_wait3A_112 = tpu.memref_squeeze %dma_wait3A_111 : memref<1x80x128xf32, #tpu.memory_space<hbm>> -> memref<80x128xf32, #tpu.memory_space<hbm>>
      %dma_wait3A_113 = arith.constant 0 : i32
      %dma_wait3A_114 = tpu.memref_slice %arg6[%arg0, %add3A_71, %dma_wait3A_113] : memref<2x5120x128xf32, #tpu.memory_space<hbm>> -> memref<1x80x128xf32, #tpu.memory_space<hbm>>
      %dma_wait3A_115 = tpu.memref_squeeze %dma_wait3A_114 : memref<1x80x128xf32, #tpu.memory_space<hbm>> -> memref<80x128xf32, #tpu.memory_space<hbm>>
      %dma_wait3A_116 = arith.constant 0 : i32
      %dma_wait3A_117 = arith.constant 0 : i32
      %dma_wait3A_118 = tpu.memref_slice %arg9[%run_scoped3A_72, %dma_wait3A_116, %dma_wait3A_117] : memref<2x80x128xf32, #tpu.memory_space<vmem>> -> memref<1x80x128xf32, #tpu.memory_space<vmem>>
      %dma_wait3A_119 = tpu.memref_squeeze %dma_wait3A_118 : memref<1x80x128xf32, #tpu.memory_space<vmem>> -> memref<80x128xf32, #tpu.memory_space<vmem>>
      tpu.wait_dma2 semaphore(%run_scoped3A_91 : memref<!tpu.dma_semaphore, #tpu.memory_space<semaphore_mem>>) src(%dma_wait3A_119 : memref<80x128xf32, #tpu.memory_space<vmem>>) dst(%dma_wait3A_115 : memref<80x128xf32, #tpu.memory_space<hbm>>)
      tpu.yield
    }) : () -> ()
    %add3A_73 = arith.constant 80 : i32
    %add3A_74 = arith.addi %mul3A_2, %add3A_73 : i32
    %run_scoped3A_75 = arith.constant 0 : i32
    "tpu.region"() ({
      %run_scoped3A_91 = tpu.sem_alloc : memref<!tpu.dma_semaphore, #tpu.memory_space<semaphore_mem>>
      %dma_start3A_92 = arith.constant 0 : i32
      %dma_start3A_93 = arith.constant 0 : i32
      %dma_start3A_94 = tpu.memref_slice %arg9[%run_scoped3A_75, %dma_start3A_92, %dma_start3A_93] : memref<2x80x128xf32, #tpu.memory_space<vmem>> -> memref<1x80x128xf32, #tpu.memory_space<vmem>>
      %dma_start3A_95 = tpu.memref_squeeze %dma_start3A_94 : memref<1x80x128xf32, #tpu.memory_space<vmem>> -> memref<80x128xf32, #tpu.memory_space<vmem>>
      %dma_start3A_96 = arith.constant 0 : i32
      %dma_start3A_97 = tpu.memref_slice %arg10[%add3A_74, %dma_start3A_96] : memref<5200x128xf32, #tpu.memory_space<vmem_shared>> -> memref<80x128xf32, #tpu.memory_space<vmem_shared>>
      %dma_start3A_98 = arith.constant 0 : i32
      %dma_start3A_99 = arith.constant 0 : i32
      %dma_start3A_100 = tpu.memref_slice %arg9[%run_scoped3A_75, %dma_start3A_98, %dma_start3A_99] : memref<2x80x128xf32, #tpu.memory_space<vmem>> -> memref<1x80x128xf32, #tpu.memory_space<vmem>>
      %dma_start3A_101 = tpu.memref_squeeze %dma_start3A_100 : memref<1x80x128xf32, #tpu.memory_space<vmem>> -> memref<80x128xf32, #tpu.memory_space<vmem>>
      %dma_start3A_102 = arith.constant 0 : i32
      %dma_start3A_103 = tpu.memref_slice %arg10[%add3A_74, %dma_start3A_102] : memref<5200x128xf32, #tpu.memory_space<vmem_shared>> -> memref<80x128xf32, #tpu.memory_space<vmem_shared>>
      tpu.enqueue_dma source(%dma_start3A_103 : memref<80x128xf32, #tpu.memory_space<vmem_shared>>) target(%dma_start3A_101 : memref<80x128xf32, #tpu.memory_space<vmem>>) target_semaphore(%run_scoped3A_91 : memref<!tpu.dma_semaphore, #tpu.memory_space<semaphore_mem>>)
      %dma_wait3A_104 = arith.constant 0 : i32
      %dma_wait3A_105 = arith.constant 0 : i32
      %dma_wait3A_106 = tpu.memref_slice %arg9[%run_scoped3A_75, %dma_wait3A_104, %dma_wait3A_105] : memref<2x80x128xf32, #tpu.memory_space<vmem>> -> memref<1x80x128xf32, #tpu.memory_space<vmem>>
      %dma_wait3A_107 = tpu.memref_squeeze %dma_wait3A_106 : memref<1x80x128xf32, #tpu.memory_space<vmem>> -> memref<80x128xf32, #tpu.memory_space<vmem>>
      %dma_wait3A_108 = arith.constant 0 : i32
      %dma_wait3A_109 = tpu.memref_slice %arg10[%add3A_74, %dma_wait3A_108] : memref<5200x128xf32, #tpu.memory_space<vmem_shared>> -> memref<80x128xf32, #tpu.memory_space<vmem_shared>>
      %dma_wait3A_110 = arith.constant 0 : i32
      %dma_wait3A_111 = arith.constant 0 : i32
      %dma_wait3A_112 = tpu.memref_slice %arg9[%run_scoped3A_75, %dma_wait3A_110, %dma_wait3A_111] : memref<2x80x128xf32, #tpu.memory_space<vmem>> -> memref<1x80x128xf32, #tpu.memory_space<vmem>>
      %dma_wait3A_113 = tpu.memref_squeeze %dma_wait3A_112 : memref<1x80x128xf32, #tpu.memory_space<vmem>> -> memref<80x128xf32, #tpu.memory_space<vmem>>
      %dma_wait3A_114 = arith.constant 0 : i32
      %dma_wait3A_115 = tpu.memref_slice %arg10[%add3A_74, %dma_wait3A_114] : memref<5200x128xf32, #tpu.memory_space<vmem_shared>> -> memref<80x128xf32, #tpu.memory_space<vmem_shared>>
      tpu.wait_dma2 semaphore(%run_scoped3A_91 : memref<!tpu.dma_semaphore, #tpu.memory_space<semaphore_mem>>) src(%dma_wait3A_115 : memref<80x128xf32, #tpu.memory_space<vmem_shared>>) dst(%dma_wait3A_113 : memref<80x128xf32, #tpu.memory_space<vmem>>)
      tpu.yield
    }) : () -> ()
    %add3A_76 = arith.constant 80 : i32
    %add3A_77 = arith.addi %mul3A_2, %add3A_76 : i32
    %run_scoped3A_78 = arith.constant 0 : i32
    "tpu.region"() ({
      %run_scoped3A_91 = tpu.sem_alloc : memref<!tpu.dma_semaphore, #tpu.memory_space<semaphore_mem>>
      %dma_start3A_92 = arith.constant 0 : i32
      %dma_start3A_93 = arith.constant 0 : i32
      %dma_start3A_94 = tpu.memref_slice %arg9[%run_scoped3A_78, %dma_start3A_92, %dma_start3A_93] : memref<2x80x128xf32, #tpu.memory_space<vmem>> -> memref<1x80x128xf32, #tpu.memory_space<vmem>>
      %dma_start3A_95 = tpu.memref_squeeze %dma_start3A_94 : memref<1x80x128xf32, #tpu.memory_space<vmem>> -> memref<80x128xf32, #tpu.memory_space<vmem>>
      %dma_start3A_96 = arith.constant 0 : i32
      %dma_start3A_97 = tpu.memref_slice %arg6[%arg0, %add3A_77, %dma_start3A_96] : memref<2x5120x128xf32, #tpu.memory_space<hbm>> -> memref<1x80x128xf32, #tpu.memory_space<hbm>>
      %dma_start3A_98 = tpu.memref_squeeze %dma_start3A_97 : memref<1x80x128xf32, #tpu.memory_space<hbm>> -> memref<80x128xf32, #tpu.memory_space<hbm>>
      %dma_start3A_99 = arith.constant 0 : i32
      %dma_start3A_100 = tpu.memref_slice %arg6[%arg0, %add3A_77, %dma_start3A_99] : memref<2x5120x128xf32, #tpu.memory_space<hbm>> -> memref<1x80x128xf32, #tpu.memory_space<hbm>>
      %dma_start3A_101 = tpu.memref_squeeze %dma_start3A_100 : memref<1x80x128xf32, #tpu.memory_space<hbm>> -> memref<80x128xf32, #tpu.memory_space<hbm>>
      %dma_start3A_102 = arith.constant 0 : i32
      %dma_start3A_103 = arith.constant 0 : i32
      %dma_start3A_104 = tpu.memref_slice %arg9[%run_scoped3A_78, %dma_start3A_102, %dma_start3A_103] : memref<2x80x128xf32, #tpu.memory_space<vmem>> -> memref<1x80x128xf32, #tpu.memory_space<vmem>>
      %dma_start3A_105 = tpu.memref_squeeze %dma_start3A_104 : memref<1x80x128xf32, #tpu.memory_space<vmem>> -> memref<80x128xf32, #tpu.memory_space<vmem>>
      tpu.enqueue_dma source(%dma_start3A_105 : memref<80x128xf32, #tpu.memory_space<vmem>>) target(%dma_start3A_101 : memref<80x128xf32, #tpu.memory_space<hbm>>) target_semaphore(%run_scoped3A_91 : memref<!tpu.dma_semaphore, #tpu.memory_space<semaphore_mem>>)
      %dma_wait3A_106 = arith.constant 0 : i32
      %dma_wait3A_107 = arith.constant 0 : i32
      %dma_wait3A_108 = tpu.memref_slice %arg9[%run_scoped3A_78, %dma_wait3A_106, %dma_wait3A_107] : memref<2x80x128xf32, #tpu.memory_space<vmem>> -> memref<1x80x128xf32, #tpu.memory_space<vmem>>
      %dma_wait3A_109 = tpu.memref_squeeze %dma_wait3A_108 : memref<1x80x128xf32, #tpu.memory_space<vmem>> -> memref<80x128xf32, #tpu.memory_space<vmem>>
      %dma_wait3A_110 = arith.constant 0 : i32
      %dma_wait3A_111 = tpu.memref_slice %arg6[%arg0, %add3A_77, %dma_wait3A_110] : memref<2x5120x128xf32, #tpu.memory_space<hbm>> -> memref<1x80x128xf32, #tpu.memory_space<hbm>>
      %dma_wait3A_112 = tpu.memref_squeeze %dma_wait3A_111 : memref<1x80x128xf32, #tpu.memory_space<hbm>> -> memref<80x128xf32, #tpu.memory_space<hbm>>
      %dma_wait3A_113 = arith.constant 0 : i32
      %dma_wait3A_114 = tpu.memref_slice %arg6[%arg0, %add3A_77, %dma_wait3A_113] : memref<2x5120x128xf32, #tpu.memory_space<hbm>> -> memref<1x80x128xf32, #tpu.memory_space<hbm>>
      %dma_wait3A_115 = tpu.memref_squeeze %dma_wait3A_114 : memref<1x80x128xf32, #tpu.memory_space<hbm>> -> memref<80x128xf32, #tpu.memory_space<hbm>>
      %dma_wait3A_116 = arith.constant 0 : i32
      %dma_wait3A_117 = arith.constant 0 : i32
      %dma_wait3A_118 = tpu.memref_slice %arg9[%run_scoped3A_78, %dma_wait3A_116, %dma_wait3A_117] : memref<2x80x128xf32, #tpu.memory_space<vmem>> -> memref<1x80x128xf32, #tpu.memory_space<vmem>>
      %dma_wait3A_119 = tpu.memref_squeeze %dma_wait3A_118 : memref<1x80x128xf32, #tpu.memory_space<vmem>> -> memref<80x128xf32, #tpu.memory_space<vmem>>
      tpu.wait_dma2 semaphore(%run_scoped3A_91 : memref<!tpu.dma_semaphore, #tpu.memory_space<semaphore_mem>>) src(%dma_wait3A_119 : memref<80x128xf32, #tpu.memory_space<vmem>>) dst(%dma_wait3A_115 : memref<80x128xf32, #tpu.memory_space<hbm>>)
      tpu.yield
    }) : () -> ()
    %add3A_79 = arith.constant 160 : i32
    %add3A_80 = arith.addi %mul3A_2, %add3A_79 : i32
    %run_scoped3A_81 = arith.constant 0 : i32
    "tpu.region"() ({
      %run_scoped3A_91 = tpu.sem_alloc : memref<!tpu.dma_semaphore, #tpu.memory_space<semaphore_mem>>
      %dma_start3A_92 = arith.constant 0 : i32
      %dma_start3A_93 = arith.constant 0 : i32
      %dma_start3A_94 = tpu.memref_slice %arg9[%run_scoped3A_81, %dma_start3A_92, %dma_start3A_93] : memref<2x80x128xf32, #tpu.memory_space<vmem>> -> memref<1x80x128xf32, #tpu.memory_space<vmem>>
      %dma_start3A_95 = tpu.memref_squeeze %dma_start3A_94 : memref<1x80x128xf32, #tpu.memory_space<vmem>> -> memref<80x128xf32, #tpu.memory_space<vmem>>
      %dma_start3A_96 = arith.constant 0 : i32
      %dma_start3A_97 = tpu.memref_slice %arg10[%add3A_80, %dma_start3A_96] : memref<5200x128xf32, #tpu.memory_space<vmem_shared>> -> memref<80x128xf32, #tpu.memory_space<vmem_shared>>
      %dma_start3A_98 = arith.constant 0 : i32
      %dma_start3A_99 = arith.constant 0 : i32
      %dma_start3A_100 = tpu.memref_slice %arg9[%run_scoped3A_81, %dma_start3A_98, %dma_start3A_99] : memref<2x80x128xf32, #tpu.memory_space<vmem>> -> memref<1x80x128xf32, #tpu.memory_space<vmem>>
      %dma_start3A_101 = tpu.memref_squeeze %dma_start3A_100 : memref<1x80x128xf32, #tpu.memory_space<vmem>> -> memref<80x128xf32, #tpu.memory_space<vmem>>
      %dma_start3A_102 = arith.constant 0 : i32
      %dma_start3A_103 = tpu.memref_slice %arg10[%add3A_80, %dma_start3A_102] : memref<5200x128xf32, #tpu.memory_space<vmem_shared>> -> memref<80x128xf32, #tpu.memory_space<vmem_shared>>
      tpu.enqueue_dma source(%dma_start3A_103 : memref<80x128xf32, #tpu.memory_space<vmem_shared>>) target(%dma_start3A_101 : memref<80x128xf32, #tpu.memory_space<vmem>>) target_semaphore(%run_scoped3A_91 : memref<!tpu.dma_semaphore, #tpu.memory_space<semaphore_mem>>)
      %dma_wait3A_104 = arith.constant 0 : i32
      %dma_wait3A_105 = arith.constant 0 : i32
      %dma_wait3A_106 = tpu.memref_slice %arg9[%run_scoped3A_81, %dma_wait3A_104, %dma_wait3A_105] : memref<2x80x128xf32, #tpu.memory_space<vmem>> -> memref<1x80x128xf32, #tpu.memory_space<vmem>>
      %dma_wait3A_107 = tpu.memref_squeeze %dma_wait3A_106 : memref<1x80x128xf32, #tpu.memory_space<vmem>> -> memref<80x128xf32, #tpu.memory_space<vmem>>
      %dma_wait3A_108 = arith.constant 0 : i32
      %dma_wait3A_109 = tpu.memref_slice %arg10[%add3A_80, %dma_wait3A_108] : memref<5200x128xf32, #tpu.memory_space<vmem_shared>> -> memref<80x128xf32, #tpu.memory_space<vmem_shared>>
      %dma_wait3A_110 = arith.constant 0 : i32
      %dma_wait3A_111 = arith.constant 0 : i32
      %dma_wait3A_112 = tpu.memref_slice %arg9[%run_scoped3A_81, %dma_wait3A_110, %dma_wait3A_111] : memref<2x80x128xf32, #tpu.memory_space<vmem>> -> memref<1x80x128xf32, #tpu.memory_space<vmem>>
      %dma_wait3A_113 = tpu.memref_squeeze %dma_wait3A_112 : memref<1x80x128xf32, #tpu.memory_space<vmem>> -> memref<80x128xf32, #tpu.memory_space<vmem>>
      %dma_wait3A_114 = arith.constant 0 : i32
      %dma_wait3A_115 = tpu.memref_slice %arg10[%add3A_80, %dma_wait3A_114] : memref<5200x128xf32, #tpu.memory_space<vmem_shared>> -> memref<80x128xf32, #tpu.memory_space<vmem_shared>>
      tpu.wait_dma2 semaphore(%run_scoped3A_91 : memref<!tpu.dma_semaphore, #tpu.memory_space<semaphore_mem>>) src(%dma_wait3A_115 : memref<80x128xf32, #tpu.memory_space<vmem_shared>>) dst(%dma_wait3A_113 : memref<80x128xf32, #tpu.memory_space<vmem>>)
      tpu.yield
    }) : () -> ()
    %add3A_82 = arith.constant 160 : i32
    %add3A_83 = arith.addi %mul3A_2, %add3A_82 : i32
    %run_scoped3A_84 = arith.constant 0 : i32
    "tpu.region"() ({
      %run_scoped3A_91 = tpu.sem_alloc : memref<!tpu.dma_semaphore, #tpu.memory_space<semaphore_mem>>
      %dma_start3A_92 = arith.constant 0 : i32
      %dma_start3A_93 = arith.constant 0 : i32
      %dma_start3A_94 = tpu.memref_slice %arg9[%run_scoped3A_84, %dma_start3A_92, %dma_start3A_93] : memref<2x80x128xf32, #tpu.memory_space<vmem>> -> memref<1x80x128xf32, #tpu.memory_space<vmem>>
      %dma_start3A_95 = tpu.memref_squeeze %dma_start3A_94 : memref<1x80x128xf32, #tpu.memory_space<vmem>> -> memref<80x128xf32, #tpu.memory_space<vmem>>
      %dma_start3A_96 = arith.constant 0 : i32
      %dma_start3A_97 = tpu.memref_slice %arg6[%arg0, %add3A_83, %dma_start3A_96] : memref<2x5120x128xf32, #tpu.memory_space<hbm>> -> memref<1x80x128xf32, #tpu.memory_space<hbm>>
      %dma_start3A_98 = tpu.memref_squeeze %dma_start3A_97 : memref<1x80x128xf32, #tpu.memory_space<hbm>> -> memref<80x128xf32, #tpu.memory_space<hbm>>
      %dma_start3A_99 = arith.constant 0 : i32
      %dma_start3A_100 = tpu.memref_slice %arg6[%arg0, %add3A_83, %dma_start3A_99] : memref<2x5120x128xf32, #tpu.memory_space<hbm>> -> memref<1x80x128xf32, #tpu.memory_space<hbm>>
      %dma_start3A_101 = tpu.memref_squeeze %dma_start3A_100 : memref<1x80x128xf32, #tpu.memory_space<hbm>> -> memref<80x128xf32, #tpu.memory_space<hbm>>
      %dma_start3A_102 = arith.constant 0 : i32
      %dma_start3A_103 = arith.constant 0 : i32
      %dma_start3A_104 = tpu.memref_slice %arg9[%run_scoped3A_84, %dma_start3A_102, %dma_start3A_103] : memref<2x80x128xf32, #tpu.memory_space<vmem>> -> memref<1x80x128xf32, #tpu.memory_space<vmem>>
      %dma_start3A_105 = tpu.memref_squeeze %dma_start3A_104 : memref<1x80x128xf32, #tpu.memory_space<vmem>> -> memref<80x128xf32, #tpu.memory_space<vmem>>
      tpu.enqueue_dma source(%dma_start3A_105 : memref<80x128xf32, #tpu.memory_space<vmem>>) target(%dma_start3A_101 : memref<80x128xf32, #tpu.memory_space<hbm>>) target_semaphore(%run_scoped3A_91 : memref<!tpu.dma_semaphore, #tpu.memory_space<semaphore_mem>>)
      %dma_wait3A_106 = arith.constant 0 : i32
      %dma_wait3A_107 = arith.constant 0 : i32
      %dma_wait3A_108 = tpu.memref_slice %arg9[%run_scoped3A_84, %dma_wait3A_106, %dma_wait3A_107] : memref<2x80x128xf32, #tpu.memory_space<vmem>> -> memref<1x80x128xf32, #tpu.memory_space<vmem>>
      %dma_wait3A_109 = tpu.memref_squeeze %dma_wait3A_108 : memref<1x80x128xf32, #tpu.memory_space<vmem>> -> memref<80x128xf32, #tpu.memory_space<vmem>>
      %dma_wait3A_110 = arith.constant 0 : i32
      %dma_wait3A_111 = tpu.memref_slice %arg6[%arg0, %add3A_83, %dma_wait3A_110] : memref<2x5120x128xf32, #tpu.memory_space<hbm>> -> memref<1x80x128xf32, #tpu.memory_space<hbm>>
      %dma_wait3A_112 = tpu.memref_squeeze %dma_wait3A_111 : memref<1x80x128xf32, #tpu.memory_space<hbm>> -> memref<80x128xf32, #tpu.memory_space<hbm>>
      %dma_wait3A_113 = arith.constant 0 : i32
      %dma_wait3A_114 = tpu.memref_slice %arg6[%arg0, %add3A_83, %dma_wait3A_113] : memref<2x5120x128xf32, #tpu.memory_space<hbm>> -> memref<1x80x128xf32, #tpu.memory_space<hbm>>
      %dma_wait3A_115 = tpu.memref_squeeze %dma_wait3A_114 : memref<1x80x128xf32, #tpu.memory_space<hbm>> -> memref<80x128xf32, #tpu.memory_space<hbm>>
      %dma_wait3A_116 = arith.constant 0 : i32
      %dma_wait3A_117 = arith.constant 0 : i32
      %dma_wait3A_118 = tpu.memref_slice %arg9[%run_scoped3A_84, %dma_wait3A_116, %dma_wait3A_117] : memref<2x80x128xf32, #tpu.memory_space<vmem>> -> memref<1x80x128xf32, #tpu.memory_space<vmem>>
      %dma_wait3A_119 = tpu.memref_squeeze %dma_wait3A_118 : memref<1x80x128xf32, #tpu.memory_space<vmem>> -> memref<80x128xf32, #tpu.memory_space<vmem>>
      tpu.wait_dma2 semaphore(%run_scoped3A_91 : memref<!tpu.dma_semaphore, #tpu.memory_space<semaphore_mem>>) src(%dma_wait3A_119 : memref<80x128xf32, #tpu.memory_space<vmem>>) dst(%dma_wait3A_115 : memref<80x128xf32, #tpu.memory_space<hbm>>)
      tpu.yield
    }) : () -> ()
    %add3A_85 = arith.constant 240 : i32
    %add3A_86 = arith.addi %mul3A_2, %add3A_85 : i32
    %run_scoped3A_87 = arith.constant 0 : i32
    "tpu.region"() ({
      %run_scoped3A_91 = tpu.sem_alloc : memref<!tpu.dma_semaphore, #tpu.memory_space<semaphore_mem>>
      %dma_start3A_92 = arith.constant 0 : i32
      %dma_start3A_93 = arith.constant 0 : i32
      %dma_start3A_94 = tpu.memref_slice %arg9[%run_scoped3A_87, %dma_start3A_92, %dma_start3A_93] : memref<2x80x128xf32, #tpu.memory_space<vmem>> -> memref<1x80x128xf32, #tpu.memory_space<vmem>>
      %dma_start3A_95 = tpu.memref_squeeze %dma_start3A_94 : memref<1x80x128xf32, #tpu.memory_space<vmem>> -> memref<80x128xf32, #tpu.memory_space<vmem>>
      %dma_start3A_96 = arith.constant 0 : i32
      %dma_start3A_97 = tpu.memref_slice %arg10[%add3A_86, %dma_start3A_96] : memref<5200x128xf32, #tpu.memory_space<vmem_shared>> -> memref<80x128xf32, #tpu.memory_space<vmem_shared>>
      %dma_start3A_98 = arith.constant 0 : i32
      %dma_start3A_99 = arith.constant 0 : i32
      %dma_start3A_100 = tpu.memref_slice %arg9[%run_scoped3A_87, %dma_start3A_98, %dma_start3A_99] : memref<2x80x128xf32, #tpu.memory_space<vmem>> -> memref<1x80x128xf32, #tpu.memory_space<vmem>>
      %dma_start3A_101 = tpu.memref_squeeze %dma_start3A_100 : memref<1x80x128xf32, #tpu.memory_space<vmem>> -> memref<80x128xf32, #tpu.memory_space<vmem>>
      %dma_start3A_102 = arith.constant 0 : i32
      %dma_start3A_103 = tpu.memref_slice %arg10[%add3A_86, %dma_start3A_102] : memref<5200x128xf32, #tpu.memory_space<vmem_shared>> -> memref<80x128xf32, #tpu.memory_space<vmem_shared>>
      tpu.enqueue_dma source(%dma_start3A_103 : memref<80x128xf32, #tpu.memory_space<vmem_shared>>) target(%dma_start3A_101 : memref<80x128xf32, #tpu.memory_space<vmem>>) target_semaphore(%run_scoped3A_91 : memref<!tpu.dma_semaphore, #tpu.memory_space<semaphore_mem>>)
      %dma_wait3A_104 = arith.constant 0 : i32
      %dma_wait3A_105 = arith.constant 0 : i32
      %dma_wait3A_106 = tpu.memref_slice %arg9[%run_scoped3A_87, %dma_wait3A_104, %dma_wait3A_105] : memref<2x80x128xf32, #tpu.memory_space<vmem>> -> memref<1x80x128xf32, #tpu.memory_space<vmem>>
      %dma_wait3A_107 = tpu.memref_squeeze %dma_wait3A_106 : memref<1x80x128xf32, #tpu.memory_space<vmem>> -> memref<80x128xf32, #tpu.memory_space<vmem>>
      %dma_wait3A_108 = arith.constant 0 : i32
      %dma_wait3A_109 = tpu.memref_slice %arg10[%add3A_86, %dma_wait3A_108] : memref<5200x128xf32, #tpu.memory_space<vmem_shared>> -> memref<80x128xf32, #tpu.memory_space<vmem_shared>>
      %dma_wait3A_110 = arith.constant 0 : i32
      %dma_wait3A_111 = arith.constant 0 : i32
      %dma_wait3A_112 = tpu.memref_slice %arg9[%run_scoped3A_87, %dma_wait3A_110, %dma_wait3A_111] : memref<2x80x128xf32, #tpu.memory_space<vmem>> -> memref<1x80x128xf32, #tpu.memory_space<vmem>>
      %dma_wait3A_113 = tpu.memref_squeeze %dma_wait3A_112 : memref<1x80x128xf32, #tpu.memory_space<vmem>> -> memref<80x128xf32, #tpu.memory_space<vmem>>
      %dma_wait3A_114 = arith.constant 0 : i32
      %dma_wait3A_115 = tpu.memref_slice %arg10[%add3A_86, %dma_wait3A_114] : memref<5200x128xf32, #tpu.memory_space<vmem_shared>> -> memref<80x128xf32, #tpu.memory_space<vmem_shared>>
      tpu.wait_dma2 semaphore(%run_scoped3A_91 : memref<!tpu.dma_semaphore, #tpu.memory_space<semaphore_mem>>) src(%dma_wait3A_115 : memref<80x128xf32, #tpu.memory_space<vmem_shared>>) dst(%dma_wait3A_113 : memref<80x128xf32, #tpu.memory_space<vmem>>)
      tpu.yield
    }) : () -> ()
    %add3A_88 = arith.constant 240 : i32
    %add3A_89 = arith.addi %mul3A_2, %add3A_88 : i32
    %run_scoped3A_90 = arith.constant 0 : i32
    "tpu.region"() ({
      %run_scoped3A_91 = tpu.sem_alloc : memref<!tpu.dma_semaphore, #tpu.memory_space<semaphore_mem>>
      %dma_start3A_92 = arith.constant 0 : i32
      %dma_start3A_93 = arith.constant 0 : i32
      %dma_start3A_94 = tpu.memref_slice %arg9[%run_scoped3A_90, %dma_start3A_92, %dma_start3A_93] : memref<2x80x128xf32, #tpu.memory_space<vmem>> -> memref<1x80x128xf32, #tpu.memory_space<vmem>>
      %dma_start3A_95 = tpu.memref_squeeze %dma_start3A_94 : memref<1x80x128xf32, #tpu.memory_space<vmem>> -> memref<80x128xf32, #tpu.memory_space<vmem>>
      %dma_start3A_96 = arith.constant 0 : i32
      %dma_start3A_97 = tpu.memref_slice %arg6[%arg0, %add3A_89, %dma_start3A_96] : memref<2x5120x128xf32, #tpu.memory_space<hbm>> -> memref<1x80x128xf32, #tpu.memory_space<hbm>>
      %dma_start3A_98 = tpu.memref_squeeze %dma_start3A_97 : memref<1x80x128xf32, #tpu.memory_space<hbm>> -> memref<80x128xf32, #tpu.memory_space<hbm>>
      %dma_start3A_99 = arith.constant 0 : i32
      %dma_start3A_100 = tpu.memref_slice %arg6[%arg0, %add3A_89, %dma_start3A_99] : memref<2x5120x128xf32, #tpu.memory_space<hbm>> -> memref<1x80x128xf32, #tpu.memory_space<hbm>>
      %dma_start3A_101 = tpu.memref_squeeze %dma_start3A_100 : memref<1x80x128xf32, #tpu.memory_space<hbm>> -> memref<80x128xf32, #tpu.memory_space<hbm>>
      %dma_start3A_102 = arith.constant 0 : i32
      %dma_start3A_103 = arith.constant 0 : i32
      %dma_start3A_104 = tpu.memref_slice %arg9[%run_scoped3A_90, %dma_start3A_102, %dma_start3A_103] : memref<2x80x128xf32, #tpu.memory_space<vmem>> -> memref<1x80x128xf32, #tpu.memory_space<vmem>>
      %dma_start3A_105 = tpu.memref_squeeze %dma_start3A_104 : memref<1x80x128xf32, #tpu.memory_space<vmem>> -> memref<80x128xf32, #tpu.memory_space<vmem>>
      tpu.enqueue_dma source(%dma_start3A_105 : memref<80x128xf32, #tpu.memory_space<vmem>>) target(%dma_start3A_101 : memref<80x128xf32, #tpu.memory_space<hbm>>) target_semaphore(%run_scoped3A_91 : memref<!tpu.dma_semaphore, #tpu.memory_space<semaphore_mem>>)
      %dma_wait3A_106 = arith.constant 0 : i32
      %dma_wait3A_107 = arith.constant 0 : i32
      %dma_wait3A_108 = tpu.memref_slice %arg9[%run_scoped3A_90, %dma_wait3A_106, %dma_wait3A_107] : memref<2x80x128xf32, #tpu.memory_space<vmem>> -> memref<1x80x128xf32, #tpu.memory_space<vmem>>
      %dma_wait3A_109 = tpu.memref_squeeze %dma_wait3A_108 : memref<1x80x128xf32, #tpu.memory_space<vmem>> -> memref<80x128xf32, #tpu.memory_space<vmem>>
      %dma_wait3A_110 = arith.constant 0 : i32
      %dma_wait3A_111 = tpu.memref_slice %arg6[%arg0, %add3A_89, %dma_wait3A_110] : memref<2x5120x128xf32, #tpu.memory_space<hbm>> -> memref<1x80x128xf32, #tpu.memory_space<hbm>>
      %dma_wait3A_112 = tpu.memref_squeeze %dma_wait3A_111 : memref<1x80x128xf32, #tpu.memory_space<hbm>> -> memref<80x128xf32, #tpu.memory_space<hbm>>
      %dma_wait3A_113 = arith.constant 0 : i32
      %dma_wait3A_114 = tpu.memref_slice %arg6[%arg0, %add3A_89, %dma_wait3A_113] : memref<2x5120x128xf32, #tpu.memory_space<hbm>> -> memref<1x80x128xf32, #tpu.memory_space<hbm>>
      %dma_wait3A_115 = tpu.memref_squeeze %dma_wait3A_114 : memref<1x80x128xf32, #tpu.memory_space<hbm>> -> memref<80x128xf32, #tpu.memory_space<hbm>>
      %dma_wait3A_116 = arith.constant 0 : i32
      %dma_wait3A_117 = arith.constant 0 : i32
      %dma_wait3A_118 = tpu.memref_slice %arg9[%run_scoped3A_90, %dma_wait3A_116, %dma_wait3A_117] : memref<2x80x128xf32, #tpu.memory_space<vmem>> -> memref<1x80x128xf32, #tpu.memory_space<vmem>>
      %dma_wait3A_119 = tpu.memref_squeeze %dma_wait3A_118 : memref<1x80x128xf32, #tpu.memory_space<vmem>> -> memref<80x128xf32, #tpu.memory_space<vmem>>
      tpu.wait_dma2 semaphore(%run_scoped3A_91 : memref<!tpu.dma_semaphore, #tpu.memory_space<semaphore_mem>>) src(%dma_wait3A_119 : memref<80x128xf32, #tpu.memory_space<vmem>>) dst(%dma_wait3A_115 : memref<80x128xf32, #tpu.memory_space<hbm>>)
      tpu.yield
    }) : () -> ()
    return
  }
}

#map = affine_map<(d0, d1) -> (0, 0, 0)>
#map1 = affine_map<(d0, d1) -> (0, 0)>
module attributes {stable_mosaic.version = 14 : i64} {
  func.func @_sc_segsum_body(%arg0: i32, %arg1: i32, %arg2: memref<32x250x80xi32, #tpu.memory_space<hbm>>, %arg3: memref<32x250x80xi32, #tpu.memory_space<hbm>>, %arg4: memref<10000x128xf32, #tpu.memory_space<hbm>>, %arg5: memref<80x128xf32, #tpu.memory_space<hbm>>, %arg6: memref<2x5120x128xf32, #tpu.memory_space<hbm>>, %arg7: memref<250x80xi32, #tpu.memory_space<vmem>>, %arg8: memref<250x80xi32, #tpu.memory_space<vmem>>, %arg9: memref<2x80x128xf32, #tpu.memory_space<vmem>>, %arg10: memref<5200x128xf32, #tpu.memory_space<vmem_shared>>, %arg11: memref<!tpu.dma_semaphore, #tpu.memory_space<semaphore_mem>>, %arg12: memref<!tpu.dma_semaphore, #tpu.memory_space<semaphore_mem>>) attributes {dimension_semantics = [#tpu.dimension_semantics<core_parallel>, #tpu.dimension_semantics<subcore_parallel>], iteration_bounds = array<i64: 2, 16>, scalar_prefetch = 0 : i64, scratch_operands = 6 : i64, tpu.core_type = #tpu.core_type<sc_vector_subcore>, window_params = [{transform_indices = #map}, {transform_indices = #map}, {transform_indices = #map1}, {transform_indices = #map1}, {transform_indices = #map}]} {
    %mul3A = arith.constant 16 : i32
    %mul3A_0 = arith.muli %arg0, %mul3A : i32
    %add3A = arith.addi %mul3A_0, %arg1 : i32
    "tpu.region"() ({
      %run_scoped3A_91 = tpu.sem_alloc : memref<!tpu.dma_semaphore, #tpu.memory_space<semaphore_mem>>
      %dma_start3A_92 = arith.constant 0 : i32
      %dma_start3A_93 = arith.constant 0 : i32
      %dma_start3A_94 = tpu.memref_slice %arg2[%add3A, %dma_start3A_92, %dma_start3A_93] : memref<32x250x80xi32, #tpu.memory_space<hbm>> -> memref<1x250x80xi32, #tpu.memory_space<hbm>>
      %dma_start3A_95 = tpu.memref_squeeze %dma_start3A_94 : memref<1x250x80xi32, #tpu.memory_space<hbm>> -> memref<250x80xi32, #tpu.memory_space<hbm>>
      %dma_start3A_96 = arith.constant 0 : i32
      %dma_start3A_97 = arith.constant 0 : i32
      %dma_start3A_98 = tpu.memref_slice %arg2[%add3A, %dma_start3A_96, %dma_start3A_97] : memref<32x250x80xi32, #tpu.memory_space<hbm>> -> memref<1x250x80xi32, #tpu.memory_space<hbm>>
      %dma_start3A_99 = tpu.memref_squeeze %dma_start3A_98 : memref<1x250x80xi32, #tpu.memory_space<hbm>> -> memref<250x80xi32, #tpu.memory_space<hbm>>
      tpu.enqueue_dma source(%dma_start3A_99 : memref<250x80xi32, #tpu.memory_space<hbm>>) target(%arg7 : memref<250x80xi32, #tpu.memory_space<vmem>>) target_semaphore(%run_scoped3A_91 : memref<!tpu.dma_semaphore, #tpu.memory_space<semaphore_mem>>)
      %dma_wait3A_100 = arith.constant 0 : i32
      %dma_wait3A_101 = arith.constant 0 : i32
      %dma_wait3A_102 = tpu.memref_slice %arg2[%add3A, %dma_wait3A_100, %dma_wait3A_101] : memref<32x250x80xi32, #tpu.memory_space<hbm>> -> memref<1x250x80xi32, #tpu.memory_space<hbm>>
      %dma_wait3A_103 = tpu.memref_squeeze %dma_wait3A_102 : memref<1x250x80xi32, #tpu.memory_space<hbm>> -> memref<250x80xi32, #tpu.memory_space<hbm>>
      %dma_wait3A_104 = arith.constant 0 : i32
      %dma_wait3A_105 = arith.constant 0 : i32
      %dma_wait3A_106 = tpu.memref_slice %arg2[%add3A, %dma_wait3A_104, %dma_wait3A_105] : memref<32x250x80xi32, #tpu.memory_space<hbm>> -> memref<1x250x80xi32, #tpu.memory_space<hbm>>
      %dma_wait3A_107 = tpu.memref_squeeze %dma_wait3A_106 : memref<1x250x80xi32, #tpu.memory_space<hbm>> -> memref<250x80xi32, #tpu.memory_space<hbm>>
      tpu.wait_dma2 semaphore(%run_scoped3A_91 : memref<!tpu.dma_semaphore, #tpu.memory_space<semaphore_mem>>) src(%dma_wait3A_107 : memref<250x80xi32, #tpu.memory_space<hbm>>) dst(%arg7 : memref<250x80xi32, #tpu.memory_space<vmem>>)
      tpu.yield
    }) : () -> ()
    "tpu.region"() ({
      %run_scoped3A_91 = tpu.sem_alloc : memref<!tpu.dma_semaphore, #tpu.memory_space<semaphore_mem>>
      %dma_start3A_92 = arith.constant 0 : i32
      %dma_start3A_93 = arith.constant 0 : i32
      %dma_start3A_94 = tpu.memref_slice %arg3[%add3A, %dma_start3A_92, %dma_start3A_93] : memref<32x250x80xi32, #tpu.memory_space<hbm>> -> memref<1x250x80xi32, #tpu.memory_space<hbm>>
      %dma_start3A_95 = tpu.memref_squeeze %dma_start3A_94 : memref<1x250x80xi32, #tpu.memory_space<hbm>> -> memref<250x80xi32, #tpu.memory_space<hbm>>
      %dma_start3A_96 = arith.constant 0 : i32
      %dma_start3A_97 = arith.constant 0 : i32
      %dma_start3A_98 = tpu.memref_slice %arg3[%add3A, %dma_start3A_96, %dma_start3A_97] : memref<32x250x80xi32, #tpu.memory_space<hbm>> -> memref<1x250x80xi32, #tpu.memory_space<hbm>>
      %dma_start3A_99 = tpu.memref_squeeze %dma_start3A_98 : memref<1x250x80xi32, #tpu.memory_space<hbm>> -> memref<250x80xi32, #tpu.memory_space<hbm>>
      tpu.enqueue_dma source(%dma_start3A_99 : memref<250x80xi32, #tpu.memory_space<hbm>>) target(%arg8 : memref<250x80xi32, #tpu.memory_space<vmem>>) target_semaphore(%run_scoped3A_91 : memref<!tpu.dma_semaphore, #tpu.memory_space<semaphore_mem>>)
      %dma_wait3A_100 = arith.constant 0 : i32
      %dma_wait3A_101 = arith.constant 0 : i32
      %dma_wait3A_102 = tpu.memref_slice %arg3[%add3A, %dma_wait3A_100, %dma_wait3A_101] : memref<32x250x80xi32, #tpu.memory_space<hbm>> -> memref<1x250x80xi32, #tpu.memory_space<hbm>>
      %dma_wait3A_103 = tpu.memref_squeeze %dma_wait3A_102 : memref<1x250x80xi32, #tpu.memory_space<hbm>> -> memref<250x80xi32, #tpu.memory_space<hbm>>
      %dma_wait3A_104 = arith.constant 0 : i32
      %dma_wait3A_105 = arith.constant 0 : i32
      %dma_wait3A_106 = tpu.memref_slice %arg3[%add3A, %dma_wait3A_104, %dma_wait3A_105] : memref<32x250x80xi32, #tpu.memory_space<hbm>> -> memref<1x250x80xi32, #tpu.memory_space<hbm>>
      %dma_wait3A_107 = tpu.memref_squeeze %dma_wait3A_106 : memref<1x250x80xi32, #tpu.memory_space<hbm>> -> memref<250x80xi32, #tpu.memory_space<hbm>>
      tpu.wait_dma2 semaphore(%run_scoped3A_91 : memref<!tpu.dma_semaphore, #tpu.memory_space<semaphore_mem>>) src(%dma_wait3A_107 : memref<250x80xi32, #tpu.memory_space<hbm>>) dst(%arg8 : memref<250x80xi32, #tpu.memory_space<vmem>>)
      tpu.yield
    }) : () -> ()
    %run_scoped3A = arith.constant 0 : i32
    "tpu.region"() ({
      %run_scoped3A_91 = tpu.sem_alloc : memref<!tpu.dma_semaphore, #tpu.memory_space<semaphore_mem>>
      %dma_start3A_92 = arith.constant 0 : i32
      %dma_start3A_93 = arith.constant 0 : i32
      %dma_start3A_94 = tpu.memref_slice %arg9[%run_scoped3A, %dma_start3A_92, %dma_start3A_93] : memref<2x80x128xf32, #tpu.memory_space<vmem>> -> memref<1x80x128xf32, #tpu.memory_space<vmem>>
      %dma_start3A_95 = tpu.memref_squeeze %dma_start3A_94 : memref<1x80x128xf32, #tpu.memory_space<vmem>> -> memref<80x128xf32, #tpu.memory_space<vmem>>
      %dma_start3A_96 = arith.constant 0 : i32
      %dma_start3A_97 = arith.constant 0 : i32
      %dma_start3A_98 = tpu.memref_slice %arg9[%run_scoped3A, %dma_start3A_96, %dma_start3A_97] : memref<2x80x128xf32, #tpu.memory_space<vmem>> -> memref<1x80x128xf32, #tpu.memory_space<vmem>>
      %dma_start3A_99 = tpu.memref_squeeze %dma_start3A_98 : memref<1x80x128xf32, #tpu.memory_space<vmem>> -> memref<80x128xf32, #tpu.memory_space<vmem>>
      tpu.enqueue_dma source(%arg5 : memref<80x128xf32, #tpu.memory_space<hbm>>) target(%dma_start3A_99 : memref<80x128xf32, #tpu.memory_space<vmem>>) target_semaphore(%run_scoped3A_91 : memref<!tpu.dma_semaphore, #tpu.memory_space<semaphore_mem>>)
      %dma_wait3A_100 = arith.constant 0 : i32
      %dma_wait3A_101 = arith.constant 0 : i32
      %dma_wait3A_102 = tpu.memref_slice %arg9[%run_scoped3A, %dma_wait3A_100, %dma_wait3A_101] : memref<2x80x128xf32, #tpu.memory_space<vmem>> -> memref<1x80x128xf32, #tpu.memory_space<vmem>>
      %dma_wait3A_103 = tpu.memref_squeeze %dma_wait3A_102 : memref<1x80x128xf32, #tpu.memory_space<vmem>> -> memref<80x128xf32, #tpu.memory_space<vmem>>
      %dma_wait3A_104 = arith.constant 0 : i32
      %dma_wait3A_105 = arith.constant 0 : i32
      %dma_wait3A_106 = tpu.memref_slice %arg9[%run_scoped3A, %dma_wait3A_104, %dma_wait3A_105] : memref<2x80x128xf32, #tpu.memory_space<vmem>> -> memref<1x80x128xf32, #tpu.memory_space<vmem>>
      %dma_wait3A_107 = tpu.memref_squeeze %dma_wait3A_106 : memref<1x80x128xf32, #tpu.memory_space<vmem>> -> memref<80x128xf32, #tpu.memory_space<vmem>>
      tpu.wait_dma2 semaphore(%run_scoped3A_91 : memref<!tpu.dma_semaphore, #tpu.memory_space<semaphore_mem>>) src(%arg5 : memref<80x128xf32, #tpu.memory_space<hbm>>) dst(%dma_wait3A_107 : memref<80x128xf32, #tpu.memory_space<vmem>>)
      tpu.yield
    }) : () -> ()
    %mul3A_1 = arith.constant 320 : i32
    %mul3A_2 = arith.muli %arg1, %mul3A_1 : i32
    %add3A_3 = arith.constant 0 : i32
    %add3A_4 = arith.addi %mul3A_2, %add3A_3 : i32
    %run_scoped3A_5 = arith.constant 0 : i32
    "tpu.region"() ({
      %run_scoped3A_91 = tpu.sem_alloc : memref<!tpu.dma_semaphore, #tpu.memory_space<semaphore_mem>>
      %dma_start3A_92 = arith.constant 0 : i32
      %dma_start3A_93 = arith.constant 0 : i32
      %dma_start3A_94 = tpu.memref_slice %arg9[%run_scoped3A_5, %dma_start3A_92, %dma_start3A_93] : memref<2x80x128xf32, #tpu.memory_space<vmem>> -> memref<1x80x128xf32, #tpu.memory_space<vmem>>
      %dma_start3A_95 = tpu.memref_squeeze %dma_start3A_94 : memref<1x80x128xf32, #tpu.memory_space<vmem>> -> memref<80x128xf32, #tpu.memory_space<vmem>>
      %dma_start3A_96 = arith.constant 0 : i32
      %dma_start3A_97 = tpu.memref_slice %arg10[%add3A_4, %dma_start3A_96] : memref<5200x128xf32, #tpu.memory_space<vmem_shared>> -> memref<80x128xf32, #tpu.memory_space<vmem_shared>>
      %dma_start3A_98 = arith.constant 0 : i32
      %dma_start3A_99 = tpu.memref_slice %arg10[%add3A_4, %dma_start3A_98] : memref<5200x128xf32, #tpu.memory_space<vmem_shared>> -> memref<80x128xf32, #tpu.memory_space<vmem_shared>>
      %dma_start3A_100 = arith.constant 0 : i32
      %dma_start3A_101 = arith.constant 0 : i32
      %dma_start3A_102 = tpu.memref_slice %arg9[%run_scoped3A_5, %dma_start3A_100, %dma_start3A_101] : memref<2x80x128xf32, #tpu.memory_space<vmem>> -> memref<1x80x128xf32, #tpu.memory_space<vmem>>
      %dma_start3A_103 = tpu.memref_squeeze %dma_start3A_102 : memref<1x80x128xf32, #tpu.memory_space<vmem>> -> memref<80x128xf32, #tpu.memory_space<vmem>>
      tpu.enqueue_dma source(%dma_start3A_103 : memref<80x128xf32, #tpu.memory_space<vmem>>) target(%dma_start3A_99 : memref<80x128xf32, #tpu.memory_space<vmem_shared>>) target_semaphore(%run_scoped3A_91 : memref<!tpu.dma_semaphore, #tpu.memory_space<semaphore_mem>>)
      %dma_wait3A_104 = arith.constant 0 : i32
      %dma_wait3A_105 = arith.constant 0 : i32
      %dma_wait3A_106 = tpu.memref_slice %arg9[%run_scoped3A_5, %dma_wait3A_104, %dma_wait3A_105] : memref<2x80x128xf32, #tpu.memory_space<vmem>> -> memref<1x80x128xf32, #tpu.memory_space<vmem>>
      %dma_wait3A_107 = tpu.memref_squeeze %dma_wait3A_106 : memref<1x80x128xf32, #tpu.memory_space<vmem>> -> memref<80x128xf32, #tpu.memory_space<vmem>>
      %dma_wait3A_108 = arith.constant 0 : i32
      %dma_wait3A_109 = tpu.memref_slice %arg10[%add3A_4, %dma_wait3A_108] : memref<5200x128xf32, #tpu.memory_space<vmem_shared>> -> memref<80x128xf32, #tpu.memory_space<vmem_shared>>
      %dma_wait3A_110 = arith.constant 0 : i32
      %dma_wait3A_111 = tpu.memref_slice %arg10[%add3A_4, %dma_wait3A_110] : memref<5200x128xf32, #tpu.memory_space<vmem_shared>> -> memref<80x128xf32, #tpu.memory_space<vmem_shared>>
      %dma_wait3A_112 = arith.constant 0 : i32
      %dma_wait3A_113 = arith.constant 0 : i32
      %dma_wait3A_114 = tpu.memref_slice %arg9[%run_scoped3A_5, %dma_wait3A_112, %dma_wait3A_113] : memref<2x80x128xf32, #tpu.memory_space<vmem>> -> memref<1x80x128xf32, #tpu.memory_space<vmem>>
      %dma_wait3A_115 = tpu.memref_squeeze %dma_wait3A_114 : memref<1x80x128xf32, #tpu.memory_space<vmem>> -> memref<80x128xf32, #tpu.memory_space<vmem>>
      tpu.wait_dma2 semaphore(%run_scoped3A_91 : memref<!tpu.dma_semaphore, #tpu.memory_space<semaphore_mem>>) src(%dma_wait3A_115 : memref<80x128xf32, #tpu.memory_space<vmem>>) dst(%dma_wait3A_111 : memref<80x128xf32, #tpu.memory_space<vmem_shared>>)
      tpu.yield
    }) : () -> ()
    %add3A_6 = arith.constant 80 : i32
    %add3A_7 = arith.addi %mul3A_2, %add3A_6 : i32
    %run_scoped3A_8 = arith.constant 0 : i32
    "tpu.region"() ({
      %run_scoped3A_91 = tpu.sem_alloc : memref<!tpu.dma_semaphore, #tpu.memory_space<semaphore_mem>>
      %dma_start3A_92 = arith.constant 0 : i32
      %dma_start3A_93 = arith.constant 0 : i32
      %dma_start3A_94 = tpu.memref_slice %arg9[%run_scoped3A_8, %dma_start3A_92, %dma_start3A_93] : memref<2x80x128xf32, #tpu.memory_space<vmem>> -> memref<1x80x128xf32, #tpu.memory_space<vmem>>
      %dma_start3A_95 = tpu.memref_squeeze %dma_start3A_94 : memref<1x80x128xf32, #tpu.memory_space<vmem>> -> memref<80x128xf32, #tpu.memory_space<vmem>>
      %dma_start3A_96 = arith.constant 0 : i32
      %dma_start3A_97 = tpu.memref_slice %arg10[%add3A_7, %dma_start3A_96] : memref<5200x128xf32, #tpu.memory_space<vmem_shared>> -> memref<80x128xf32, #tpu.memory_space<vmem_shared>>
      %dma_start3A_98 = arith.constant 0 : i32
      %dma_start3A_99 = tpu.memref_slice %arg10[%add3A_7, %dma_start3A_98] : memref<5200x128xf32, #tpu.memory_space<vmem_shared>> -> memref<80x128xf32, #tpu.memory_space<vmem_shared>>
      %dma_start3A_100 = arith.constant 0 : i32
      %dma_start3A_101 = arith.constant 0 : i32
      %dma_start3A_102 = tpu.memref_slice %arg9[%run_scoped3A_8, %dma_start3A_100, %dma_start3A_101] : memref<2x80x128xf32, #tpu.memory_space<vmem>> -> memref<1x80x128xf32, #tpu.memory_space<vmem>>
      %dma_start3A_103 = tpu.memref_squeeze %dma_start3A_102 : memref<1x80x128xf32, #tpu.memory_space<vmem>> -> memref<80x128xf32, #tpu.memory_space<vmem>>
      tpu.enqueue_dma source(%dma_start3A_103 : memref<80x128xf32, #tpu.memory_space<vmem>>) target(%dma_start3A_99 : memref<80x128xf32, #tpu.memory_space<vmem_shared>>) target_semaphore(%run_scoped3A_91 : memref<!tpu.dma_semaphore, #tpu.memory_space<semaphore_mem>>)
      %dma_wait3A_104 = arith.constant 0 : i32
      %dma_wait3A_105 = arith.constant 0 : i32
      %dma_wait3A_106 = tpu.memref_slice %arg9[%run_scoped3A_8, %dma_wait3A_104, %dma_wait3A_105] : memref<2x80x128xf32, #tpu.memory_space<vmem>> -> memref<1x80x128xf32, #tpu.memory_space<vmem>>
      %dma_wait3A_107 = tpu.memref_squeeze %dma_wait3A_106 : memref<1x80x128xf32, #tpu.memory_space<vmem>> -> memref<80x128xf32, #tpu.memory_space<vmem>>
      %dma_wait3A_108 = arith.constant 0 : i32
      %dma_wait3A_109 = tpu.memref_slice %arg10[%add3A_7, %dma_wait3A_108] : memref<5200x128xf32, #tpu.memory_space<vmem_shared>> -> memref<80x128xf32, #tpu.memory_space<vmem_shared>>
      %dma_wait3A_110 = arith.constant 0 : i32
      %dma_wait3A_111 = tpu.memref_slice %arg10[%add3A_7, %dma_wait3A_110] : memref<5200x128xf32, #tpu.memory_space<vmem_shared>> -> memref<80x128xf32, #tpu.memory_space<vmem_shared>>
      %dma_wait3A_112 = arith.constant 0 : i32
      %dma_wait3A_113 = arith.constant 0 : i32
      %dma_wait3A_114 = tpu.memref_slice %arg9[%run_scoped3A_8, %dma_wait3A_112, %dma_wait3A_113] : memref<2x80x128xf32, #tpu.memory_space<vmem>> -> memref<1x80x128xf32, #tpu.memory_space<vmem>>
      %dma_wait3A_115 = tpu.memref_squeeze %dma_wait3A_114 : memref<1x80x128xf32, #tpu.memory_space<vmem>> -> memref<80x128xf32, #tpu.memory_space<vmem>>
      tpu.wait_dma2 semaphore(%run_scoped3A_91 : memref<!tpu.dma_semaphore, #tpu.memory_space<semaphore_mem>>) src(%dma_wait3A_115 : memref<80x128xf32, #tpu.memory_space<vmem>>) dst(%dma_wait3A_111 : memref<80x128xf32, #tpu.memory_space<vmem_shared>>)
      tpu.yield
    }) : () -> ()
    %add3A_9 = arith.constant 160 : i32
    %add3A_10 = arith.addi %mul3A_2, %add3A_9 : i32
    %run_scoped3A_11 = arith.constant 0 : i32
    "tpu.region"() ({
      %run_scoped3A_91 = tpu.sem_alloc : memref<!tpu.dma_semaphore, #tpu.memory_space<semaphore_mem>>
      %dma_start3A_92 = arith.constant 0 : i32
      %dma_start3A_93 = arith.constant 0 : i32
      %dma_start3A_94 = tpu.memref_slice %arg9[%run_scoped3A_11, %dma_start3A_92, %dma_start3A_93] : memref<2x80x128xf32, #tpu.memory_space<vmem>> -> memref<1x80x128xf32, #tpu.memory_space<vmem>>
      %dma_start3A_95 = tpu.memref_squeeze %dma_start3A_94 : memref<1x80x128xf32, #tpu.memory_space<vmem>> -> memref<80x128xf32, #tpu.memory_space<vmem>>
      %dma_start3A_96 = arith.constant 0 : i32
      %dma_start3A_97 = tpu.memref_slice %arg10[%add3A_10, %dma_start3A_96] : memref<5200x128xf32, #tpu.memory_space<vmem_shared>> -> memref<80x128xf32, #tpu.memory_space<vmem_shared>>
      %dma_start3A_98 = arith.constant 0 : i32
      %dma_start3A_99 = tpu.memref_slice %arg10[%add3A_10, %dma_start3A_98] : memref<5200x128xf32, #tpu.memory_space<vmem_shared>> -> memref<80x128xf32, #tpu.memory_space<vmem_shared>>
      %dma_start3A_100 = arith.constant 0 : i32
      %dma_start3A_101 = arith.constant 0 : i32
      %dma_start3A_102 = tpu.memref_slice %arg9[%run_scoped3A_11, %dma_start3A_100, %dma_start3A_101] : memref<2x80x128xf32, #tpu.memory_space<vmem>> -> memref<1x80x128xf32, #tpu.memory_space<vmem>>
      %dma_start3A_103 = tpu.memref_squeeze %dma_start3A_102 : memref<1x80x128xf32, #tpu.memory_space<vmem>> -> memref<80x128xf32, #tpu.memory_space<vmem>>
      tpu.enqueue_dma source(%dma_start3A_103 : memref<80x128xf32, #tpu.memory_space<vmem>>) target(%dma_start3A_99 : memref<80x128xf32, #tpu.memory_space<vmem_shared>>) target_semaphore(%run_scoped3A_91 : memref<!tpu.dma_semaphore, #tpu.memory_space<semaphore_mem>>)
      %dma_wait3A_104 = arith.constant 0 : i32
      %dma_wait3A_105 = arith.constant 0 : i32
      %dma_wait3A_106 = tpu.memref_slice %arg9[%run_scoped3A_11, %dma_wait3A_104, %dma_wait3A_105] : memref<2x80x128xf32, #tpu.memory_space<vmem>> -> memref<1x80x128xf32, #tpu.memory_space<vmem>>
      %dma_wait3A_107 = tpu.memref_squeeze %dma_wait3A_106 : memref<1x80x128xf32, #tpu.memory_space<vmem>> -> memref<80x128xf32, #tpu.memory_space<vmem>>
      %dma_wait3A_108 = arith.constant 0 : i32
      %dma_wait3A_109 = tpu.memref_slice %arg10[%add3A_10, %dma_wait3A_108] : memref<5200x128xf32, #tpu.memory_space<vmem_shared>> -> memref<80x128xf32, #tpu.memory_space<vmem_shared>>
      %dma_wait3A_110 = arith.constant 0 : i32
      %dma_wait3A_111 = tpu.memref_slice %arg10[%add3A_10, %dma_wait3A_110] : memref<5200x128xf32, #tpu.memory_space<vmem_shared>> -> memref<80x128xf32, #tpu.memory_space<vmem_shared>>
      %dma_wait3A_112 = arith.constant 0 : i32
      %dma_wait3A_113 = arith.constant 0 : i32
      %dma_wait3A_114 = tpu.memref_slice %arg9[%run_scoped3A_11, %dma_wait3A_112, %dma_wait3A_113] : memref<2x80x128xf32, #tpu.memory_space<vmem>> -> memref<1x80x128xf32, #tpu.memory_space<vmem>>
      %dma_wait3A_115 = tpu.memref_squeeze %dma_wait3A_114 : memref<1x80x128xf32, #tpu.memory_space<vmem>> -> memref<80x128xf32, #tpu.memory_space<vmem>>
      tpu.wait_dma2 semaphore(%run_scoped3A_91 : memref<!tpu.dma_semaphore, #tpu.memory_space<semaphore_mem>>) src(%dma_wait3A_115 : memref<80x128xf32, #tpu.memory_space<vmem>>) dst(%dma_wait3A_111 : memref<80x128xf32, #tpu.memory_space<vmem_shared>>)
      tpu.yield
    }) : () -> ()
    %add3A_12 = arith.constant 240 : i32
    %add3A_13 = arith.addi %mul3A_2, %add3A_12 : i32
    %run_scoped3A_14 = arith.constant 0 : i32
    "tpu.region"() ({
      %run_scoped3A_91 = tpu.sem_alloc : memref<!tpu.dma_semaphore, #tpu.memory_space<semaphore_mem>>
      %dma_start3A_92 = arith.constant 0 : i32
      %dma_start3A_93 = arith.constant 0 : i32
      %dma_start3A_94 = tpu.memref_slice %arg9[%run_scoped3A_14, %dma_start3A_92, %dma_start3A_93] : memref<2x80x128xf32, #tpu.memory_space<vmem>> -> memref<1x80x128xf32, #tpu.memory_space<vmem>>
      %dma_start3A_95 = tpu.memref_squeeze %dma_start3A_94 : memref<1x80x128xf32, #tpu.memory_space<vmem>> -> memref<80x128xf32, #tpu.memory_space<vmem>>
      %dma_start3A_96 = arith.constant 0 : i32
      %dma_start3A_97 = tpu.memref_slice %arg10[%add3A_13, %dma_start3A_96] : memref<5200x128xf32, #tpu.memory_space<vmem_shared>> -> memref<80x128xf32, #tpu.memory_space<vmem_shared>>
      %dma_start3A_98 = arith.constant 0 : i32
      %dma_start3A_99 = tpu.memref_slice %arg10[%add3A_13, %dma_start3A_98] : memref<5200x128xf32, #tpu.memory_space<vmem_shared>> -> memref<80x128xf32, #tpu.memory_space<vmem_shared>>
      %dma_start3A_100 = arith.constant 0 : i32
      %dma_start3A_101 = arith.constant 0 : i32
      %dma_start3A_102 = tpu.memref_slice %arg9[%run_scoped3A_14, %dma_start3A_100, %dma_start3A_101] : memref<2x80x128xf32, #tpu.memory_space<vmem>> -> memref<1x80x128xf32, #tpu.memory_space<vmem>>
      %dma_start3A_103 = tpu.memref_squeeze %dma_start3A_102 : memref<1x80x128xf32, #tpu.memory_space<vmem>> -> memref<80x128xf32, #tpu.memory_space<vmem>>
      tpu.enqueue_dma source(%dma_start3A_103 : memref<80x128xf32, #tpu.memory_space<vmem>>) target(%dma_start3A_99 : memref<80x128xf32, #tpu.memory_space<vmem_shared>>) target_semaphore(%run_scoped3A_91 : memref<!tpu.dma_semaphore, #tpu.memory_space<semaphore_mem>>)
      %dma_wait3A_104 = arith.constant 0 : i32
      %dma_wait3A_105 = arith.constant 0 : i32
      %dma_wait3A_106 = tpu.memref_slice %arg9[%run_scoped3A_14, %dma_wait3A_104, %dma_wait3A_105] : memref<2x80x128xf32, #tpu.memory_space<vmem>> -> memref<1x80x128xf32, #tpu.memory_space<vmem>>
      %dma_wait3A_107 = tpu.memref_squeeze %dma_wait3A_106 : memref<1x80x128xf32, #tpu.memory_space<vmem>> -> memref<80x128xf32, #tpu.memory_space<vmem>>
      %dma_wait3A_108 = arith.constant 0 : i32
      %dma_wait3A_109 = tpu.memref_slice %arg10[%add3A_13, %dma_wait3A_108] : memref<5200x128xf32, #tpu.memory_space<vmem_shared>> -> memref<80x128xf32, #tpu.memory_space<vmem_shared>>
      %dma_wait3A_110 = arith.constant 0 : i32
      %dma_wait3A_111 = tpu.memref_slice %arg10[%add3A_13, %dma_wait3A_110] : memref<5200x128xf32, #tpu.memory_space<vmem_shared>> -> memref<80x128xf32, #tpu.memory_space<vmem_shared>>
      %dma_wait3A_112 = arith.constant 0 : i32
      %dma_wait3A_113 = arith.constant 0 : i32
      %dma_wait3A_114 = tpu.memref_slice %arg9[%run_scoped3A_14, %dma_wait3A_112, %dma_wait3A_113] : memref<2x80x128xf32, #tpu.memory_space<vmem>> -> memref<1x80x128xf32, #tpu.memory_space<vmem>>
      %dma_wait3A_115 = tpu.memref_squeeze %dma_wait3A_114 : memref<1x80x128xf32, #tpu.memory_space<vmem>> -> memref<80x128xf32, #tpu.memory_space<vmem>>
      tpu.wait_dma2 semaphore(%run_scoped3A_91 : memref<!tpu.dma_semaphore, #tpu.memory_space<semaphore_mem>>) src(%dma_wait3A_115 : memref<80x128xf32, #tpu.memory_space<vmem>>) dst(%dma_wait3A_111 : memref<80x128xf32, #tpu.memory_space<vmem_shared>>)
      tpu.yield
    }) : () -> ()
    %barrier3A = arith.constant 0 : index
    tpu.barrier barrier_id(%barrier3A)
    %dma_start3A = arith.constant 0 : i32
    %dma_start3A_15 = arith.constant 0 : i32
    %dma_start3A_16 = arith.constant 0 : i32
    %dma_start3A_17 = arith.constant 0 : i32
    %dma_start3A_18 = tpu.memref_slice %arg9[%dma_start3A_15, %dma_start3A_16, %dma_start3A_17] : memref<2x80x128xf32, #tpu.memory_space<vmem>> -> memref<1x80x128xf32, #tpu.memory_space<vmem>>
    %dma_start3A_19 = tpu.memref_squeeze %dma_start3A_18 : memref<1x80x128xf32, #tpu.memory_space<vmem>> -> memref<80x128xf32, #tpu.memory_space<vmem>>
    %dma_start3A_20 = arith.constant 0 : i32
    %dma_start3A_21 = tpu.memref_slice %arg7[%dma_start3A, %dma_start3A_20] : memref<250x80xi32, #tpu.memory_space<vmem>> -> memref<1x80xi32, #tpu.memory_space<vmem>>
    %dma_start3A_22 = tpu.memref_squeeze %dma_start3A_21 : memref<1x80xi32, #tpu.memory_space<vmem>> -> memref<80xi32, #tpu.memory_space<vmem>>
    %dma_start3A_23 = arith.constant 0 : i32
    %dma_start3A_24 = arith.constant 0 : i32
    %dma_start3A_25 = tpu.memref_slice %arg4[%dma_start3A_23, %dma_start3A_24] : memref<10000x128xf32, #tpu.memory_space<hbm>> -> memref<10000x128xf32, #tpu.memory_space<hbm>>
    tpu.enqueue_indirect_dma source(%dma_start3A_25 : memref<10000x128xf32, #tpu.memory_space<hbm>>) target(%dma_start3A_19 : memref<80x128xf32, #tpu.memory_space<vmem>>) offsets(%dma_start3A_22 : memref<80xi32, #tpu.memory_space<vmem>>) semaphore(%arg11 : memref<!tpu.dma_semaphore, #tpu.memory_space<semaphore_mem>>)
    %dma_start3A_26 = arith.constant 1 : i32
    %dma_start3A_27 = arith.constant 1 : i32
    %dma_start3A_28 = arith.constant 0 : i32
    %dma_start3A_29 = arith.constant 0 : i32
    %dma_start3A_30 = tpu.memref_slice %arg9[%dma_start3A_27, %dma_start3A_28, %dma_start3A_29] : memref<2x80x128xf32, #tpu.memory_space<vmem>> -> memref<1x80x128xf32, #tpu.memory_space<vmem>>
    %dma_start3A_31 = tpu.memref_squeeze %dma_start3A_30 : memref<1x80x128xf32, #tpu.memory_space<vmem>> -> memref<80x128xf32, #tpu.memory_space<vmem>>
    %dma_start3A_32 = arith.constant 0 : i32
    %dma_start3A_33 = tpu.memref_slice %arg7[%dma_start3A_26, %dma_start3A_32] : memref<250x80xi32, #tpu.memory_space<vmem>> -> memref<1x80xi32, #tpu.memory_space<vmem>>
    %dma_start3A_34 = tpu.memref_squeeze %dma_start3A_33 : memref<1x80xi32, #tpu.memory_space<vmem>> -> memref<80xi32, #tpu.memory_space<vmem>>
    %dma_start3A_35 = arith.constant 0 : i32
    %dma_start3A_36 = arith.constant 0 : i32
    %dma_start3A_37 = tpu.memref_slice %arg4[%dma_start3A_35, %dma_start3A_36] : memref<10000x128xf32, #tpu.memory_space<hbm>> -> memref<10000x128xf32, #tpu.memory_space<hbm>>
    tpu.enqueue_indirect_dma source(%dma_start3A_37 : memref<10000x128xf32, #tpu.memory_space<hbm>>) target(%dma_start3A_31 : memref<80x128xf32, #tpu.memory_space<vmem>>) offsets(%dma_start3A_34 : memref<80xi32, #tpu.memory_space<vmem>>) semaphore(%arg12 : memref<!tpu.dma_semaphore, #tpu.memory_space<semaphore_mem>>)
    %scan3A = arith.constant 0 : i32
    %scan3A_38 = arith.constant 0 : i32
    %scan3A_39 = arith.constant 125 : i32
    %scan3A_40 = arith.addi %scan3A_38, %scan3A_39 : i32
    %scan3A_41 = arith.constant 1 : i32
    scf.for %scan3A_91 = %scan3A_38 to %scan3A_40 step %scan3A_41  : i32 {
      %mul3A_92 = arith.constant 2 : i32
      %mul3A_93 = arith.muli %scan3A_91, %mul3A_92 : i32
      %add3A_94 = arith.constant 0 : i32
      %add3A_95 = arith.addi %mul3A_93, %add3A_94 : i32
      %dma_wait3A_96 = arith.constant 0 : i32
      %dma_wait3A_97 = arith.constant 0 : i32
      %dma_wait3A_98 = arith.constant 0 : i32
      %dma_wait3A_99 = tpu.memref_slice %arg9[%dma_wait3A_96, %dma_wait3A_97, %dma_wait3A_98] : memref<2x80x128xf32, #tpu.memory_space<vmem>> -> memref<1x80x128xf32, #tpu.memory_space<vmem>>
      %dma_wait3A_100 = tpu.memref_squeeze %dma_wait3A_99 : memref<1x80x128xf32, #tpu.memory_space<vmem>> -> memref<80x128xf32, #tpu.memory_space<vmem>>
      %dma_wait3A_101 = arith.constant 0 : i32
      %dma_wait3A_102 = tpu.memref_slice %arg7[%add3A_95, %dma_wait3A_101] : memref<250x80xi32, #tpu.memory_space<vmem>> -> memref<1x80xi32, #tpu.memory_space<vmem>>
      %dma_wait3A_103 = tpu.memref_squeeze %dma_wait3A_102 : memref<1x80xi32, #tpu.memory_space<vmem>> -> memref<80xi32, #tpu.memory_space<vmem>>
      %dma_wait3A_104 = arith.constant 0 : i32
      %dma_wait3A_105 = arith.constant 0 : i32
      %dma_wait3A_106 = tpu.memref_slice %arg4[%dma_wait3A_104, %dma_wait3A_105] : memref<10000x128xf32, #tpu.memory_space<hbm>> -> memref<10000x128xf32, #tpu.memory_space<hbm>>
      tpu.wait_indirect_dma semaphore(%arg11 : memref<!tpu.dma_semaphore, #tpu.memory_space<semaphore_mem>>) src(%dma_wait3A_106 : memref<10000x128xf32, #tpu.memory_space<hbm>>) dst(%dma_wait3A_100 : memref<80x128xf32, #tpu.memory_space<vmem>>)
      %run_scoped3A_107 = arith.constant 0 : i32
      "tpu.region"() ({
        %run_scoped3A_153 = tpu.sem_alloc : memref<!tpu.dma_semaphore, #tpu.memory_space<semaphore_mem>>
        %dma_start3A_154 = arith.constant 0 : i32
        %dma_start3A_155 = arith.constant 0 : i32
        %dma_start3A_156 = tpu.memref_slice %arg9[%run_scoped3A_107, %dma_start3A_154, %dma_start3A_155] : memref<2x80x128xf32, #tpu.memory_space<vmem>> -> memref<1x80x128xf32, #tpu.memory_space<vmem>>
        %dma_start3A_157 = tpu.memref_squeeze %dma_start3A_156 : memref<1x80x128xf32, #tpu.memory_space<vmem>> -> memref<80x128xf32, #tpu.memory_space<vmem>>
        %dma_start3A_158 = arith.constant 0 : i32
        %dma_start3A_159 = tpu.memref_slice %arg8[%add3A_95, %dma_start3A_158] : memref<250x80xi32, #tpu.memory_space<vmem>> -> memref<1x80xi32, #tpu.memory_space<vmem>>
        %dma_start3A_160 = tpu.memref_squeeze %dma_start3A_159 : memref<1x80xi32, #tpu.memory_space<vmem>> -> memref<80xi32, #tpu.memory_space<vmem>>
        %dma_start3A_161 = arith.constant 0 : i32
        %dma_start3A_162 = arith.constant 0 : i32
        %dma_start3A_163 = tpu.memref_slice %arg10[%dma_start3A_161, %dma_start3A_162] : memref<5200x128xf32, #tpu.memory_space<vmem_shared>> -> memref<5200x128xf32, #tpu.memory_space<vmem_shared>>
        tpu.enqueue_indirect_dma source(%dma_start3A_157 : memref<80x128xf32, #tpu.memory_space<vmem>>) target(%dma_start3A_163 : memref<5200x128xf32, #tpu.memory_space<vmem_shared>>) offsets(%dma_start3A_160 : memref<80xi32, #tpu.memory_space<vmem>>) semaphore(%run_scoped3A_153 : memref<!tpu.dma_semaphore, #tpu.memory_space<semaphore_mem>>) {add = true}
        %dma_wait3A_164 = arith.constant 0 : i32
        %dma_wait3A_165 = arith.constant 0 : i32
        %dma_wait3A_166 = tpu.memref_slice %arg9[%run_scoped3A_107, %dma_wait3A_164, %dma_wait3A_165] : memref<2x80x128xf32, #tpu.memory_space<vmem>> -> memref<1x80x128xf32, #tpu.memory_space<vmem>>
        %dma_wait3A_167 = tpu.memref_squeeze %dma_wait3A_166 : memref<1x80x128xf32, #tpu.memory_space<vmem>> -> memref<80x128xf32, #tpu.memory_space<vmem>>
        %dma_wait3A_168 = arith.constant 0 : i32
        %dma_wait3A_169 = tpu.memref_slice %arg8[%add3A_95, %dma_wait3A_168] : memref<250x80xi32, #tpu.memory_space<vmem>> -> memref<1x80xi32, #tpu.memory_space<vmem>>
        %dma_wait3A_170 = tpu.memref_squeeze %dma_wait3A_169 : memref<1x80xi32, #tpu.memory_space<vmem>> -> memref<80xi32, #tpu.memory_space<vmem>>
        %dma_wait3A_171 = arith.constant 0 : i32
        %dma_wait3A_172 = arith.constant 0 : i32
        %dma_wait3A_173 = tpu.memref_slice %arg10[%dma_wait3A_171, %dma_wait3A_172] : memref<5200x128xf32, #tpu.memory_space<vmem_shared>> -> memref<5200x128xf32, #tpu.memory_space<vmem_shared>>
        tpu.wait_indirect_dma semaphore(%run_scoped3A_153 : memref<!tpu.dma_semaphore, #tpu.memory_space<semaphore_mem>>) src(%dma_wait3A_167 : memref<80x128xf32, #tpu.memory_space<vmem>>) dst(%dma_wait3A_173 : memref<5200x128xf32, #tpu.memory_space<vmem_shared>>)
        tpu.yield
      }) : () -> ()
      %add3A_108 = arith.constant 2 : i32
      %add3A_109 = arith.addi %add3A_95, %add3A_108 : i32
      %min3A = arith.constant 249 : i32
      %min3A_110 = arith.minsi %add3A_109, %min3A : i32
      %dma_start3A_111 = arith.constant 0 : i32
      %dma_start3A_112 = arith.constant 0 : i32
      %dma_start3A_113 = arith.constant 0 : i32
      %dma_start3A_114 = tpu.memref_slice %arg9[%dma_start3A_111, %dma_start3A_112, %dma_start3A_113] : memref<2x80x128xf32, #tpu.memory_space<vmem>> -> memref<1x80x128xf32, #tpu.memory_space<vmem>>
      %dma_start3A_115 = tpu.memref_squeeze %dma_start3A_114 : memref<1x80x128xf32, #tpu.memory_space<vmem>> -> memref<80x128xf32, #tpu.memory_space<vmem>>
      %dma_start3A_116 = arith.constant 0 : i32
      %dma_start3A_117 = tpu.memref_slice %arg7[%min3A_110, %dma_start3A_116] : memref<250x80xi32, #tpu.memory_space<vmem>> -> memref<1x80xi32, #tpu.memory_space<vmem>>
      %dma_start3A_118 = tpu.memref_squeeze %dma_start3A_117 : memref<1x80xi32, #tpu.memory_space<vmem>> -> memref<80xi32, #tpu.memory_space<vmem>>
      %dma_start3A_119 = arith.constant 0 : i32
      %dma_start3A_120 = arith.constant 0 : i32
      %dma_start3A_121 = tpu.memref_slice %arg4[%dma_start3A_119, %dma_start3A_120] : memref<10000x128xf32, #tpu.memory_space<hbm>> -> memref<10000x128xf32, #tpu.memory_space<hbm>>
      tpu.enqueue_indirect_dma source(%dma_start3A_121 : memref<10000x128xf32, #tpu.memory_space<hbm>>) target(%dma_start3A_115 : memref<80x128xf32, #tpu.memory_space<vmem>>) offsets(%dma_start3A_118 : memref<80xi32, #tpu.memory_space<vmem>>) semaphore(%arg11 : memref<!tpu.dma_semaphore, #tpu.memory_space<semaphore_mem>>)
      %mul3A_122 = arith.constant 2 : i32
      %mul3A_123 = arith.muli %scan3A_91, %mul3A_122 : i32
      %add3A_124 = arith.constant 1 : i32
      %add3A_125 = arith.addi %mul3A_123, %add3A_124 : i32
      %dma_wait3A_126 = arith.constant 1 : i32
      %dma_wait3A_127 = arith.constant 0 : i32
      %dma_wait3A_128 = arith.constant 0 : i32
      %dma_wait3A_129 = tpu.memref_slice %arg9[%dma_wait3A_126, %dma_wait3A_127, %dma_wait3A_128] : memref<2x80x128xf32, #tpu.memory_space<vmem>> -> memref<1x80x128xf32, #tpu.memory_space<vmem>>
      %dma_wait3A_130 = tpu.memref_squeeze %dma_wait3A_129 : memref<1x80x128xf32, #tpu.memory_space<vmem>> -> memref<80x128xf32, #tpu.memory_space<vmem>>
      %dma_wait3A_131 = arith.constant 0 : i32
      %dma_wait3A_132 = tpu.memref_slice %arg7[%add3A_125, %dma_wait3A_131] : memref<250x80xi32, #tpu.memory_space<vmem>> -> memref<1x80xi32, #tpu.memory_space<vmem>>
      %dma_wait3A_133 = tpu.memref_squeeze %dma_wait3A_132 : memref<1x80xi32, #tpu.memory_space<vmem>> -> memref<80xi32, #tpu.memory_space<vmem>>
      %dma_wait3A_134 = arith.constant 0 : i32
      %dma_wait3A_135 = arith.constant 0 : i32
      %dma_wait3A_136 = tpu.memref_slice %arg4[%dma_wait3A_134, %dma_wait3A_135] : memref<10000x128xf32, #tpu.memory_space<hbm>> -> memref<10000x128xf32, #tpu.memory_space<hbm>>
      tpu.wait_indirect_dma semaphore(%arg12 : memref<!tpu.dma_semaphore, #tpu.memory_space<semaphore_mem>>) src(%dma_wait3A_136 : memref<10000x128xf32, #tpu.memory_space<hbm>>) dst(%dma_wait3A_130 : memref<80x128xf32, #tpu.memory_space<vmem>>)
      %run_scoped3A_137 = arith.constant 1 : i32
      "tpu.region"() ({
        %run_scoped3A_153 = tpu.sem_alloc : memref<!tpu.dma_semaphore, #tpu.memory_space<semaphore_mem>>
        %dma_start3A_154 = arith.constant 0 : i32
        %dma_start3A_155 = arith.constant 0 : i32
        %dma_start3A_156 = tpu.memref_slice %arg9[%run_scoped3A_137, %dma_start3A_154, %dma_start3A_155] : memref<2x80x128xf32, #tpu.memory_space<vmem>> -> memref<1x80x128xf32, #tpu.memory_space<vmem>>
        %dma_start3A_157 = tpu.memref_squeeze %dma_start3A_156 : memref<1x80x128xf32, #tpu.memory_space<vmem>> -> memref<80x128xf32, #tpu.memory_space<vmem>>
        %dma_start3A_158 = arith.constant 0 : i32
        %dma_start3A_159 = tpu.memref_slice %arg8[%add3A_125, %dma_start3A_158] : memref<250x80xi32, #tpu.memory_space<vmem>> -> memref<1x80xi32, #tpu.memory_space<vmem>>
        %dma_start3A_160 = tpu.memref_squeeze %dma_start3A_159 : memref<1x80xi32, #tpu.memory_space<vmem>> -> memref<80xi32, #tpu.memory_space<vmem>>
        %dma_start3A_161 = arith.constant 0 : i32
        %dma_start3A_162 = arith.constant 0 : i32
        %dma_start3A_163 = tpu.memref_slice %arg10[%dma_start3A_161, %dma_start3A_162] : memref<5200x128xf32, #tpu.memory_space<vmem_shared>> -> memref<5200x128xf32, #tpu.memory_space<vmem_shared>>
        tpu.enqueue_indirect_dma source(%dma_start3A_157 : memref<80x128xf32, #tpu.memory_space<vmem>>) target(%dma_start3A_163 : memref<5200x128xf32, #tpu.memory_space<vmem_shared>>) offsets(%dma_start3A_160 : memref<80xi32, #tpu.memory_space<vmem>>) semaphore(%run_scoped3A_153 : memref<!tpu.dma_semaphore, #tpu.memory_space<semaphore_mem>>) {add = true}
        %dma_wait3A_164 = arith.constant 0 : i32
        %dma_wait3A_165 = arith.constant 0 : i32
        %dma_wait3A_166 = tpu.memref_slice %arg9[%run_scoped3A_137, %dma_wait3A_164, %dma_wait3A_165] : memref<2x80x128xf32, #tpu.memory_space<vmem>> -> memref<1x80x128xf32, #tpu.memory_space<vmem>>
        %dma_wait3A_167 = tpu.memref_squeeze %dma_wait3A_166 : memref<1x80x128xf32, #tpu.memory_space<vmem>> -> memref<80x128xf32, #tpu.memory_space<vmem>>
        %dma_wait3A_168 = arith.constant 0 : i32
        %dma_wait3A_169 = tpu.memref_slice %arg8[%add3A_125, %dma_wait3A_168] : memref<250x80xi32, #tpu.memory_space<vmem>> -> memref<1x80xi32, #tpu.memory_space<vmem>>
        %dma_wait3A_170 = tpu.memref_squeeze %dma_wait3A_169 : memref<1x80xi32, #tpu.memory_space<vmem>> -> memref<80xi32, #tpu.memory_space<vmem>>
        %dma_wait3A_171 = arith.constant 0 : i32
        %dma_wait3A_172 = arith.constant 0 : i32
        %dma_wait3A_173 = tpu.memref_slice %arg10[%dma_wait3A_171, %dma_wait3A_172] : memref<5200x128xf32, #tpu.memory_space<vmem_shared>> -> memref<5200x128xf32, #tpu.memory_space<vmem_shared>>
        tpu.wait_indirect_dma semaphore(%run_scoped3A_153 : memref<!tpu.dma_semaphore, #tpu.memory_space<semaphore_mem>>) src(%dma_wait3A_167 : memref<80x128xf32, #tpu.memory_space<vmem>>) dst(%dma_wait3A_173 : memref<5200x128xf32, #tpu.memory_space<vmem_shared>>)
        tpu.yield
      }) : () -> ()
      %add3A_138 = arith.constant 2 : i32
      %add3A_139 = arith.addi %add3A_125, %add3A_138 : i32
      %min3A_140 = arith.constant 249 : i32
      %min3A_141 = arith.minsi %add3A_139, %min3A_140 : i32
      %dma_start3A_142 = arith.constant 1 : i32
      %dma_start3A_143 = arith.constant 0 : i32
      %dma_start3A_144 = arith.constant 0 : i32
      %dma_start3A_145 = tpu.memref_slice %arg9[%dma_start3A_142, %dma_start3A_143, %dma_start3A_144] : memref<2x80x128xf32, #tpu.memory_space<vmem>> -> memref<1x80x128xf32, #tpu.memory_space<vmem>>
      %dma_start3A_146 = tpu.memref_squeeze %dma_start3A_145 : memref<1x80x128xf32, #tpu.memory_space<vmem>> -> memref<80x128xf32, #tpu.memory_space<vmem>>
      %dma_start3A_147 = arith.constant 0 : i32
      %dma_start3A_148 = tpu.memref_slice %arg7[%min3A_141, %dma_start3A_147] : memref<250x80xi32, #tpu.memory_space<vmem>> -> memref<1x80xi32, #tpu.memory_space<vmem>>
      %dma_start3A_149 = tpu.memref_squeeze %dma_start3A_148 : memref<1x80xi32, #tpu.memory_space<vmem>> -> memref<80xi32, #tpu.memory_space<vmem>>
      %dma_start3A_150 = arith.constant 0 : i32
      %dma_start3A_151 = arith.constant 0 : i32
      %dma_start3A_152 = tpu.memref_slice %arg4[%dma_start3A_150, %dma_start3A_151] : memref<10000x128xf32, #tpu.memory_space<hbm>> -> memref<10000x128xf32, #tpu.memory_space<hbm>>
      tpu.enqueue_indirect_dma source(%dma_start3A_152 : memref<10000x128xf32, #tpu.memory_space<hbm>>) target(%dma_start3A_146 : memref<80x128xf32, #tpu.memory_space<vmem>>) offsets(%dma_start3A_149 : memref<80xi32, #tpu.memory_space<vmem>>) semaphore(%arg12 : memref<!tpu.dma_semaphore, #tpu.memory_space<semaphore_mem>>)
    }
    %scan3A_42 = arith.constant 125 : i32
    %dma_wait3A = arith.constant 249 : i32
    %dma_wait3A_43 = arith.constant 0 : i32
    %dma_wait3A_44 = arith.constant 0 : i32
    %dma_wait3A_45 = arith.constant 0 : i32
    %dma_wait3A_46 = tpu.memref_slice %arg9[%dma_wait3A_43, %dma_wait3A_44, %dma_wait3A_45] : memref<2x80x128xf32, #tpu.memory_space<vmem>> -> memref<1x80x128xf32, #tpu.memory_space<vmem>>
    %dma_wait3A_47 = tpu.memref_squeeze %dma_wait3A_46 : memref<1x80x128xf32, #tpu.memory_space<vmem>> -> memref<80x128xf32, #tpu.memory_space<vmem>>
    %dma_wait3A_48 = arith.constant 0 : i32
    %dma_wait3A_49 = tpu.memref_slice %arg7[%dma_wait3A, %dma_wait3A_48] : memref<250x80xi32, #tpu.memory_space<vmem>> -> memref<1x80xi32, #tpu.memory_space<vmem>>
    %dma_wait3A_50 = tpu.memref_squeeze %dma_wait3A_49 : memref<1x80xi32, #tpu.memory_space<vmem>> -> memref<80xi32, #tpu.memory_space<vmem>>
    %dma_wait3A_51 = arith.constant 0 : i32
    %dma_wait3A_52 = arith.constant 0 : i32
    %dma_wait3A_53 = tpu.memref_slice %arg4[%dma_wait3A_51, %dma_wait3A_52] : memref<10000x128xf32, #tpu.memory_space<hbm>> -> memref<10000x128xf32, #tpu.memory_space<hbm>>
    tpu.wait_indirect_dma semaphore(%arg11 : memref<!tpu.dma_semaphore, #tpu.memory_space<semaphore_mem>>) src(%dma_wait3A_53 : memref<10000x128xf32, #tpu.memory_space<hbm>>) dst(%dma_wait3A_47 : memref<80x128xf32, #tpu.memory_space<vmem>>)
    %dma_wait3A_54 = arith.constant 249 : i32
    %dma_wait3A_55 = arith.constant 1 : i32
    %dma_wait3A_56 = arith.constant 0 : i32
    %dma_wait3A_57 = arith.constant 0 : i32
    %dma_wait3A_58 = tpu.memref_slice %arg9[%dma_wait3A_55, %dma_wait3A_56, %dma_wait3A_57] : memref<2x80x128xf32, #tpu.memory_space<vmem>> -> memref<1x80x128xf32, #tpu.memory_space<vmem>>
    %dma_wait3A_59 = tpu.memref_squeeze %dma_wait3A_58 : memref<1x80x128xf32, #tpu.memory_space<vmem>> -> memref<80x128xf32, #tpu.memory_space<vmem>>
    %dma_wait3A_60 = arith.constant 0 : i32
    %dma_wait3A_61 = tpu.memref_slice %arg7[%dma_wait3A_54, %dma_wait3A_60] : memref<250x80xi32, #tpu.memory_space<vmem>> -> memref<1x80xi32, #tpu.memory_space<vmem>>
    %dma_wait3A_62 = tpu.memref_squeeze %dma_wait3A_61 : memref<1x80xi32, #tpu.memory_space<vmem>> -> memref<80xi32, #tpu.memory_space<vmem>>
    %dma_wait3A_63 = arith.constant 0 : i32
    %dma_wait3A_64 = arith.constant 0 : i32
    %dma_wait3A_65 = tpu.memref_slice %arg4[%dma_wait3A_63, %dma_wait3A_64] : memref<10000x128xf32, #tpu.memory_space<hbm>> -> memref<10000x128xf32, #tpu.memory_space<hbm>>
    tpu.wait_indirect_dma semaphore(%arg12 : memref<!tpu.dma_semaphore, #tpu.memory_space<semaphore_mem>>) src(%dma_wait3A_65 : memref<10000x128xf32, #tpu.memory_space<hbm>>) dst(%dma_wait3A_59 : memref<80x128xf32, #tpu.memory_space<vmem>>)
    %barrier3A_66 = arith.constant 0 : index
    tpu.barrier barrier_id(%barrier3A_66)
    %add3A_67 = arith.constant 0 : i32
    %add3A_68 = arith.addi %mul3A_2, %add3A_67 : i32
    %run_scoped3A_69 = arith.constant 0 : i32
    "tpu.region"() ({
      %run_scoped3A_91 = tpu.sem_alloc : memref<!tpu.dma_semaphore, #tpu.memory_space<semaphore_mem>>
      %dma_start3A_92 = arith.constant 0 : i32
      %dma_start3A_93 = arith.constant 0 : i32
      %dma_start3A_94 = tpu.memref_slice %arg9[%run_scoped3A_69, %dma_start3A_92, %dma_start3A_93] : memref<2x80x128xf32, #tpu.memory_space<vmem>> -> memref<1x80x128xf32, #tpu.memory_space<vmem>>
      %dma_start3A_95 = tpu.memref_squeeze %dma_start3A_94 : memref<1x80x128xf32, #tpu.memory_space<vmem>> -> memref<80x128xf32, #tpu.memory_space<vmem>>
      %dma_start3A_96 = arith.constant 0 : i32
      %dma_start3A_97 = tpu.memref_slice %arg10[%add3A_68, %dma_start3A_96] : memref<5200x128xf32, #tpu.memory_space<vmem_shared>> -> memref<80x128xf32, #tpu.memory_space<vmem_shared>>
      %dma_start3A_98 = arith.constant 0 : i32
      %dma_start3A_99 = arith.constant 0 : i32
      %dma_start3A_100 = tpu.memref_slice %arg9[%run_scoped3A_69, %dma_start3A_98, %dma_start3A_99] : memref<2x80x128xf32, #tpu.memory_space<vmem>> -> memref<1x80x128xf32, #tpu.memory_space<vmem>>
      %dma_start3A_101 = tpu.memref_squeeze %dma_start3A_100 : memref<1x80x128xf32, #tpu.memory_space<vmem>> -> memref<80x128xf32, #tpu.memory_space<vmem>>
      %dma_start3A_102 = arith.constant 0 : i32
      %dma_start3A_103 = tpu.memref_slice %arg10[%add3A_68, %dma_start3A_102] : memref<5200x128xf32, #tpu.memory_space<vmem_shared>> -> memref<80x128xf32, #tpu.memory_space<vmem_shared>>
      tpu.enqueue_dma source(%dma_start3A_103 : memref<80x128xf32, #tpu.memory_space<vmem_shared>>) target(%dma_start3A_101 : memref<80x128xf32, #tpu.memory_space<vmem>>) target_semaphore(%run_scoped3A_91 : memref<!tpu.dma_semaphore, #tpu.memory_space<semaphore_mem>>)
      %dma_wait3A_104 = arith.constant 0 : i32
      %dma_wait3A_105 = arith.constant 0 : i32
      %dma_wait3A_106 = tpu.memref_slice %arg9[%run_scoped3A_69, %dma_wait3A_104, %dma_wait3A_105] : memref<2x80x128xf32, #tpu.memory_space<vmem>> -> memref<1x80x128xf32, #tpu.memory_space<vmem>>
      %dma_wait3A_107 = tpu.memref_squeeze %dma_wait3A_106 : memref<1x80x128xf32, #tpu.memory_space<vmem>> -> memref<80x128xf32, #tpu.memory_space<vmem>>
      %dma_wait3A_108 = arith.constant 0 : i32
      %dma_wait3A_109 = tpu.memref_slice %arg10[%add3A_68, %dma_wait3A_108] : memref<5200x128xf32, #tpu.memory_space<vmem_shared>> -> memref<80x128xf32, #tpu.memory_space<vmem_shared>>
      %dma_wait3A_110 = arith.constant 0 : i32
      %dma_wait3A_111 = arith.constant 0 : i32
      %dma_wait3A_112 = tpu.memref_slice %arg9[%run_scoped3A_69, %dma_wait3A_110, %dma_wait3A_111] : memref<2x80x128xf32, #tpu.memory_space<vmem>> -> memref<1x80x128xf32, #tpu.memory_space<vmem>>
      %dma_wait3A_113 = tpu.memref_squeeze %dma_wait3A_112 : memref<1x80x128xf32, #tpu.memory_space<vmem>> -> memref<80x128xf32, #tpu.memory_space<vmem>>
      %dma_wait3A_114 = arith.constant 0 : i32
      %dma_wait3A_115 = tpu.memref_slice %arg10[%add3A_68, %dma_wait3A_114] : memref<5200x128xf32, #tpu.memory_space<vmem_shared>> -> memref<80x128xf32, #tpu.memory_space<vmem_shared>>
      tpu.wait_dma2 semaphore(%run_scoped3A_91 : memref<!tpu.dma_semaphore, #tpu.memory_space<semaphore_mem>>) src(%dma_wait3A_115 : memref<80x128xf32, #tpu.memory_space<vmem_shared>>) dst(%dma_wait3A_113 : memref<80x128xf32, #tpu.memory_space<vmem>>)
      tpu.yield
    }) : () -> ()
    %add3A_70 = arith.constant 0 : i32
    %add3A_71 = arith.addi %mul3A_2, %add3A_70 : i32
    %run_scoped3A_72 = arith.constant 0 : i32
    "tpu.region"() ({
      %run_scoped3A_91 = tpu.sem_alloc : memref<!tpu.dma_semaphore, #tpu.memory_space<semaphore_mem>>
      %dma_start3A_92 = arith.constant 0 : i32
      %dma_start3A_93 = arith.constant 0 : i32
      %dma_start3A_94 = tpu.memref_slice %arg9[%run_scoped3A_72, %dma_start3A_92, %dma_start3A_93] : memref<2x80x128xf32, #tpu.memory_space<vmem>> -> memref<1x80x128xf32, #tpu.memory_space<vmem>>
      %dma_start3A_95 = tpu.memref_squeeze %dma_start3A_94 : memref<1x80x128xf32, #tpu.memory_space<vmem>> -> memref<80x128xf32, #tpu.memory_space<vmem>>
      %dma_start3A_96 = arith.constant 0 : i32
      %dma_start3A_97 = tpu.memref_slice %arg6[%arg0, %add3A_71, %dma_start3A_96] : memref<2x5120x128xf32, #tpu.memory_space<hbm>> -> memref<1x80x128xf32, #tpu.memory_space<hbm>>
      %dma_start3A_98 = tpu.memref_squeeze %dma_start3A_97 : memref<1x80x128xf32, #tpu.memory_space<hbm>> -> memref<80x128xf32, #tpu.memory_space<hbm>>
      %dma_start3A_99 = arith.constant 0 : i32
      %dma_start3A_100 = tpu.memref_slice %arg6[%arg0, %add3A_71, %dma_start3A_99] : memref<2x5120x128xf32, #tpu.memory_space<hbm>> -> memref<1x80x128xf32, #tpu.memory_space<hbm>>
      %dma_start3A_101 = tpu.memref_squeeze %dma_start3A_100 : memref<1x80x128xf32, #tpu.memory_space<hbm>> -> memref<80x128xf32, #tpu.memory_space<hbm>>
      %dma_start3A_102 = arith.constant 0 : i32
      %dma_start3A_103 = arith.constant 0 : i32
      %dma_start3A_104 = tpu.memref_slice %arg9[%run_scoped3A_72, %dma_start3A_102, %dma_start3A_103] : memref<2x80x128xf32, #tpu.memory_space<vmem>> -> memref<1x80x128xf32, #tpu.memory_space<vmem>>
      %dma_start3A_105 = tpu.memref_squeeze %dma_start3A_104 : memref<1x80x128xf32, #tpu.memory_space<vmem>> -> memref<80x128xf32, #tpu.memory_space<vmem>>
      tpu.enqueue_dma source(%dma_start3A_105 : memref<80x128xf32, #tpu.memory_space<vmem>>) target(%dma_start3A_101 : memref<80x128xf32, #tpu.memory_space<hbm>>) target_semaphore(%run_scoped3A_91 : memref<!tpu.dma_semaphore, #tpu.memory_space<semaphore_mem>>)
      %dma_wait3A_106 = arith.constant 0 : i32
      %dma_wait3A_107 = arith.constant 0 : i32
      %dma_wait3A_108 = tpu.memref_slice %arg9[%run_scoped3A_72, %dma_wait3A_106, %dma_wait3A_107] : memref<2x80x128xf32, #tpu.memory_space<vmem>> -> memref<1x80x128xf32, #tpu.memory_space<vmem>>
      %dma_wait3A_109 = tpu.memref_squeeze %dma_wait3A_108 : memref<1x80x128xf32, #tpu.memory_space<vmem>> -> memref<80x128xf32, #tpu.memory_space<vmem>>
      %dma_wait3A_110 = arith.constant 0 : i32
      %dma_wait3A_111 = tpu.memref_slice %arg6[%arg0, %add3A_71, %dma_wait3A_110] : memref<2x5120x128xf32, #tpu.memory_space<hbm>> -> memref<1x80x128xf32, #tpu.memory_space<hbm>>
      %dma_wait3A_112 = tpu.memref_squeeze %dma_wait3A_111 : memref<1x80x128xf32, #tpu.memory_space<hbm>> -> memref<80x128xf32, #tpu.memory_space<hbm>>
      %dma_wait3A_113 = arith.constant 0 : i32
      %dma_wait3A_114 = tpu.memref_slice %arg6[%arg0, %add3A_71, %dma_wait3A_113] : memref<2x5120x128xf32, #tpu.memory_space<hbm>> -> memref<1x80x128xf32, #tpu.memory_space<hbm>>
      %dma_wait3A_115 = tpu.memref_squeeze %dma_wait3A_114 : memref<1x80x128xf32, #tpu.memory_space<hbm>> -> memref<80x128xf32, #tpu.memory_space<hbm>>
      %dma_wait3A_116 = arith.constant 0 : i32
      %dma_wait3A_117 = arith.constant 0 : i32
      %dma_wait3A_118 = tpu.memref_slice %arg9[%run_scoped3A_72, %dma_wait3A_116, %dma_wait3A_117] : memref<2x80x128xf32, #tpu.memory_space<vmem>> -> memref<1x80x128xf32, #tpu.memory_space<vmem>>
      %dma_wait3A_119 = tpu.memref_squeeze %dma_wait3A_118 : memref<1x80x128xf32, #tpu.memory_space<vmem>> -> memref<80x128xf32, #tpu.memory_space<vmem>>
      tpu.wait_dma2 semaphore(%run_scoped3A_91 : memref<!tpu.dma_semaphore, #tpu.memory_space<semaphore_mem>>) src(%dma_wait3A_119 : memref<80x128xf32, #tpu.memory_space<vmem>>) dst(%dma_wait3A_115 : memref<80x128xf32, #tpu.memory_space<hbm>>)
      tpu.yield
    }) : () -> ()
    %add3A_73 = arith.constant 80 : i32
    %add3A_74 = arith.addi %mul3A_2, %add3A_73 : i32
    %run_scoped3A_75 = arith.constant 0 : i32
    "tpu.region"() ({
      %run_scoped3A_91 = tpu.sem_alloc : memref<!tpu.dma_semaphore, #tpu.memory_space<semaphore_mem>>
      %dma_start3A_92 = arith.constant 0 : i32
      %dma_start3A_93 = arith.constant 0 : i32
      %dma_start3A_94 = tpu.memref_slice %arg9[%run_scoped3A_75, %dma_start3A_92, %dma_start3A_93] : memref<2x80x128xf32, #tpu.memory_space<vmem>> -> memref<1x80x128xf32, #tpu.memory_space<vmem>>
      %dma_start3A_95 = tpu.memref_squeeze %dma_start3A_94 : memref<1x80x128xf32, #tpu.memory_space<vmem>> -> memref<80x128xf32, #tpu.memory_space<vmem>>
      %dma_start3A_96 = arith.constant 0 : i32
      %dma_start3A_97 = tpu.memref_slice %arg10[%add3A_74, %dma_start3A_96] : memref<5200x128xf32, #tpu.memory_space<vmem_shared>> -> memref<80x128xf32, #tpu.memory_space<vmem_shared>>
      %dma_start3A_98 = arith.constant 0 : i32
      %dma_start3A_99 = arith.constant 0 : i32
      %dma_start3A_100 = tpu.memref_slice %arg9[%run_scoped3A_75, %dma_start3A_98, %dma_start3A_99] : memref<2x80x128xf32, #tpu.memory_space<vmem>> -> memref<1x80x128xf32, #tpu.memory_space<vmem>>
      %dma_start3A_101 = tpu.memref_squeeze %dma_start3A_100 : memref<1x80x128xf32, #tpu.memory_space<vmem>> -> memref<80x128xf32, #tpu.memory_space<vmem>>
      %dma_start3A_102 = arith.constant 0 : i32
      %dma_start3A_103 = tpu.memref_slice %arg10[%add3A_74, %dma_start3A_102] : memref<5200x128xf32, #tpu.memory_space<vmem_shared>> -> memref<80x128xf32, #tpu.memory_space<vmem_shared>>
      tpu.enqueue_dma source(%dma_start3A_103 : memref<80x128xf32, #tpu.memory_space<vmem_shared>>) target(%dma_start3A_101 : memref<80x128xf32, #tpu.memory_space<vmem>>) target_semaphore(%run_scoped3A_91 : memref<!tpu.dma_semaphore, #tpu.memory_space<semaphore_mem>>)
      %dma_wait3A_104 = arith.constant 0 : i32
      %dma_wait3A_105 = arith.constant 0 : i32
      %dma_wait3A_106 = tpu.memref_slice %arg9[%run_scoped3A_75, %dma_wait3A_104, %dma_wait3A_105] : memref<2x80x128xf32, #tpu.memory_space<vmem>> -> memref<1x80x128xf32, #tpu.memory_space<vmem>>
      %dma_wait3A_107 = tpu.memref_squeeze %dma_wait3A_106 : memref<1x80x128xf32, #tpu.memory_space<vmem>> -> memref<80x128xf32, #tpu.memory_space<vmem>>
      %dma_wait3A_108 = arith.constant 0 : i32
      %dma_wait3A_109 = tpu.memref_slice %arg10[%add3A_74, %dma_wait3A_108] : memref<5200x128xf32, #tpu.memory_space<vmem_shared>> -> memref<80x128xf32, #tpu.memory_space<vmem_shared>>
      %dma_wait3A_110 = arith.constant 0 : i32
      %dma_wait3A_111 = arith.constant 0 : i32
      %dma_wait3A_112 = tpu.memref_slice %arg9[%run_scoped3A_75, %dma_wait3A_110, %dma_wait3A_111] : memref<2x80x128xf32, #tpu.memory_space<vmem>> -> memref<1x80x128xf32, #tpu.memory_space<vmem>>
      %dma_wait3A_113 = tpu.memref_squeeze %dma_wait3A_112 : memref<1x80x128xf32, #tpu.memory_space<vmem>> -> memref<80x128xf32, #tpu.memory_space<vmem>>
      %dma_wait3A_114 = arith.constant 0 : i32
      %dma_wait3A_115 = tpu.memref_slice %arg10[%add3A_74, %dma_wait3A_114] : memref<5200x128xf32, #tpu.memory_space<vmem_shared>> -> memref<80x128xf32, #tpu.memory_space<vmem_shared>>
      tpu.wait_dma2 semaphore(%run_scoped3A_91 : memref<!tpu.dma_semaphore, #tpu.memory_space<semaphore_mem>>) src(%dma_wait3A_115 : memref<80x128xf32, #tpu.memory_space<vmem_shared>>) dst(%dma_wait3A_113 : memref<80x128xf32, #tpu.memory_space<vmem>>)
      tpu.yield
    }) : () -> ()
    %add3A_76 = arith.constant 80 : i32
    %add3A_77 = arith.addi %mul3A_2, %add3A_76 : i32
    %run_scoped3A_78 = arith.constant 0 : i32
    "tpu.region"() ({
      %run_scoped3A_91 = tpu.sem_alloc : memref<!tpu.dma_semaphore, #tpu.memory_space<semaphore_mem>>
      %dma_start3A_92 = arith.constant 0 : i32
      %dma_start3A_93 = arith.constant 0 : i32
      %dma_start3A_94 = tpu.memref_slice %arg9[%run_scoped3A_78, %dma_start3A_92, %dma_start3A_93] : memref<2x80x128xf32, #tpu.memory_space<vmem>> -> memref<1x80x128xf32, #tpu.memory_space<vmem>>
      %dma_start3A_95 = tpu.memref_squeeze %dma_start3A_94 : memref<1x80x128xf32, #tpu.memory_space<vmem>> -> memref<80x128xf32, #tpu.memory_space<vmem>>
      %dma_start3A_96 = arith.constant 0 : i32
      %dma_start3A_97 = tpu.memref_slice %arg6[%arg0, %add3A_77, %dma_start3A_96] : memref<2x5120x128xf32, #tpu.memory_space<hbm>> -> memref<1x80x128xf32, #tpu.memory_space<hbm>>
      %dma_start3A_98 = tpu.memref_squeeze %dma_start3A_97 : memref<1x80x128xf32, #tpu.memory_space<hbm>> -> memref<80x128xf32, #tpu.memory_space<hbm>>
      %dma_start3A_99 = arith.constant 0 : i32
      %dma_start3A_100 = tpu.memref_slice %arg6[%arg0, %add3A_77, %dma_start3A_99] : memref<2x5120x128xf32, #tpu.memory_space<hbm>> -> memref<1x80x128xf32, #tpu.memory_space<hbm>>
      %dma_start3A_101 = tpu.memref_squeeze %dma_start3A_100 : memref<1x80x128xf32, #tpu.memory_space<hbm>> -> memref<80x128xf32, #tpu.memory_space<hbm>>
      %dma_start3A_102 = arith.constant 0 : i32
      %dma_start3A_103 = arith.constant 0 : i32
      %dma_start3A_104 = tpu.memref_slice %arg9[%run_scoped3A_78, %dma_start3A_102, %dma_start3A_103] : memref<2x80x128xf32, #tpu.memory_space<vmem>> -> memref<1x80x128xf32, #tpu.memory_space<vmem>>
      %dma_start3A_105 = tpu.memref_squeeze %dma_start3A_104 : memref<1x80x128xf32, #tpu.memory_space<vmem>> -> memref<80x128xf32, #tpu.memory_space<vmem>>
      tpu.enqueue_dma source(%dma_start3A_105 : memref<80x128xf32, #tpu.memory_space<vmem>>) target(%dma_start3A_101 : memref<80x128xf32, #tpu.memory_space<hbm>>) target_semaphore(%run_scoped3A_91 : memref<!tpu.dma_semaphore, #tpu.memory_space<semaphore_mem>>)
      %dma_wait3A_106 = arith.constant 0 : i32
      %dma_wait3A_107 = arith.constant 0 : i32
      %dma_wait3A_108 = tpu.memref_slice %arg9[%run_scoped3A_78, %dma_wait3A_106, %dma_wait3A_107] : memref<2x80x128xf32, #tpu.memory_space<vmem>> -> memref<1x80x128xf32, #tpu.memory_space<vmem>>
      %dma_wait3A_109 = tpu.memref_squeeze %dma_wait3A_108 : memref<1x80x128xf32, #tpu.memory_space<vmem>> -> memref<80x128xf32, #tpu.memory_space<vmem>>
      %dma_wait3A_110 = arith.constant 0 : i32
      %dma_wait3A_111 = tpu.memref_slice %arg6[%arg0, %add3A_77, %dma_wait3A_110] : memref<2x5120x128xf32, #tpu.memory_space<hbm>> -> memref<1x80x128xf32, #tpu.memory_space<hbm>>
      %dma_wait3A_112 = tpu.memref_squeeze %dma_wait3A_111 : memref<1x80x128xf32, #tpu.memory_space<hbm>> -> memref<80x128xf32, #tpu.memory_space<hbm>>
      %dma_wait3A_113 = arith.constant 0 : i32
      %dma_wait3A_114 = tpu.memref_slice %arg6[%arg0, %add3A_77, %dma_wait3A_113] : memref<2x5120x128xf32, #tpu.memory_space<hbm>> -> memref<1x80x128xf32, #tpu.memory_space<hbm>>
      %dma_wait3A_115 = tpu.memref_squeeze %dma_wait3A_114 : memref<1x80x128xf32, #tpu.memory_space<hbm>> -> memref<80x128xf32, #tpu.memory_space<hbm>>
      %dma_wait3A_116 = arith.constant 0 : i32
      %dma_wait3A_117 = arith.constant 0 : i32
      %dma_wait3A_118 = tpu.memref_slice %arg9[%run_scoped3A_78, %dma_wait3A_116, %dma_wait3A_117] : memref<2x80x128xf32, #tpu.memory_space<vmem>> -> memref<1x80x128xf32, #tpu.memory_space<vmem>>
      %dma_wait3A_119 = tpu.memref_squeeze %dma_wait3A_118 : memref<1x80x128xf32, #tpu.memory_space<vmem>> -> memref<80x128xf32, #tpu.memory_space<vmem>>
      tpu.wait_dma2 semaphore(%run_scoped3A_91 : memref<!tpu.dma_semaphore, #tpu.memory_space<semaphore_mem>>) src(%dma_wait3A_119 : memref<80x128xf32, #tpu.memory_space<vmem>>) dst(%dma_wait3A_115 : memref<80x128xf32, #tpu.memory_space<hbm>>)
      tpu.yield
    }) : () -> ()
    %add3A_79 = arith.constant 160 : i32
    %add3A_80 = arith.addi %mul3A_2, %add3A_79 : i32
    %run_scoped3A_81 = arith.constant 0 : i32
    "tpu.region"() ({
      %run_scoped3A_91 = tpu.sem_alloc : memref<!tpu.dma_semaphore, #tpu.memory_space<semaphore_mem>>
      %dma_start3A_92 = arith.constant 0 : i32
      %dma_start3A_93 = arith.constant 0 : i32
      %dma_start3A_94 = tpu.memref_slice %arg9[%run_scoped3A_81, %dma_start3A_92, %dma_start3A_93] : memref<2x80x128xf32, #tpu.memory_space<vmem>> -> memref<1x80x128xf32, #tpu.memory_space<vmem>>
      %dma_start3A_95 = tpu.memref_squeeze %dma_start3A_94 : memref<1x80x128xf32, #tpu.memory_space<vmem>> -> memref<80x128xf32, #tpu.memory_space<vmem>>
      %dma_start3A_96 = arith.constant 0 : i32
      %dma_start3A_97 = tpu.memref_slice %arg10[%add3A_80, %dma_start3A_96] : memref<5200x128xf32, #tpu.memory_space<vmem_shared>> -> memref<80x128xf32, #tpu.memory_space<vmem_shared>>
      %dma_start3A_98 = arith.constant 0 : i32
      %dma_start3A_99 = arith.constant 0 : i32
      %dma_start3A_100 = tpu.memref_slice %arg9[%run_scoped3A_81, %dma_start3A_98, %dma_start3A_99] : memref<2x80x128xf32, #tpu.memory_space<vmem>> -> memref<1x80x128xf32, #tpu.memory_space<vmem>>
      %dma_start3A_101 = tpu.memref_squeeze %dma_start3A_100 : memref<1x80x128xf32, #tpu.memory_space<vmem>> -> memref<80x128xf32, #tpu.memory_space<vmem>>
      %dma_start3A_102 = arith.constant 0 : i32
      %dma_start3A_103 = tpu.memref_slice %arg10[%add3A_80, %dma_start3A_102] : memref<5200x128xf32, #tpu.memory_space<vmem_shared>> -> memref<80x128xf32, #tpu.memory_space<vmem_shared>>
      tpu.enqueue_dma source(%dma_start3A_103 : memref<80x128xf32, #tpu.memory_space<vmem_shared>>) target(%dma_start3A_101 : memref<80x128xf32, #tpu.memory_space<vmem>>) target_semaphore(%run_scoped3A_91 : memref<!tpu.dma_semaphore, #tpu.memory_space<semaphore_mem>>)
      %dma_wait3A_104 = arith.constant 0 : i32
      %dma_wait3A_105 = arith.constant 0 : i32
      %dma_wait3A_106 = tpu.memref_slice %arg9[%run_scoped3A_81, %dma_wait3A_104, %dma_wait3A_105] : memref<2x80x128xf32, #tpu.memory_space<vmem>> -> memref<1x80x128xf32, #tpu.memory_space<vmem>>
      %dma_wait3A_107 = tpu.memref_squeeze %dma_wait3A_106 : memref<1x80x128xf32, #tpu.memory_space<vmem>> -> memref<80x128xf32, #tpu.memory_space<vmem>>
      %dma_wait3A_108 = arith.constant 0 : i32
      %dma_wait3A_109 = tpu.memref_slice %arg10[%add3A_80, %dma_wait3A_108] : memref<5200x128xf32, #tpu.memory_space<vmem_shared>> -> memref<80x128xf32, #tpu.memory_space<vmem_shared>>
      %dma_wait3A_110 = arith.constant 0 : i32
      %dma_wait3A_111 = arith.constant 0 : i32
      %dma_wait3A_112 = tpu.memref_slice %arg9[%run_scoped3A_81, %dma_wait3A_110, %dma_wait3A_111] : memref<2x80x128xf32, #tpu.memory_space<vmem>> -> memref<1x80x128xf32, #tpu.memory_space<vmem>>
      %dma_wait3A_113 = tpu.memref_squeeze %dma_wait3A_112 : memref<1x80x128xf32, #tpu.memory_space<vmem>> -> memref<80x128xf32, #tpu.memory_space<vmem>>
      %dma_wait3A_114 = arith.constant 0 : i32
      %dma_wait3A_115 = tpu.memref_slice %arg10[%add3A_80, %dma_wait3A_114] : memref<5200x128xf32, #tpu.memory_space<vmem_shared>> -> memref<80x128xf32, #tpu.memory_space<vmem_shared>>
      tpu.wait_dma2 semaphore(%run_scoped3A_91 : memref<!tpu.dma_semaphore, #tpu.memory_space<semaphore_mem>>) src(%dma_wait3A_115 : memref<80x128xf32, #tpu.memory_space<vmem_shared>>) dst(%dma_wait3A_113 : memref<80x128xf32, #tpu.memory_space<vmem>>)
      tpu.yield
    }) : () -> ()
    %add3A_82 = arith.constant 160 : i32
    %add3A_83 = arith.addi %mul3A_2, %add3A_82 : i32
    %run_scoped3A_84 = arith.constant 0 : i32
    "tpu.region"() ({
      %run_scoped3A_91 = tpu.sem_alloc : memref<!tpu.dma_semaphore, #tpu.memory_space<semaphore_mem>>
      %dma_start3A_92 = arith.constant 0 : i32
      %dma_start3A_93 = arith.constant 0 : i32
      %dma_start3A_94 = tpu.memref_slice %arg9[%run_scoped3A_84, %dma_start3A_92, %dma_start3A_93] : memref<2x80x128xf32, #tpu.memory_space<vmem>> -> memref<1x80x128xf32, #tpu.memory_space<vmem>>
      %dma_start3A_95 = tpu.memref_squeeze %dma_start3A_94 : memref<1x80x128xf32, #tpu.memory_space<vmem>> -> memref<80x128xf32, #tpu.memory_space<vmem>>
      %dma_start3A_96 = arith.constant 0 : i32
      %dma_start3A_97 = tpu.memref_slice %arg6[%arg0, %add3A_83, %dma_start3A_96] : memref<2x5120x128xf32, #tpu.memory_space<hbm>> -> memref<1x80x128xf32, #tpu.memory_space<hbm>>
      %dma_start3A_98 = tpu.memref_squeeze %dma_start3A_97 : memref<1x80x128xf32, #tpu.memory_space<hbm>> -> memref<80x128xf32, #tpu.memory_space<hbm>>
      %dma_start3A_99 = arith.constant 0 : i32
      %dma_start3A_100 = tpu.memref_slice %arg6[%arg0, %add3A_83, %dma_start3A_99] : memref<2x5120x128xf32, #tpu.memory_space<hbm>> -> memref<1x80x128xf32, #tpu.memory_space<hbm>>
      %dma_start3A_101 = tpu.memref_squeeze %dma_start3A_100 : memref<1x80x128xf32, #tpu.memory_space<hbm>> -> memref<80x128xf32, #tpu.memory_space<hbm>>
      %dma_start3A_102 = arith.constant 0 : i32
      %dma_start3A_103 = arith.constant 0 : i32
      %dma_start3A_104 = tpu.memref_slice %arg9[%run_scoped3A_84, %dma_start3A_102, %dma_start3A_103] : memref<2x80x128xf32, #tpu.memory_space<vmem>> -> memref<1x80x128xf32, #tpu.memory_space<vmem>>
      %dma_start3A_105 = tpu.memref_squeeze %dma_start3A_104 : memref<1x80x128xf32, #tpu.memory_space<vmem>> -> memref<80x128xf32, #tpu.memory_space<vmem>>
      tpu.enqueue_dma source(%dma_start3A_105 : memref<80x128xf32, #tpu.memory_space<vmem>>) target(%dma_start3A_101 : memref<80x128xf32, #tpu.memory_space<hbm>>) target_semaphore(%run_scoped3A_91 : memref<!tpu.dma_semaphore, #tpu.memory_space<semaphore_mem>>)
      %dma_wait3A_106 = arith.constant 0 : i32
      %dma_wait3A_107 = arith.constant 0 : i32
      %dma_wait3A_108 = tpu.memref_slice %arg9[%run_scoped3A_84, %dma_wait3A_106, %dma_wait3A_107] : memref<2x80x128xf32, #tpu.memory_space<vmem>> -> memref<1x80x128xf32, #tpu.memory_space<vmem>>
      %dma_wait3A_109 = tpu.memref_squeeze %dma_wait3A_108 : memref<1x80x128xf32, #tpu.memory_space<vmem>> -> memref<80x128xf32, #tpu.memory_space<vmem>>
      %dma_wait3A_110 = arith.constant 0 : i32
      %dma_wait3A_111 = tpu.memref_slice %arg6[%arg0, %add3A_83, %dma_wait3A_110] : memref<2x5120x128xf32, #tpu.memory_space<hbm>> -> memref<1x80x128xf32, #tpu.memory_space<hbm>>
      %dma_wait3A_112 = tpu.memref_squeeze %dma_wait3A_111 : memref<1x80x128xf32, #tpu.memory_space<hbm>> -> memref<80x128xf32, #tpu.memory_space<hbm>>
      %dma_wait3A_113 = arith.constant 0 : i32
      %dma_wait3A_114 = tpu.memref_slice %arg6[%arg0, %add3A_83, %dma_wait3A_113] : memref<2x5120x128xf32, #tpu.memory_space<hbm>> -> memref<1x80x128xf32, #tpu.memory_space<hbm>>
      %dma_wait3A_115 = tpu.memref_squeeze %dma_wait3A_114 : memref<1x80x128xf32, #tpu.memory_space<hbm>> -> memref<80x128xf32, #tpu.memory_space<hbm>>
      %dma_wait3A_116 = arith.constant 0 : i32
      %dma_wait3A_117 = arith.constant 0 : i32
      %dma_wait3A_118 = tpu.memref_slice %arg9[%run_scoped3A_84, %dma_wait3A_116, %dma_wait3A_117] : memref<2x80x128xf32, #tpu.memory_space<vmem>> -> memref<1x80x128xf32, #tpu.memory_space<vmem>>
      %dma_wait3A_119 = tpu.memref_squeeze %dma_wait3A_118 : memref<1x80x128xf32, #tpu.memory_space<vmem>> -> memref<80x128xf32, #tpu.memory_space<vmem>>
      tpu.wait_dma2 semaphore(%run_scoped3A_91 : memref<!tpu.dma_semaphore, #tpu.memory_space<semaphore_mem>>) src(%dma_wait3A_119 : memref<80x128xf32, #tpu.memory_space<vmem>>) dst(%dma_wait3A_115 : memref<80x128xf32, #tpu.memory_space<hbm>>)
      tpu.yield
    }) : () -> ()
    %add3A_85 = arith.constant 240 : i32
    %add3A_86 = arith.addi %mul3A_2, %add3A_85 : i32
    %run_scoped3A_87 = arith.constant 0 : i32
    "tpu.region"() ({
      %run_scoped3A_91 = tpu.sem_alloc : memref<!tpu.dma_semaphore, #tpu.memory_space<semaphore_mem>>
      %dma_start3A_92 = arith.constant 0 : i32
      %dma_start3A_93 = arith.constant 0 : i32
      %dma_start3A_94 = tpu.memref_slice %arg9[%run_scoped3A_87, %dma_start3A_92, %dma_start3A_93] : memref<2x80x128xf32, #tpu.memory_space<vmem>> -> memref<1x80x128xf32, #tpu.memory_space<vmem>>
      %dma_start3A_95 = tpu.memref_squeeze %dma_start3A_94 : memref<1x80x128xf32, #tpu.memory_space<vmem>> -> memref<80x128xf32, #tpu.memory_space<vmem>>
      %dma_start3A_96 = arith.constant 0 : i32
      %dma_start3A_97 = tpu.memref_slice %arg10[%add3A_86, %dma_start3A_96] : memref<5200x128xf32, #tpu.memory_space<vmem_shared>> -> memref<80x128xf32, #tpu.memory_space<vmem_shared>>
      %dma_start3A_98 = arith.constant 0 : i32
      %dma_start3A_99 = arith.constant 0 : i32
      %dma_start3A_100 = tpu.memref_slice %arg9[%run_scoped3A_87, %dma_start3A_98, %dma_start3A_99] : memref<2x80x128xf32, #tpu.memory_space<vmem>> -> memref<1x80x128xf32, #tpu.memory_space<vmem>>
      %dma_start3A_101 = tpu.memref_squeeze %dma_start3A_100 : memref<1x80x128xf32, #tpu.memory_space<vmem>> -> memref<80x128xf32, #tpu.memory_space<vmem>>
      %dma_start3A_102 = arith.constant 0 : i32
      %dma_start3A_103 = tpu.memref_slice %arg10[%add3A_86, %dma_start3A_102] : memref<5200x128xf32, #tpu.memory_space<vmem_shared>> -> memref<80x128xf32, #tpu.memory_space<vmem_shared>>
      tpu.enqueue_dma source(%dma_start3A_103 : memref<80x128xf32, #tpu.memory_space<vmem_shared>>) target(%dma_start3A_101 : memref<80x128xf32, #tpu.memory_space<vmem>>) target_semaphore(%run_scoped3A_91 : memref<!tpu.dma_semaphore, #tpu.memory_space<semaphore_mem>>)
      %dma_wait3A_104 = arith.constant 0 : i32
      %dma_wait3A_105 = arith.constant 0 : i32
      %dma_wait3A_106 = tpu.memref_slice %arg9[%run_scoped3A_87, %dma_wait3A_104, %dma_wait3A_105] : memref<2x80x128xf32, #tpu.memory_space<vmem>> -> memref<1x80x128xf32, #tpu.memory_space<vmem>>
      %dma_wait3A_107 = tpu.memref_squeeze %dma_wait3A_106 : memref<1x80x128xf32, #tpu.memory_space<vmem>> -> memref<80x128xf32, #tpu.memory_space<vmem>>
      %dma_wait3A_108 = arith.constant 0 : i32
      %dma_wait3A_109 = tpu.memref_slice %arg10[%add3A_86, %dma_wait3A_108] : memref<5200x128xf32, #tpu.memory_space<vmem_shared>> -> memref<80x128xf32, #tpu.memory_space<vmem_shared>>
      %dma_wait3A_110 = arith.constant 0 : i32
      %dma_wait3A_111 = arith.constant 0 : i32
      %dma_wait3A_112 = tpu.memref_slice %arg9[%run_scoped3A_87, %dma_wait3A_110, %dma_wait3A_111] : memref<2x80x128xf32, #tpu.memory_space<vmem>> -> memref<1x80x128xf32, #tpu.memory_space<vmem>>
      %dma_wait3A_113 = tpu.memref_squeeze %dma_wait3A_112 : memref<1x80x128xf32, #tpu.memory_space<vmem>> -> memref<80x128xf32, #tpu.memory_space<vmem>>
      %dma_wait3A_114 = arith.constant 0 : i32
      %dma_wait3A_115 = tpu.memref_slice %arg10[%add3A_86, %dma_wait3A_114] : memref<5200x128xf32, #tpu.memory_space<vmem_shared>> -> memref<80x128xf32, #tpu.memory_space<vmem_shared>>
      tpu.wait_dma2 semaphore(%run_scoped3A_91 : memref<!tpu.dma_semaphore, #tpu.memory_space<semaphore_mem>>) src(%dma_wait3A_115 : memref<80x128xf32, #tpu.memory_space<vmem_shared>>) dst(%dma_wait3A_113 : memref<80x128xf32, #tpu.memory_space<vmem>>)
      tpu.yield
    }) : () -> ()
    %add3A_88 = arith.constant 240 : i32
    %add3A_89 = arith.addi %mul3A_2, %add3A_88 : i32
    %run_scoped3A_90 = arith.constant 0 : i32
    "tpu.region"() ({
      %run_scoped3A_91 = tpu.sem_alloc : memref<!tpu.dma_semaphore, #tpu.memory_space<semaphore_mem>>
      %dma_start3A_92 = arith.constant 0 : i32
      %dma_start3A_93 = arith.constant 0 : i32
      %dma_start3A_94 = tpu.memref_slice %arg9[%run_scoped3A_90, %dma_start3A_92, %dma_start3A_93] : memref<2x80x128xf32, #tpu.memory_space<vmem>> -> memref<1x80x128xf32, #tpu.memory_space<vmem>>
      %dma_start3A_95 = tpu.memref_squeeze %dma_start3A_94 : memref<1x80x128xf32, #tpu.memory_space<vmem>> -> memref<80x128xf32, #tpu.memory_space<vmem>>
      %dma_start3A_96 = arith.constant 0 : i32
      %dma_start3A_97 = tpu.memref_slice %arg6[%arg0, %add3A_89, %dma_start3A_96] : memref<2x5120x128xf32, #tpu.memory_space<hbm>> -> memref<1x80x128xf32, #tpu.memory_space<hbm>>
      %dma_start3A_98 = tpu.memref_squeeze %dma_start3A_97 : memref<1x80x128xf32, #tpu.memory_space<hbm>> -> memref<80x128xf32, #tpu.memory_space<hbm>>
      %dma_start3A_99 = arith.constant 0 : i32
      %dma_start3A_100 = tpu.memref_slice %arg6[%arg0, %add3A_89, %dma_start3A_99] : memref<2x5120x128xf32, #tpu.memory_space<hbm>> -> memref<1x80x128xf32, #tpu.memory_space<hbm>>
      %dma_start3A_101 = tpu.memref_squeeze %dma_start3A_100 : memref<1x80x128xf32, #tpu.memory_space<hbm>> -> memref<80x128xf32, #tpu.memory_space<hbm>>
      %dma_start3A_102 = arith.constant 0 : i32
      %dma_start3A_103 = arith.constant 0 : i32
      %dma_start3A_104 = tpu.memref_slice %arg9[%run_scoped3A_90, %dma_start3A_102, %dma_start3A_103] : memref<2x80x128xf32, #tpu.memory_space<vmem>> -> memref<1x80x128xf32, #tpu.memory_space<vmem>>
      %dma_start3A_105 = tpu.memref_squeeze %dma_start3A_104 : memref<1x80x128xf32, #tpu.memory_space<vmem>> -> memref<80x128xf32, #tpu.memory_space<vmem>>
      tpu.enqueue_dma source(%dma_start3A_105 : memref<80x128xf32, #tpu.memory_space<vmem>>) target(%dma_start3A_101 : memref<80x128xf32, #tpu.memory_space<hbm>>) target_semaphore(%run_scoped3A_91 : memref<!tpu.dma_semaphore, #tpu.memory_space<semaphore_mem>>)
      %dma_wait3A_106 = arith.constant 0 : i32
      %dma_wait3A_107 = arith.constant 0 : i32
      %dma_wait3A_108 = tpu.memref_slice %arg9[%run_scoped3A_90, %dma_wait3A_106, %dma_wait3A_107] : memref<2x80x128xf32, #tpu.memory_space<vmem>> -> memref<1x80x128xf32, #tpu.memory_space<vmem>>
      %dma_wait3A_109 = tpu.memref_squeeze %dma_wait3A_108 : memref<1x80x128xf32, #tpu.memory_space<vmem>> -> memref<80x128xf32, #tpu.memory_space<vmem>>
      %dma_wait3A_110 = arith.constant 0 : i32
      %dma_wait3A_111 = tpu.memref_slice %arg6[%arg0, %add3A_89, %dma_wait3A_110] : memref<2x5120x128xf32, #tpu.memory_space<hbm>> -> memref<1x80x128xf32, #tpu.memory_space<hbm>>
      %dma_wait3A_112 = tpu.memref_squeeze %dma_wait3A_111 : memref<1x80x128xf32, #tpu.memory_space<hbm>> -> memref<80x128xf32, #tpu.memory_space<hbm>>
      %dma_wait3A_113 = arith.constant 0 : i32
      %dma_wait3A_114 = tpu.memref_slice %arg6[%arg0, %add3A_89, %dma_wait3A_113] : memref<2x5120x128xf32, #tpu.memory_space<hbm>> -> memref<1x80x128xf32, #tpu.memory_space<hbm>>
      %dma_wait3A_115 = tpu.memref_squeeze %dma_wait3A_114 : memref<1x80x128xf32, #tpu.memory_space<hbm>> -> memref<80x128xf32, #tpu.memory_space<hbm>>
      %dma_wait3A_116 = arith.constant 0 : i32
      %dma_wait3A_117 = arith.constant 0 : i32
      %dma_wait3A_118 = tpu.memref_slice %arg9[%run_scoped3A_90, %dma_wait3A_116, %dma_wait3A_117] : memref<2x80x128xf32, #tpu.memory_space<vmem>> -> memref<1x80x128xf32, #tpu.memory_space<vmem>>
      %dma_wait3A_119 = tpu.memref_squeeze %dma_wait3A_118 : memref<1x80x128xf32, #tpu.memory_space<vmem>> -> memref<80x128xf32, #tpu.memory_space<vmem>>
      tpu.wait_dma2 semaphore(%run_scoped3A_91 : memref<!tpu.dma_semaphore, #tpu.memory_space<semaphore_mem>>) src(%dma_wait3A_119 : memref<80x128xf32, #tpu.memory_space<vmem>>) dst(%dma_wait3A_115 : memref<80x128xf32, #tpu.memory_space<hbm>>)
      tpu.yield
    }) : () -> ()
    return
  }
}

#map = affine_map<(d0, d1) -> (0, 0, 0)>
#map1 = affine_map<(d0, d1) -> (0, 0)>
module attributes {stable_mosaic.version = 14 : i64} {
  func.func @_sc_segsum_body(%arg0: i32, %arg1: i32, %arg2: memref<32x250x80xi32, #tpu.memory_space<hbm>>, %arg3: memref<32x250x80xi32, #tpu.memory_space<hbm>>, %arg4: memref<10000x128xf32, #tpu.memory_space<hbm>>, %arg5: memref<80x128xf32, #tpu.memory_space<hbm>>, %arg6: memref<2x5120x128xf32, #tpu.memory_space<hbm>>, %arg7: memref<250x80xi32, #tpu.memory_space<vmem>>, %arg8: memref<250x80xi32, #tpu.memory_space<vmem>>, %arg9: memref<2x80x128xf32, #tpu.memory_space<vmem>>, %arg10: memref<5200x128xf32, #tpu.memory_space<vmem_shared>>, %arg11: memref<!tpu.dma_semaphore, #tpu.memory_space<semaphore_mem>>, %arg12: memref<!tpu.dma_semaphore, #tpu.memory_space<semaphore_mem>>) attributes {dimension_semantics = [#tpu.dimension_semantics<core_parallel>, #tpu.dimension_semantics<subcore_parallel>], iteration_bounds = array<i64: 2, 16>, scalar_prefetch = 0 : i64, scratch_operands = 6 : i64, tpu.core_type = #tpu.core_type<sc_vector_subcore>, window_params = [{transform_indices = #map}, {transform_indices = #map}, {transform_indices = #map1}, {transform_indices = #map1}, {transform_indices = #map}]} {
    %mul3A = arith.constant 16 : i32
    %mul3A_0 = arith.muli %arg0, %mul3A : i32
    %add3A = arith.addi %mul3A_0, %arg1 : i32
    "tpu.region"() ({
      %run_scoped3A_91 = tpu.sem_alloc : memref<!tpu.dma_semaphore, #tpu.memory_space<semaphore_mem>>
      %dma_start3A_92 = arith.constant 0 : i32
      %dma_start3A_93 = arith.constant 0 : i32
      %dma_start3A_94 = tpu.memref_slice %arg2[%add3A, %dma_start3A_92, %dma_start3A_93] : memref<32x250x80xi32, #tpu.memory_space<hbm>> -> memref<1x250x80xi32, #tpu.memory_space<hbm>>
      %dma_start3A_95 = tpu.memref_squeeze %dma_start3A_94 : memref<1x250x80xi32, #tpu.memory_space<hbm>> -> memref<250x80xi32, #tpu.memory_space<hbm>>
      %dma_start3A_96 = arith.constant 0 : i32
      %dma_start3A_97 = arith.constant 0 : i32
      %dma_start3A_98 = tpu.memref_slice %arg2[%add3A, %dma_start3A_96, %dma_start3A_97] : memref<32x250x80xi32, #tpu.memory_space<hbm>> -> memref<1x250x80xi32, #tpu.memory_space<hbm>>
      %dma_start3A_99 = tpu.memref_squeeze %dma_start3A_98 : memref<1x250x80xi32, #tpu.memory_space<hbm>> -> memref<250x80xi32, #tpu.memory_space<hbm>>
      tpu.enqueue_dma source(%dma_start3A_99 : memref<250x80xi32, #tpu.memory_space<hbm>>) target(%arg7 : memref<250x80xi32, #tpu.memory_space<vmem>>) target_semaphore(%run_scoped3A_91 : memref<!tpu.dma_semaphore, #tpu.memory_space<semaphore_mem>>)
      %dma_wait3A_100 = arith.constant 0 : i32
      %dma_wait3A_101 = arith.constant 0 : i32
      %dma_wait3A_102 = tpu.memref_slice %arg2[%add3A, %dma_wait3A_100, %dma_wait3A_101] : memref<32x250x80xi32, #tpu.memory_space<hbm>> -> memref<1x250x80xi32, #tpu.memory_space<hbm>>
      %dma_wait3A_103 = tpu.memref_squeeze %dma_wait3A_102 : memref<1x250x80xi32, #tpu.memory_space<hbm>> -> memref<250x80xi32, #tpu.memory_space<hbm>>
      %dma_wait3A_104 = arith.constant 0 : i32
      %dma_wait3A_105 = arith.constant 0 : i32
      %dma_wait3A_106 = tpu.memref_slice %arg2[%add3A, %dma_wait3A_104, %dma_wait3A_105] : memref<32x250x80xi32, #tpu.memory_space<hbm>> -> memref<1x250x80xi32, #tpu.memory_space<hbm>>
      %dma_wait3A_107 = tpu.memref_squeeze %dma_wait3A_106 : memref<1x250x80xi32, #tpu.memory_space<hbm>> -> memref<250x80xi32, #tpu.memory_space<hbm>>
      tpu.wait_dma2 semaphore(%run_scoped3A_91 : memref<!tpu.dma_semaphore, #tpu.memory_space<semaphore_mem>>) src(%dma_wait3A_107 : memref<250x80xi32, #tpu.memory_space<hbm>>) dst(%arg7 : memref<250x80xi32, #tpu.memory_space<vmem>>)
      tpu.yield
    }) : () -> ()
    "tpu.region"() ({
      %run_scoped3A_91 = tpu.sem_alloc : memref<!tpu.dma_semaphore, #tpu.memory_space<semaphore_mem>>
      %dma_start3A_92 = arith.constant 0 : i32
      %dma_start3A_93 = arith.constant 0 : i32
      %dma_start3A_94 = tpu.memref_slice %arg3[%add3A, %dma_start3A_92, %dma_start3A_93] : memref<32x250x80xi32, #tpu.memory_space<hbm>> -> memref<1x250x80xi32, #tpu.memory_space<hbm>>
      %dma_start3A_95 = tpu.memref_squeeze %dma_start3A_94 : memref<1x250x80xi32, #tpu.memory_space<hbm>> -> memref<250x80xi32, #tpu.memory_space<hbm>>
      %dma_start3A_96 = arith.constant 0 : i32
      %dma_start3A_97 = arith.constant 0 : i32
      %dma_start3A_98 = tpu.memref_slice %arg3[%add3A, %dma_start3A_96, %dma_start3A_97] : memref<32x250x80xi32, #tpu.memory_space<hbm>> -> memref<1x250x80xi32, #tpu.memory_space<hbm>>
      %dma_start3A_99 = tpu.memref_squeeze %dma_start3A_98 : memref<1x250x80xi32, #tpu.memory_space<hbm>> -> memref<250x80xi32, #tpu.memory_space<hbm>>
      tpu.enqueue_dma source(%dma_start3A_99 : memref<250x80xi32, #tpu.memory_space<hbm>>) target(%arg8 : memref<250x80xi32, #tpu.memory_space<vmem>>) target_semaphore(%run_scoped3A_91 : memref<!tpu.dma_semaphore, #tpu.memory_space<semaphore_mem>>)
      %dma_wait3A_100 = arith.constant 0 : i32
      %dma_wait3A_101 = arith.constant 0 : i32
      %dma_wait3A_102 = tpu.memref_slice %arg3[%add3A, %dma_wait3A_100, %dma_wait3A_101] : memref<32x250x80xi32, #tpu.memory_space<hbm>> -> memref<1x250x80xi32, #tpu.memory_space<hbm>>
      %dma_wait3A_103 = tpu.memref_squeeze %dma_wait3A_102 : memref<1x250x80xi32, #tpu.memory_space<hbm>> -> memref<250x80xi32, #tpu.memory_space<hbm>>
      %dma_wait3A_104 = arith.constant 0 : i32
      %dma_wait3A_105 = arith.constant 0 : i32
      %dma_wait3A_106 = tpu.memref_slice %arg3[%add3A, %dma_wait3A_104, %dma_wait3A_105] : memref<32x250x80xi32, #tpu.memory_space<hbm>> -> memref<1x250x80xi32, #tpu.memory_space<hbm>>
      %dma_wait3A_107 = tpu.memref_squeeze %dma_wait3A_106 : memref<1x250x80xi32, #tpu.memory_space<hbm>> -> memref<250x80xi32, #tpu.memory_space<hbm>>
      tpu.wait_dma2 semaphore(%run_scoped3A_91 : memref<!tpu.dma_semaphore, #tpu.memory_space<semaphore_mem>>) src(%dma_wait3A_107 : memref<250x80xi32, #tpu.memory_space<hbm>>) dst(%arg8 : memref<250x80xi32, #tpu.memory_space<vmem>>)
      tpu.yield
    }) : () -> ()
    %run_scoped3A = arith.constant 0 : i32
    "tpu.region"() ({
      %run_scoped3A_91 = tpu.sem_alloc : memref<!tpu.dma_semaphore, #tpu.memory_space<semaphore_mem>>
      %dma_start3A_92 = arith.constant 0 : i32
      %dma_start3A_93 = arith.constant 0 : i32
      %dma_start3A_94 = tpu.memref_slice %arg9[%run_scoped3A, %dma_start3A_92, %dma_start3A_93] : memref<2x80x128xf32, #tpu.memory_space<vmem>> -> memref<1x80x128xf32, #tpu.memory_space<vmem>>
      %dma_start3A_95 = tpu.memref_squeeze %dma_start3A_94 : memref<1x80x128xf32, #tpu.memory_space<vmem>> -> memref<80x128xf32, #tpu.memory_space<vmem>>
      %dma_start3A_96 = arith.constant 0 : i32
      %dma_start3A_97 = arith.constant 0 : i32
      %dma_start3A_98 = tpu.memref_slice %arg9[%run_scoped3A, %dma_start3A_96, %dma_start3A_97] : memref<2x80x128xf32, #tpu.memory_space<vmem>> -> memref<1x80x128xf32, #tpu.memory_space<vmem>>
      %dma_start3A_99 = tpu.memref_squeeze %dma_start3A_98 : memref<1x80x128xf32, #tpu.memory_space<vmem>> -> memref<80x128xf32, #tpu.memory_space<vmem>>
      tpu.enqueue_dma source(%arg5 : memref<80x128xf32, #tpu.memory_space<hbm>>) target(%dma_start3A_99 : memref<80x128xf32, #tpu.memory_space<vmem>>) target_semaphore(%run_scoped3A_91 : memref<!tpu.dma_semaphore, #tpu.memory_space<semaphore_mem>>)
      %dma_wait3A_100 = arith.constant 0 : i32
      %dma_wait3A_101 = arith.constant 0 : i32
      %dma_wait3A_102 = tpu.memref_slice %arg9[%run_scoped3A, %dma_wait3A_100, %dma_wait3A_101] : memref<2x80x128xf32, #tpu.memory_space<vmem>> -> memref<1x80x128xf32, #tpu.memory_space<vmem>>
      %dma_wait3A_103 = tpu.memref_squeeze %dma_wait3A_102 : memref<1x80x128xf32, #tpu.memory_space<vmem>> -> memref<80x128xf32, #tpu.memory_space<vmem>>
      %dma_wait3A_104 = arith.constant 0 : i32
      %dma_wait3A_105 = arith.constant 0 : i32
      %dma_wait3A_106 = tpu.memref_slice %arg9[%run_scoped3A, %dma_wait3A_104, %dma_wait3A_105] : memref<2x80x128xf32, #tpu.memory_space<vmem>> -> memref<1x80x128xf32, #tpu.memory_space<vmem>>
      %dma_wait3A_107 = tpu.memref_squeeze %dma_wait3A_106 : memref<1x80x128xf32, #tpu.memory_space<vmem>> -> memref<80x128xf32, #tpu.memory_space<vmem>>
      tpu.wait_dma2 semaphore(%run_scoped3A_91 : memref<!tpu.dma_semaphore, #tpu.memory_space<semaphore_mem>>) src(%arg5 : memref<80x128xf32, #tpu.memory_space<hbm>>) dst(%dma_wait3A_107 : memref<80x128xf32, #tpu.memory_space<vmem>>)
      tpu.yield
    }) : () -> ()
    %mul3A_1 = arith.constant 320 : i32
    %mul3A_2 = arith.muli %arg1, %mul3A_1 : i32
    %add3A_3 = arith.constant 0 : i32
    %add3A_4 = arith.addi %mul3A_2, %add3A_3 : i32
    %run_scoped3A_5 = arith.constant 0 : i32
    "tpu.region"() ({
      %run_scoped3A_91 = tpu.sem_alloc : memref<!tpu.dma_semaphore, #tpu.memory_space<semaphore_mem>>
      %dma_start3A_92 = arith.constant 0 : i32
      %dma_start3A_93 = arith.constant 0 : i32
      %dma_start3A_94 = tpu.memref_slice %arg9[%run_scoped3A_5, %dma_start3A_92, %dma_start3A_93] : memref<2x80x128xf32, #tpu.memory_space<vmem>> -> memref<1x80x128xf32, #tpu.memory_space<vmem>>
      %dma_start3A_95 = tpu.memref_squeeze %dma_start3A_94 : memref<1x80x128xf32, #tpu.memory_space<vmem>> -> memref<80x128xf32, #tpu.memory_space<vmem>>
      %dma_start3A_96 = arith.constant 0 : i32
      %dma_start3A_97 = tpu.memref_slice %arg10[%add3A_4, %dma_start3A_96] : memref<5200x128xf32, #tpu.memory_space<vmem_shared>> -> memref<80x128xf32, #tpu.memory_space<vmem_shared>>
      %dma_start3A_98 = arith.constant 0 : i32
      %dma_start3A_99 = tpu.memref_slice %arg10[%add3A_4, %dma_start3A_98] : memref<5200x128xf32, #tpu.memory_space<vmem_shared>> -> memref<80x128xf32, #tpu.memory_space<vmem_shared>>
      %dma_start3A_100 = arith.constant 0 : i32
      %dma_start3A_101 = arith.constant 0 : i32
      %dma_start3A_102 = tpu.memref_slice %arg9[%run_scoped3A_5, %dma_start3A_100, %dma_start3A_101] : memref<2x80x128xf32, #tpu.memory_space<vmem>> -> memref<1x80x128xf32, #tpu.memory_space<vmem>>
      %dma_start3A_103 = tpu.memref_squeeze %dma_start3A_102 : memref<1x80x128xf32, #tpu.memory_space<vmem>> -> memref<80x128xf32, #tpu.memory_space<vmem>>
      tpu.enqueue_dma source(%dma_start3A_103 : memref<80x128xf32, #tpu.memory_space<vmem>>) target(%dma_start3A_99 : memref<80x128xf32, #tpu.memory_space<vmem_shared>>) target_semaphore(%run_scoped3A_91 : memref<!tpu.dma_semaphore, #tpu.memory_space<semaphore_mem>>)
      %dma_wait3A_104 = arith.constant 0 : i32
      %dma_wait3A_105 = arith.constant 0 : i32
      %dma_wait3A_106 = tpu.memref_slice %arg9[%run_scoped3A_5, %dma_wait3A_104, %dma_wait3A_105] : memref<2x80x128xf32, #tpu.memory_space<vmem>> -> memref<1x80x128xf32, #tpu.memory_space<vmem>>
      %dma_wait3A_107 = tpu.memref_squeeze %dma_wait3A_106 : memref<1x80x128xf32, #tpu.memory_space<vmem>> -> memref<80x128xf32, #tpu.memory_space<vmem>>
      %dma_wait3A_108 = arith.constant 0 : i32
      %dma_wait3A_109 = tpu.memref_slice %arg10[%add3A_4, %dma_wait3A_108] : memref<5200x128xf32, #tpu.memory_space<vmem_shared>> -> memref<80x128xf32, #tpu.memory_space<vmem_shared>>
      %dma_wait3A_110 = arith.constant 0 : i32
      %dma_wait3A_111 = tpu.memref_slice %arg10[%add3A_4, %dma_wait3A_110] : memref<5200x128xf32, #tpu.memory_space<vmem_shared>> -> memref<80x128xf32, #tpu.memory_space<vmem_shared>>
      %dma_wait3A_112 = arith.constant 0 : i32
      %dma_wait3A_113 = arith.constant 0 : i32
      %dma_wait3A_114 = tpu.memref_slice %arg9[%run_scoped3A_5, %dma_wait3A_112, %dma_wait3A_113] : memref<2x80x128xf32, #tpu.memory_space<vmem>> -> memref<1x80x128xf32, #tpu.memory_space<vmem>>
      %dma_wait3A_115 = tpu.memref_squeeze %dma_wait3A_114 : memref<1x80x128xf32, #tpu.memory_space<vmem>> -> memref<80x128xf32, #tpu.memory_space<vmem>>
      tpu.wait_dma2 semaphore(%run_scoped3A_91 : memref<!tpu.dma_semaphore, #tpu.memory_space<semaphore_mem>>) src(%dma_wait3A_115 : memref<80x128xf32, #tpu.memory_space<vmem>>) dst(%dma_wait3A_111 : memref<80x128xf32, #tpu.memory_space<vmem_shared>>)
      tpu.yield
    }) : () -> ()
    %add3A_6 = arith.constant 80 : i32
    %add3A_7 = arith.addi %mul3A_2, %add3A_6 : i32
    %run_scoped3A_8 = arith.constant 0 : i32
    "tpu.region"() ({
      %run_scoped3A_91 = tpu.sem_alloc : memref<!tpu.dma_semaphore, #tpu.memory_space<semaphore_mem>>
      %dma_start3A_92 = arith.constant 0 : i32
      %dma_start3A_93 = arith.constant 0 : i32
      %dma_start3A_94 = tpu.memref_slice %arg9[%run_scoped3A_8, %dma_start3A_92, %dma_start3A_93] : memref<2x80x128xf32, #tpu.memory_space<vmem>> -> memref<1x80x128xf32, #tpu.memory_space<vmem>>
      %dma_start3A_95 = tpu.memref_squeeze %dma_start3A_94 : memref<1x80x128xf32, #tpu.memory_space<vmem>> -> memref<80x128xf32, #tpu.memory_space<vmem>>
      %dma_start3A_96 = arith.constant 0 : i32
      %dma_start3A_97 = tpu.memref_slice %arg10[%add3A_7, %dma_start3A_96] : memref<5200x128xf32, #tpu.memory_space<vmem_shared>> -> memref<80x128xf32, #tpu.memory_space<vmem_shared>>
      %dma_start3A_98 = arith.constant 0 : i32
      %dma_start3A_99 = tpu.memref_slice %arg10[%add3A_7, %dma_start3A_98] : memref<5200x128xf32, #tpu.memory_space<vmem_shared>> -> memref<80x128xf32, #tpu.memory_space<vmem_shared>>
      %dma_start3A_100 = arith.constant 0 : i32
      %dma_start3A_101 = arith.constant 0 : i32
      %dma_start3A_102 = tpu.memref_slice %arg9[%run_scoped3A_8, %dma_start3A_100, %dma_start3A_101] : memref<2x80x128xf32, #tpu.memory_space<vmem>> -> memref<1x80x128xf32, #tpu.memory_space<vmem>>
      %dma_start3A_103 = tpu.memref_squeeze %dma_start3A_102 : memref<1x80x128xf32, #tpu.memory_space<vmem>> -> memref<80x128xf32, #tpu.memory_space<vmem>>
      tpu.enqueue_dma source(%dma_start3A_103 : memref<80x128xf32, #tpu.memory_space<vmem>>) target(%dma_start3A_99 : memref<80x128xf32, #tpu.memory_space<vmem_shared>>) target_semaphore(%run_scoped3A_91 : memref<!tpu.dma_semaphore, #tpu.memory_space<semaphore_mem>>)
      %dma_wait3A_104 = arith.constant 0 : i32
      %dma_wait3A_105 = arith.constant 0 : i32
      %dma_wait3A_106 = tpu.memref_slice %arg9[%run_scoped3A_8, %dma_wait3A_104, %dma_wait3A_105] : memref<2x80x128xf32, #tpu.memory_space<vmem>> -> memref<1x80x128xf32, #tpu.memory_space<vmem>>
      %dma_wait3A_107 = tpu.memref_squeeze %dma_wait3A_106 : memref<1x80x128xf32, #tpu.memory_space<vmem>> -> memref<80x128xf32, #tpu.memory_space<vmem>>
      %dma_wait3A_108 = arith.constant 0 : i32
      %dma_wait3A_109 = tpu.memref_slice %arg10[%add3A_7, %dma_wait3A_108] : memref<5200x128xf32, #tpu.memory_space<vmem_shared>> -> memref<80x128xf32, #tpu.memory_space<vmem_shared>>
      %dma_wait3A_110 = arith.constant 0 : i32
      %dma_wait3A_111 = tpu.memref_slice %arg10[%add3A_7, %dma_wait3A_110] : memref<5200x128xf32, #tpu.memory_space<vmem_shared>> -> memref<80x128xf32, #tpu.memory_space<vmem_shared>>
      %dma_wait3A_112 = arith.constant 0 : i32
      %dma_wait3A_113 = arith.constant 0 : i32
      %dma_wait3A_114 = tpu.memref_slice %arg9[%run_scoped3A_8, %dma_wait3A_112, %dma_wait3A_113] : memref<2x80x128xf32, #tpu.memory_space<vmem>> -> memref<1x80x128xf32, #tpu.memory_space<vmem>>
      %dma_wait3A_115 = tpu.memref_squeeze %dma_wait3A_114 : memref<1x80x128xf32, #tpu.memory_space<vmem>> -> memref<80x128xf32, #tpu.memory_space<vmem>>
      tpu.wait_dma2 semaphore(%run_scoped3A_91 : memref<!tpu.dma_semaphore, #tpu.memory_space<semaphore_mem>>) src(%dma_wait3A_115 : memref<80x128xf32, #tpu.memory_space<vmem>>) dst(%dma_wait3A_111 : memref<80x128xf32, #tpu.memory_space<vmem_shared>>)
      tpu.yield
    }) : () -> ()
    %add3A_9 = arith.constant 160 : i32
    %add3A_10 = arith.addi %mul3A_2, %add3A_9 : i32
    %run_scoped3A_11 = arith.constant 0 : i32
    "tpu.region"() ({
      %run_scoped3A_91 = tpu.sem_alloc : memref<!tpu.dma_semaphore, #tpu.memory_space<semaphore_mem>>
      %dma_start3A_92 = arith.constant 0 : i32
      %dma_start3A_93 = arith.constant 0 : i32
      %dma_start3A_94 = tpu.memref_slice %arg9[%run_scoped3A_11, %dma_start3A_92, %dma_start3A_93] : memref<2x80x128xf32, #tpu.memory_space<vmem>> -> memref<1x80x128xf32, #tpu.memory_space<vmem>>
      %dma_start3A_95 = tpu.memref_squeeze %dma_start3A_94 : memref<1x80x128xf32, #tpu.memory_space<vmem>> -> memref<80x128xf32, #tpu.memory_space<vmem>>
      %dma_start3A_96 = arith.constant 0 : i32
      %dma_start3A_97 = tpu.memref_slice %arg10[%add3A_10, %dma_start3A_96] : memref<5200x128xf32, #tpu.memory_space<vmem_shared>> -> memref<80x128xf32, #tpu.memory_space<vmem_shared>>
      %dma_start3A_98 = arith.constant 0 : i32
      %dma_start3A_99 = tpu.memref_slice %arg10[%add3A_10, %dma_start3A_98] : memref<5200x128xf32, #tpu.memory_space<vmem_shared>> -> memref<80x128xf32, #tpu.memory_space<vmem_shared>>
      %dma_start3A_100 = arith.constant 0 : i32
      %dma_start3A_101 = arith.constant 0 : i32
      %dma_start3A_102 = tpu.memref_slice %arg9[%run_scoped3A_11, %dma_start3A_100, %dma_start3A_101] : memref<2x80x128xf32, #tpu.memory_space<vmem>> -> memref<1x80x128xf32, #tpu.memory_space<vmem>>
      %dma_start3A_103 = tpu.memref_squeeze %dma_start3A_102 : memref<1x80x128xf32, #tpu.memory_space<vmem>> -> memref<80x128xf32, #tpu.memory_space<vmem>>
      tpu.enqueue_dma source(%dma_start3A_103 : memref<80x128xf32, #tpu.memory_space<vmem>>) target(%dma_start3A_99 : memref<80x128xf32, #tpu.memory_space<vmem_shared>>) target_semaphore(%run_scoped3A_91 : memref<!tpu.dma_semaphore, #tpu.memory_space<semaphore_mem>>)
      %dma_wait3A_104 = arith.constant 0 : i32
      %dma_wait3A_105 = arith.constant 0 : i32
      %dma_wait3A_106 = tpu.memref_slice %arg9[%run_scoped3A_11, %dma_wait3A_104, %dma_wait3A_105] : memref<2x80x128xf32, #tpu.memory_space<vmem>> -> memref<1x80x128xf32, #tpu.memory_space<vmem>>
      %dma_wait3A_107 = tpu.memref_squeeze %dma_wait3A_106 : memref<1x80x128xf32, #tpu.memory_space<vmem>> -> memref<80x128xf32, #tpu.memory_space<vmem>>
      %dma_wait3A_108 = arith.constant 0 : i32
      %dma_wait3A_109 = tpu.memref_slice %arg10[%add3A_10, %dma_wait3A_108] : memref<5200x128xf32, #tpu.memory_space<vmem_shared>> -> memref<80x128xf32, #tpu.memory_space<vmem_shared>>
      %dma_wait3A_110 = arith.constant 0 : i32
      %dma_wait3A_111 = tpu.memref_slice %arg10[%add3A_10, %dma_wait3A_110] : memref<5200x128xf32, #tpu.memory_space<vmem_shared>> -> memref<80x128xf32, #tpu.memory_space<vmem_shared>>
      %dma_wait3A_112 = arith.constant 0 : i32
      %dma_wait3A_113 = arith.constant 0 : i32
      %dma_wait3A_114 = tpu.memref_slice %arg9[%run_scoped3A_11, %dma_wait3A_112, %dma_wait3A_113] : memref<2x80x128xf32, #tpu.memory_space<vmem>> -> memref<1x80x128xf32, #tpu.memory_space<vmem>>
      %dma_wait3A_115 = tpu.memref_squeeze %dma_wait3A_114 : memref<1x80x128xf32, #tpu.memory_space<vmem>> -> memref<80x128xf32, #tpu.memory_space<vmem>>
      tpu.wait_dma2 semaphore(%run_scoped3A_91 : memref<!tpu.dma_semaphore, #tpu.memory_space<semaphore_mem>>) src(%dma_wait3A_115 : memref<80x128xf32, #tpu.memory_space<vmem>>) dst(%dma_wait3A_111 : memref<80x128xf32, #tpu.memory_space<vmem_shared>>)
      tpu.yield
    }) : () -> ()
    %add3A_12 = arith.constant 240 : i32
    %add3A_13 = arith.addi %mul3A_2, %add3A_12 : i32
    %run_scoped3A_14 = arith.constant 0 : i32
    "tpu.region"() ({
      %run_scoped3A_91 = tpu.sem_alloc : memref<!tpu.dma_semaphore, #tpu.memory_space<semaphore_mem>>
      %dma_start3A_92 = arith.constant 0 : i32
      %dma_start3A_93 = arith.constant 0 : i32
      %dma_start3A_94 = tpu.memref_slice %arg9[%run_scoped3A_14, %dma_start3A_92, %dma_start3A_93] : memref<2x80x128xf32, #tpu.memory_space<vmem>> -> memref<1x80x128xf32, #tpu.memory_space<vmem>>
      %dma_start3A_95 = tpu.memref_squeeze %dma_start3A_94 : memref<1x80x128xf32, #tpu.memory_space<vmem>> -> memref<80x128xf32, #tpu.memory_space<vmem>>
      %dma_start3A_96 = arith.constant 0 : i32
      %dma_start3A_97 = tpu.memref_slice %arg10[%add3A_13, %dma_start3A_96] : memref<5200x128xf32, #tpu.memory_space<vmem_shared>> -> memref<80x128xf32, #tpu.memory_space<vmem_shared>>
      %dma_start3A_98 = arith.constant 0 : i32
      %dma_start3A_99 = tpu.memref_slice %arg10[%add3A_13, %dma_start3A_98] : memref<5200x128xf32, #tpu.memory_space<vmem_shared>> -> memref<80x128xf32, #tpu.memory_space<vmem_shared>>
      %dma_start3A_100 = arith.constant 0 : i32
      %dma_start3A_101 = arith.constant 0 : i32
      %dma_start3A_102 = tpu.memref_slice %arg9[%run_scoped3A_14, %dma_start3A_100, %dma_start3A_101] : memref<2x80x128xf32, #tpu.memory_space<vmem>> -> memref<1x80x128xf32, #tpu.memory_space<vmem>>
      %dma_start3A_103 = tpu.memref_squeeze %dma_start3A_102 : memref<1x80x128xf32, #tpu.memory_space<vmem>> -> memref<80x128xf32, #tpu.memory_space<vmem>>
      tpu.enqueue_dma source(%dma_start3A_103 : memref<80x128xf32, #tpu.memory_space<vmem>>) target(%dma_start3A_99 : memref<80x128xf32, #tpu.memory_space<vmem_shared>>) target_semaphore(%run_scoped3A_91 : memref<!tpu.dma_semaphore, #tpu.memory_space<semaphore_mem>>)
      %dma_wait3A_104 = arith.constant 0 : i32
      %dma_wait3A_105 = arith.constant 0 : i32
      %dma_wait3A_106 = tpu.memref_slice %arg9[%run_scoped3A_14, %dma_wait3A_104, %dma_wait3A_105] : memref<2x80x128xf32, #tpu.memory_space<vmem>> -> memref<1x80x128xf32, #tpu.memory_space<vmem>>
      %dma_wait3A_107 = tpu.memref_squeeze %dma_wait3A_106 : memref<1x80x128xf32, #tpu.memory_space<vmem>> -> memref<80x128xf32, #tpu.memory_space<vmem>>
      %dma_wait3A_108 = arith.constant 0 : i32
      %dma_wait3A_109 = tpu.memref_slice %arg10[%add3A_13, %dma_wait3A_108] : memref<5200x128xf32, #tpu.memory_space<vmem_shared>> -> memref<80x128xf32, #tpu.memory_space<vmem_shared>>
      %dma_wait3A_110 = arith.constant 0 : i32
      %dma_wait3A_111 = tpu.memref_slice %arg10[%add3A_13, %dma_wait3A_110] : memref<5200x128xf32, #tpu.memory_space<vmem_shared>> -> memref<80x128xf32, #tpu.memory_space<vmem_shared>>
      %dma_wait3A_112 = arith.constant 0 : i32
      %dma_wait3A_113 = arith.constant 0 : i32
      %dma_wait3A_114 = tpu.memref_slice %arg9[%run_scoped3A_14, %dma_wait3A_112, %dma_wait3A_113] : memref<2x80x128xf32, #tpu.memory_space<vmem>> -> memref<1x80x128xf32, #tpu.memory_space<vmem>>
      %dma_wait3A_115 = tpu.memref_squeeze %dma_wait3A_114 : memref<1x80x128xf32, #tpu.memory_space<vmem>> -> memref<80x128xf32, #tpu.memory_space<vmem>>
      tpu.wait_dma2 semaphore(%run_scoped3A_91 : memref<!tpu.dma_semaphore, #tpu.memory_space<semaphore_mem>>) src(%dma_wait3A_115 : memref<80x128xf32, #tpu.memory_space<vmem>>) dst(%dma_wait3A_111 : memref<80x128xf32, #tpu.memory_space<vmem_shared>>)
      tpu.yield
    }) : () -> ()
    %barrier3A = arith.constant 0 : index
    tpu.barrier barrier_id(%barrier3A)
    %dma_start3A = arith.constant 0 : i32
    %dma_start3A_15 = arith.constant 0 : i32
    %dma_start3A_16 = arith.constant 0 : i32
    %dma_start3A_17 = arith.constant 0 : i32
    %dma_start3A_18 = tpu.memref_slice %arg9[%dma_start3A_15, %dma_start3A_16, %dma_start3A_17] : memref<2x80x128xf32, #tpu.memory_space<vmem>> -> memref<1x80x128xf32, #tpu.memory_space<vmem>>
    %dma_start3A_19 = tpu.memref_squeeze %dma_start3A_18 : memref<1x80x128xf32, #tpu.memory_space<vmem>> -> memref<80x128xf32, #tpu.memory_space<vmem>>
    %dma_start3A_20 = arith.constant 0 : i32
    %dma_start3A_21 = tpu.memref_slice %arg7[%dma_start3A, %dma_start3A_20] : memref<250x80xi32, #tpu.memory_space<vmem>> -> memref<1x80xi32, #tpu.memory_space<vmem>>
    %dma_start3A_22 = tpu.memref_squeeze %dma_start3A_21 : memref<1x80xi32, #tpu.memory_space<vmem>> -> memref<80xi32, #tpu.memory_space<vmem>>
    %dma_start3A_23 = arith.constant 0 : i32
    %dma_start3A_24 = arith.constant 0 : i32
    %dma_start3A_25 = tpu.memref_slice %arg4[%dma_start3A_23, %dma_start3A_24] : memref<10000x128xf32, #tpu.memory_space<hbm>> -> memref<10000x128xf32, #tpu.memory_space<hbm>>
    tpu.enqueue_indirect_dma source(%dma_start3A_25 : memref<10000x128xf32, #tpu.memory_space<hbm>>) target(%dma_start3A_19 : memref<80x128xf32, #tpu.memory_space<vmem>>) offsets(%dma_start3A_22 : memref<80xi32, #tpu.memory_space<vmem>>) semaphore(%arg11 : memref<!tpu.dma_semaphore, #tpu.memory_space<semaphore_mem>>)
    %dma_start3A_26 = arith.constant 1 : i32
    %dma_start3A_27 = arith.constant 1 : i32
    %dma_start3A_28 = arith.constant 0 : i32
    %dma_start3A_29 = arith.constant 0 : i32
    %dma_start3A_30 = tpu.memref_slice %arg9[%dma_start3A_27, %dma_start3A_28, %dma_start3A_29] : memref<2x80x128xf32, #tpu.memory_space<vmem>> -> memref<1x80x128xf32, #tpu.memory_space<vmem>>
    %dma_start3A_31 = tpu.memref_squeeze %dma_start3A_30 : memref<1x80x128xf32, #tpu.memory_space<vmem>> -> memref<80x128xf32, #tpu.memory_space<vmem>>
    %dma_start3A_32 = arith.constant 0 : i32
    %dma_start3A_33 = tpu.memref_slice %arg7[%dma_start3A_26, %dma_start3A_32] : memref<250x80xi32, #tpu.memory_space<vmem>> -> memref<1x80xi32, #tpu.memory_space<vmem>>
    %dma_start3A_34 = tpu.memref_squeeze %dma_start3A_33 : memref<1x80xi32, #tpu.memory_space<vmem>> -> memref<80xi32, #tpu.memory_space<vmem>>
    %dma_start3A_35 = arith.constant 0 : i32
    %dma_start3A_36 = arith.constant 0 : i32
    %dma_start3A_37 = tpu.memref_slice %arg4[%dma_start3A_35, %dma_start3A_36] : memref<10000x128xf32, #tpu.memory_space<hbm>> -> memref<10000x128xf32, #tpu.memory_space<hbm>>
    tpu.enqueue_indirect_dma source(%dma_start3A_37 : memref<10000x128xf32, #tpu.memory_space<hbm>>) target(%dma_start3A_31 : memref<80x128xf32, #tpu.memory_space<vmem>>) offsets(%dma_start3A_34 : memref<80xi32, #tpu.memory_space<vmem>>) semaphore(%arg12 : memref<!tpu.dma_semaphore, #tpu.memory_space<semaphore_mem>>)
    %scan3A = arith.constant 0 : i32
    %scan3A_38 = arith.constant 0 : i32
    %scan3A_39 = arith.constant 125 : i32
    %scan3A_40 = arith.addi %scan3A_38, %scan3A_39 : i32
    %scan3A_41 = arith.constant 1 : i32
    scf.for %scan3A_91 = %scan3A_38 to %scan3A_40 step %scan3A_41  : i32 {
      %mul3A_92 = arith.constant 2 : i32
      %mul3A_93 = arith.muli %scan3A_91, %mul3A_92 : i32
      %add3A_94 = arith.constant 0 : i32
      %add3A_95 = arith.addi %mul3A_93, %add3A_94 : i32
      %dma_wait3A_96 = arith.constant 0 : i32
      %dma_wait3A_97 = arith.constant 0 : i32
      %dma_wait3A_98 = arith.constant 0 : i32
      %dma_wait3A_99 = tpu.memref_slice %arg9[%dma_wait3A_96, %dma_wait3A_97, %dma_wait3A_98] : memref<2x80x128xf32, #tpu.memory_space<vmem>> -> memref<1x80x128xf32, #tpu.memory_space<vmem>>
      %dma_wait3A_100 = tpu.memref_squeeze %dma_wait3A_99 : memref<1x80x128xf32, #tpu.memory_space<vmem>> -> memref<80x128xf32, #tpu.memory_space<vmem>>
      %dma_wait3A_101 = arith.constant 0 : i32
      %dma_wait3A_102 = tpu.memref_slice %arg7[%add3A_95, %dma_wait3A_101] : memref<250x80xi32, #tpu.memory_space<vmem>> -> memref<1x80xi32, #tpu.memory_space<vmem>>
      %dma_wait3A_103 = tpu.memref_squeeze %dma_wait3A_102 : memref<1x80xi32, #tpu.memory_space<vmem>> -> memref<80xi32, #tpu.memory_space<vmem>>
      %dma_wait3A_104 = arith.constant 0 : i32
      %dma_wait3A_105 = arith.constant 0 : i32
      %dma_wait3A_106 = tpu.memref_slice %arg4[%dma_wait3A_104, %dma_wait3A_105] : memref<10000x128xf32, #tpu.memory_space<hbm>> -> memref<10000x128xf32, #tpu.memory_space<hbm>>
      tpu.wait_indirect_dma semaphore(%arg11 : memref<!tpu.dma_semaphore, #tpu.memory_space<semaphore_mem>>) src(%dma_wait3A_106 : memref<10000x128xf32, #tpu.memory_space<hbm>>) dst(%dma_wait3A_100 : memref<80x128xf32, #tpu.memory_space<vmem>>)
      %run_scoped3A_107 = arith.constant 0 : i32
      "tpu.region"() ({
        %run_scoped3A_153 = tpu.sem_alloc : memref<!tpu.dma_semaphore, #tpu.memory_space<semaphore_mem>>
        %dma_start3A_154 = arith.constant 0 : i32
        %dma_start3A_155 = arith.constant 0 : i32
        %dma_start3A_156 = tpu.memref_slice %arg9[%run_scoped3A_107, %dma_start3A_154, %dma_start3A_155] : memref<2x80x128xf32, #tpu.memory_space<vmem>> -> memref<1x80x128xf32, #tpu.memory_space<vmem>>
        %dma_start3A_157 = tpu.memref_squeeze %dma_start3A_156 : memref<1x80x128xf32, #tpu.memory_space<vmem>> -> memref<80x128xf32, #tpu.memory_space<vmem>>
        %dma_start3A_158 = arith.constant 0 : i32
        %dma_start3A_159 = tpu.memref_slice %arg8[%add3A_95, %dma_start3A_158] : memref<250x80xi32, #tpu.memory_space<vmem>> -> memref<1x80xi32, #tpu.memory_space<vmem>>
        %dma_start3A_160 = tpu.memref_squeeze %dma_start3A_159 : memref<1x80xi32, #tpu.memory_space<vmem>> -> memref<80xi32, #tpu.memory_space<vmem>>
        %dma_start3A_161 = arith.constant 0 : i32
        %dma_start3A_162 = arith.constant 0 : i32
        %dma_start3A_163 = tpu.memref_slice %arg10[%dma_start3A_161, %dma_start3A_162] : memref<5200x128xf32, #tpu.memory_space<vmem_shared>> -> memref<5200x128xf32, #tpu.memory_space<vmem_shared>>
        tpu.enqueue_indirect_dma source(%dma_start3A_157 : memref<80x128xf32, #tpu.memory_space<vmem>>) target(%dma_start3A_163 : memref<5200x128xf32, #tpu.memory_space<vmem_shared>>) offsets(%dma_start3A_160 : memref<80xi32, #tpu.memory_space<vmem>>) semaphore(%run_scoped3A_153 : memref<!tpu.dma_semaphore, #tpu.memory_space<semaphore_mem>>) {add = true}
        %dma_wait3A_164 = arith.constant 0 : i32
        %dma_wait3A_165 = arith.constant 0 : i32
        %dma_wait3A_166 = tpu.memref_slice %arg9[%run_scoped3A_107, %dma_wait3A_164, %dma_wait3A_165] : memref<2x80x128xf32, #tpu.memory_space<vmem>> -> memref<1x80x128xf32, #tpu.memory_space<vmem>>
        %dma_wait3A_167 = tpu.memref_squeeze %dma_wait3A_166 : memref<1x80x128xf32, #tpu.memory_space<vmem>> -> memref<80x128xf32, #tpu.memory_space<vmem>>
        %dma_wait3A_168 = arith.constant 0 : i32
        %dma_wait3A_169 = tpu.memref_slice %arg8[%add3A_95, %dma_wait3A_168] : memref<250x80xi32, #tpu.memory_space<vmem>> -> memref<1x80xi32, #tpu.memory_space<vmem>>
        %dma_wait3A_170 = tpu.memref_squeeze %dma_wait3A_169 : memref<1x80xi32, #tpu.memory_space<vmem>> -> memref<80xi32, #tpu.memory_space<vmem>>
        %dma_wait3A_171 = arith.constant 0 : i32
        %dma_wait3A_172 = arith.constant 0 : i32
        %dma_wait3A_173 = tpu.memref_slice %arg10[%dma_wait3A_171, %dma_wait3A_172] : memref<5200x128xf32, #tpu.memory_space<vmem_shared>> -> memref<5200x128xf32, #tpu.memory_space<vmem_shared>>
        tpu.wait_indirect_dma semaphore(%run_scoped3A_153 : memref<!tpu.dma_semaphore, #tpu.memory_space<semaphore_mem>>) src(%dma_wait3A_167 : memref<80x128xf32, #tpu.memory_space<vmem>>) dst(%dma_wait3A_173 : memref<5200x128xf32, #tpu.memory_space<vmem_shared>>)
        tpu.yield
      }) : () -> ()
      %add3A_108 = arith.constant 2 : i32
      %add3A_109 = arith.addi %add3A_95, %add3A_108 : i32
      %min3A = arith.constant 249 : i32
      %min3A_110 = arith.minsi %add3A_109, %min3A : i32
      %dma_start3A_111 = arith.constant 0 : i32
      %dma_start3A_112 = arith.constant 0 : i32
      %dma_start3A_113 = arith.constant 0 : i32
      %dma_start3A_114 = tpu.memref_slice %arg9[%dma_start3A_111, %dma_start3A_112, %dma_start3A_113] : memref<2x80x128xf32, #tpu.memory_space<vmem>> -> memref<1x80x128xf32, #tpu.memory_space<vmem>>
      %dma_start3A_115 = tpu.memref_squeeze %dma_start3A_114 : memref<1x80x128xf32, #tpu.memory_space<vmem>> -> memref<80x128xf32, #tpu.memory_space<vmem>>
      %dma_start3A_116 = arith.constant 0 : i32
      %dma_start3A_117 = tpu.memref_slice %arg7[%min3A_110, %dma_start3A_116] : memref<250x80xi32, #tpu.memory_space<vmem>> -> memref<1x80xi32, #tpu.memory_space<vmem>>
      %dma_start3A_118 = tpu.memref_squeeze %dma_start3A_117 : memref<1x80xi32, #tpu.memory_space<vmem>> -> memref<80xi32, #tpu.memory_space<vmem>>
      %dma_start3A_119 = arith.constant 0 : i32
      %dma_start3A_120 = arith.constant 0 : i32
      %dma_start3A_121 = tpu.memref_slice %arg4[%dma_start3A_119, %dma_start3A_120] : memref<10000x128xf32, #tpu.memory_space<hbm>> -> memref<10000x128xf32, #tpu.memory_space<hbm>>
      tpu.enqueue_indirect_dma source(%dma_start3A_121 : memref<10000x128xf32, #tpu.memory_space<hbm>>) target(%dma_start3A_115 : memref<80x128xf32, #tpu.memory_space<vmem>>) offsets(%dma_start3A_118 : memref<80xi32, #tpu.memory_space<vmem>>) semaphore(%arg11 : memref<!tpu.dma_semaphore, #tpu.memory_space<semaphore_mem>>)
      %mul3A_122 = arith.constant 2 : i32
      %mul3A_123 = arith.muli %scan3A_91, %mul3A_122 : i32
      %add3A_124 = arith.constant 1 : i32
      %add3A_125 = arith.addi %mul3A_123, %add3A_124 : i32
      %dma_wait3A_126 = arith.constant 1 : i32
      %dma_wait3A_127 = arith.constant 0 : i32
      %dma_wait3A_128 = arith.constant 0 : i32
      %dma_wait3A_129 = tpu.memref_slice %arg9[%dma_wait3A_126, %dma_wait3A_127, %dma_wait3A_128] : memref<2x80x128xf32, #tpu.memory_space<vmem>> -> memref<1x80x128xf32, #tpu.memory_space<vmem>>
      %dma_wait3A_130 = tpu.memref_squeeze %dma_wait3A_129 : memref<1x80x128xf32, #tpu.memory_space<vmem>> -> memref<80x128xf32, #tpu.memory_space<vmem>>
      %dma_wait3A_131 = arith.constant 0 : i32
      %dma_wait3A_132 = tpu.memref_slice %arg7[%add3A_125, %dma_wait3A_131] : memref<250x80xi32, #tpu.memory_space<vmem>> -> memref<1x80xi32, #tpu.memory_space<vmem>>
      %dma_wait3A_133 = tpu.memref_squeeze %dma_wait3A_132 : memref<1x80xi32, #tpu.memory_space<vmem>> -> memref<80xi32, #tpu.memory_space<vmem>>
      %dma_wait3A_134 = arith.constant 0 : i32
      %dma_wait3A_135 = arith.constant 0 : i32
      %dma_wait3A_136 = tpu.memref_slice %arg4[%dma_wait3A_134, %dma_wait3A_135] : memref<10000x128xf32, #tpu.memory_space<hbm>> -> memref<10000x128xf32, #tpu.memory_space<hbm>>
      tpu.wait_indirect_dma semaphore(%arg12 : memref<!tpu.dma_semaphore, #tpu.memory_space<semaphore_mem>>) src(%dma_wait3A_136 : memref<10000x128xf32, #tpu.memory_space<hbm>>) dst(%dma_wait3A_130 : memref<80x128xf32, #tpu.memory_space<vmem>>)
      %run_scoped3A_137 = arith.constant 1 : i32
      "tpu.region"() ({
        %run_scoped3A_153 = tpu.sem_alloc : memref<!tpu.dma_semaphore, #tpu.memory_space<semaphore_mem>>
        %dma_start3A_154 = arith.constant 0 : i32
        %dma_start3A_155 = arith.constant 0 : i32
        %dma_start3A_156 = tpu.memref_slice %arg9[%run_scoped3A_137, %dma_start3A_154, %dma_start3A_155] : memref<2x80x128xf32, #tpu.memory_space<vmem>> -> memref<1x80x128xf32, #tpu.memory_space<vmem>>
        %dma_start3A_157 = tpu.memref_squeeze %dma_start3A_156 : memref<1x80x128xf32, #tpu.memory_space<vmem>> -> memref<80x128xf32, #tpu.memory_space<vmem>>
        %dma_start3A_158 = arith.constant 0 : i32
        %dma_start3A_159 = tpu.memref_slice %arg8[%add3A_125, %dma_start3A_158] : memref<250x80xi32, #tpu.memory_space<vmem>> -> memref<1x80xi32, #tpu.memory_space<vmem>>
        %dma_start3A_160 = tpu.memref_squeeze %dma_start3A_159 : memref<1x80xi32, #tpu.memory_space<vmem>> -> memref<80xi32, #tpu.memory_space<vmem>>
        %dma_start3A_161 = arith.constant 0 : i32
        %dma_start3A_162 = arith.constant 0 : i32
        %dma_start3A_163 = tpu.memref_slice %arg10[%dma_start3A_161, %dma_start3A_162] : memref<5200x128xf32, #tpu.memory_space<vmem_shared>> -> memref<5200x128xf32, #tpu.memory_space<vmem_shared>>
        tpu.enqueue_indirect_dma source(%dma_start3A_157 : memref<80x128xf32, #tpu.memory_space<vmem>>) target(%dma_start3A_163 : memref<5200x128xf32, #tpu.memory_space<vmem_shared>>) offsets(%dma_start3A_160 : memref<80xi32, #tpu.memory_space<vmem>>) semaphore(%run_scoped3A_153 : memref<!tpu.dma_semaphore, #tpu.memory_space<semaphore_mem>>) {add = true}
        %dma_wait3A_164 = arith.constant 0 : i32
        %dma_wait3A_165 = arith.constant 0 : i32
        %dma_wait3A_166 = tpu.memref_slice %arg9[%run_scoped3A_137, %dma_wait3A_164, %dma_wait3A_165] : memref<2x80x128xf32, #tpu.memory_space<vmem>> -> memref<1x80x128xf32, #tpu.memory_space<vmem>>
        %dma_wait3A_167 = tpu.memref_squeeze %dma_wait3A_166 : memref<1x80x128xf32, #tpu.memory_space<vmem>> -> memref<80x128xf32, #tpu.memory_space<vmem>>
        %dma_wait3A_168 = arith.constant 0 : i32
        %dma_wait3A_169 = tpu.memref_slice %arg8[%add3A_125, %dma_wait3A_168] : memref<250x80xi32, #tpu.memory_space<vmem>> -> memref<1x80xi32, #tpu.memory_space<vmem>>
        %dma_wait3A_170 = tpu.memref_squeeze %dma_wait3A_169 : memref<1x80xi32, #tpu.memory_space<vmem>> -> memref<80xi32, #tpu.memory_space<vmem>>
        %dma_wait3A_171 = arith.constant 0 : i32
        %dma_wait3A_172 = arith.constant 0 : i32
        %dma_wait3A_173 = tpu.memref_slice %arg10[%dma_wait3A_171, %dma_wait3A_172] : memref<5200x128xf32, #tpu.memory_space<vmem_shared>> -> memref<5200x128xf32, #tpu.memory_space<vmem_shared>>
        tpu.wait_indirect_dma semaphore(%run_scoped3A_153 : memref<!tpu.dma_semaphore, #tpu.memory_space<semaphore_mem>>) src(%dma_wait3A_167 : memref<80x128xf32, #tpu.memory_space<vmem>>) dst(%dma_wait3A_173 : memref<5200x128xf32, #tpu.memory_space<vmem_shared>>)
        tpu.yield
      }) : () -> ()
      %add3A_138 = arith.constant 2 : i32
      %add3A_139 = arith.addi %add3A_125, %add3A_138 : i32
      %min3A_140 = arith.constant 249 : i32
      %min3A_141 = arith.minsi %add3A_139, %min3A_140 : i32
      %dma_start3A_142 = arith.constant 1 : i32
      %dma_start3A_143 = arith.constant 0 : i32
      %dma_start3A_144 = arith.constant 0 : i32
      %dma_start3A_145 = tpu.memref_slice %arg9[%dma_start3A_142, %dma_start3A_143, %dma_start3A_144] : memref<2x80x128xf32, #tpu.memory_space<vmem>> -> memref<1x80x128xf32, #tpu.memory_space<vmem>>
      %dma_start3A_146 = tpu.memref_squeeze %dma_start3A_145 : memref<1x80x128xf32, #tpu.memory_space<vmem>> -> memref<80x128xf32, #tpu.memory_space<vmem>>
      %dma_start3A_147 = arith.constant 0 : i32
      %dma_start3A_148 = tpu.memref_slice %arg7[%min3A_141, %dma_start3A_147] : memref<250x80xi32, #tpu.memory_space<vmem>> -> memref<1x80xi32, #tpu.memory_space<vmem>>
      %dma_start3A_149 = tpu.memref_squeeze %dma_start3A_148 : memref<1x80xi32, #tpu.memory_space<vmem>> -> memref<80xi32, #tpu.memory_space<vmem>>
      %dma_start3A_150 = arith.constant 0 : i32
      %dma_start3A_151 = arith.constant 0 : i32
      %dma_start3A_152 = tpu.memref_slice %arg4[%dma_start3A_150, %dma_start3A_151] : memref<10000x128xf32, #tpu.memory_space<hbm>> -> memref<10000x128xf32, #tpu.memory_space<hbm>>
      tpu.enqueue_indirect_dma source(%dma_start3A_152 : memref<10000x128xf32, #tpu.memory_space<hbm>>) target(%dma_start3A_146 : memref<80x128xf32, #tpu.memory_space<vmem>>) offsets(%dma_start3A_149 : memref<80xi32, #tpu.memory_space<vmem>>) semaphore(%arg12 : memref<!tpu.dma_semaphore, #tpu.memory_space<semaphore_mem>>)
    }
    %scan3A_42 = arith.constant 125 : i32
    %dma_wait3A = arith.constant 249 : i32
    %dma_wait3A_43 = arith.constant 0 : i32
    %dma_wait3A_44 = arith.constant 0 : i32
    %dma_wait3A_45 = arith.constant 0 : i32
    %dma_wait3A_46 = tpu.memref_slice %arg9[%dma_wait3A_43, %dma_wait3A_44, %dma_wait3A_45] : memref<2x80x128xf32, #tpu.memory_space<vmem>> -> memref<1x80x128xf32, #tpu.memory_space<vmem>>
    %dma_wait3A_47 = tpu.memref_squeeze %dma_wait3A_46 : memref<1x80x128xf32, #tpu.memory_space<vmem>> -> memref<80x128xf32, #tpu.memory_space<vmem>>
    %dma_wait3A_48 = arith.constant 0 : i32
    %dma_wait3A_49 = tpu.memref_slice %arg7[%dma_wait3A, %dma_wait3A_48] : memref<250x80xi32, #tpu.memory_space<vmem>> -> memref<1x80xi32, #tpu.memory_space<vmem>>
    %dma_wait3A_50 = tpu.memref_squeeze %dma_wait3A_49 : memref<1x80xi32, #tpu.memory_space<vmem>> -> memref<80xi32, #tpu.memory_space<vmem>>
    %dma_wait3A_51 = arith.constant 0 : i32
    %dma_wait3A_52 = arith.constant 0 : i32
    %dma_wait3A_53 = tpu.memref_slice %arg4[%dma_wait3A_51, %dma_wait3A_52] : memref<10000x128xf32, #tpu.memory_space<hbm>> -> memref<10000x128xf32, #tpu.memory_space<hbm>>
    tpu.wait_indirect_dma semaphore(%arg11 : memref<!tpu.dma_semaphore, #tpu.memory_space<semaphore_mem>>) src(%dma_wait3A_53 : memref<10000x128xf32, #tpu.memory_space<hbm>>) dst(%dma_wait3A_47 : memref<80x128xf32, #tpu.memory_space<vmem>>)
    %dma_wait3A_54 = arith.constant 249 : i32
    %dma_wait3A_55 = arith.constant 1 : i32
    %dma_wait3A_56 = arith.constant 0 : i32
    %dma_wait3A_57 = arith.constant 0 : i32
    %dma_wait3A_58 = tpu.memref_slice %arg9[%dma_wait3A_55, %dma_wait3A_56, %dma_wait3A_57] : memref<2x80x128xf32, #tpu.memory_space<vmem>> -> memref<1x80x128xf32, #tpu.memory_space<vmem>>
    %dma_wait3A_59 = tpu.memref_squeeze %dma_wait3A_58 : memref<1x80x128xf32, #tpu.memory_space<vmem>> -> memref<80x128xf32, #tpu.memory_space<vmem>>
    %dma_wait3A_60 = arith.constant 0 : i32
    %dma_wait3A_61 = tpu.memref_slice %arg7[%dma_wait3A_54, %dma_wait3A_60] : memref<250x80xi32, #tpu.memory_space<vmem>> -> memref<1x80xi32, #tpu.memory_space<vmem>>
    %dma_wait3A_62 = tpu.memref_squeeze %dma_wait3A_61 : memref<1x80xi32, #tpu.memory_space<vmem>> -> memref<80xi32, #tpu.memory_space<vmem>>
    %dma_wait3A_63 = arith.constant 0 : i32
    %dma_wait3A_64 = arith.constant 0 : i32
    %dma_wait3A_65 = tpu.memref_slice %arg4[%dma_wait3A_63, %dma_wait3A_64] : memref<10000x128xf32, #tpu.memory_space<hbm>> -> memref<10000x128xf32, #tpu.memory_space<hbm>>
    tpu.wait_indirect_dma semaphore(%arg12 : memref<!tpu.dma_semaphore, #tpu.memory_space<semaphore_mem>>) src(%dma_wait3A_65 : memref<10000x128xf32, #tpu.memory_space<hbm>>) dst(%dma_wait3A_59 : memref<80x128xf32, #tpu.memory_space<vmem>>)
    %barrier3A_66 = arith.constant 0 : index
    tpu.barrier barrier_id(%barrier3A_66)
    %add3A_67 = arith.constant 0 : i32
    %add3A_68 = arith.addi %mul3A_2, %add3A_67 : i32
    %run_scoped3A_69 = arith.constant 0 : i32
    "tpu.region"() ({
      %run_scoped3A_91 = tpu.sem_alloc : memref<!tpu.dma_semaphore, #tpu.memory_space<semaphore_mem>>
      %dma_start3A_92 = arith.constant 0 : i32
      %dma_start3A_93 = arith.constant 0 : i32
      %dma_start3A_94 = tpu.memref_slice %arg9[%run_scoped3A_69, %dma_start3A_92, %dma_start3A_93] : memref<2x80x128xf32, #tpu.memory_space<vmem>> -> memref<1x80x128xf32, #tpu.memory_space<vmem>>
      %dma_start3A_95 = tpu.memref_squeeze %dma_start3A_94 : memref<1x80x128xf32, #tpu.memory_space<vmem>> -> memref<80x128xf32, #tpu.memory_space<vmem>>
      %dma_start3A_96 = arith.constant 0 : i32
      %dma_start3A_97 = tpu.memref_slice %arg10[%add3A_68, %dma_start3A_96] : memref<5200x128xf32, #tpu.memory_space<vmem_shared>> -> memref<80x128xf32, #tpu.memory_space<vmem_shared>>
      %dma_start3A_98 = arith.constant 0 : i32
      %dma_start3A_99 = arith.constant 0 : i32
      %dma_start3A_100 = tpu.memref_slice %arg9[%run_scoped3A_69, %dma_start3A_98, %dma_start3A_99] : memref<2x80x128xf32, #tpu.memory_space<vmem>> -> memref<1x80x128xf32, #tpu.memory_space<vmem>>
      %dma_start3A_101 = tpu.memref_squeeze %dma_start3A_100 : memref<1x80x128xf32, #tpu.memory_space<vmem>> -> memref<80x128xf32, #tpu.memory_space<vmem>>
      %dma_start3A_102 = arith.constant 0 : i32
      %dma_start3A_103 = tpu.memref_slice %arg10[%add3A_68, %dma_start3A_102] : memref<5200x128xf32, #tpu.memory_space<vmem_shared>> -> memref<80x128xf32, #tpu.memory_space<vmem_shared>>
      tpu.enqueue_dma source(%dma_start3A_103 : memref<80x128xf32, #tpu.memory_space<vmem_shared>>) target(%dma_start3A_101 : memref<80x128xf32, #tpu.memory_space<vmem>>) target_semaphore(%run_scoped3A_91 : memref<!tpu.dma_semaphore, #tpu.memory_space<semaphore_mem>>)
      %dma_wait3A_104 = arith.constant 0 : i32
      %dma_wait3A_105 = arith.constant 0 : i32
      %dma_wait3A_106 = tpu.memref_slice %arg9[%run_scoped3A_69, %dma_wait3A_104, %dma_wait3A_105] : memref<2x80x128xf32, #tpu.memory_space<vmem>> -> memref<1x80x128xf32, #tpu.memory_space<vmem>>
      %dma_wait3A_107 = tpu.memref_squeeze %dma_wait3A_106 : memref<1x80x128xf32, #tpu.memory_space<vmem>> -> memref<80x128xf32, #tpu.memory_space<vmem>>
      %dma_wait3A_108 = arith.constant 0 : i32
      %dma_wait3A_109 = tpu.memref_slice %arg10[%add3A_68, %dma_wait3A_108] : memref<5200x128xf32, #tpu.memory_space<vmem_shared>> -> memref<80x128xf32, #tpu.memory_space<vmem_shared>>
      %dma_wait3A_110 = arith.constant 0 : i32
      %dma_wait3A_111 = arith.constant 0 : i32
      %dma_wait3A_112 = tpu.memref_slice %arg9[%run_scoped3A_69, %dma_wait3A_110, %dma_wait3A_111] : memref<2x80x128xf32, #tpu.memory_space<vmem>> -> memref<1x80x128xf32, #tpu.memory_space<vmem>>
      %dma_wait3A_113 = tpu.memref_squeeze %dma_wait3A_112 : memref<1x80x128xf32, #tpu.memory_space<vmem>> -> memref<80x128xf32, #tpu.memory_space<vmem>>
      %dma_wait3A_114 = arith.constant 0 : i32
      %dma_wait3A_115 = tpu.memref_slice %arg10[%add3A_68, %dma_wait3A_114] : memref<5200x128xf32, #tpu.memory_space<vmem_shared>> -> memref<80x128xf32, #tpu.memory_space<vmem_shared>>
      tpu.wait_dma2 semaphore(%run_scoped3A_91 : memref<!tpu.dma_semaphore, #tpu.memory_space<semaphore_mem>>) src(%dma_wait3A_115 : memref<80x128xf32, #tpu.memory_space<vmem_shared>>) dst(%dma_wait3A_113 : memref<80x128xf32, #tpu.memory_space<vmem>>)
      tpu.yield
    }) : () -> ()
    %add3A_70 = arith.constant 0 : i32
    %add3A_71 = arith.addi %mul3A_2, %add3A_70 : i32
    %run_scoped3A_72 = arith.constant 0 : i32
    "tpu.region"() ({
      %run_scoped3A_91 = tpu.sem_alloc : memref<!tpu.dma_semaphore, #tpu.memory_space<semaphore_mem>>
      %dma_start3A_92 = arith.constant 0 : i32
      %dma_start3A_93 = arith.constant 0 : i32
      %dma_start3A_94 = tpu.memref_slice %arg9[%run_scoped3A_72, %dma_start3A_92, %dma_start3A_93] : memref<2x80x128xf32, #tpu.memory_space<vmem>> -> memref<1x80x128xf32, #tpu.memory_space<vmem>>
      %dma_start3A_95 = tpu.memref_squeeze %dma_start3A_94 : memref<1x80x128xf32, #tpu.memory_space<vmem>> -> memref<80x128xf32, #tpu.memory_space<vmem>>
      %dma_start3A_96 = arith.constant 0 : i32
      %dma_start3A_97 = tpu.memref_slice %arg6[%arg0, %add3A_71, %dma_start3A_96] : memref<2x5120x128xf32, #tpu.memory_space<hbm>> -> memref<1x80x128xf32, #tpu.memory_space<hbm>>
      %dma_start3A_98 = tpu.memref_squeeze %dma_start3A_97 : memref<1x80x128xf32, #tpu.memory_space<hbm>> -> memref<80x128xf32, #tpu.memory_space<hbm>>
      %dma_start3A_99 = arith.constant 0 : i32
      %dma_start3A_100 = tpu.memref_slice %arg6[%arg0, %add3A_71, %dma_start3A_99] : memref<2x5120x128xf32, #tpu.memory_space<hbm>> -> memref<1x80x128xf32, #tpu.memory_space<hbm>>
      %dma_start3A_101 = tpu.memref_squeeze %dma_start3A_100 : memref<1x80x128xf32, #tpu.memory_space<hbm>> -> memref<80x128xf32, #tpu.memory_space<hbm>>
      %dma_start3A_102 = arith.constant 0 : i32
      %dma_start3A_103 = arith.constant 0 : i32
      %dma_start3A_104 = tpu.memref_slice %arg9[%run_scoped3A_72, %dma_start3A_102, %dma_start3A_103] : memref<2x80x128xf32, #tpu.memory_space<vmem>> -> memref<1x80x128xf32, #tpu.memory_space<vmem>>
      %dma_start3A_105 = tpu.memref_squeeze %dma_start3A_104 : memref<1x80x128xf32, #tpu.memory_space<vmem>> -> memref<80x128xf32, #tpu.memory_space<vmem>>
      tpu.enqueue_dma source(%dma_start3A_105 : memref<80x128xf32, #tpu.memory_space<vmem>>) target(%dma_start3A_101 : memref<80x128xf32, #tpu.memory_space<hbm>>) target_semaphore(%run_scoped3A_91 : memref<!tpu.dma_semaphore, #tpu.memory_space<semaphore_mem>>)
      %dma_wait3A_106 = arith.constant 0 : i32
      %dma_wait3A_107 = arith.constant 0 : i32
      %dma_wait3A_108 = tpu.memref_slice %arg9[%run_scoped3A_72, %dma_wait3A_106, %dma_wait3A_107] : memref<2x80x128xf32, #tpu.memory_space<vmem>> -> memref<1x80x128xf32, #tpu.memory_space<vmem>>
      %dma_wait3A_109 = tpu.memref_squeeze %dma_wait3A_108 : memref<1x80x128xf32, #tpu.memory_space<vmem>> -> memref<80x128xf32, #tpu.memory_space<vmem>>
      %dma_wait3A_110 = arith.constant 0 : i32
      %dma_wait3A_111 = tpu.memref_slice %arg6[%arg0, %add3A_71, %dma_wait3A_110] : memref<2x5120x128xf32, #tpu.memory_space<hbm>> -> memref<1x80x128xf32, #tpu.memory_space<hbm>>
      %dma_wait3A_112 = tpu.memref_squeeze %dma_wait3A_111 : memref<1x80x128xf32, #tpu.memory_space<hbm>> -> memref<80x128xf32, #tpu.memory_space<hbm>>
      %dma_wait3A_113 = arith.constant 0 : i32
      %dma_wait3A_114 = tpu.memref_slice %arg6[%arg0, %add3A_71, %dma_wait3A_113] : memref<2x5120x128xf32, #tpu.memory_space<hbm>> -> memref<1x80x128xf32, #tpu.memory_space<hbm>>
      %dma_wait3A_115 = tpu.memref_squeeze %dma_wait3A_114 : memref<1x80x128xf32, #tpu.memory_space<hbm>> -> memref<80x128xf32, #tpu.memory_space<hbm>>
      %dma_wait3A_116 = arith.constant 0 : i32
      %dma_wait3A_117 = arith.constant 0 : i32
      %dma_wait3A_118 = tpu.memref_slice %arg9[%run_scoped3A_72, %dma_wait3A_116, %dma_wait3A_117] : memref<2x80x128xf32, #tpu.memory_space<vmem>> -> memref<1x80x128xf32, #tpu.memory_space<vmem>>
      %dma_wait3A_119 = tpu.memref_squeeze %dma_wait3A_118 : memref<1x80x128xf32, #tpu.memory_space<vmem>> -> memref<80x128xf32, #tpu.memory_space<vmem>>
      tpu.wait_dma2 semaphore(%run_scoped3A_91 : memref<!tpu.dma_semaphore, #tpu.memory_space<semaphore_mem>>) src(%dma_wait3A_119 : memref<80x128xf32, #tpu.memory_space<vmem>>) dst(%dma_wait3A_115 : memref<80x128xf32, #tpu.memory_space<hbm>>)
      tpu.yield
    }) : () -> ()
    %add3A_73 = arith.constant 80 : i32
    %add3A_74 = arith.addi %mul3A_2, %add3A_73 : i32
    %run_scoped3A_75 = arith.constant 0 : i32
    "tpu.region"() ({
      %run_scoped3A_91 = tpu.sem_alloc : memref<!tpu.dma_semaphore, #tpu.memory_space<semaphore_mem>>
      %dma_start3A_92 = arith.constant 0 : i32
      %dma_start3A_93 = arith.constant 0 : i32
      %dma_start3A_94 = tpu.memref_slice %arg9[%run_scoped3A_75, %dma_start3A_92, %dma_start3A_93] : memref<2x80x128xf32, #tpu.memory_space<vmem>> -> memref<1x80x128xf32, #tpu.memory_space<vmem>>
      %dma_start3A_95 = tpu.memref_squeeze %dma_start3A_94 : memref<1x80x128xf32, #tpu.memory_space<vmem>> -> memref<80x128xf32, #tpu.memory_space<vmem>>
      %dma_start3A_96 = arith.constant 0 : i32
      %dma_start3A_97 = tpu.memref_slice %arg10[%add3A_74, %dma_start3A_96] : memref<5200x128xf32, #tpu.memory_space<vmem_shared>> -> memref<80x128xf32, #tpu.memory_space<vmem_shared>>
      %dma_start3A_98 = arith.constant 0 : i32
      %dma_start3A_99 = arith.constant 0 : i32
      %dma_start3A_100 = tpu.memref_slice %arg9[%run_scoped3A_75, %dma_start3A_98, %dma_start3A_99] : memref<2x80x128xf32, #tpu.memory_space<vmem>> -> memref<1x80x128xf32, #tpu.memory_space<vmem>>
      %dma_start3A_101 = tpu.memref_squeeze %dma_start3A_100 : memref<1x80x128xf32, #tpu.memory_space<vmem>> -> memref<80x128xf32, #tpu.memory_space<vmem>>
      %dma_start3A_102 = arith.constant 0 : i32
      %dma_start3A_103 = tpu.memref_slice %arg10[%add3A_74, %dma_start3A_102] : memref<5200x128xf32, #tpu.memory_space<vmem_shared>> -> memref<80x128xf32, #tpu.memory_space<vmem_shared>>
      tpu.enqueue_dma source(%dma_start3A_103 : memref<80x128xf32, #tpu.memory_space<vmem_shared>>) target(%dma_start3A_101 : memref<80x128xf32, #tpu.memory_space<vmem>>) target_semaphore(%run_scoped3A_91 : memref<!tpu.dma_semaphore, #tpu.memory_space<semaphore_mem>>)
      %dma_wait3A_104 = arith.constant 0 : i32
      %dma_wait3A_105 = arith.constant 0 : i32
      %dma_wait3A_106 = tpu.memref_slice %arg9[%run_scoped3A_75, %dma_wait3A_104, %dma_wait3A_105] : memref<2x80x128xf32, #tpu.memory_space<vmem>> -> memref<1x80x128xf32, #tpu.memory_space<vmem>>
      %dma_wait3A_107 = tpu.memref_squeeze %dma_wait3A_106 : memref<1x80x128xf32, #tpu.memory_space<vmem>> -> memref<80x128xf32, #tpu.memory_space<vmem>>
      %dma_wait3A_108 = arith.constant 0 : i32
      %dma_wait3A_109 = tpu.memref_slice %arg10[%add3A_74, %dma_wait3A_108] : memref<5200x128xf32, #tpu.memory_space<vmem_shared>> -> memref<80x128xf32, #tpu.memory_space<vmem_shared>>
      %dma_wait3A_110 = arith.constant 0 : i32
      %dma_wait3A_111 = arith.constant 0 : i32
      %dma_wait3A_112 = tpu.memref_slice %arg9[%run_scoped3A_75, %dma_wait3A_110, %dma_wait3A_111] : memref<2x80x128xf32, #tpu.memory_space<vmem>> -> memref<1x80x128xf32, #tpu.memory_space<vmem>>
      %dma_wait3A_113 = tpu.memref_squeeze %dma_wait3A_112 : memref<1x80x128xf32, #tpu.memory_space<vmem>> -> memref<80x128xf32, #tpu.memory_space<vmem>>
      %dma_wait3A_114 = arith.constant 0 : i32
      %dma_wait3A_115 = tpu.memref_slice %arg10[%add3A_74, %dma_wait3A_114] : memref<5200x128xf32, #tpu.memory_space<vmem_shared>> -> memref<80x128xf32, #tpu.memory_space<vmem_shared>>
      tpu.wait_dma2 semaphore(%run_scoped3A_91 : memref<!tpu.dma_semaphore, #tpu.memory_space<semaphore_mem>>) src(%dma_wait3A_115 : memref<80x128xf32, #tpu.memory_space<vmem_shared>>) dst(%dma_wait3A_113 : memref<80x128xf32, #tpu.memory_space<vmem>>)
      tpu.yield
    }) : () -> ()
    %add3A_76 = arith.constant 80 : i32
    %add3A_77 = arith.addi %mul3A_2, %add3A_76 : i32
    %run_scoped3A_78 = arith.constant 0 : i32
    "tpu.region"() ({
      %run_scoped3A_91 = tpu.sem_alloc : memref<!tpu.dma_semaphore, #tpu.memory_space<semaphore_mem>>
      %dma_start3A_92 = arith.constant 0 : i32
      %dma_start3A_93 = arith.constant 0 : i32
      %dma_start3A_94 = tpu.memref_slice %arg9[%run_scoped3A_78, %dma_start3A_92, %dma_start3A_93] : memref<2x80x128xf32, #tpu.memory_space<vmem>> -> memref<1x80x128xf32, #tpu.memory_space<vmem>>
      %dma_start3A_95 = tpu.memref_squeeze %dma_start3A_94 : memref<1x80x128xf32, #tpu.memory_space<vmem>> -> memref<80x128xf32, #tpu.memory_space<vmem>>
      %dma_start3A_96 = arith.constant 0 : i32
      %dma_start3A_97 = tpu.memref_slice %arg6[%arg0, %add3A_77, %dma_start3A_96] : memref<2x5120x128xf32, #tpu.memory_space<hbm>> -> memref<1x80x128xf32, #tpu.memory_space<hbm>>
      %dma_start3A_98 = tpu.memref_squeeze %dma_start3A_97 : memref<1x80x128xf32, #tpu.memory_space<hbm>> -> memref<80x128xf32, #tpu.memory_space<hbm>>
      %dma_start3A_99 = arith.constant 0 : i32
      %dma_start3A_100 = tpu.memref_slice %arg6[%arg0, %add3A_77, %dma_start3A_99] : memref<2x5120x128xf32, #tpu.memory_space<hbm>> -> memref<1x80x128xf32, #tpu.memory_space<hbm>>
      %dma_start3A_101 = tpu.memref_squeeze %dma_start3A_100 : memref<1x80x128xf32, #tpu.memory_space<hbm>> -> memref<80x128xf32, #tpu.memory_space<hbm>>
      %dma_start3A_102 = arith.constant 0 : i32
      %dma_start3A_103 = arith.constant 0 : i32
      %dma_start3A_104 = tpu.memref_slice %arg9[%run_scoped3A_78, %dma_start3A_102, %dma_start3A_103] : memref<2x80x128xf32, #tpu.memory_space<vmem>> -> memref<1x80x128xf32, #tpu.memory_space<vmem>>
      %dma_start3A_105 = tpu.memref_squeeze %dma_start3A_104 : memref<1x80x128xf32, #tpu.memory_space<vmem>> -> memref<80x128xf32, #tpu.memory_space<vmem>>
      tpu.enqueue_dma source(%dma_start3A_105 : memref<80x128xf32, #tpu.memory_space<vmem>>) target(%dma_start3A_101 : memref<80x128xf32, #tpu.memory_space<hbm>>) target_semaphore(%run_scoped3A_91 : memref<!tpu.dma_semaphore, #tpu.memory_space<semaphore_mem>>)
      %dma_wait3A_106 = arith.constant 0 : i32
      %dma_wait3A_107 = arith.constant 0 : i32
      %dma_wait3A_108 = tpu.memref_slice %arg9[%run_scoped3A_78, %dma_wait3A_106, %dma_wait3A_107] : memref<2x80x128xf32, #tpu.memory_space<vmem>> -> memref<1x80x128xf32, #tpu.memory_space<vmem>>
      %dma_wait3A_109 = tpu.memref_squeeze %dma_wait3A_108 : memref<1x80x128xf32, #tpu.memory_space<vmem>> -> memref<80x128xf32, #tpu.memory_space<vmem>>
      %dma_wait3A_110 = arith.constant 0 : i32
      %dma_wait3A_111 = tpu.memref_slice %arg6[%arg0, %add3A_77, %dma_wait3A_110] : memref<2x5120x128xf32, #tpu.memory_space<hbm>> -> memref<1x80x128xf32, #tpu.memory_space<hbm>>
      %dma_wait3A_112 = tpu.memref_squeeze %dma_wait3A_111 : memref<1x80x128xf32, #tpu.memory_space<hbm>> -> memref<80x128xf32, #tpu.memory_space<hbm>>
      %dma_wait3A_113 = arith.constant 0 : i32
      %dma_wait3A_114 = tpu.memref_slice %arg6[%arg0, %add3A_77, %dma_wait3A_113] : memref<2x5120x128xf32, #tpu.memory_space<hbm>> -> memref<1x80x128xf32, #tpu.memory_space<hbm>>
      %dma_wait3A_115 = tpu.memref_squeeze %dma_wait3A_114 : memref<1x80x128xf32, #tpu.memory_space<hbm>> -> memref<80x128xf32, #tpu.memory_space<hbm>>
      %dma_wait3A_116 = arith.constant 0 : i32
      %dma_wait3A_117 = arith.constant 0 : i32
      %dma_wait3A_118 = tpu.memref_slice %arg9[%run_scoped3A_78, %dma_wait3A_116, %dma_wait3A_117] : memref<2x80x128xf32, #tpu.memory_space<vmem>> -> memref<1x80x128xf32, #tpu.memory_space<vmem>>
      %dma_wait3A_119 = tpu.memref_squeeze %dma_wait3A_118 : memref<1x80x128xf32, #tpu.memory_space<vmem>> -> memref<80x128xf32, #tpu.memory_space<vmem>>
      tpu.wait_dma2 semaphore(%run_scoped3A_91 : memref<!tpu.dma_semaphore, #tpu.memory_space<semaphore_mem>>) src(%dma_wait3A_119 : memref<80x128xf32, #tpu.memory_space<vmem>>) dst(%dma_wait3A_115 : memref<80x128xf32, #tpu.memory_space<hbm>>)
      tpu.yield
    }) : () -> ()
    %add3A_79 = arith.constant 160 : i32
    %add3A_80 = arith.addi %mul3A_2, %add3A_79 : i32
    %run_scoped3A_81 = arith.constant 0 : i32
    "tpu.region"() ({
      %run_scoped3A_91 = tpu.sem_alloc : memref<!tpu.dma_semaphore, #tpu.memory_space<semaphore_mem>>
      %dma_start3A_92 = arith.constant 0 : i32
      %dma_start3A_93 = arith.constant 0 : i32
      %dma_start3A_94 = tpu.memref_slice %arg9[%run_scoped3A_81, %dma_start3A_92, %dma_start3A_93] : memref<2x80x128xf32, #tpu.memory_space<vmem>> -> memref<1x80x128xf32, #tpu.memory_space<vmem>>
      %dma_start3A_95 = tpu.memref_squeeze %dma_start3A_94 : memref<1x80x128xf32, #tpu.memory_space<vmem>> -> memref<80x128xf32, #tpu.memory_space<vmem>>
      %dma_start3A_96 = arith.constant 0 : i32
      %dma_start3A_97 = tpu.memref_slice %arg10[%add3A_80, %dma_start3A_96] : memref<5200x128xf32, #tpu.memory_space<vmem_shared>> -> memref<80x128xf32, #tpu.memory_space<vmem_shared>>
      %dma_start3A_98 = arith.constant 0 : i32
      %dma_start3A_99 = arith.constant 0 : i32
      %dma_start3A_100 = tpu.memref_slice %arg9[%run_scoped3A_81, %dma_start3A_98, %dma_start3A_99] : memref<2x80x128xf32, #tpu.memory_space<vmem>> -> memref<1x80x128xf32, #tpu.memory_space<vmem>>
      %dma_start3A_101 = tpu.memref_squeeze %dma_start3A_100 : memref<1x80x128xf32, #tpu.memory_space<vmem>> -> memref<80x128xf32, #tpu.memory_space<vmem>>
      %dma_start3A_102 = arith.constant 0 : i32
      %dma_start3A_103 = tpu.memref_slice %arg10[%add3A_80, %dma_start3A_102] : memref<5200x128xf32, #tpu.memory_space<vmem_shared>> -> memref<80x128xf32, #tpu.memory_space<vmem_shared>>
      tpu.enqueue_dma source(%dma_start3A_103 : memref<80x128xf32, #tpu.memory_space<vmem_shared>>) target(%dma_start3A_101 : memref<80x128xf32, #tpu.memory_space<vmem>>) target_semaphore(%run_scoped3A_91 : memref<!tpu.dma_semaphore, #tpu.memory_space<semaphore_mem>>)
      %dma_wait3A_104 = arith.constant 0 : i32
      %dma_wait3A_105 = arith.constant 0 : i32
      %dma_wait3A_106 = tpu.memref_slice %arg9[%run_scoped3A_81, %dma_wait3A_104, %dma_wait3A_105] : memref<2x80x128xf32, #tpu.memory_space<vmem>> -> memref<1x80x128xf32, #tpu.memory_space<vmem>>
      %dma_wait3A_107 = tpu.memref_squeeze %dma_wait3A_106 : memref<1x80x128xf32, #tpu.memory_space<vmem>> -> memref<80x128xf32, #tpu.memory_space<vmem>>
      %dma_wait3A_108 = arith.constant 0 : i32
      %dma_wait3A_109 = tpu.memref_slice %arg10[%add3A_80, %dma_wait3A_108] : memref<5200x128xf32, #tpu.memory_space<vmem_shared>> -> memref<80x128xf32, #tpu.memory_space<vmem_shared>>
      %dma_wait3A_110 = arith.constant 0 : i32
      %dma_wait3A_111 = arith.constant 0 : i32
      %dma_wait3A_112 = tpu.memref_slice %arg9[%run_scoped3A_81, %dma_wait3A_110, %dma_wait3A_111] : memref<2x80x128xf32, #tpu.memory_space<vmem>> -> memref<1x80x128xf32, #tpu.memory_space<vmem>>
      %dma_wait3A_113 = tpu.memref_squeeze %dma_wait3A_112 : memref<1x80x128xf32, #tpu.memory_space<vmem>> -> memref<80x128xf32, #tpu.memory_space<vmem>>
      %dma_wait3A_114 = arith.constant 0 : i32
      %dma_wait3A_115 = tpu.memref_slice %arg10[%add3A_80, %dma_wait3A_114] : memref<5200x128xf32, #tpu.memory_space<vmem_shared>> -> memref<80x128xf32, #tpu.memory_space<vmem_shared>>
      tpu.wait_dma2 semaphore(%run_scoped3A_91 : memref<!tpu.dma_semaphore, #tpu.memory_space<semaphore_mem>>) src(%dma_wait3A_115 : memref<80x128xf32, #tpu.memory_space<vmem_shared>>) dst(%dma_wait3A_113 : memref<80x128xf32, #tpu.memory_space<vmem>>)
      tpu.yield
    }) : () -> ()
    %add3A_82 = arith.constant 160 : i32
    %add3A_83 = arith.addi %mul3A_2, %add3A_82 : i32
    %run_scoped3A_84 = arith.constant 0 : i32
    "tpu.region"() ({
      %run_scoped3A_91 = tpu.sem_alloc : memref<!tpu.dma_semaphore, #tpu.memory_space<semaphore_mem>>
      %dma_start3A_92 = arith.constant 0 : i32
      %dma_start3A_93 = arith.constant 0 : i32
      %dma_start3A_94 = tpu.memref_slice %arg9[%run_scoped3A_84, %dma_start3A_92, %dma_start3A_93] : memref<2x80x128xf32, #tpu.memory_space<vmem>> -> memref<1x80x128xf32, #tpu.memory_space<vmem>>
      %dma_start3A_95 = tpu.memref_squeeze %dma_start3A_94 : memref<1x80x128xf32, #tpu.memory_space<vmem>> -> memref<80x128xf32, #tpu.memory_space<vmem>>
      %dma_start3A_96 = arith.constant 0 : i32
      %dma_start3A_97 = tpu.memref_slice %arg6[%arg0, %add3A_83, %dma_start3A_96] : memref<2x5120x128xf32, #tpu.memory_space<hbm>> -> memref<1x80x128xf32, #tpu.memory_space<hbm>>
      %dma_start3A_98 = tpu.memref_squeeze %dma_start3A_97 : memref<1x80x128xf32, #tpu.memory_space<hbm>> -> memref<80x128xf32, #tpu.memory_space<hbm>>
      %dma_start3A_99 = arith.constant 0 : i32
      %dma_start3A_100 = tpu.memref_slice %arg6[%arg0, %add3A_83, %dma_start3A_99] : memref<2x5120x128xf32, #tpu.memory_space<hbm>> -> memref<1x80x128xf32, #tpu.memory_space<hbm>>
      %dma_start3A_101 = tpu.memref_squeeze %dma_start3A_100 : memref<1x80x128xf32, #tpu.memory_space<hbm>> -> memref<80x128xf32, #tpu.memory_space<hbm>>
      %dma_start3A_102 = arith.constant 0 : i32
      %dma_start3A_103 = arith.constant 0 : i32
      %dma_start3A_104 = tpu.memref_slice %arg9[%run_scoped3A_84, %dma_start3A_102, %dma_start3A_103] : memref<2x80x128xf32, #tpu.memory_space<vmem>> -> memref<1x80x128xf32, #tpu.memory_space<vmem>>
      %dma_start3A_105 = tpu.memref_squeeze %dma_start3A_104 : memref<1x80x128xf32, #tpu.memory_space<vmem>> -> memref<80x128xf32, #tpu.memory_space<vmem>>
      tpu.enqueue_dma source(%dma_start3A_105 : memref<80x128xf32, #tpu.memory_space<vmem>>) target(%dma_start3A_101 : memref<80x128xf32, #tpu.memory_space<hbm>>) target_semaphore(%run_scoped3A_91 : memref<!tpu.dma_semaphore, #tpu.memory_space<semaphore_mem>>)
      %dma_wait3A_106 = arith.constant 0 : i32
      %dma_wait3A_107 = arith.constant 0 : i32
      %dma_wait3A_108 = tpu.memref_slice %arg9[%run_scoped3A_84, %dma_wait3A_106, %dma_wait3A_107] : memref<2x80x128xf32, #tpu.memory_space<vmem>> -> memref<1x80x128xf32, #tpu.memory_space<vmem>>
      %dma_wait3A_109 = tpu.memref_squeeze %dma_wait3A_108 : memref<1x80x128xf32, #tpu.memory_space<vmem>> -> memref<80x128xf32, #tpu.memory_space<vmem>>
      %dma_wait3A_110 = arith.constant 0 : i32
      %dma_wait3A_111 = tpu.memref_slice %arg6[%arg0, %add3A_83, %dma_wait3A_110] : memref<2x5120x128xf32, #tpu.memory_space<hbm>> -> memref<1x80x128xf32, #tpu.memory_space<hbm>>
      %dma_wait3A_112 = tpu.memref_squeeze %dma_wait3A_111 : memref<1x80x128xf32, #tpu.memory_space<hbm>> -> memref<80x128xf32, #tpu.memory_space<hbm>>
      %dma_wait3A_113 = arith.constant 0 : i32
      %dma_wait3A_114 = tpu.memref_slice %arg6[%arg0, %add3A_83, %dma_wait3A_113] : memref<2x5120x128xf32, #tpu.memory_space<hbm>> -> memref<1x80x128xf32, #tpu.memory_space<hbm>>
      %dma_wait3A_115 = tpu.memref_squeeze %dma_wait3A_114 : memref<1x80x128xf32, #tpu.memory_space<hbm>> -> memref<80x128xf32, #tpu.memory_space<hbm>>
      %dma_wait3A_116 = arith.constant 0 : i32
      %dma_wait3A_117 = arith.constant 0 : i32
      %dma_wait3A_118 = tpu.memref_slice %arg9[%run_scoped3A_84, %dma_wait3A_116, %dma_wait3A_117] : memref<2x80x128xf32, #tpu.memory_space<vmem>> -> memref<1x80x128xf32, #tpu.memory_space<vmem>>
      %dma_wait3A_119 = tpu.memref_squeeze %dma_wait3A_118 : memref<1x80x128xf32, #tpu.memory_space<vmem>> -> memref<80x128xf32, #tpu.memory_space<vmem>>
      tpu.wait_dma2 semaphore(%run_scoped3A_91 : memref<!tpu.dma_semaphore, #tpu.memory_space<semaphore_mem>>) src(%dma_wait3A_119 : memref<80x128xf32, #tpu.memory_space<vmem>>) dst(%dma_wait3A_115 : memref<80x128xf32, #tpu.memory_space<hbm>>)
      tpu.yield
    }) : () -> ()
    %add3A_85 = arith.constant 240 : i32
    %add3A_86 = arith.addi %mul3A_2, %add3A_85 : i32
    %run_scoped3A_87 = arith.constant 0 : i32
    "tpu.region"() ({
      %run_scoped3A_91 = tpu.sem_alloc : memref<!tpu.dma_semaphore, #tpu.memory_space<semaphore_mem>>
      %dma_start3A_92 = arith.constant 0 : i32
      %dma_start3A_93 = arith.constant 0 : i32
      %dma_start3A_94 = tpu.memref_slice %arg9[%run_scoped3A_87, %dma_start3A_92, %dma_start3A_93] : memref<2x80x128xf32, #tpu.memory_space<vmem>> -> memref<1x80x128xf32, #tpu.memory_space<vmem>>
      %dma_start3A_95 = tpu.memref_squeeze %dma_start3A_94 : memref<1x80x128xf32, #tpu.memory_space<vmem>> -> memref<80x128xf32, #tpu.memory_space<vmem>>
      %dma_start3A_96 = arith.constant 0 : i32
      %dma_start3A_97 = tpu.memref_slice %arg10[%add3A_86, %dma_start3A_96] : memref<5200x128xf32, #tpu.memory_space<vmem_shared>> -> memref<80x128xf32, #tpu.memory_space<vmem_shared>>
      %dma_start3A_98 = arith.constant 0 : i32
      %dma_start3A_99 = arith.constant 0 : i32
      %dma_start3A_100 = tpu.memref_slice %arg9[%run_scoped3A_87, %dma_start3A_98, %dma_start3A_99] : memref<2x80x128xf32, #tpu.memory_space<vmem>> -> memref<1x80x128xf32, #tpu.memory_space<vmem>>
      %dma_start3A_101 = tpu.memref_squeeze %dma_start3A_100 : memref<1x80x128xf32, #tpu.memory_space<vmem>> -> memref<80x128xf32, #tpu.memory_space<vmem>>
      %dma_start3A_102 = arith.constant 0 : i32
      %dma_start3A_103 = tpu.memref_slice %arg10[%add3A_86, %dma_start3A_102] : memref<5200x128xf32, #tpu.memory_space<vmem_shared>> -> memref<80x128xf32, #tpu.memory_space<vmem_shared>>
      tpu.enqueue_dma source(%dma_start3A_103 : memref<80x128xf32, #tpu.memory_space<vmem_shared>>) target(%dma_start3A_101 : memref<80x128xf32, #tpu.memory_space<vmem>>) target_semaphore(%run_scoped3A_91 : memref<!tpu.dma_semaphore, #tpu.memory_space<semaphore_mem>>)
      %dma_wait3A_104 = arith.constant 0 : i32
      %dma_wait3A_105 = arith.constant 0 : i32
      %dma_wait3A_106 = tpu.memref_slice %arg9[%run_scoped3A_87, %dma_wait3A_104, %dma_wait3A_105] : memref<2x80x128xf32, #tpu.memory_space<vmem>> -> memref<1x80x128xf32, #tpu.memory_space<vmem>>
      %dma_wait3A_107 = tpu.memref_squeeze %dma_wait3A_106 : memref<1x80x128xf32, #tpu.memory_space<vmem>> -> memref<80x128xf32, #tpu.memory_space<vmem>>
      %dma_wait3A_108 = arith.constant 0 : i32
      %dma_wait3A_109 = tpu.memref_slice %arg10[%add3A_86, %dma_wait3A_108] : memref<5200x128xf32, #tpu.memory_space<vmem_shared>> -> memref<80x128xf32, #tpu.memory_space<vmem_shared>>
      %dma_wait3A_110 = arith.constant 0 : i32
      %dma_wait3A_111 = arith.constant 0 : i32
      %dma_wait3A_112 = tpu.memref_slice %arg9[%run_scoped3A_87, %dma_wait3A_110, %dma_wait3A_111] : memref<2x80x128xf32, #tpu.memory_space<vmem>> -> memref<1x80x128xf32, #tpu.memory_space<vmem>>
      %dma_wait3A_113 = tpu.memref_squeeze %dma_wait3A_112 : memref<1x80x128xf32, #tpu.memory_space<vmem>> -> memref<80x128xf32, #tpu.memory_space<vmem>>
      %dma_wait3A_114 = arith.constant 0 : i32
      %dma_wait3A_115 = tpu.memref_slice %arg10[%add3A_86, %dma_wait3A_114] : memref<5200x128xf32, #tpu.memory_space<vmem_shared>> -> memref<80x128xf32, #tpu.memory_space<vmem_shared>>
      tpu.wait_dma2 semaphore(%run_scoped3A_91 : memref<!tpu.dma_semaphore, #tpu.memory_space<semaphore_mem>>) src(%dma_wait3A_115 : memref<80x128xf32, #tpu.memory_space<vmem_shared>>) dst(%dma_wait3A_113 : memref<80x128xf32, #tpu.memory_space<vmem>>)
      tpu.yield
    }) : () -> ()
    %add3A_88 = arith.constant 240 : i32
    %add3A_89 = arith.addi %mul3A_2, %add3A_88 : i32
    %run_scoped3A_90 = arith.constant 0 : i32
    "tpu.region"() ({
      %run_scoped3A_91 = tpu.sem_alloc : memref<!tpu.dma_semaphore, #tpu.memory_space<semaphore_mem>>
      %dma_start3A_92 = arith.constant 0 : i32
      %dma_start3A_93 = arith.constant 0 : i32
      %dma_start3A_94 = tpu.memref_slice %arg9[%run_scoped3A_90, %dma_start3A_92, %dma_start3A_93] : memref<2x80x128xf32, #tpu.memory_space<vmem>> -> memref<1x80x128xf32, #tpu.memory_space<vmem>>
      %dma_start3A_95 = tpu.memref_squeeze %dma_start3A_94 : memref<1x80x128xf32, #tpu.memory_space<vmem>> -> memref<80x128xf32, #tpu.memory_space<vmem>>
      %dma_start3A_96 = arith.constant 0 : i32
      %dma_start3A_97 = tpu.memref_slice %arg6[%arg0, %add3A_89, %dma_start3A_96] : memref<2x5120x128xf32, #tpu.memory_space<hbm>> -> memref<1x80x128xf32, #tpu.memory_space<hbm>>
      %dma_start3A_98 = tpu.memref_squeeze %dma_start3A_97 : memref<1x80x128xf32, #tpu.memory_space<hbm>> -> memref<80x128xf32, #tpu.memory_space<hbm>>
      %dma_start3A_99 = arith.constant 0 : i32
      %dma_start3A_100 = tpu.memref_slice %arg6[%arg0, %add3A_89, %dma_start3A_99] : memref<2x5120x128xf32, #tpu.memory_space<hbm>> -> memref<1x80x128xf32, #tpu.memory_space<hbm>>
      %dma_start3A_101 = tpu.memref_squeeze %dma_start3A_100 : memref<1x80x128xf32, #tpu.memory_space<hbm>> -> memref<80x128xf32, #tpu.memory_space<hbm>>
      %dma_start3A_102 = arith.constant 0 : i32
      %dma_start3A_103 = arith.constant 0 : i32
      %dma_start3A_104 = tpu.memref_slice %arg9[%run_scoped3A_90, %dma_start3A_102, %dma_start3A_103] : memref<2x80x128xf32, #tpu.memory_space<vmem>> -> memref<1x80x128xf32, #tpu.memory_space<vmem>>
      %dma_start3A_105 = tpu.memref_squeeze %dma_start3A_104 : memref<1x80x128xf32, #tpu.memory_space<vmem>> -> memref<80x128xf32, #tpu.memory_space<vmem>>
      tpu.enqueue_dma source(%dma_start3A_105 : memref<80x128xf32, #tpu.memory_space<vmem>>) target(%dma_start3A_101 : memref<80x128xf32, #tpu.memory_space<hbm>>) target_semaphore(%run_scoped3A_91 : memref<!tpu.dma_semaphore, #tpu.memory_space<semaphore_mem>>)
      %dma_wait3A_106 = arith.constant 0 : i32
      %dma_wait3A_107 = arith.constant 0 : i32
      %dma_wait3A_108 = tpu.memref_slice %arg9[%run_scoped3A_90, %dma_wait3A_106, %dma_wait3A_107] : memref<2x80x128xf32, #tpu.memory_space<vmem>> -> memref<1x80x128xf32, #tpu.memory_space<vmem>>
      %dma_wait3A_109 = tpu.memref_squeeze %dma_wait3A_108 : memref<1x80x128xf32, #tpu.memory_space<vmem>> -> memref<80x128xf32, #tpu.memory_space<vmem>>
      %dma_wait3A_110 = arith.constant 0 : i32
      %dma_wait3A_111 = tpu.memref_slice %arg6[%arg0, %add3A_89, %dma_wait3A_110] : memref<2x5120x128xf32, #tpu.memory_space<hbm>> -> memref<1x80x128xf32, #tpu.memory_space<hbm>>
      %dma_wait3A_112 = tpu.memref_squeeze %dma_wait3A_111 : memref<1x80x128xf32, #tpu.memory_space<hbm>> -> memref<80x128xf32, #tpu.memory_space<hbm>>
      %dma_wait3A_113 = arith.constant 0 : i32
      %dma_wait3A_114 = tpu.memref_slice %arg6[%arg0, %add3A_89, %dma_wait3A_113] : memref<2x5120x128xf32, #tpu.memory_space<hbm>> -> memref<1x80x128xf32, #tpu.memory_space<hbm>>
      %dma_wait3A_115 = tpu.memref_squeeze %dma_wait3A_114 : memref<1x80x128xf32, #tpu.memory_space<hbm>> -> memref<80x128xf32, #tpu.memory_space<hbm>>
      %dma_wait3A_116 = arith.constant 0 : i32
      %dma_wait3A_117 = arith.constant 0 : i32
      %dma_wait3A_118 = tpu.memref_slice %arg9[%run_scoped3A_90, %dma_wait3A_116, %dma_wait3A_117] : memref<2x80x128xf32, #tpu.memory_space<vmem>> -> memref<1x80x128xf32, #tpu.memory_space<vmem>>
      %dma_wait3A_119 = tpu.memref_squeeze %dma_wait3A_118 : memref<1x80x128xf32, #tpu.memory_space<vmem>> -> memref<80x128xf32, #tpu.memory_space<vmem>>
      tpu.wait_dma2 semaphore(%run_scoped3A_91 : memref<!tpu.dma_semaphore, #tpu.memory_space<semaphore_mem>>) src(%dma_wait3A_119 : memref<80x128xf32, #tpu.memory_space<vmem>>) dst(%dma_wait3A_115 : memref<80x128xf32, #tpu.memory_space<hbm>>)
      tpu.yield
    }) : () -> ()
    return
  }
}

module attributes {stable_mosaic.version = 14 : i64} {
  func.func @_tc_prep_body(%arg0: memref<10000x128xf32, #tpu.memory_space<vmem>>, %arg1: memref<128x128xf32, #tpu.memory_space<vmem>>, %arg2: memref<128xf32, #tpu.memory_space<vmem>>, %arg3: memref<128x128xf32, #tpu.memory_space<vmem>>, %arg4: memref<128xf32, #tpu.memory_space<vmem>>, %arg5: memref<2x2x5120x128xf32, #tpu.memory_space<vmem>>, %arg6: memref<10000x128xf32, #tpu.memory_space<vmem>>, %arg7: memref<10000x128xf32, #tpu.memory_space<vmem>>, %arg8: memref<10000x1xf32, #tpu.memory_space<vmem>>, %arg9: memref<10000x1xf32, #tpu.memory_space<vmem>>) attributes {dimension_semantics = [], scalar_prefetch = 0 : i64, scratch_operands = 0 : i64, tpu.core_type = #tpu.core_type<tc>} {
    %get3A = arith.constant 0 : index
    %get3A_0 = arith.constant 0 : index
    %get3A_1 = vector.load %arg0[%get3A, %get3A_0] : memref<10000x128xf32, #tpu.memory_space<vmem>>, vector<10000x128xf32>
    %get3A_2 = arith.constant 0 : index
    %get3A_3 = arith.constant 0 : index
    %get3A_4 = vector.load %arg1[%get3A_2, %get3A_3] : memref<128x128xf32, #tpu.memory_space<vmem>>, vector<128x128xf32>
    %dot_general3A = arith.constant dense<0.000000e+00> : vector<10000x128xf32>
    %dot_general3A_5 = tpu.matmul %get3A_1, %get3A_4, %dot_general3A {dimension_numbers = #tpu.dot_dimension_numbers<[1], [0], [0], [1], [0, 0, 1, 1], [], []>, transpose_lhs_hint = false} : vector<10000x128xf32>, vector<128x128xf32>, vector<10000x128xf32> -> vector<10000x128xf32>
    %get3A_6 = arith.constant 0 : index
    %get3A_7 = vector.load %arg2[%get3A_6] : memref<128xf32, #tpu.memory_space<vmem>>, vector<128xf32>
    %broadcast_in_dim3A = vector.shape_cast %get3A_7 : vector<128xf32> to vector<1x128xf32>
    %add3A = vector.broadcast %broadcast_in_dim3A : vector<1x128xf32> to vector<10000x128xf32>
    %add3A_8 = arith.addf %dot_general3A_5, %add3A : vector<10000x128xf32>
    %get3A_9 = arith.constant 0 : index
    %get3A_10 = arith.constant 0 : index
    %get3A_11 = arith.constant 0 : index
    %get3A_12 = arith.constant 0 : index
    %get3A_13 = vector.load %arg5[%get3A_9, %get3A_10, %get3A_11, %get3A_12] : memref<2x2x5120x128xf32, #tpu.memory_space<vmem>>, vector<1x1x5120x1xf32>
    %get3A_14 = vector.shape_cast %get3A_13 : vector<1x1x5120x1xf32> to vector<5120x1xf32>
    %get3A_15 = arith.constant 1 : index
    %get3A_16 = arith.constant 0 : index
    %get3A_17 = arith.constant 0 : index
    %get3A_18 = arith.constant 0 : index
    %get3A_19 = vector.load %arg5[%get3A_15, %get3A_16, %get3A_17, %get3A_18] : memref<2x2x5120x128xf32, #tpu.memory_space<vmem>>, vector<1x1x4880x1xf32>
    %get3A_20 = vector.shape_cast %get3A_19 : vector<1x1x4880x1xf32> to vector<4880x1xf32>
    %concatenate3A = tpu.concatenate %get3A_14, %get3A_20 in 0 : vector<5120x1xf32>, vector<4880x1xf32> -> vector<10000x1xf32>
    %get3A_21 = arith.constant 0 : index
    %get3A_22 = arith.constant 1 : index
    %get3A_23 = arith.constant 0 : index
    %get3A_24 = arith.constant 0 : index
    %get3A_25 = vector.load %arg5[%get3A_21, %get3A_22, %get3A_23, %get3A_24] : memref<2x2x5120x128xf32, #tpu.memory_space<vmem>>, vector<1x1x5120x1xf32>
    %get3A_26 = vector.shape_cast %get3A_25 : vector<1x1x5120x1xf32> to vector<5120x1xf32>
    %get3A_27 = arith.constant 1 : index
    %get3A_28 = arith.constant 1 : index
    %get3A_29 = arith.constant 0 : index
    %get3A_30 = arith.constant 0 : index
    %get3A_31 = vector.load %arg5[%get3A_27, %get3A_28, %get3A_29, %get3A_30] : memref<2x2x5120x128xf32, #tpu.memory_space<vmem>>, vector<1x1x4880x1xf32>
    %get3A_32 = vector.shape_cast %get3A_31 : vector<1x1x4880x1xf32> to vector<4880x1xf32>
    %concatenate3A_33 = tpu.concatenate %get3A_26, %get3A_32 in 0 : vector<5120x1xf32>, vector<4880x1xf32> -> vector<10000x1xf32>
    %max3A = arith.constant 1.000000e+00 : f32
    %max3A_34 = vector.broadcast %max3A : f32 to vector<10000x1xf32>
    %max3A_35 = arith.maximumf %concatenate3A, %max3A_34 : vector<10000x1xf32>
    %rsqrt3A = math.rsqrt %max3A_35 : vector<10000x1xf32>
    %max3A_36 = arith.constant 1.000000e+00 : f32
    %max3A_37 = vector.broadcast %max3A_36 : f32 to vector<10000x1xf32>
    %max3A_38 = arith.maximumf %concatenate3A_33, %max3A_37 : vector<10000x1xf32>
    %rsqrt3A_39 = math.rsqrt %max3A_38 : vector<10000x1xf32>
    %swap3A = arith.constant 0 : index
    %swap3A_40 = arith.constant 0 : index
    %swap3A_41 = vector.load %arg6[%swap3A, %swap3A_40] : memref<10000x128xf32, #tpu.memory_space<vmem>>, vector<10000x128xf32>
    tpu.vector_store %arg6[%swap3A, %swap3A_40], %add3A_8 {strides = array<i32>} : memref<10000x128xf32, #tpu.memory_space<vmem>>, vector<10000x128xf32>,
    %get3A_42 = arith.constant 0 : index
    %get3A_43 = arith.constant 0 : index
    %get3A_44 = vector.load %arg3[%get3A_42, %get3A_43] : memref<128x128xf32, #tpu.memory_space<vmem>>, vector<128x128xf32>
    %dot_general3A_45 = arith.constant dense<0.000000e+00> : vector<10000x128xf32>
    %dot_general3A_46 = tpu.matmul %add3A_8, %get3A_44, %dot_general3A_45 {dimension_numbers = #tpu.dot_dimension_numbers<[1], [0], [0], [1], [0, 0, 1, 1], [], []>, transpose_lhs_hint = false} : vector<10000x128xf32>, vector<128x128xf32>, vector<10000x128xf32> -> vector<10000x128xf32>
    %get3A_47 = arith.constant 0 : index
    %get3A_48 = vector.load %arg4[%get3A_47] : memref<128xf32, #tpu.memory_space<vmem>>, vector<128xf32>
    %broadcast_in_dim3A_49 = vector.shape_cast %get3A_48 : vector<128xf32> to vector<1x128xf32>
    %add3A_50 = vector.broadcast %broadcast_in_dim3A_49 : vector<1x128xf32> to vector<10000x128xf32>
    %add3A_51 = arith.addf %dot_general3A_46, %add3A_50 : vector<10000x128xf32>
    %mul3A = vector.broadcast %rsqrt3A : vector<10000x1xf32> to vector<10000x128xf32>
    %mul3A_52 = arith.mulf %add3A_51, %mul3A : vector<10000x128xf32>
    %swap3A_53 = arith.constant 0 : index
    %swap3A_54 = arith.constant 0 : index
    %swap3A_55 = vector.load %arg7[%swap3A_53, %swap3A_54] : memref<10000x128xf32, #tpu.memory_space<vmem>>, vector<10000x128xf32>
    tpu.vector_store %arg7[%swap3A_53, %swap3A_54], %mul3A_52 {strides = array<i32>} : memref<10000x128xf32, #tpu.memory_space<vmem>>, vector<10000x128xf32>,
    %swap3A_56 = arith.constant 0 : index
    %swap3A_57 = arith.constant 0 : index
    %swap3A_58 = vector.load %arg8[%swap3A_56, %swap3A_57] : memref<10000x1xf32, #tpu.memory_space<vmem>>, vector<10000x1xf32>
    tpu.vector_store %arg8[%swap3A_56, %swap3A_57], %rsqrt3A {strides = array<i32>} : memref<10000x1xf32, #tpu.memory_space<vmem>>, vector<10000x1xf32>,
    %swap3A_59 = arith.constant 0 : index
    %swap3A_60 = arith.constant 0 : index
    %swap3A_61 = vector.load %arg9[%swap3A_59, %swap3A_60] : memref<10000x1xf32, #tpu.memory_space<vmem>>, vector<10000x1xf32>
    tpu.vector_store %arg9[%swap3A_59, %swap3A_60], %rsqrt3A_39 {strides = array<i32>} : memref<10000x1xf32, #tpu.memory_space<vmem>>, vector<10000x1xf32>,
    return
  }
}

module attributes {stable_mosaic.version = 14 : i64} {
  func.func @_tc_layer_body(%arg0: memref<2x5120x128xf32, #tpu.memory_space<vmem>>, %arg1: memref<10000x128xf32, #tpu.memory_space<vmem>>, %arg2: memref<10000x1xf32, #tpu.memory_space<vmem>>, %arg3: memref<128xf32, #tpu.memory_space<vmem>>, %arg4: memref<128xf32, #tpu.memory_space<vmem>>, %arg5: memref<128x128xf32, #tpu.memory_space<vmem>>, %arg6: memref<128xf32, #tpu.memory_space<vmem>>, %arg7: memref<10000x1xf32, #tpu.memory_space<vmem>>, %arg8: memref<10000x128xf32, #tpu.memory_space<vmem>>, %arg9: memref<10000x128xf32, #tpu.memory_space<vmem>>) attributes {dimension_semantics = [], scalar_prefetch = 0 : i64, scratch_operands = 0 : i64, tpu.core_type = #tpu.core_type<tc>} {
    %get3A = arith.constant 0 : index
    %get3A_0 = arith.constant 0 : index
    %get3A_1 = arith.constant 0 : index
    %get3A_2 = vector.load %arg0[%get3A, %get3A_0, %get3A_1] : memref<2x5120x128xf32, #tpu.memory_space<vmem>>, vector<1x5120x128xf32>
    %get3A_3 = vector.shape_cast %get3A_2 : vector<1x5120x128xf32> to vector<5120x128xf32>
    %get3A_4 = arith.constant 1 : index
    %get3A_5 = arith.constant 0 : index
    %get3A_6 = arith.constant 0 : index
    %get3A_7 = vector.load %arg0[%get3A_4, %get3A_5, %get3A_6] : memref<2x5120x128xf32, #tpu.memory_space<vmem>>, vector<1x4880x128xf32>
    %get3A_8 = vector.shape_cast %get3A_7 : vector<1x4880x128xf32> to vector<4880x128xf32>
    %concatenate3A = tpu.concatenate %get3A_3, %get3A_8 in 0 : vector<5120x128xf32>, vector<4880x128xf32> -> vector<10000x128xf32>
    %get3A_9 = arith.constant 0 : index
    %get3A_10 = arith.constant 0 : index
    %get3A_11 = vector.load %arg2[%get3A_9, %get3A_10] : memref<10000x1xf32, #tpu.memory_space<vmem>>, vector<10000x1xf32>
    %mul3A = vector.broadcast %get3A_11 : vector<10000x1xf32> to vector<10000x128xf32>
    %mul3A_12 = arith.mulf %concatenate3A, %mul3A : vector<10000x128xf32>
    %reduce_sum3A = arith.constant dense<0.000000e+00> : vector<128xf32>
    %reduce_sum3A_13 = vector.multi_reduction <add>, %mul3A_12, %reduce_sum3A [0] : vector<10000x128xf32> to vector<128xf32>
    %broadcast_in_dim3A = vector.shape_cast %reduce_sum3A_13 : vector<128xf32> to vector<1x128xf32>
    %div3A = arith.constant 1.000000e+04 : f32
    %div3A_14 = vector.broadcast %div3A : f32 to vector<1x128xf32>
    %div3A_15 = arith.divf %broadcast_in_dim3A, %div3A_14 : vector<1x128xf32>
    %sub3A = vector.broadcast %div3A_15 : vector<1x128xf32> to vector<10000x128xf32>
    %sub3A_16 = arith.subf %mul3A_12, %sub3A : vector<10000x128xf32>
    %mul3A_17 = arith.mulf %sub3A_16, %sub3A_16 : vector<10000x128xf32>
    %reduce_sum3A_18 = arith.constant dense<0.000000e+00> : vector<128xf32>
    %reduce_sum3A_19 = vector.multi_reduction <add>, %mul3A_17, %reduce_sum3A_18 [0] : vector<10000x128xf32> to vector<128xf32>
    %broadcast_in_dim3A_20 = vector.shape_cast %reduce_sum3A_19 : vector<128xf32> to vector<1x128xf32>
    %div3A_21 = arith.constant 1.000000e+04 : f32
    %div3A_22 = vector.broadcast %div3A_21 : f32 to vector<1x128xf32>
    %div3A_23 = arith.divf %broadcast_in_dim3A_20, %div3A_22 : vector<1x128xf32>
    %get3A_24 = arith.constant 0 : index
    %get3A_25 = vector.load %arg3[%get3A_24] : memref<128xf32, #tpu.memory_space<vmem>>, vector<128xf32>
    %broadcast_in_dim3A_26 = vector.shape_cast %get3A_25 : vector<128xf32> to vector<1x128xf32>
    %mul3A_27 = vector.broadcast %broadcast_in_dim3A_26 : vector<1x128xf32> to vector<10000x128xf32>
    %mul3A_28 = arith.mulf %mul3A_27, %sub3A_16 : vector<10000x128xf32>
    %add3A = arith.constant 9.99999974E-6 : f32
    %add3A_29 = vector.broadcast %add3A : f32 to vector<1x128xf32>
    %add3A_30 = arith.addf %div3A_23, %add3A_29 : vector<1x128xf32>
    %rsqrt3A = math.rsqrt %add3A_30 : vector<1x128xf32>
    %mul3A_31 = vector.broadcast %rsqrt3A : vector<1x128xf32> to vector<10000x128xf32>
    %mul3A_32 = arith.mulf %mul3A_28, %mul3A_31 : vector<10000x128xf32>
    %get3A_33 = arith.constant 0 : index
    %get3A_34 = vector.load %arg4[%get3A_33] : memref<128xf32, #tpu.memory_space<vmem>>, vector<128xf32>
    %broadcast_in_dim3A_35 = vector.shape_cast %get3A_34 : vector<128xf32> to vector<1x128xf32>
    %add3A_36 = vector.broadcast %broadcast_in_dim3A_35 : vector<1x128xf32> to vector<10000x128xf32>
    %add3A_37 = arith.addf %mul3A_32, %add3A_36 : vector<10000x128xf32>
    %get3A_38 = arith.constant 0 : index
    %get3A_39 = arith.constant 0 : index
    %get3A_40 = vector.load %arg1[%get3A_38, %get3A_39] : memref<10000x128xf32, #tpu.memory_space<vmem>>, vector<10000x128xf32>
    %max3A = arith.constant 0.000000e+00 : f32
    %max3A_41 = vector.broadcast %max3A : f32 to vector<10000x128xf32>
    %max3A_42 = arith.maximumf %add3A_37, %max3A_41 : vector<10000x128xf32>
    %add3A_43 = arith.addf %get3A_40, %max3A_42 : vector<10000x128xf32>
    %swap3A = arith.constant 0 : index
    %swap3A_44 = arith.constant 0 : index
    %swap3A_45 = vector.load %arg8[%swap3A, %swap3A_44] : memref<10000x128xf32, #tpu.memory_space<vmem>>, vector<10000x128xf32>
    tpu.vector_store %arg8[%swap3A, %swap3A_44], %add3A_43 {strides = array<i32>} : memref<10000x128xf32, #tpu.memory_space<vmem>>, vector<10000x128xf32>,
    %get3A_46 = arith.constant 0 : index
    %get3A_47 = arith.constant 0 : index
    %get3A_48 = vector.load %arg5[%get3A_46, %get3A_47] : memref<128x128xf32, #tpu.memory_space<vmem>>, vector<128x128xf32>
    %dot_general3A = arith.constant dense<0.000000e+00> : vector<10000x128xf32>
    %dot_general3A_49 = tpu.matmul %add3A_43, %get3A_48, %dot_general3A {dimension_numbers = #tpu.dot_dimension_numbers<[1], [0], [0], [1], [0, 0, 1, 1], [], []>, transpose_lhs_hint = false} : vector<10000x128xf32>, vector<128x128xf32>, vector<10000x128xf32> -> vector<10000x128xf32>
    %get3A_50 = arith.constant 0 : index
    %get3A_51 = vector.load %arg6[%get3A_50] : memref<128xf32, #tpu.memory_space<vmem>>, vector<128xf32>
    %broadcast_in_dim3A_52 = vector.shape_cast %get3A_51 : vector<128xf32> to vector<1x128xf32>
    %add3A_53 = vector.broadcast %broadcast_in_dim3A_52 : vector<1x128xf32> to vector<10000x128xf32>
    %add3A_54 = arith.addf %dot_general3A_49, %add3A_53 : vector<10000x128xf32>
    %get3A_55 = arith.constant 0 : index
    %get3A_56 = arith.constant 0 : index
    %get3A_57 = vector.load %arg7[%get3A_55, %get3A_56] : memref<10000x1xf32, #tpu.memory_space<vmem>>, vector<10000x1xf32>
    %mul3A_58 = vector.broadcast %get3A_57 : vector<10000x1xf32> to vector<10000x128xf32>
    %mul3A_59 = arith.mulf %add3A_54, %mul3A_58 : vector<10000x128xf32>
    %swap3A_60 = arith.constant 0 : index
    %swap3A_61 = arith.constant 0 : index
    %swap3A_62 = vector.load %arg9[%swap3A_60, %swap3A_61] : memref<10000x128xf32, #tpu.memory_space<vmem>>, vector<10000x128xf32>
    tpu.vector_store %arg9[%swap3A_60, %swap3A_61], %mul3A_59 {strides = array<i32>} : memref<10000x128xf32, #tpu.memory_space<vmem>>, vector<10000x128xf32>,
    return
  }
}

module attributes {stable_mosaic.version = 14 : i64} {
  func.func @_tc_final_body(%arg0: memref<2x5120x128xf32, #tpu.memory_space<vmem>>, %arg1: memref<10000x128xf32, #tpu.memory_space<vmem>>, %arg2: memref<10000x1xf32, #tpu.memory_space<vmem>>, %arg3: memref<128xf32, #tpu.memory_space<vmem>>, %arg4: memref<128xf32, #tpu.memory_space<vmem>>, %arg5: memref<256x128xf32, #tpu.memory_space<vmem>>, %arg6: memref<128xf32, #tpu.memory_space<vmem>>, %arg7: memref<128x64xf32, #tpu.memory_space<vmem>>, %arg8: memref<64xf32, #tpu.memory_space<vmem>>, %arg9: memref<64x10xf32, #tpu.memory_space<vmem>>, %arg10: memref<10xf32, #tpu.memory_space<vmem>>, %arg11: memref<384x192xf32, #tpu.memory_space<vmem>>, %arg12: memref<192xf32, #tpu.memory_space<vmem>>, %arg13: memref<192x96xf32, #tpu.memory_space<vmem>>, %arg14: memref<96xf32, #tpu.memory_space<vmem>>, %arg15: memref<96x10xf32, #tpu.memory_space<vmem>>, %arg16: memref<10xf32, #tpu.memory_space<vmem>>, %arg17: memref<10000x128xf32, #tpu.memory_space<vmem>>, %arg18: memref<10000x10xf32, #tpu.memory_space<vmem>>, %arg19: memref<10x10xf32, #tpu.memory_space<vmem>>) attributes {dimension_semantics = [], scalar_prefetch = 0 : i64, scratch_operands = 0 : i64, tpu.core_type = #tpu.core_type<tc>} {
    %get3A = arith.constant 0 : index
    %get3A_0 = arith.constant 0 : index
    %get3A_1 = arith.constant 0 : index
    %get3A_2 = vector.load %arg0[%get3A, %get3A_0, %get3A_1] : memref<2x5120x128xf32, #tpu.memory_space<vmem>>, vector<1x5120x128xf32>
    %get3A_3 = vector.shape_cast %get3A_2 : vector<1x5120x128xf32> to vector<5120x128xf32>
    %get3A_4 = arith.constant 1 : index
    %get3A_5 = arith.constant 0 : index
    %get3A_6 = arith.constant 0 : index
    %get3A_7 = vector.load %arg0[%get3A_4, %get3A_5, %get3A_6] : memref<2x5120x128xf32, #tpu.memory_space<vmem>>, vector<1x4880x128xf32>
    %get3A_8 = vector.shape_cast %get3A_7 : vector<1x4880x128xf32> to vector<4880x128xf32>
    %concatenate3A = tpu.concatenate %get3A_3, %get3A_8 in 0 : vector<5120x128xf32>, vector<4880x128xf32> -> vector<10000x128xf32>
    %get3A_9 = arith.constant 0 : index
    %get3A_10 = arith.constant 0 : index
    %get3A_11 = vector.load %arg2[%get3A_9, %get3A_10] : memref<10000x1xf32, #tpu.memory_space<vmem>>, vector<10000x1xf32>
    %mul3A = vector.broadcast %get3A_11 : vector<10000x1xf32> to vector<10000x128xf32>
    %mul3A_12 = arith.mulf %concatenate3A, %mul3A : vector<10000x128xf32>
    %reduce_sum3A = arith.constant dense<0.000000e+00> : vector<128xf32>
    %reduce_sum3A_13 = vector.multi_reduction <add>, %mul3A_12, %reduce_sum3A [0] : vector<10000x128xf32> to vector<128xf32>
    %broadcast_in_dim3A = vector.shape_cast %reduce_sum3A_13 : vector<128xf32> to vector<1x128xf32>
    %div3A = arith.constant 1.000000e+04 : f32
    %div3A_14 = vector.broadcast %div3A : f32 to vector<1x128xf32>
    %div3A_15 = arith.divf %broadcast_in_dim3A, %div3A_14 : vector<1x128xf32>
    %sub3A = vector.broadcast %div3A_15 : vector<1x128xf32> to vector<10000x128xf32>
    %sub3A_16 = arith.subf %mul3A_12, %sub3A : vector<10000x128xf32>
    %mul3A_17 = arith.mulf %sub3A_16, %sub3A_16 : vector<10000x128xf32>
    %reduce_sum3A_18 = arith.constant dense<0.000000e+00> : vector<128xf32>
    %reduce_sum3A_19 = vector.multi_reduction <add>, %mul3A_17, %reduce_sum3A_18 [0] : vector<10000x128xf32> to vector<128xf32>
    %broadcast_in_dim3A_20 = vector.shape_cast %reduce_sum3A_19 : vector<128xf32> to vector<1x128xf32>
    %div3A_21 = arith.constant 1.000000e+04 : f32
    %div3A_22 = vector.broadcast %div3A_21 : f32 to vector<1x128xf32>
    %div3A_23 = arith.divf %broadcast_in_dim3A_20, %div3A_22 : vector<1x128xf32>
    %get3A_24 = arith.constant 0 : index
    %get3A_25 = vector.load %arg3[%get3A_24] : memref<128xf32, #tpu.memory_space<vmem>>, vector<128xf32>
    %broadcast_in_dim3A_26 = vector.shape_cast %get3A_25 : vector<128xf32> to vector<1x128xf32>
    %mul3A_27 = vector.broadcast %broadcast_in_dim3A_26 : vector<1x128xf32> to vector<10000x128xf32>
    %mul3A_28 = arith.mulf %mul3A_27, %sub3A_16 : vector<10000x128xf32>
    %add3A = arith.constant 9.99999974E-6 : f32
    %add3A_29 = vector.broadcast %add3A : f32 to vector<1x128xf32>
    %add3A_30 = arith.addf %div3A_23, %add3A_29 : vector<1x128xf32>
    %rsqrt3A = math.rsqrt %add3A_30 : vector<1x128xf32>
    %mul3A_31 = vector.broadcast %rsqrt3A : vector<1x128xf32> to vector<10000x128xf32>
    %mul3A_32 = arith.mulf %mul3A_28, %mul3A_31 : vector<10000x128xf32>
    %get3A_33 = arith.constant 0 : index
    %get3A_34 = vector.load %arg4[%get3A_33] : memref<128xf32, #tpu.memory_space<vmem>>, vector<128xf32>
    %broadcast_in_dim3A_35 = vector.shape_cast %get3A_34 : vector<128xf32> to vector<1x128xf32>
    %add3A_36 = vector.broadcast %broadcast_in_dim3A_35 : vector<1x128xf32> to vector<10000x128xf32>
    %add3A_37 = arith.addf %mul3A_32, %add3A_36 : vector<10000x128xf32>
    %get3A_38 = arith.constant 0 : index
    %get3A_39 = arith.constant 0 : index
    %get3A_40 = vector.load %arg1[%get3A_38, %get3A_39] : memref<10000x128xf32, #tpu.memory_space<vmem>>, vector<10000x128xf32>
    %max3A = arith.constant 0.000000e+00 : f32
    %max3A_41 = vector.broadcast %max3A : f32 to vector<10000x128xf32>
    %max3A_42 = arith.maximumf %add3A_37, %max3A_41 : vector<10000x128xf32>
    %add3A_43 = arith.addf %get3A_40, %max3A_42 : vector<10000x128xf32>
    %swap3A = arith.constant 0 : index
    %swap3A_44 = arith.constant 0 : index
    %swap3A_45 = vector.load %arg17[%swap3A, %swap3A_44] : memref<10000x128xf32, #tpu.memory_space<vmem>>, vector<10000x128xf32>
    tpu.vector_store %arg17[%swap3A, %swap3A_44], %add3A_43 {strides = array<i32>} : memref<10000x128xf32, #tpu.memory_space<vmem>>, vector<10000x128xf32>,
    %reshape3A = vector.shape_cast %add3A_43 : vector<10000x128xf32> to vector<10x1000x128xf32>
    %reduce_sum3A_46 = arith.constant dense<0.000000e+00> : vector<10x128xf32>
    %reduce_sum3A_47 = vector.multi_reduction <add>, %reshape3A, %reduce_sum3A_46 [1] : vector<10x1000x128xf32> to vector<10x128xf32>
    %div3A_48 = arith.constant 1.000000e+03 : f32
    %div3A_49 = vector.broadcast %div3A_48 : f32 to vector<10x128xf32>
    %div3A_50 = arith.divf %reduce_sum3A_47, %div3A_49 : vector<10x128xf32>
    %reduce_max3A = arith.constant dense<0xFF800000> : vector<10x128xf32>
    %reduce_max3A_51 = vector.multi_reduction <maximumf>, %reshape3A, %reduce_max3A [1] : vector<10x1000x128xf32> to vector<10x128xf32>
    %concatenate3A_52 = tpu.concatenate %div3A_50, %reduce_max3A_51 in 1 : vector<10x128xf32>, vector<10x128xf32> -> vector<10x256xf32>
    %get3A_53 = arith.constant 0 : index
    %get3A_54 = arith.constant 0 : index
    %get3A_55 = vector.load %arg5[%get3A_53, %get3A_54] : memref<256x128xf32, #tpu.memory_space<vmem>>, vector<256x128xf32>
    %dot_general3A = arith.constant dense<0.000000e+00> : vector<10x128xf32>
    %dot_general3A_56 = tpu.matmul %concatenate3A_52, %get3A_55, %dot_general3A {dimension_numbers = #tpu.dot_dimension_numbers<[1], [0], [0], [1], [0, 0, 1, 1], [], []>, transpose_lhs_hint = false} : vector<10x256xf32>, vector<256x128xf32>, vector<10x128xf32> -> vector<10x128xf32>
    %get3A_57 = arith.constant 0 : index
    %get3A_58 = vector.load %arg6[%get3A_57] : memref<128xf32, #tpu.memory_space<vmem>>, vector<128xf32>
    %broadcast_in_dim3A_59 = vector.shape_cast %get3A_58 : vector<128xf32> to vector<1x128xf32>
    %add3A_60 = vector.broadcast %broadcast_in_dim3A_59 : vector<1x128xf32> to vector<10x128xf32>
    %add3A_61 = arith.addf %dot_general3A_56, %add3A_60 : vector<10x128xf32>
    %max3A_62 = arith.constant 0.000000e+00 : f32
    %max3A_63 = vector.broadcast %max3A_62 : f32 to vector<10x128xf32>
    %max3A_64 = arith.maximumf %add3A_61, %max3A_63 : vector<10x128xf32>
    %get3A_65 = arith.constant 0 : index
    %get3A_66 = arith.constant 0 : index
    %get3A_67 = vector.load %arg7[%get3A_65, %get3A_66] : memref<128x64xf32, #tpu.memory_space<vmem>>, vector<128x64xf32>
    %dot_general3A_68 = arith.constant dense<0.000000e+00> : vector<10x64xf32>
    %dot_general3A_69 = tpu.matmul %max3A_64, %get3A_67, %dot_general3A_68 {dimension_numbers = #tpu.dot_dimension_numbers<[1], [0], [0], [1], [0, 0, 1, 1], [], []>, transpose_lhs_hint = false} : vector<10x128xf32>, vector<128x64xf32>, vector<10x64xf32> -> vector<10x64xf32>
    %get3A_70 = arith.constant 0 : index
    %get3A_71 = vector.load %arg8[%get3A_70] : memref<64xf32, #tpu.memory_space<vmem>>, vector<64xf32>
    %broadcast_in_dim3A_72 = vector.shape_cast %get3A_71 : vector<64xf32> to vector<1x64xf32>
    %add3A_73 = vector.broadcast %broadcast_in_dim3A_72 : vector<1x64xf32> to vector<10x64xf32>
    %add3A_74 = arith.addf %dot_general3A_69, %add3A_73 : vector<10x64xf32>
    %max3A_75 = arith.constant 0.000000e+00 : f32
    %max3A_76 = vector.broadcast %max3A_75 : f32 to vector<10x64xf32>
    %max3A_77 = arith.maximumf %add3A_74, %max3A_76 : vector<10x64xf32>
    %get3A_78 = arith.constant 0 : index
    %get3A_79 = arith.constant 0 : index
    %get3A_80 = vector.load %arg9[%get3A_78, %get3A_79] : memref<64x10xf32, #tpu.memory_space<vmem>>, vector<64x10xf32>
    %dot_general3A_81 = arith.constant dense<0.000000e+00> : vector<10x10xf32>
    %dot_general3A_82 = tpu.matmul %max3A_77, %get3A_80, %dot_general3A_81 {dimension_numbers = #tpu.dot_dimension_numbers<[1], [0], [0], [1], [0, 0, 1, 1], [], []>, transpose_lhs_hint = false} : vector<10x64xf32>, vector<64x10xf32>, vector<10x10xf32> -> vector<10x10xf32>
    %get3A_83 = arith.constant 0 : index
    %get3A_84 = vector.load %arg10[%get3A_83] : memref<10xf32, #tpu.memory_space<vmem>>, vector<10xf32>
    %broadcast_in_dim3A_85 = vector.shape_cast %get3A_84 : vector<10xf32> to vector<1x10xf32>
    %add3A_86 = vector.broadcast %broadcast_in_dim3A_85 : vector<1x10xf32> to vector<10x10xf32>
    %add3A_87 = arith.addf %dot_general3A_82, %add3A_86 : vector<10x10xf32>
    %swap3A_88 = arith.constant 0 : index
    %swap3A_89 = arith.constant 0 : index
    %swap3A_90 = vector.load %arg19[%swap3A_88, %swap3A_89] : memref<10x10xf32, #tpu.memory_space<vmem>>, vector<10x10xf32>
    tpu.vector_store %arg19[%swap3A_88, %swap3A_89], %add3A_87 {strides = array<i32>} : memref<10x10xf32, #tpu.memory_space<vmem>>, vector<10x10xf32>,
    %broadcast_in_dim3A_91 = vector.shape_cast %concatenate3A_52 : vector<10x256xf32> to vector<10x1x256xf32>
    %broadcast_in_dim3A_92 = vector.shape_cast %broadcast_in_dim3A_91 : vector<10x1x256xf32> to vector<10x1x256xf32>
    %broadcast_in_dim3A_93 = vector.broadcast %broadcast_in_dim3A_92 : vector<10x1x256xf32> to vector<10x1000x256xf32>
    %reshape3A_94 = vector.shape_cast %broadcast_in_dim3A_93 : vector<10x1000x256xf32> to vector<10000x256xf32>
    %concatenate3A_95 = tpu.concatenate %reshape3A_94, %add3A_43 in 1 : vector<10000x256xf32>, vector<10000x128xf32> -> vector<10000x384xf32>
    %get3A_96 = arith.constant 0 : index
    %get3A_97 = arith.constant 0 : index
    %get3A_98 = vector.load %arg11[%get3A_96, %get3A_97] : memref<384x192xf32, #tpu.memory_space<vmem>>, vector<384x192xf32>
    %dot_general3A_99 = arith.constant dense<0.000000e+00> : vector<10000x192xf32>
    %dot_general3A_100 = tpu.matmul %concatenate3A_95, %get3A_98, %dot_general3A_99 {dimension_numbers = #tpu.dot_dimension_numbers<[1], [0], [0], [1], [0, 0, 1, 1], [], []>, transpose_lhs_hint = false} : vector<10000x384xf32>, vector<384x192xf32>, vector<10000x192xf32> -> vector<10000x192xf32>
    %get3A_101 = arith.constant 0 : index
    %get3A_102 = vector.load %arg12[%get3A_101] : memref<192xf32, #tpu.memory_space<vmem>>, vector<192xf32>
    %broadcast_in_dim3A_103 = vector.shape_cast %get3A_102 : vector<192xf32> to vector<1x192xf32>
    %add3A_104 = vector.broadcast %broadcast_in_dim3A_103 : vector<1x192xf32> to vector<10000x192xf32>
    %add3A_105 = arith.addf %dot_general3A_100, %add3A_104 : vector<10000x192xf32>
    %max3A_106 = arith.constant 0.000000e+00 : f32
    %max3A_107 = vector.broadcast %max3A_106 : f32 to vector<10000x192xf32>
    %max3A_108 = arith.maximumf %add3A_105, %max3A_107 : vector<10000x192xf32>
    %get3A_109 = arith.constant 0 : index
    %get3A_110 = arith.constant 0 : index
    %get3A_111 = vector.load %arg13[%get3A_109, %get3A_110] : memref<192x96xf32, #tpu.memory_space<vmem>>, vector<192x96xf32>
    %dot_general3A_112 = arith.constant dense<0.000000e+00> : vector<10000x96xf32>
    %dot_general3A_113 = tpu.matmul %max3A_108, %get3A_111, %dot_general3A_112 {dimension_numbers = #tpu.dot_dimension_numbers<[1], [0], [0], [1], [0, 0, 1, 1], [], []>, transpose_lhs_hint = false} : vector<10000x192xf32>, vector<192x96xf32>, vector<10000x96xf32> -> vector<10000x96xf32>
    %get3A_114 = arith.constant 0 : index
    %get3A_115 = vector.load %arg14[%get3A_114] : memref<96xf32, #tpu.memory_space<vmem>>, vector<96xf32>
    %broadcast_in_dim3A_116 = vector.shape_cast %get3A_115 : vector<96xf32> to vector<1x96xf32>
    %add3A_117 = vector.broadcast %broadcast_in_dim3A_116 : vector<1x96xf32> to vector<10000x96xf32>
    %add3A_118 = arith.addf %dot_general3A_113, %add3A_117 : vector<10000x96xf32>
    %max3A_119 = arith.constant 0.000000e+00 : f32
    %max3A_120 = vector.broadcast %max3A_119 : f32 to vector<10000x96xf32>
    %max3A_121 = arith.maximumf %add3A_118, %max3A_120 : vector<10000x96xf32>
    %get3A_122 = arith.constant 0 : index
    %get3A_123 = arith.constant 0 : index
    %get3A_124 = vector.load %arg15[%get3A_122, %get3A_123] : memref<96x10xf32, #tpu.memory_space<vmem>>, vector<96x10xf32>
    %dot_general3A_125 = arith.constant dense<0.000000e+00> : vector<10000x10xf32>
    %dot_general3A_126 = tpu.matmul %max3A_121, %get3A_124, %dot_general3A_125 {dimension_numbers = #tpu.dot_dimension_numbers<[1], [0], [0], [1], [0, 0, 1, 1], [], []>, transpose_lhs_hint = false} : vector<10000x96xf32>, vector<96x10xf32>, vector<10000x10xf32> -> vector<10000x10xf32>
    %get3A_127 = arith.constant 0 : index
    %get3A_128 = vector.load %arg16[%get3A_127] : memref<10xf32, #tpu.memory_space<vmem>>, vector<10xf32>
    %broadcast_in_dim3A_129 = vector.shape_cast %get3A_128 : vector<10xf32> to vector<1x10xf32>
    %add3A_130 = vector.broadcast %broadcast_in_dim3A_129 : vector<1x10xf32> to vector<10000x10xf32>
    %add3A_131 = arith.addf %dot_general3A_126, %add3A_130 : vector<10000x10xf32>
    %swap3A_132 = arith.constant 0 : index
    %swap3A_133 = arith.constant 0 : index
    %swap3A_134 = vector.load %arg18[%swap3A_132, %swap3A_133] : memref<10000x10xf32, #tpu.memory_space<vmem>>, vector<10000x10xf32>
    tpu.vector_store %arg18[%swap3A_132, %swap3A_133], %add3A_131 {strides = array<i32>} : memref<10000x10xf32, #tpu.memory_space<vmem>>, vector<10000x10xf32>,
    return
  }
}

</mosaic_0001>

<sc_bundles>
// kernel: kernel.10.cloned.1.call-start
scs
__scs_entry_jumppad:
0x0: {  	(pc) =	sbr.rel $0x88, $3  }
0x1: {  	(tag) =	ssettag $0x0;
	lr =	simm.s32 $0x1  }
0x2: {  	[smem:$0x3F8C] =	sst lr;
	_ =	strace $0xD0000000  }
0x3: {  	_ = 	snop  }
0x4: {  	_ = 	snop  }
0x5: {  	_ = 	snop  }
0x6: {  	_ = 	snop  }
0x7: {  	_ = 	snop  }
__scs_overlays_trampoline_lowered:
0x8: {  	[smem:$0x3F9B] =	sst s0  }
0x9: {  	[smem:$0x3F9C] =	sst s1  }
0xa: {  	[smem:$0x3F9D] =	sst s2  }
0xb: {  	[smem:$0x3F9E] =	sst s3  }
0xc: {  	[smem:$0x3F9F] =	sst s4  }
0xd: {  	[smem:$0x3FA0] =	sst s5  }
0xe: {  	[smem:$0x3FA1] =	sst s6  }
0xf: {  	[smem:$0x3FA2] =	sst s7  }
0x10: {  	[smem:$0x3FA3] =	sst s8  }
0x11: {  	[smem:$0x3FA4] =	sst s9;
	s0 =	simm.s32 @!p0 $0x0  }
0x12: {  	s1 =	sld [smem:$0x3F8A];
	s0 =	simm.s32 @p0 $0x1  }
0x13: {  	[smem:$0x3FA5] =	sst s0;
	s0 =	simm.s32 @!p1 $0x0  }
0x14: {  	s2 =	sld [smem:$0x3F89];
	s0 =	simm.s32 @p1 $0x1  }
0x15: {  	[smem:$0x3FA6] =	sst s0;
	s0 =	simm.s32 @!p2 $0x0  }
0x16: {  	s3 =	sld [smem:$0x3FDB];
	s0 =	simm.s32 @p2 $0x1  }
0x17: {  	s4 =	simm.s32 $0x1BF5;
	[smem:$0x3FA8] =	sst s0  }
0x18: {  	s0 =	sld [smem:$0x3F8B];
	_ =	swait.ge [sflag:s4], $0x0  }
0x19: {  	s7 =	sld [smem:$0x3F8C]  }
0x1a: {  	s8 =	sadd.s32 $0xFFFFE003, lr  }
0x1b: {  	s9 =	sadd.s32 $0xFFFFFEF7, lr;
	s5 =	simm.s32 $0xFFFFFFFF;
	p2 =	slt.u32 s8, $0xFFFFF086  }
0x1c: {  	p1 =	slt.u32 s9, $0xF7A;
	s5 =	simm.s32 @!p2 $0x0  }
0x1d: {  	s5 =	simm.s32 @p1 $0x1;
	p0 =	seq.s32 s7, s2  }
0x1e: {  	s7 =	smul.u32 @!p0 $0xF7A, s2;
	p2 =	seq.s32 @!p0 s5, $0x0  }
0x1f: {  	s9 =	smul.u32 $0xF7A, s1;
	s8 =	simm.s32 @!p0 $0x1BF5;
	p2 =	por !p2, p0  }
0x20: {  	[sflag:s8] =	ssyncset.s32 @!p0 $0xFFFFF086;
	s6 =	sadd.s32 @!p0 s3, s7;
	s7 =	simm.s32 @!p0 $0x108  }
0x21: {  	s3 =	sadd.s32 s3, s9;
	s6 =	sadd.s32 @!p0 $0x88, s6;
	s7 =	simm.s32 @p2 $0x1082  }
0x22: {  	[simem:s7], [sflag:s8] =	dma.local @!p0 [hbm:s6], $0xF7A  }
0x23: {  	s9 =	sor.u32 $0xD0000000, s2;
	s6 =	simm.s32 $0x108;
	_ =	swait.ge @!p0 [sflag:s8], $0x0  }
0x24: {  	s3 =	sadd.s32 $0x88, s3;
	s6 =	simm.s32 @!p1 $0x1082;
	[sflag:s4] =	ssyncset.s32 $0xFFFFF086  }
0x25: {  	[simem:s6], [sflag:s4] =	dma.local [hbm:s3], $0xF7A  }
0x26: {  	[smem:$0x3F8C] =	sst s1;
	(tag) =	ssettag s2;
	_ =	strace s9  }
0x27: {  	s1 =	sld [smem:$0x3F9C]  }
0x28: {  	s2 =	sld [smem:$0x3F9D]  }
0x29: {  	s4 =	sld [smem:$0x3F9F]  }
0x2a: {  	p0 =	seq.s32 s5, $0x0;
	s5 =	sld [smem:$0x3FA0]  }
0x2b: {  	s6 =	sld [smem:$0x3FA1]  }
0x2c: {  	s7 =	sld [smem:$0x3FA2]  }
0x2d: {  	s3 =	simm.s32 $0x108;
	s8 =	sld [smem:$0x3FA3]  }
0x2e: {  	s3 =	simm.s32 @!p0 $0x1082;
	s9 =	sld [smem:$0x3FA4]  }
0x2f: {  	lr =	sadd.s32 s0, s3;
	s0 =	sld [smem:$0x3F9B]  }
0x30: {  	s3 =	sld [smem:$0x3F9E]  }
0x31: {  	[smem:$0x3FA7] =	sst s10  }
0x32: {  	s10 =	sld [smem:$0x3FA5];
	_ =	sdelay $0x3  }
0x33: {  	p0 =	seq.s32 s10, $0x1;
	s10 =	sld [smem:$0x3FA7];
	_ =	sdelay $0x3  }
0x34: {  	[smem:$0x3FA7] =	sst s10  }
0x35: {  	s10 =	sld [smem:$0x3FA6];
	_ =	sdelay $0x3  }
0x36: {  	p1 =	seq.s32 s10, $0x1;
	s10 =	sld [smem:$0x3FA7];
	_ =	sdelay $0x3  }
0x37: {  	[smem:$0x3FA7] =	sst s10  }
0x38: {  	s10 =	sld [smem:$0x3FA8]  }
0x39: {  	_ = 	snop;
	(pc) =	sbr.ind lr, $3  }
0x3a: {  	_ = 	snop  }
0x3b: {  	_ = 	snop  }
0x3c: {  	p2 =	seq.s32 s10, $0x1;
	s10 =	sld [smem:$0x3FA7]  }
0x3d: {  	_ =	shalt  }
0x3e: {  	_ =	shalt  }
0x3f: {  	_ =	shalt  }
0x40: {  	_ =	shalt  }
0x41: {  	_ =	shalt  }
0x42: {  	_ =	shalt  }
0x43: {  	_ =	shalt  }
0x44: {  	_ =	shalt  }
0x45: {  	_ =	shalt  }
0x46: {  	_ =	shalt  }
0x47: {  	_ =	shalt  }
0x48: {  	_ =	shalt  }
0x49: {  	_ =	shalt  }
0x4a: {  	_ =	shalt  }
0x4b: {  	_ =	shalt  }
0x4c: {  	_ =	shalt  }
0x4d: {  	_ =	shalt  }
0x4e: {  	_ =	shalt  }
0x4f: {  	_ =	shalt  }
0x50: {  	_ =	shalt  }
0x51: {  	_ =	shalt  }
0x52: {  	_ =	shalt  }
0x53: {  	_ =	shalt  }
0x54: {  	_ =	shalt  }
0x55: {  	_ =	shalt  }
0x56: {  	_ =	shalt  }
0x57: {  	_ =	shalt  }
0x58: {  	_ =	shalt  }
0x59: {  	_ =	shalt  }
0x5a: {  	_ =	shalt  }
0x5b: {  	_ =	shalt  }
0x5c: {  	_ =	shalt  }
0x5d: {  	_ =	shalt  }
0x5e: {  	_ =	shalt  }
0x5f: {  	_ =	shalt  }
0x60: {  	_ =	shalt  }
0x61: {  	_ =	shalt  }
0x62: {  	_ =	shalt  }
0x63: {  	_ =	shalt  }
0x64: {  	_ =	shalt  }
0x65: {  	_ =	shalt  }
0x66: {  	_ =	shalt  }
0x67: {  	_ =	shalt  }
0x68: {  	_ =	shalt  }
0x69: {  	_ =	shalt  }
0x6a: {  	_ =	shalt  }
0x6b: {  	_ =	shalt  }
0x6c: {  	_ =	shalt  }
0x6d: {  	_ =	shalt  }
0x6e: {  	_ =	shalt  }
0x6f: {  	_ =	shalt  }
0x70: {  	_ =	shalt  }
0x71: {  	_ =	shalt  }
0x72: {  	_ =	shalt  }
0x73: {  	_ =	shalt  }
0x74: {  	_ =	shalt  }
0x75: {  	_ =	shalt  }
0x76: {  	_ =	shalt  }
0x77: {  	_ =	shalt  }
0x78: {  	_ =	shalt  }
0x79: {  	_ =	shalt  }
0x7a: {  	_ =	shalt  }
0x7b: {  	_ =	shalt  }
0x7c: {  	_ =	shalt  }
0x7d: {  	_ =	shalt  }
0x7e: {  	_ =	shalt  }
0x7f: {  	_ =	shalt  }
0x80: {  	_ =	shalt  }
0x81: {  	_ =	shalt  }
0x82: {  	_ =	shalt  }
0x83: {  	_ =	shalt  }
0x84: {  	_ =	shalt  }
0x85: {  	_ =	shalt  }
0x86: {  	_ =	shalt  }
0x87: {  	_ =	shalt  }
.Lfunc_end0:
.L_simem_size_0:
called_computation_lowered:
.L_overlay_start_0:
0x88: {  	s2 =	sld [smem:$0x3FD9]  }
0x89: {  	s3 =	sld [smem:$0x3FFE];
	_ =	sdelay $0x1  }
0x8a: {  	s1 =	srdreg.scid  }
0x8b: {  	s0 =	sand.u32 $0x1, s1  }
0x8c: {  	s14 =	sshll.u32 s0, $0xA;
	s2 =	sadd.s32 s3, s2  }
0x8d: {  	s2 =	sadd.s32 s2, s14  }
0x8e: {  	[smem:$0x3FB3] =	sst s2  }
0x8f: {  	_ = 	snop  }
0x90: {  	s2 =	sld [smem:$0x3FD0];
	_ =	sdelay $0x2  }
0x91: {  	s15 =	simm.s32 $0xA;
	s4 =	simm.s32 $0x10  }
0x92: {  	[smem:s4], [sflag:s15] =	dma.local [hbm:s2], $0x1  }
0x93: {  	_ =	swait.eq [sflag:s15], $0x1  }
0x94: {  	s16 =	sld [smem:$0x10];
	[sflag:s15] =	ssyncset.done $0x0  }
0x95: {  	s17 =	sld [smem:$0x11];
	[sflag:s15] =	ssyncadd.s32 $0xFFFFFFFF  }
0x96: {  	s18 =	sld [smem:$0x13];
	(tm) =	ssettm $0x1  }
0x97: {  	s5 =	sld [smem:$0x3FFB];
	_ =	sdelay $0x3  }
0x98: {  	_ =	strace s5  }
0x99: {  	s5 =	sld [smem:$0x3FFC];
	_ =	sdelay $0x3  }
0x9a: {  	_ =	strace s5  }
0x9b: {  	s5 =	sld [smem:$0x3FFD];
	_ =	sdelay $0x3  }
0x9c: {  	_ =	strace s5  }
0x9d: {  	_ =	strace $0x8FFFFFFF  }
0x9e: {  	s19 =	sld [smem:$0x3FDB];
	_ =	sdelay $0x1  }
0x9f: {  	s6 =	simm.s32 $_scs_section_size  }
0xa0: {  	s7 =	simm.s32 $_size__tile_overlayer_lowered;
	s8 =	simm.s32 $_tile_overlayer_lowered  }
0xa1: {  	s22 =	simm.s32 $0x1BFF;
	s21 =	sshll.u32 s8, $0x1;
	s5 =	sadd.s32 s6, s19  }
0xa2: {  	s9 =	simm.s32 $0x0;
	s20 =	sshll.u32 s7, $0x1;
	s7 =	sadd.s32 s21, s5  }
0xa3: {  	[timem:s9], [sflag:s22] =	dma.local [hbm:s7], s20  }
0xa4: {  	_ =	swait.ge [sflag:s22], s20  }
0xa5: {  	s6 =	ssub.s32 $0x0, s20;
	[sflag:s22] =	ssyncset.done $0x0  }
0xa6: {  	[sflag:s22] =	ssyncadd.s32 s6;
	_ =	sdelay $0x1  }
0xa7: {  	s23 =	simm.s32 $0x1B8B  }
0xa8: {  	_ =	swait.ge [sflag:s23], $0x1  }
0xa9: {  	[sflag:s23] =	ssyncset.done $0x0  }
0xaa: {  	s25 =	simm.s32 $0x1B8E;
	s24 =	sld [smem:$0x3FFE];
	[sflag:s23] =	ssyncadd.s32 $0xFFFFFFFF  }
0xab: {  	s26 =	simm.s32 $execute0_lowered;
	[smem:$0x3FD2] =	sst s25  }
0xac: {  	s7 =	sshll.u32 s26, $0x1;
	_ =	strace $0x80000046;
	[dreg:$0x1] =	wrdreg $0xFFFFFFFF  }
0xad: {  	s28 =	simm.s32 $_size_execute0_lowered;
	s5 =	sadd.s32 s5, s7;
	[dreg:$0x0] =	wrdreg $0x0  }
0xae: {  	s7 =	sshll.u32 s28, $0x1;
	[dreg:$0x2] =	wrdreg s5  }
0xaf: {  	[dreg:$0x3] =	wrdreg s7  }
0xb0: {  	[dreg:$0x4] =	wrdreg $0xC0  }
0xb1: {  	_ =	task [dreg:s9], $0x5FFFF  }
0xb2: {  	[dreg:$0x1] =	wrdreg $0xFFFFFFFF  }
0xb3: {  	[dreg:$0x0] =	wrdreg $0x60  }
0xb4: {  	[dreg:$0x2] =	wrdreg s16  }
0xb5: {  	[dreg:$0x3] =	wrdreg s24  }
0xb6: {  	[dreg:$0x4] =	wrdreg s18  }
0xb7: {  	[dreg:$0x5] =	wrdreg s17  }
0xb8: {  	[dreg:$0x6] =	wrdreg $0x148000  }
0xb9: {  	[dreg:$0x7] =	wrdreg $0x9  }
0xba: {  	_ =	task.clear_ibuf [dreg:s9], $0x8FFFF;
	_ =	strace $0x90000046  }
0xbb: {  	s29 =	simm.s32 $0x9;
	_ =	strace $0x80000048  }
0xbc: {  	_ =	swait.ge [sflag:s29], $0x1  }
0xbd: {  	[sflag:s29] =	ssyncadd.s32 $0xFFFFFFFF  }
0xbe: {  	_ =	strace $0x90000048  }
0xbf: {  	_ =	sfence  }
0xc0: {  	s30 =	sld [smem:$0x0];
	_ =	sdelay $0x2  }
0xc1: {  	s31 =	sshll.u32 s1, $0xD;
	s1 =	sshrl.u32 s1, $0x2  }
0xc2: {  	s3 =	sand.u32 $0x4000, s31;
	s1 =	sadd.s32 s1, s30  }
0xc3: {  	s0 =	sor.u32 s3, s0;
	s1 =	sshll.u32 s1, $0x11  }
0xc4: {  	s0 =	sor.u32 s1, s0  }
0xc5: {  	s0 =	sadd.s32 $0x8F2B, s0  }
0xc6: {  	[sflag:s0] =	ssyncadd.remote.s32 $0x1  }
0xc7: {  	_ =	sfence.sel $0xFFFF  }
0xc8: {  	[dreg:$0x0] =	wrdreg $0xFFFFFFFF;
	(pc) =	sbr.abs _section_cstart, $3  }
0xc9: {  	[dreg:$0x1] =	wrdreg $0xFFFFFFFF  }
0xca: {  	_ =	task.clear_ibuf [dreg:s9], $0x2FFFF;
	_ =	strace $0x9FFFFFFF  }
0xcb: {  	(tm) =	ssettm $0x7FFFFFFF  }
tec
execute0_lowered:
.L_overlay_start_1:
0x0: {  	(tag) =	ssettag $0x1  }
0x1: {  	s6 =	rddreg [dreg:$0x0]  }
0x2: {  	s7 =	rddreg [dreg:$0x1]  }
0x3: {  	s1 =	rddreg [dreg:$0x2]  }
0x4: {  	s2 =	rddreg [dreg:$0x3]  }
0x5: {  	s3 =	rddreg [dreg:$0x4];
	s5 =	simm.s32 $0x0;
	s8 =	srdreg.scid  }
0x6: {  	s4 =	stileid.u32;
	s28 =	simm.s32 $0x12800;
	s29 =	simm.s32 $0x50  }
0x7: {  	s30 =	simm.s32 $0x0;
	[smem:$0x7FF] =	sst s5;
	s9 =	sand.u32 $0x1, s8  }
0x8: {  	s10 =	sshll.u32 s4, $0xC;
	s11 =	smul.u32 $0x28000, s4;
	s17 =	sadd.s32 $0x44A00, s7  }
0x9: {  	s13 =	smul.u32 $0xA000, s4;
	_ =	strace $0x80000047;
	s8 =	sshll.u32 s9, $0x10  }
0xa: {  	s22 =	ssub.s32 $0x2, s9;
	s16 =	smul.u32 $0x140000, s9;
	s8 =	sor.u32 s10, s8  }
0xb: {  	s23 =	sshrl.u32 s22, $0x1;
	s24 =	sshrl.u32 s11, $0x2;
	s25 =	sadd.s32 $0x2000, s13  }
0xc: {  	s15 =	sadd.s32 $0x4000, s13;
	s18 =	sadd.s32 $0x6000, s13;
	s19 =	sadd.s32 $0x8000, s13  }
0xd: {  	s12 =	sadd.s32 s8, s7;
	s23 =	ssub.s32 s22, s23;
	s6 =	sadd.s32 s6, s8  }
0xe: {  	s8 =	sadd.s32 s24, s3;
	s9 =	sadd.s32 s25, s3;
	s10 =	sadd.s32 s15, s3  }
0xf: {  	s11 =	sadd.s32 s18, s3;
	s14 =	sadd.s32 s13, s16;
	s15 =	sadd.s32 s16, s15  }
0x10: {  	s18 =	sadd.s32 s16, s18;
	s24 =	simm.s32 $0x1;
	s7 =	sadd.s32 $0x24A00, s12  }
0x11: {  	s12 =	sadd.s32 s16, s25;
	s26 =	sshrl.u32 s14, $0x3;
	s16 =	sadd.s32 s16, s19  }
0x12: {  	s15 =	sshrl.u32 s15, $0x3;
	s18 =	sshrl.u32 s18, $0x3;
	s23 =	smax.u32 s23, $0x1  }
0x13: {  	s25 =	simm.s32 $0x8000;
	s31 =	sshrl.u32 s12, $0x3;
	s12 =	sadd.s32 s19, s3  }
0x14: {  	s13 =	sadd.s32 s17, s26;
	s19 =	sshrl.u32 s16, $0x3;
	s15 =	sadd.s32 s17, s15  }
0x15: {  	s16 =	sadd.s32 s17, s18;
	s26 =	simm.s32 $0x10000;
	s14 =	sadd.s32 s17, s31  }
0x16: {  	s17 =	sadd.s32 s17, s19;
	s18 =	sadd.s32 $0x14000, s13;
	s20 =	sadd.s32 $0x14000, s15  }
0x17: {  	s21 =	sadd.s32 $0x14000, s16;
	s19 =	sadd.s32 $0x14000, s14;
	s22 =	sadd.s32 $0x14000, s17  }
.LBB2_1:
0x18: {  	[tilespmem:s5], [sflag:$0x1] =	stream.linear.gather [hbm4b:s6+s5], $0x7D00, $0x38;
	[tilespmem:$0x1EA80] =	vst v63  }
0x19: {  	_ =	swait.ge [sflag:s24], $0x7D00  }
0x1a: {  	[sflag:s24] =	ssyncset.done $0x0  }
0x1b: {  	[sflag:s24] =	ssyncadd.s32 $0xFFFF8300  }
0x1c: {  	[tilespmem:s25], [sflag:$0x1] =	stream.linear.gather [hbm4b:s7+s5], $0x7D00, $0x38;
	[tilespmem:$0x1EA80] =	vst v63  }
0x1d: {  	_ =	swait.ge [sflag:s24], $0x7D00  }
0x1e: {  	[sflag:s24] =	ssyncset.done $0x0  }
0x1f: {  	[sflag:s24] =	ssyncadd.s32 $0xFFFF8300  }
0x20: {  	[tilespmem:s26], [sflag:$0x1] =	stream.linear.gather [hbm4b:s1+s5], $0x2800, $0x38;
	[tilespmem:$0x1EA80] =	vst v63  }
0x21: {  	_ =	swait.ge [sflag:s24], $0x2800  }
0x22: {  	[sflag:s24] =	ssyncset.done $0x0  }
0x23: {  	[sflag:s24] =	ssyncadd.s32 $0xFFFFD800  }
0x24: {  	[tilespmem:s28], [sflag:$0x1] =	stream.linear.gather [hbm4b:s2+s5], $0x2000, $0x38;
	[tilespmem:$0x1EA80] =	vst v63  }
0x25: {  	_ =	swait.ge [sflag:s24], $0x2000  }
0x26: {  	[sflag:s24] =	ssyncset.done $0x0  }
0x27: {  	[sflag:s24] =	ssyncadd.s32 $0xFFFFE000  }
0x28: {  	[spmem:s8] =	stream.linear.scatter [tilespmem:s28], [sflag:$0x1], $0x2000, $0x38;
	[tilespmem:$0x1EA80] =	vst v63  }
0x29: {  	_ =	swait.ge [sflag:s24], $0x2000  }
0x2a: {  	[sflag:s24] =	ssyncset.done $0x0  }
0x2b: {  	[sflag:s24] =	ssyncadd.s32 $0xFFFFE000  }
0x2c: {  	[spmem:s9] =	stream.linear.scatter [tilespmem:s28], [sflag:$0x1], $0x2000, $0x38;
	[tilespmem:$0x1EA80] =	vst v63  }
0x2d: {  	_ =	swait.ge [sflag:s24], $0x2000  }
0x2e: {  	[sflag:s24] =	ssyncset.done $0x0  }
0x2f: {  	[sflag:s24] =	ssyncadd.s32 $0xFFFFE000  }
0x30: {  	[spmem:s10] =	stream.linear.scatter [tilespmem:s28], [sflag:$0x1], $0x2000, $0x38;
	[tilespmem:$0x1EA80] =	vst v63  }
0x31: {  	_ =	swait.ge [sflag:s24], $0x2000  }
0x32: {  	[sflag:s24] =	ssyncset.done $0x0  }
0x33: {  	[sflag:s24] =	ssyncadd.s32 $0xFFFFE000  }
0x34: {  	[spmem:s11] =	stream.linear.scatter [tilespmem:s28], [sflag:$0x1], $0x2000, $0x38;
	[tilespmem:$0x1EA80] =	vst v63  }
0x35: {  	_ =	swait.ge [sflag:s24], $0x2000  }
0x36: {  	[sflag:s24] =	ssyncset.done $0x0  }
0x37: {  	[sflag:s24] =	ssyncadd.s32 $0xFFFFE000  }
0x38: {  	[spmem:s12] =	stream.linear.scatter [tilespmem:s28], [sflag:$0x1], $0x2000, $0x38;
	[tilespmem:$0x1EA80] =	vst v63  }
0x39: {  	_ =	swait.ge [sflag:s24], $0x2000  }
0x3a: {  	[sflag:s24] =	ssyncset.done $0x0  }
0x3b: {  	[sflag:s24] =	ssyncadd.s32 $0xFFFFE000  }
0x3c: {  	s31 =	simm.s32 $0x0;
	[bflag:$0x0] =	sbarrier.arrive $0xFFFF  }
0x3d: {  	[spmem:s3] =	stream.indirect.scatter.add.f32 [tilespmem:s26], [sflag:$0x1], $0x80, s31, s29, $0xb8;
	[tilespmem:$0x1EA80] =	vst v63  }
0x3e: {  	_ =	swait.ge [sflag:s24], $0x2800  }
0x3f: {  	s31 =	simm.s32 $0x200;
	[sflag:s24] =	ssyncset.done $0x0  }
.LBB2_2:
0x40: {  	s0 =	sshra.s32 s31, $0x2;
	[sflag:s24] =	ssyncadd.s32 $0xFFFFD800;
	p0 =	sne.s32 s31, $0x1F200  }
0x41: {  	[spmem:s3] =	stream.indirect.scatter.add.f32 [tilespmem:s26], [sflag:$0x1], $0x80, s0, s29, $0xb8;
	[tilespmem:$0x1EA80] =	vst v63  }
.Ltmp0:
0x42: {  	_ = 	snop;
	(pc) =	sbr.rel @p0 .LBB2_2-.Ltmp0, $4  }
0x43: {  	_ = 	snop  }
0x44: {  	s31 =	sadd.s32 $0x200, s31  }
0x45: {  	_ =	swait.ge [sflag:s24], $0x2800  }
0x46: {  	[sflag:s24] =	ssyncset.done $0x0  }
0x47: {  	[sflag:s24] =	ssyncadd.s32 $0xFFFFD800  }
0x48: {  	[bflag:$0x0] =	sbarrier.arrive $0xFFFF  }
0x49: {  	[tilespmem:s28], [sflag:$0x1] =	stream.linear.gather [spmem:s8], $0x2000, $0x38;
	[tilespmem:$0x1EA80] =	vst v63  }
0x4a: {  	_ =	swait.ge [sflag:s24], $0x2000  }
0x4b: {  	[sflag:s24] =	ssyncset.done $0x0  }
0x4c: {  	s0 =	simm.s32 $0x0;
	[sflag:s24] =	ssyncadd.s32 $0xFFFFE000  }
0x4d: {  	[hbm4b:s13+s0] =	stream.linear.scatter [tilespmem:s28], [sflag:$0x1], $0x2000, $0x38;
	[tilespmem:$0x1EA80] =	vst v63  }
0x4e: {  	_ =	swait.ge [sflag:s24], $0x2000  }
0x4f: {  	[sflag:s24] =	ssyncset.done $0x0  }
0x50: {  	[sflag:s24] =	ssyncadd.s32 $0xFFFFE000  }
0x51: {  	[tilespmem:s28], [sflag:$0x1] =	stream.linear.gather [spmem:s9], $0x2000, $0x38;
	[tilespmem:$0x1EA80] =	vst v63  }
0x52: {  	_ =	swait.ge [sflag:s24], $0x2000  }
0x53: {  	[sflag:s24] =	ssyncset.done $0x0  }
0x54: {  	[sflag:s24] =	ssyncadd.s32 $0xFFFFE000  }
0x55: {  	[hbm4b:s14+s0] =	stream.linear.scatter [tilespmem:s28], [sflag:$0x1], $0x2000, $0x38;
	[tilespmem:$0x1EA80] =	vst v63  }
0x56: {  	_ =	swait.ge [sflag:s24], $0x2000  }
0x57: {  	[sflag:s24] =	ssyncset.done $0x0  }
0x58: {  	[sflag:s24] =	ssyncadd.s32 $0xFFFFE000  }
0x59: {  	[tilespmem:s28], [sflag:$0x1] =	stream.linear.gather [spmem:s10], $0x2000, $0x38;
	[tilespmem:$0x1EA80] =	vst v63  }
0x5a: {  	_ =	swait.ge [sflag:s24], $0x2000  }
0x5b: {  	[sflag:s24] =	ssyncset.done $0x0  }
0x5c: {  	[sflag:s24] =	ssyncadd.s32 $0xFFFFE000  }
0x5d: {  	[hbm4b:s15+s0] =	stream.linear.scatter [tilespmem:s28], [sflag:$0x1], $0x2000, $0x38;
	[tilespmem:$0x1EA80] =	vst v63  }
0x5e: {  	_ =	swait.ge [sflag:s24], $0x2000  }
0x5f: {  	[sflag:s24] =	ssyncset.done $0x0  }
0x60: {  	[sflag:s24] =	ssyncadd.s32 $0xFFFFE000  }
0x61: {  	[tilespmem:s28], [sflag:$0x1] =	stream.linear.gather [spmem:s11], $0x2000, $0x38;
	[tilespmem:$0x1EA80] =	vst v63  }
0x62: {  	_ =	swait.ge [sflag:s24], $0x2000  }
0x63: {  	[sflag:s24] =	ssyncset.done $0x0  }
0x64: {  	[sflag:s24] =	ssyncadd.s32 $0xFFFFE000  }
0x65: {  	[hbm4b:s16+s0] =	stream.linear.scatter [tilespmem:s28], [sflag:$0x1], $0x2000, $0x38;
	[tilespmem:$0x1EA80] =	vst v63  }
0x66: {  	_ =	swait.ge [sflag:s24], $0x2000  }
0x67: {  	[sflag:s24] =	ssyncset.done $0x0  }
0x68: {  	[sflag:s24] =	ssyncadd.s32 $0xFFFFE000  }
0x69: {  	[tilespmem:s28], [sflag:$0x1] =	stream.linear.gather [spmem:s12], $0x2000, $0x38;
	[tilespmem:$0x1EA80] =	vst v63  }
0x6a: {  	_ =	swait.ge [sflag:s24], $0x2000  }
0x6b: {  	[sflag:s24] =	ssyncset.done $0x0  }
0x6c: {  	[sflag:s24] =	ssyncadd.s32 $0xFFFFE000  }
0x6d: {  	[hbm4b:s17+s0] =	stream.linear.scatter [tilespmem:s28], [sflag:$0x1], $0x2000, $0x38;
	[tilespmem:$0x1EA80] =	vst v63  }
0x6e: {  	_ =	swait.ge [sflag:s24], $0x2000  }
0x6f: {  	[sflag:s24] =	ssyncset.done $0x0  }
0x70: {  	[sflag:s24] =	ssyncadd.s32 $0xFFFFE000  }
0x71: {  	[bflag:$0x0] =	sbarrier.arrive $0xFFFF  }
0x72: {  	[tilespmem:s28], [sflag:$0x1] =	stream.linear.gather [hbm4b:s2+s0], $0x2000, $0x38;
	[tilespmem:$0x1EA80] =	vst v63  }
0x73: {  	_ =	swait.ge [sflag:s24], $0x2000  }
0x74: {  	[sflag:s24] =	ssyncset.done $0x0  }
0x75: {  	[sflag:s24] =	ssyncadd.s32 $0xFFFFE000  }
0x76: {  	[spmem:s8] =	stream.linear.scatter [tilespmem:s28], [sflag:$0x1], $0x2000, $0x38;
	[tilespmem:$0x1EA80] =	vst v63  }
0x77: {  	_ =	swait.ge [sflag:s24], $0x2000  }
0x78: {  	[sflag:s24] =	ssyncset.done $0x0  }
0x79: {  	[sflag:s24] =	ssyncadd.s32 $0xFFFFE000  }
0x7a: {  	[spmem:s9] =	stream.linear.scatter [tilespmem:s28], [sflag:$0x1], $0x2000, $0x38;
	[tilespmem:$0x1EA80] =	vst v63  }
0x7b: {  	_ =	swait.ge [sflag:s24], $0x2000  }
0x7c: {  	[sflag:s24] =	ssyncset.done $0x0  }
0x7d: {  	[sflag:s24] =	ssyncadd.s32 $0xFFFFE000  }
0x7e: {  	[spmem:s10] =	stream.linear.scatter [tilespmem:s28], [sflag:$0x1], $0x2000, $0x38;
	[tilespmem:$0x1EA80] =	vst v63  }
0x7f: {  	_ =	swait.ge [sflag:s24], $0x2000  }
0x80: {  	[sflag:s24] =	ssyncset.done $0x0  }
0x81: {  	[sflag:s24] =	ssyncadd.s32 $0xFFFFE000  }
0x82: {  	[spmem:s11] =	stream.linear.scatter [tilespmem:s28], [sflag:$0x1], $0x2000, $0x38;
	[tilespmem:$0x1EA80] =	vst v63  }
0x83: {  	_ =	swait.ge [sflag:s24], $0x2000  }
0x84: {  	[sflag:s24] =	ssyncset.done $0x0  }
0x85: {  	[sflag:s24] =	ssyncadd.s32 $0xFFFFE000  }
0x86: {  	[spmem:s12] =	stream.linear.scatter [tilespmem:s28], [sflag:$0x1], $0x2000, $0x38;
	[tilespmem:$0x1EA80] =	vst v63  }
0x87: {  	_ =	swait.ge [sflag:s24], $0x2000  }
0x88: {  	[sflag:s24] =	ssyncset.done $0x0  }
0x89: {  	[sflag:s24] =	ssyncadd.s32 $0xFFFFE000  }
0x8a: {  	s0 =	simm.s32 $0x8000;
	[bflag:$0x0] =	sbarrier.arrive $0xFFFF  }
0x8b: {  	[spmem:s3] =	stream.indirect.scatter.add.f32 [tilespmem:s26], [sflag:$0x1], $0x80, s0, s29, $0xb8;
	[tilespmem:$0x1EA80] =	vst v63  }
0x8c: {  	s31 =	simm.s32 $0x200;
	_ =	swait.ge [sflag:s24], $0x2800  }
.LBB2_4:
0x8d: {  	s0 =	sshra.s32 s31, $0x2;
	[sflag:s24] =	ssyncset.done $0x0;
	p0 =	sne.s32 s31, $0x1F200  }
.Ltmp1:
0x8e: {  	s0 =	sadd.s32 $0x8000, s0;
	[sflag:s24] =	ssyncadd.s32 $0xFFFFD800;
	(pc) =	sbr.rel @p0 .LBB2_4-.Ltmp1, $3  }
0x8f: {  	[spmem:s3] =	stream.indirect.scatter.add.f32 [tilespmem:s26], [sflag:$0x1], $0x80, s0, s29, $0xb8;
	[tilespmem:$0x1EA80] =	vst v63  }
0x90: {  	s31 =	sadd.s32 $0x200, s31;
	_ =	sdelay $0x1  }
0x91: {  	_ =	swait.ge [sflag:s24], $0x2800  }
0x92: {  	[sflag:s24] =	ssyncset.done $0x0  }
0x93: {  	[sflag:s24] =	ssyncadd.s32 $0xFFFFD800  }
0x94: {  	[bflag:$0x0] =	sbarrier.arrive $0xFFFF  }
0x95: {  	[tilespmem:s28], [sflag:$0x1] =	stream.linear.gather [spmem:s8], $0x2000, $0x38;
	[tilespmem:$0x1EA80] =	vst v63  }
0x96: {  	_ =	swait.ge [sflag:s24], $0x2000  }
0x97: {  	[sflag:s24] =	ssyncset.done $0x0  }
0x98: {  	[sflag:s24] =	ssyncadd.s32 $0xFFFFE000  }
0x99: {  	[hbm4b:s18+s5] =	stream.linear.scatter [tilespmem:s28], [sflag:$0x1], $0x2000, $0x38;
	[tilespmem:$0x1EA80] =	vst v63  }
0x9a: {  	_ =	swait.ge [sflag:s24], $0x2000  }
0x9b: {  	[sflag:s24] =	ssyncset.done $0x0  }
0x9c: {  	[sflag:s24] =	ssyncadd.s32 $0xFFFFE000  }
0x9d: {  	[tilespmem:s28], [sflag:$0x1] =	stream.linear.gather [spmem:s9], $0x2000, $0x38;
	[tilespmem:$0x1EA80] =	vst v63  }
0x9e: {  	_ =	swait.ge [sflag:s24], $0x2000  }
0x9f: {  	[sflag:s24] =	ssyncset.done $0x0  }
0xa0: {  	[sflag:s24] =	ssyncadd.s32 $0xFFFFE000  }
0xa1: {  	[hbm4b:s19+s5] =	stream.linear.scatter [tilespmem:s28], [sflag:$0x1], $0x2000, $0x38;
	[tilespmem:$0x1EA80] =	vst v63  }
0xa2: {  	_ =	swait.ge [sflag:s24], $0x2000  }
0xa3: {  	[sflag:s24] =	ssyncset.done $0x0  }
0xa4: {  	[sflag:s24] =	ssyncadd.s32 $0xFFFFE000  }
0xa5: {  	[tilespmem:s28], [sflag:$0x1] =	stream.linear.gather [spmem:s10], $0x2000, $0x38;
	[tilespmem:$0x1EA80] =	vst v63  }
0xa6: {  	_ =	swait.ge [sflag:s24], $0x2000  }
0xa7: {  	[sflag:s24] =	ssyncset.done $0x0  }
0xa8: {  	[sflag:s24] =	ssyncadd.s32 $0xFFFFE000  }
0xa9: {  	[hbm4b:s20+s5] =	stream.linear.scatter [tilespmem:s28], [sflag:$0x1], $0x2000, $0x38;
	[tilespmem:$0x1EA80] =	vst v63  }
0xaa: {  	_ =	swait.ge [sflag:s24], $0x2000  }
0xab: {  	[sflag:s24] =	ssyncset.done $0x0  }
0xac: {  	[sflag:s24] =	ssyncadd.s32 $0xFFFFE000  }
0xad: {  	[tilespmem:s28], [sflag:$0x1] =	stream.linear.gather [spmem:s11], $0x2000, $0x38;
	[tilespmem:$0x1EA80] =	vst v63  }
0xae: {  	_ =	swait.ge [sflag:s24], $0x2000  }
0xaf: {  	[sflag:s24] =	ssyncset.done $0x0  }
0xb0: {  	[sflag:s24] =	ssyncadd.s32 $0xFFFFE000  }
0xb1: {  	[hbm4b:s21+s5] =	stream.linear.scatter [tilespmem:s28], [sflag:$0x1], $0x2000, $0x38;
	[tilespmem:$0x1EA80] =	vst v63  }
0xb2: {  	_ =	swait.ge [sflag:s24], $0x2000  }
0xb3: {  	[sflag:s24] =	ssyncset.done $0x0  }
0xb4: {  	[sflag:s24] =	ssyncadd.s32 $0xFFFFE000  }
0xb5: {  	[tilespmem:s28], [sflag:$0x1] =	stream.linear.gather [spmem:s12], $0x2000, $0x38;
	[tilespmem:$0x1EA80] =	vst v63  }
0xb6: {  	_ =	swait.ge [sflag:s24], $0x2000  }
0xb7: {  	s30 =	sadd.s32 $0x1, s30;
	[sflag:s24] =	ssyncset.done $0x0  }
0xb8: {  	p0 =	sne.s32 s30, s23;
	[sflag:s24] =	ssyncadd.s32 $0xFFFFE000  }
0xb9: {  	[hbm4b:s22+s5] =	stream.linear.scatter [tilespmem:s28], [sflag:$0x1], $0x2000, $0x38;
	[tilespmem:$0x1EA80] =	vst v63  }
.Ltmp2:
0xba: {  	_ =	swait.ge [sflag:s24], $0x2000;
	(pc) =	sbr.rel @p0 .LBB2_1-.Ltmp2, $3  }
0xbb: {  	[sflag:s24] =	ssyncset.done $0x0  }
0xbc: {  	[sflag:s24] =	ssyncadd.s32 $0xFFFFE000  }
0xbd: {  	[bflag:$0x0] =	sbarrier.arrive $0xFFFF;
	_ =	sdelay $0x1  }
0xbe: {  	_ =	sfence.sel $0x180000  }
0xbf: {  	[bflag:$0x0] =	sbarrier.arrive $0xFFFF  }
0xc0: {  	_ =	strace $0x90000047  }
0xc1: {  	[bflag:$0x2] =	sbarrier.arrive $0xFFFF  }
0xc2: {  	p0 =	sne.s32 s4, $0x0;
	s0 =	rddreg [dreg:$0x5]  }
0xc3: {  	s0 =	sadd.s32 @!p0 $0x100000, s0  }
0xc4: {  	[sflag:s0] =	ssyncadd.tile.s32 @!p0 $0x1;
	_ =	shalt  }
.Lfunc_end2:
_tile_overlayer_lowered:
.L_overlay_start_2:
0xc5: {  	(tag) =	ssettag $0x2  }
0xc6: {  	s0 =	rddreg [dreg:$0x0];
	s2 =	stileid.u32  }
0xc7: {  	s1 =	rddreg [dreg:$0x1];
	p0 =	sne.s32 s2, $0x0  }
0xc8: {  	s3 =	rddreg [dreg:$0x2];
	[bflag:$0x3] =	sbarrier.arrive $0xFFFF;
	s2 =	simm.s32 @!p0 $0x1C01  }
0xc9: {  	[timem:s3], [sflag:s2] =	dma.local @!p0 [hbm:s0], s1  }
0xca: {  	s0 =	simm.s32 @!p0 $0x1  }
0xcb: {  	_ =	swait.ge @!p0 [sflag:s0], s1  }
0xcc: {  	s1 =	ssub.s32 @!p0 $0x0, s1;
	[sflag:s0] =	ssyncset.done @!p0 $0x0  }
0xcd: {  	[sflag:s0] =	ssyncadd.s32 @!p0 s1  }
0xce: {  	[bflag:$0x3] =	sbarrier.arrive $0xFFFF  }
0xcf: {  	_ =	shalt  }

// kernel: kernel.13.cloned.1.call-start
scs
__scs_entry_jumppad:
0x0: {  	(pc) =	sbr.rel $0x88, $3  }
0x1: {  	(tag) =	ssettag $0x0;
	lr =	simm.s32 $0x1  }
0x2: {  	[smem:$0x3F8C] =	sst lr;
	_ =	strace $0xD0000000  }
0x3: {  	_ = 	snop  }
0x4: {  	_ = 	snop  }
0x5: {  	_ = 	snop  }
0x6: {  	_ = 	snop  }
0x7: {  	_ = 	snop  }
__scs_overlays_trampoline_lowered:
0x8: {  	[smem:$0x3F9B] =	sst s0  }
0x9: {  	[smem:$0x3F9C] =	sst s1  }
0xa: {  	[smem:$0x3F9D] =	sst s2  }
0xb: {  	[smem:$0x3F9E] =	sst s3  }
0xc: {  	[smem:$0x3F9F] =	sst s4  }
0xd: {  	[smem:$0x3FA0] =	sst s5  }
0xe: {  	[smem:$0x3FA1] =	sst s6  }
0xf: {  	[smem:$0x3FA2] =	sst s7  }
0x10: {  	[smem:$0x3FA3] =	sst s8  }
0x11: {  	[smem:$0x3FA4] =	sst s9;
	s0 =	simm.s32 @!p0 $0x0  }
0x12: {  	s1 =	sld [smem:$0x3F8A];
	s0 =	simm.s32 @p0 $0x1  }
0x13: {  	[smem:$0x3FA5] =	sst s0;
	s0 =	simm.s32 @!p1 $0x0  }
0x14: {  	s2 =	sld [smem:$0x3F89];
	s0 =	simm.s32 @p1 $0x1  }
0x15: {  	[smem:$0x3FA6] =	sst s0;
	s0 =	simm.s32 @!p2 $0x0  }
0x16: {  	s3 =	sld [smem:$0x3FDB];
	s0 =	simm.s32 @p2 $0x1  }
0x17: {  	s4 =	simm.s32 $0x1BF5;
	[smem:$0x3FA8] =	sst s0  }
0x18: {  	s0 =	sld [smem:$0x3F8B];
	_ =	swait.ge [sflag:s4], $0x0  }
0x19: {  	s7 =	sld [smem:$0x3F8C]  }
0x1a: {  	s8 =	sadd.s32 $0xFFFFE003, lr  }
0x1b: {  	s9 =	sadd.s32 $0xFFFFFEF7, lr;
	s5 =	simm.s32 $0xFFFFFFFF;
	p2 =	slt.u32 s8, $0xFFFFF086  }
0x1c: {  	p1 =	slt.u32 s9, $0xF7A;
	s5 =	simm.s32 @!p2 $0x0  }
0x1d: {  	s5 =	simm.s32 @p1 $0x1;
	p0 =	seq.s32 s7, s2  }
0x1e: {  	s7 =	smul.u32 @!p0 $0xF7A, s2;
	p2 =	seq.s32 @!p0 s5, $0x0  }
0x1f: {  	s9 =	smul.u32 $0xF7A, s1;
	s8 =	simm.s32 @!p0 $0x1BF5;
	p2 =	por !p2, p0  }
0x20: {  	[sflag:s8] =	ssyncset.s32 @!p0 $0xFFFFF086;
	s6 =	sadd.s32 @!p0 s3, s7;
	s7 =	simm.s32 @!p0 $0x108  }
0x21: {  	s3 =	sadd.s32 s3, s9;
	s6 =	sadd.s32 @!p0 $0x88, s6;
	s7 =	simm.s32 @p2 $0x1082  }
0x22: {  	[simem:s7], [sflag:s8] =	dma.local @!p0 [hbm:s6], $0xF7A  }
0x23: {  	s9 =	sor.u32 $0xD0000000, s2;
	s6 =	simm.s32 $0x108;
	_ =	swait.ge @!p0 [sflag:s8], $0x0  }
0x24: {  	s3 =	sadd.s32 $0x88, s3;
	s6 =	simm.s32 @!p1 $0x1082;
	[sflag:s4] =	ssyncset.s32 $0xFFFFF086  }
0x25: {  	[simem:s6], [sflag:s4] =	dma.local [hbm:s3], $0xF7A  }
0x26: {  	[smem:$0x3F8C] =	sst s1;
	(tag) =	ssettag s2;
	_ =	strace s9  }
0x27: {  	s1 =	sld [smem:$0x3F9C]  }
0x28: {  	s2 =	sld [smem:$0x3F9D]  }
0x29: {  	s4 =	sld [smem:$0x3F9F]  }
0x2a: {  	p0 =	seq.s32 s5, $0x0;
	s5 =	sld [smem:$0x3FA0]  }
0x2b: {  	s6 =	sld [smem:$0x3FA1]  }
0x2c: {  	s7 =	sld [smem:$0x3FA2]  }
0x2d: {  	s3 =	simm.s32 $0x108;
	s8 =	sld [smem:$0x3FA3]  }
0x2e: {  	s3 =	simm.s32 @!p0 $0x1082;
	s9 =	sld [smem:$0x3FA4]  }
0x2f: {  	lr =	sadd.s32 s0, s3;
	s0 =	sld [smem:$0x3F9B]  }
0x30: {  	s3 =	sld [smem:$0x3F9E]  }
0x31: {  	[smem:$0x3FA7] =	sst s10  }
0x32: {  	s10 =	sld [smem:$0x3FA5];
	_ =	sdelay $0x3  }
0x33: {  	p0 =	seq.s32 s10, $0x1;
	s10 =	sld [smem:$0x3FA7];
	_ =	sdelay $0x3  }
0x34: {  	[smem:$0x3FA7] =	sst s10  }
0x35: {  	s10 =	sld [smem:$0x3FA6];
	_ =	sdelay $0x3  }
0x36: {  	p1 =	seq.s32 s10, $0x1;
	s10 =	sld [smem:$0x3FA7];
	_ =	sdelay $0x3  }
0x37: {  	[smem:$0x3FA7] =	sst s10  }
0x38: {  	s10 =	sld [smem:$0x3FA8]  }
0x39: {  	_ = 	snop;
	(pc) =	sbr.ind lr, $3  }
0x3a: {  	_ = 	snop  }
0x3b: {  	_ = 	snop  }
0x3c: {  	p2 =	seq.s32 s10, $0x1;
	s10 =	sld [smem:$0x3FA7]  }
0x3d: {  	_ =	shalt  }
0x3e: {  	_ =	shalt  }
0x3f: {  	_ =	shalt  }
0x40: {  	_ =	shalt  }
0x41: {  	_ =	shalt  }
0x42: {  	_ =	shalt  }
0x43: {  	_ =	shalt  }
0x44: {  	_ =	shalt  }
0x45: {  	_ =	shalt  }
0x46: {  	_ =	shalt  }
0x47: {  	_ =	shalt  }
0x48: {  	_ =	shalt  }
0x49: {  	_ =	shalt  }
0x4a: {  	_ =	shalt  }
0x4b: {  	_ =	shalt  }
0x4c: {  	_ =	shalt  }
0x4d: {  	_ =	shalt  }
0x4e: {  	_ =	shalt  }
0x4f: {  	_ =	shalt  }
0x50: {  	_ =	shalt  }
0x51: {  	_ =	shalt  }
0x52: {  	_ =	shalt  }
0x53: {  	_ =	shalt  }
0x54: {  	_ =	shalt  }
0x55: {  	_ =	shalt  }
0x56: {  	_ =	shalt  }
0x57: {  	_ =	shalt  }
0x58: {  	_ =	shalt  }
0x59: {  	_ =	shalt  }
0x5a: {  	_ =	shalt  }
0x5b: {  	_ =	shalt  }
0x5c: {  	_ =	shalt  }
0x5d: {  	_ =	shalt  }
0x5e: {  	_ =	shalt  }
0x5f: {  	_ =	shalt  }
0x60: {  	_ =	shalt  }
0x61: {  	_ =	shalt  }
0x62: {  	_ =	shalt  }
0x63: {  	_ =	shalt  }
0x64: {  	_ =	shalt  }
0x65: {  	_ =	shalt  }
0x66: {  	_ =	shalt  }
0x67: {  	_ =	shalt  }
0x68: {  	_ =	shalt  }
0x69: {  	_ =	shalt  }
0x6a: {  	_ =	shalt  }
0x6b: {  	_ =	shalt  }
0x6c: {  	_ =	shalt  }
0x6d: {  	_ =	shalt  }
0x6e: {  	_ =	shalt  }
0x6f: {  	_ =	shalt  }
0x70: {  	_ =	shalt  }
0x71: {  	_ =	shalt  }
0x72: {  	_ =	shalt  }
0x73: {  	_ =	shalt  }
0x74: {  	_ =	shalt  }
0x75: {  	_ =	shalt  }
0x76: {  	_ =	shalt  }
0x77: {  	_ =	shalt  }
0x78: {  	_ =	shalt  }
0x79: {  	_ =	shalt  }
0x7a: {  	_ =	shalt  }
0x7b: {  	_ =	shalt  }
0x7c: {  	_ =	shalt  }
0x7d: {  	_ =	shalt  }
0x7e: {  	_ =	shalt  }
0x7f: {  	_ =	shalt  }
0x80: {  	_ =	shalt  }
0x81: {  	_ =	shalt  }
0x82: {  	_ =	shalt  }
0x83: {  	_ =	shalt  }
0x84: {  	_ =	shalt  }
0x85: {  	_ =	shalt  }
0x86: {  	_ =	shalt  }
0x87: {  	_ =	shalt  }
.Lfunc_end0:
.L_simem_size_0:
called_computation.1_lowered:
.L_overlay_start_0:
0x88: {  	s2 =	sld [smem:$0x3FD9]  }
0x89: {  	s3 =	sld [smem:$0x3FFE];
	_ =	sdelay $0x1  }
0x8a: {  	s1 =	srdreg.scid  }
0x8b: {  	s0 =	sand.u32 $0x1, s1  }
0x8c: {  	s14 =	sshll.u32 s0, $0xA;
	s2 =	sadd.s32 s3, s2  }
0x8d: {  	s2 =	sadd.s32 s2, s14  }
0x8e: {  	[smem:$0x3FB3] =	sst s2  }
0x8f: {  	_ = 	snop  }
0x90: {  	s2 =	sld [smem:$0x3FD0];
	_ =	sdelay $0x2  }
0x91: {  	s15 =	simm.s32 $0xA;
	s4 =	simm.s32 $0x10  }
0x92: {  	[smem:s4], [sflag:s15] =	dma.local [hbm:s2], $0x1  }
0x93: {  	_ =	swait.eq [sflag:s15], $0x1  }
0x94: {  	[sflag:s15] =	ssyncset.done $0x0  }
0x95: {  	s16 =	sld [smem:$0x10];
	[sflag:s15] =	ssyncadd.s32 $0xFFFFFFFF  }
0x96: {  	s17 =	sld [smem:$0x11];
	(tm) =	ssettm $0x1  }
0x97: {  	s18 =	sld [smem:$0x3FFB];
	_ =	sdelay $0x3  }
0x98: {  	_ =	strace s18  }
0x99: {  	s4 =	sld [smem:$0x3FFC];
	_ =	sdelay $0x3  }
0x9a: {  	_ =	strace s4  }
0x9b: {  	s4 =	sld [smem:$0x3FFD];
	_ =	sdelay $0x3  }
0x9c: {  	_ =	strace s4  }
0x9d: {  	_ =	strace $0x8FFFFFFF  }
0x9e: {  	s19 =	sld [smem:$0x3FDB];
	_ =	sdelay $0x1  }
0x9f: {  	s5 =	simm.s32 $_scs_section_size  }
0xa0: {  	s6 =	simm.s32 $_size__tile_overlayer_lowered;
	s7 =	simm.s32 $_tile_overlayer_lowered  }
0xa1: {  	s22 =	simm.s32 $0x1BFF;
	s21 =	sshll.u32 s7, $0x1;
	s4 =	sadd.s32 s5, s19  }
0xa2: {  	s8 =	simm.s32 $0x0;
	s20 =	sshll.u32 s6, $0x1;
	s6 =	sadd.s32 s21, s4  }
0xa3: {  	[timem:s8], [sflag:s22] =	dma.local [hbm:s6], s20  }
0xa4: {  	_ =	swait.ge [sflag:s22], s20  }
0xa5: {  	s5 =	ssub.s32 $0x0, s20;
	[sflag:s22] =	ssyncset.done $0x0  }
0xa6: {  	[sflag:s22] =	ssyncadd.s32 s5;
	_ =	sdelay $0x1  }
0xa7: {  	s23 =	simm.s32 $0x1B8B  }
0xa8: {  	_ =	swait.ge [sflag:s23], $0x1  }
0xa9: {  	[sflag:s23] =	ssyncset.done $0x0  }
0xaa: {  	s25 =	simm.s32 $0x1B8E;
	s24 =	sld [smem:$0x3FFE];
	[sflag:s23] =	ssyncadd.s32 $0xFFFFFFFF  }
0xab: {  	s26 =	simm.s32 $execute0_lowered;
	[smem:$0x3FD2] =	sst s25  }
0xac: {  	s6 =	sshll.u32 s26, $0x1;
	_ =	strace $0x80000049;
	[dreg:$0x1] =	wrdreg $0xFFFFFFFF  }
0xad: {  	s28 =	simm.s32 $_size_execute0_lowered;
	s4 =	sadd.s32 s4, s6;
	[dreg:$0x0] =	wrdreg $0x0  }
0xae: {  	s6 =	sshll.u32 s28, $0x1;
	[dreg:$0x2] =	wrdreg s4  }
0xaf: {  	[dreg:$0x3] =	wrdreg s6  }
0xb0: {  	[dreg:$0x4] =	wrdreg $0xC0  }
0xb1: {  	_ =	task [dreg:s8], $0x5FFFF  }
0xb2: {  	[dreg:$0x1] =	wrdreg $0xFFFFFFFF  }
0xb3: {  	[dreg:$0x0] =	wrdreg $0x60  }
0xb4: {  	[dreg:$0x2] =	wrdreg s24  }
0xb5: {  	[dreg:$0x3] =	wrdreg s16  }
0xb6: {  	[dreg:$0x4] =	wrdreg s17  }
0xb7: {  	[dreg:$0x5] =	wrdreg $0x150000  }
0xb8: {  	[dreg:$0x6] =	wrdreg $0x9  }
0xb9: {  	_ =	task.clear_ibuf [dreg:s8], $0x7FFFF;
	_ =	strace $0x90000049  }
0xba: {  	s29 =	simm.s32 $0x9;
	_ =	strace $0x8000004B  }
0xbb: {  	_ =	swait.ge [sflag:s29], $0x1  }
0xbc: {  	[sflag:s29] =	ssyncadd.s32 $0xFFFFFFFF  }
0xbd: {  	_ =	strace $0x9000004B  }
0xbe: {  	_ =	sfence  }
0xbf: {  	s30 =	sld [smem:$0x0];
	_ =	sdelay $0x2  }
0xc0: {  	s31 =	sshll.u32 s1, $0xD;
	s1 =	sshrl.u32 s1, $0x2  }
0xc1: {  	s3 =	sand.u32 $0x4000, s31;
	s1 =	sadd.s32 s1, s30  }
0xc2: {  	s0 =	sor.u32 s3, s0;
	s1 =	sshll.u32 s1, $0x11  }
0xc3: {  	s0 =	sor.u32 s1, s0  }
0xc4: {  	s0 =	sadd.s32 $0x8F2B, s0  }
0xc5: {  	[sflag:s0] =	ssyncadd.remote.s32 $0x1  }
0xc6: {  	_ =	sfence.sel $0xFFFF  }
0xc7: {  	[dreg:$0x0] =	wrdreg $0xFFFFFFFF;
	(pc) =	sbr.abs _section_cstart, $3  }
0xc8: {  	[dreg:$0x1] =	wrdreg $0xFFFFFFFF  }
0xc9: {  	_ =	task.clear_ibuf [dreg:s8], $0x2FFFF;
	_ =	strace $0x9FFFFFFF  }
0xca: {  	(tm) =	ssettm $0x7FFFFFFF  }
0xcb: {  	_ =	shalt  }
tec
execute0_lowered:
.L_overlay_start_1:
0x0: {  	(tag) =	ssettag $0x1  }
0x1: {  	s0 =	rddreg [dreg:$0x0]  }
0x2: {  	s1 =	rddreg [dreg:$0x1]  }
0x3: {  	s4 =	rddreg [dreg:$0x3]  }
0x4: {  	s2 =	srdreg.scid;
	s5 =	simm.s32 $0x0;
	s9 =	stileid.u32  }
0x5: {  	s17 =	simm.s32 $0x3;
	s19 =	simm.s32 $0x10000;
	s20 =	simm.s32 $0x50  }
0x6: {  	s21 =	simm.s32 $0x80;
	s22 =	simm.s32 $0x12800;
	s23 =	simm.s32 $0x1  }
0x7: {  	s28 =	simm.s32 $0xFB80;
	s29 =	simm.s32 $0x7C80;
	s30 =	simm.s32 $0xFC00  }
0x8: {  	s31 =	simm.s32 $0xFC80;
	s2 =	sand.u32 $0x1, s2;
	s8 =	smul.u32 $0x28000, s9  }
0x9: {  	[smem:$0x7FF] =	sst s5;
	s6 =	sshll.u32 s9, $0xC;
	s11 =	smul.u32 $0xA000, s9  }
0xa: {  	s3 =	sshll.u32 s2, $0x10;
	_ =	strace $0x8000004A;
	s24 =	ssub.s32 $0x2, s2  }
0xb: {  	s2 =	smul.u32 $0xA0000, s2;
	s3 =	sor.u32 s6, s3;
	s7 =	sshrl.u32 s24, $0x1  }
0xc: {  	s8 =	sshrl.u32 s8, $0x2;
	s25 =	sadd.s32 $0x2800, s11;
	s13 =	sadd.s32 $0x5000, s11  }
0xd: {  	s14 =	sadd.s32 $0x7800, s11;
	s3 =	sadd.s32 s3, s0;
	s0 =	sadd.s32 $0x6BC00, s0  }
0xe: {  	s16 =	ssub.s32 s24, s7;
	s8 =	sadd.s32 s8, s4;
	s9 =	sadd.s32 s25, s4  }
0xf: {  	s12 =	sadd.s32 s11, s2;
	s10 =	sadd.s32 s13, s4;
	s11 =	sadd.s32 s14, s4  }
0x10: {  	s15 =	sadd.s32 s2, s13;
	s24 =	simm.s32 $0x2;
	s6 =	sadd.s32 $0x4A00, s3  }
0x11: {  	s7 =	sadd.s32 $0x24A00, s3;
	s12 =	sshrl.u32 s12, $0x3;
	s3 =	sadd.s32 s2, s25  }
0x12: {  	s2 =	sadd.s32 s2, s14;
	s26 =	sshrl.u32 s15, $0x3;
	s16 =	smax.u32 s16, $0x1  }
0x13: {  	s25 =	simm.s32 $0xFB00;
	s12 =	sadd.s32 s0, s12;
	s3 =	sshrl.u32 s3, $0x3  }
0x14: {  	s2 =	sshrl.u32 s2, $0x3;
	s14 =	sadd.s32 s0, s26;
	s26 =	simm.s32 $0x7C00  }
0x15: {  	s13 =	sadd.s32 s0, s3;
	s15 =	sadd.s32 s0, s2;
	s0 =	simm.s32 $0x0  }
.LBB2_1:
0x16: {  	[tilespmem:s5], [sflag:$0x3] =	stream.linear.gather [hbm4b:s6+s5], $0x7D00, $0x38;
	[tilespmem:$0x1F280] =	vst v63  }
0x17: {  	_ =	swait.ge [sflag:s17], $0x7D00  }
0x18: {  	[sflag:s17] =	ssyncset.done $0x0  }
0x19: {  	s2 =	simm.s32 $0x8000;
	[sflag:s17] =	ssyncadd.s32 $0xFFFF8300  }
0x1a: {  	[tilespmem:s2], [sflag:$0x3] =	stream.linear.gather [hbm4b:s7+s5], $0x7D00, $0x38;
	[tilespmem:$0x1F280] =	vst v63  }
0x1b: {  	_ =	swait.ge [sflag:s17], $0x7D00  }
0x1c: {  	[sflag:s17] =	ssyncset.done $0x0  }
0x1d: {  	[sflag:s17] =	ssyncadd.s32 $0xFFFF8300  }
0x1e: {  	s3 =	rddreg [dreg:$0x2]  }
0x1f: {  	[tilespmem:s19], [sflag:$0x3] =	stream.linear.gather [hbm4b:s3+s5], $0x2800, $0x38;
	[tilespmem:$0x1F280] =	vst v63  }
0x20: {  	_ =	swait.ge [sflag:s17], $0x2800  }
0x21: {  	[sflag:s17] =	ssyncset.done $0x0  }
0x22: {  	[sflag:s17] =	ssyncadd.s32 $0xFFFFD800  }
0x23: {  	[spmem:s8] =	stream.linear.scatter [tilespmem:s19], [sflag:$0x3], $0x2800, $0x38;
	[tilespmem:$0x1F280] =	vst v63  }
0x24: {  	_ =	swait.ge [sflag:s17], $0x2800  }
0x25: {  	[sflag:s17] =	ssyncset.done $0x0  }
0x26: {  	[sflag:s17] =	ssyncadd.s32 $0xFFFFD800  }
0x27: {  	[spmem:s9] =	stream.linear.scatter [tilespmem:s19], [sflag:$0x3], $0x2800, $0x38;
	[tilespmem:$0x1F280] =	vst v63  }
0x28: {  	_ =	swait.ge [sflag:s17], $0x2800  }
0x29: {  	[sflag:s17] =	ssyncset.done $0x0  }
0x2a: {  	[sflag:s17] =	ssyncadd.s32 $0xFFFFD800  }
0x2b: {  	[spmem:s10] =	stream.linear.scatter [tilespmem:s19], [sflag:$0x3], $0x2800, $0x38;
	[tilespmem:$0x1F280] =	vst v63  }
0x2c: {  	_ =	swait.ge [sflag:s17], $0x2800  }
0x2d: {  	[sflag:s17] =	ssyncset.done $0x0  }
0x2e: {  	[sflag:s17] =	ssyncadd.s32 $0xFFFFD800  }
0x2f: {  	[spmem:s11] =	stream.linear.scatter [tilespmem:s19], [sflag:$0x3], $0x2800, $0x38;
	[tilespmem:$0x1F280] =	vst v63  }
0x30: {  	_ =	swait.ge [sflag:s17], $0x2800  }
0x31: {  	[sflag:s17] =	ssyncset.done $0x0  }
0x32: {  	[sflag:s17] =	ssyncadd.s32 $0xFFFFD800  }
0x33: {  	[bflag:$0x0] =	sbarrier.arrive $0xFFFF  }
0x34: {  	[tilespmem:s19], [sflag:$0x1] =	stream.indirect.gather [hbm4b:s1+s20], $0x80, s5, s20, $0xb8;
	[tilespmem:$0x1F280] =	vst v63  }
0x35: {  	_ = 	snop  }
0x36: {  	[tilespmem:s22], [sflag:$0x2] =	stream.indirect.gather [hbm4b:s1+s20], $0x80, s21, s20, $0xb8;
	[tilespmem:$0x1F280] =	vst v63  }
0x37: {  	_ =	swait.ge [sflag:s23], $0x2800  }
0x38: {  	[sflag:s23] =	ssyncset.done $0x0  }
0x39: {  	s18 =	simm.s32 $0x8000;
	[sflag:s23] =	ssyncadd.s32 $0xFFFFD800  }
0x3a: {  	[spmem:s4] =	stream.indirect.scatter.add.f32 [tilespmem:s19], [sflag:$0x3], $0x80, s18, s20, $0xb8;
	[tilespmem:$0x1F280] =	vst v63  }
0x3b: {  	_ =	swait.ge [sflag:s17], $0x2800  }
0x3c: {  	[sflag:s17] =	ssyncset.done $0x0  }
0x3d: {  	s3 =	simm.s32 $0x100;
	[sflag:s17] =	ssyncadd.s32 $0xFFFFD800  }
0x3e: {  	[tilespmem:s19], [sflag:$0x1] =	stream.indirect.gather [hbm4b:s1+s20], $0x80, s3, s20, $0xb8;
	[tilespmem:$0x1F280] =	vst v63  }
0x3f: {  	_ =	swait.ge [sflag:s24], $0x2800  }
0x40: {  	[sflag:s24] =	ssyncset.done $0x0  }
0x41: {  	s18 =	simm.s32 $0x8080;
	[sflag:s24] =	ssyncadd.s32 $0xFFFFD800  }
0x42: {  	[spmem:s4] =	stream.indirect.scatter.add.f32 [tilespmem:s22], [sflag:$0x3], $0x80, s18, s20, $0xb8;
	[tilespmem:$0x1F280] =	vst v63  }
0x43: {  	_ =	swait.ge [sflag:s17], $0x2800  }
0x44: {  	[sflag:s17] =	ssyncset.done $0x0  }
0x45: {  	s2 =	simm.s32 $0x180;
	s3 =	simm.s32 $0x400;
	[sflag:s17] =	ssyncadd.s32 $0xFFFFD800  }
.LBB2_2:
0x46: {  	[tilespmem:s22], [sflag:$0x2] =	stream.indirect.gather [hbm4b:s1+s20], $0x80, s2, s20, $0xb8;
	[tilespmem:$0x1F280] =	vst v63  }
0x47: {  	s2 =	smov.u32 s3  }
0x48: {  	p0 =	sne.s32 s3, $0x1E800;
	s3 =	sadd.s32 $0x400, s3;
	_ =	swait.ge [sflag:s23], $0x2800  }
0x49: {  	s2 =	sshra.s32 s2, $0x2;
	[sflag:s23] =	ssyncset.done $0x0  }
0x4a: {  	s18 =	sadd.s32 $0x8000, s2;
	[sflag:s23] =	ssyncadd.s32 $0xFFFFD800  }
0x4b: {  	[spmem:s4] =	stream.indirect.scatter.add.f32 [tilespmem:s19], [sflag:$0x3], $0x80, s18, s20, $0xb8;
	[tilespmem:$0x1F280] =	vst v63  }
0x4c: {  	_ =	swait.ge [sflag:s17], $0x2800  }
0x4d: {  	[sflag:s17] =	ssyncset.done $0x0  }
0x4e: {  	s18 =	sadd.s32 $0x100, s2;
	[sflag:s17] =	ssyncadd.s32 $0xFFFFD800  }
0x4f: {  	[tilespmem:s19], [sflag:$0x1] =	stream.indirect.gather [hbm4b:s1+s20], $0x80, s18, s20, $0xb8;
	[tilespmem:$0x1F280] =	vst v63  }
0x50: {  	_ =	swait.ge [sflag:s24], $0x2800  }
0x51: {  	[sflag:s24] =	ssyncset.done $0x0  }
.Ltmp0:
0x52: {  	s18 =	sadd.s32 $0x8080, s2;
	[sflag:s24] =	ssyncadd.s32 $0xFFFFD800;
	(pc) =	sbr.rel @p0 .LBB2_2-.Ltmp0, $4  }
0x53: {  	[spmem:s4] =	stream.indirect.scatter.add.f32 [tilespmem:s22], [sflag:$0x3], $0x80, s18, s20, $0xb8;
	[tilespmem:$0x1F280] =	vst v63  }
0x54: {  	_ =	swait.ge [sflag:s17], $0x2800  }
0x55: {  	[sflag:s17] =	ssyncset.done $0x0  }
0x56: {  	s2 =	sadd.s32 $0x180, s2;
	[sflag:s17] =	ssyncadd.s32 $0xFFFFD800  }
0x57: {  	[tilespmem:s22], [sflag:$0x2] =	stream.indirect.gather [hbm4b:s1+s20], $0x80, s2, s20, $0xb8;
	[tilespmem:$0x1F280] =	vst v63  }
0x58: {  	_ =	swait.ge [sflag:s23], $0x2800  }
0x59: {  	[sflag:s23] =	ssyncset.done $0x0  }
0x5a: {  	[sflag:s23] =	ssyncadd.s32 $0xFFFFD800  }
0x5b: {  	[spmem:s4] =	stream.indirect.scatter.add.f32 [tilespmem:s19], [sflag:$0x3], $0x80, s25, s20, $0xb8;
	[tilespmem:$0x1F280] =	vst v63  }
0x5c: {  	_ =	swait.ge [sflag:s17], $0x2800  }
0x5d: {  	[sflag:s17] =	ssyncset.done $0x0  }
0x5e: {  	[sflag:s17] =	ssyncadd.s32 $0xFFFFD800  }
0x5f: {  	[tilespmem:s19], [sflag:$0x1] =	stream.indirect.gather [hbm4b:s1+s20], $0x80, s26, s20, $0xb8;
	[tilespmem:$0x1F280] =	vst v63  }
0x60: {  	_ =	swait.ge [sflag:s24], $0x2800  }
0x61: {  	[sflag:s24] =	ssyncset.done $0x0  }
0x62: {  	[sflag:s24] =	ssyncadd.s32 $0xFFFFD800  }
0x63: {  	[spmem:s4] =	stream.indirect.scatter.add.f32 [tilespmem:s22], [sflag:$0x3], $0x80, s28, s20, $0xb8;
	[tilespmem:$0x1F280] =	vst v63  }
0x64: {  	_ =	swait.ge [sflag:s17], $0x2800  }
0x65: {  	[sflag:s17] =	ssyncset.done $0x0  }
0x66: {  	[sflag:s17] =	ssyncadd.s32 $0xFFFFD800  }
0x67: {  	[tilespmem:s22], [sflag:$0x2] =	stream.indirect.gather [hbm4b:s1+s20], $0x80, s29, s20, $0xb8;
	[tilespmem:$0x1F280] =	vst v63  }
0x68: {  	_ =	swait.ge [sflag:s23], $0x2800  }
0x69: {  	[sflag:s23] =	ssyncset.done $0x0  }
0x6a: {  	[sflag:s23] =	ssyncadd.s32 $0xFFFFD800  }
0x6b: {  	[spmem:s4] =	stream.indirect.scatter.add.f32 [tilespmem:s19], [sflag:$0x3], $0x80, s30, s20, $0xb8;
	[tilespmem:$0x1F280] =	vst v63  }
0x6c: {  	_ =	swait.ge [sflag:s17], $0x2800  }
0x6d: {  	[sflag:s17] =	ssyncset.done $0x0  }
0x6e: {  	[sflag:s17] =	ssyncadd.s32 $0xFFFFD800  }
0x6f: {  	[tilespmem:s19], [sflag:$0x1] =	stream.indirect.gather [hbm4b:s1+s20], $0x80, s29, s20, $0xb8;
	[tilespmem:$0x1F280] =	vst v63  }
0x70: {  	_ =	swait.ge [sflag:s24], $0x2800  }
0x71: {  	[sflag:s24] =	ssyncset.done $0x0  }
0x72: {  	[sflag:s24] =	ssyncadd.s32 $0xFFFFD800  }
0x73: {  	[spmem:s4] =	stream.indirect.scatter.add.f32 [tilespmem:s22], [sflag:$0x3], $0x80, s31, s20, $0xb8;
	[tilespmem:$0x1F280] =	vst v63  }
0x74: {  	_ =	swait.ge [sflag:s17], $0x2800  }
0x75: {  	[sflag:s17] =	ssyncset.done $0x0  }
0x76: {  	[sflag:s17] =	ssyncadd.s32 $0xFFFFD800  }
0x77: {  	[tilespmem:s22], [sflag:$0x2] =	stream.indirect.gather [hbm4b:s1+s20], $0x80, s29, s20, $0xb8;
	[tilespmem:$0x1F280] =	vst v63  }
0x78: {  	_ =	swait.ge [sflag:s23], $0x2800  }
0x79: {  	[sflag:s23] =	ssyncset.done $0x0  }
0x7a: {  	[sflag:s23] =	ssyncadd.s32 $0xFFFFD800  }
0x7b: {  	_ =	swait.ge [sflag:s24], $0x2800  }
0x7c: {  	[sflag:s24] =	ssyncset.done $0x0  }
0x7d: {  	[sflag:s24] =	ssyncadd.s32 $0xFFFFD800  }
0x7e: {  	[bflag:$0x0] =	sbarrier.arrive $0xFFFF  }
0x7f: {  	[tilespmem:s19], [sflag:$0x3] =	stream.linear.gather [spmem:s8], $0x2800, $0x38;
	[tilespmem:$0x1F280] =	vst v63  }
0x80: {  	_ =	swait.ge [sflag:s17], $0x2800  }
0x81: {  	[sflag:s17] =	ssyncset.done $0x0  }
0x82: {  	[sflag:s17] =	ssyncadd.s32 $0xFFFFD800  }
0x83: {  	[hbm4b:s12+s5] =	stream.linear.scatter [tilespmem:s19], [sflag:$0x3], $0x2800, $0x38;
	[tilespmem:$0x1F280] =	vst v63  }
0x84: {  	_ =	swait.ge [sflag:s17], $0x2800  }
0x85: {  	[sflag:s17] =	ssyncset.done $0x0  }
0x86: {  	[sflag:s17] =	ssyncadd.s32 $0xFFFFD800  }
0x87: {  	[tilespmem:s19], [sflag:$0x3] =	stream.linear.gather [spmem:s9], $0x2800, $0x38;
	[tilespmem:$0x1F280] =	vst v63  }
0x88: {  	_ =	swait.ge [sflag:s17], $0x2800  }
0x89: {  	[sflag:s17] =	ssyncset.done $0x0  }
0x8a: {  	[sflag:s17] =	ssyncadd.s32 $0xFFFFD800  }
0x8b: {  	[hbm4b:s13+s5] =	stream.linear.scatter [tilespmem:s19], [sflag:$0x3], $0x2800, $0x38;
	[tilespmem:$0x1F280] =	vst v63  }
0x8c: {  	_ =	swait.ge [sflag:s17], $0x2800  }
0x8d: {  	[sflag:s17] =	ssyncset.done $0x0  }
0x8e: {  	[sflag:s17] =	ssyncadd.s32 $0xFFFFD800  }
0x8f: {  	[tilespmem:s19], [sflag:$0x3] =	stream.linear.gather [spmem:s10], $0x2800, $0x38;
	[tilespmem:$0x1F280] =	vst v63  }
0x90: {  	_ =	swait.ge [sflag:s17], $0x2800  }
0x91: {  	[sflag:s17] =	ssyncset.done $0x0  }
0x92: {  	[sflag:s17] =	ssyncadd.s32 $0xFFFFD800  }
0x93: {  	[hbm4b:s14+s5] =	stream.linear.scatter [tilespmem:s19], [sflag:$0x3], $0x2800, $0x38;
	[tilespmem:$0x1F280] =	vst v63  }
0x94: {  	_ =	swait.ge [sflag:s17], $0x2800  }
0x95: {  	[sflag:s17] =	ssyncset.done $0x0  }
0x96: {  	[sflag:s17] =	ssyncadd.s32 $0xFFFFD800  }
0x97: {  	[tilespmem:s19], [sflag:$0x3] =	stream.linear.gather [spmem:s11], $0x2800, $0x38;
	[tilespmem:$0x1F280] =	vst v63  }
0x98: {  	s0 =	sadd.s32 $0x1, s0;
	_ =	swait.ge [sflag:s17], $0x2800  }
0x99: {  	p0 =	sne.s32 s0, s16;
	[sflag:s17] =	ssyncset.done $0x0  }
.Ltmp1:
0x9a: {  	[sflag:s17] =	ssyncadd.s32 $0xFFFFD800;
	(pc) =	sbr.rel @p0 .LBB2_1-.Ltmp1, $4  }
0x9b: {  	[hbm4b:s15+s5] =	stream.linear.scatter [tilespmem:s19], [sflag:$0x3], $0x2800, $0x38;
	[tilespmem:$0x1F280] =	vst v63  }
0x9c: {  	_ =	swait.ge [sflag:s17], $0x2800  }
0x9d: {  	[sflag:s17] =	ssyncset.done $0x0  }
0x9e: {  	[sflag:s17] =	ssyncadd.s32 $0xFFFFD800  }
0x9f: {  	_ =	sfence.sel $0x180000  }
0xa0: {  	[bflag:$0x0] =	sbarrier.arrive $0xFFFF  }
0xa1: {  	_ =	strace $0x9000004A  }
0xa2: {  	s0 =	stileid.u32;
	[bflag:$0x2] =	sbarrier.arrive $0xFFFF  }
0xa3: {  	p0 =	sne.s32 s0, $0x0;
	s0 =	rddreg [dreg:$0x4]  }
0xa4: {  	s0 =	sadd.s32 @!p0 $0x100000, s0  }
0xa5: {  	[sflag:s0] =	ssyncadd.tile.s32 @!p0 $0x1;
	_ =	shalt  }
.Lfunc_end2:
_tile_overlayer_lowered:
.L_overlay_start_2:
0xa6: {  	(tag) =	ssettag $0x2  }
0xa7: {  	s0 =	rddreg [dreg:$0x0];
	s2 =	stileid.u32  }
0xa8: {  	s1 =	rddreg [dreg:$0x1];
	p0 =	sne.s32 s2, $0x0  }
0xa9: {  	s3 =	rddreg [dreg:$0x2];
	[bflag:$0x3] =	sbarrier.arrive $0xFFFF;
	s2 =	simm.s32 @!p0 $0x1C03  }
0xaa: {  	[timem:s3], [sflag:s2] =	dma.local @!p0 [hbm:s0], s1  }
0xab: {  	s0 =	simm.s32 @!p0 $0x3  }
0xac: {  	_ =	swait.ge @!p0 [sflag:s0], s1  }
0xad: {  	s1 =	ssub.s32 @!p0 $0x0, s1;
	[sflag:s0] =	ssyncset.done @!p0 $0x0  }
0xae: {  	[sflag:s0] =	ssyncadd.s32 @!p0 s1  }
0xaf: {  	[bflag:$0x3] =	sbarrier.arrive $0xFFFF  }
0xb0: {  	_ =	shalt  }

// kernel: kernel.16.cloned.1.call-start
scs
__scs_entry_jumppad:
0x0: {  	(pc) =	sbr.rel $0x88, $3  }
0x1: {  	(tag) =	ssettag $0x0;
	lr =	simm.s32 $0x1  }
0x2: {  	[smem:$0x3F8C] =	sst lr;
	_ =	strace $0xD0000000  }
0x3: {  	_ = 	snop  }
0x4: {  	_ = 	snop  }
0x5: {  	_ = 	snop  }
0x6: {  	_ = 	snop  }
0x7: {  	_ = 	snop  }
__scs_overlays_trampoline_lowered:
0x8: {  	[smem:$0x3F9B] =	sst s0  }
0x9: {  	[smem:$0x3F9C] =	sst s1  }
0xa: {  	[smem:$0x3F9D] =	sst s2  }
0xb: {  	[smem:$0x3F9E] =	sst s3  }
0xc: {  	[smem:$0x3F9F] =	sst s4  }
0xd: {  	[smem:$0x3FA0] =	sst s5  }
0xe: {  	[smem:$0x3FA1] =	sst s6  }
0xf: {  	[smem:$0x3FA2] =	sst s7  }
0x10: {  	[smem:$0x3FA3] =	sst s8  }
0x11: {  	[smem:$0x3FA4] =	sst s9;
	s0 =	simm.s32 @!p0 $0x0  }
0x12: {  	s1 =	sld [smem:$0x3F8A];
	s0 =	simm.s32 @p0 $0x1  }
0x13: {  	[smem:$0x3FA5] =	sst s0;
	s0 =	simm.s32 @!p1 $0x0  }
0x14: {  	s2 =	sld [smem:$0x3F89];
	s0 =	simm.s32 @p1 $0x1  }
0x15: {  	[smem:$0x3FA6] =	sst s0;
	s0 =	simm.s32 @!p2 $0x0  }
0x16: {  	s3 =	sld [smem:$0x3FDB];
	s0 =	simm.s32 @p2 $0x1  }
0x17: {  	s4 =	simm.s32 $0x1BF5;
	[smem:$0x3FA8] =	sst s0  }
0x18: {  	s0 =	sld [smem:$0x3F8B];
	_ =	swait.ge [sflag:s4], $0x0  }
0x19: {  	s7 =	sld [smem:$0x3F8C]  }
0x1a: {  	s8 =	sadd.s32 $0xFFFFE003, lr  }
0x1b: {  	s9 =	sadd.s32 $0xFFFFFEF7, lr;
	s5 =	simm.s32 $0xFFFFFFFF;
	p2 =	slt.u32 s8, $0xFFFFF086  }
0x1c: {  	p1 =	slt.u32 s9, $0xF7A;
	s5 =	simm.s32 @!p2 $0x0  }
0x1d: {  	s5 =	simm.s32 @p1 $0x1;
	p0 =	seq.s32 s7, s2  }
0x1e: {  	s7 =	smul.u32 @!p0 $0xF7A, s2;
	p2 =	seq.s32 @!p0 s5, $0x0  }
0x1f: {  	s9 =	smul.u32 $0xF7A, s1;
	s8 =	simm.s32 @!p0 $0x1BF5;
	p2 =	por !p2, p0  }
0x20: {  	[sflag:s8] =	ssyncset.s32 @!p0 $0xFFFFF086;
	s6 =	sadd.s32 @!p0 s3, s7;
	s7 =	simm.s32 @!p0 $0x108  }
0x21: {  	s3 =	sadd.s32 s3, s9;
	s6 =	sadd.s32 @!p0 $0x88, s6;
	s7 =	simm.s32 @p2 $0x1082  }
0x22: {  	[simem:s7], [sflag:s8] =	dma.local @!p0 [hbm:s6], $0xF7A  }
0x23: {  	s9 =	sor.u32 $0xD0000000, s2;
	s6 =	simm.s32 $0x108;
	_ =	swait.ge @!p0 [sflag:s8], $0x0  }
0x24: {  	s3 =	sadd.s32 $0x88, s3;
	s6 =	simm.s32 @!p1 $0x1082;
	[sflag:s4] =	ssyncset.s32 $0xFFFFF086  }
0x25: {  	[simem:s6], [sflag:s4] =	dma.local [hbm:s3], $0xF7A  }
0x26: {  	[smem:$0x3F8C] =	sst s1;
	(tag) =	ssettag s2;
	_ =	strace s9  }
0x27: {  	s1 =	sld [smem:$0x3F9C]  }
0x28: {  	s2 =	sld [smem:$0x3F9D]  }
0x29: {  	s4 =	sld [smem:$0x3F9F]  }
0x2a: {  	p0 =	seq.s32 s5, $0x0;
	s5 =	sld [smem:$0x3FA0]  }
0x2b: {  	s6 =	sld [smem:$0x3FA1]  }
0x2c: {  	s7 =	sld [smem:$0x3FA2]  }
0x2d: {  	s3 =	simm.s32 $0x108;
	s8 =	sld [smem:$0x3FA3]  }
0x2e: {  	s3 =	simm.s32 @!p0 $0x1082;
	s9 =	sld [smem:$0x3FA4]  }
0x2f: {  	lr =	sadd.s32 s0, s3;
	s0 =	sld [smem:$0x3F9B]  }
0x30: {  	s3 =	sld [smem:$0x3F9E]  }
0x31: {  	[smem:$0x3FA7] =	sst s10  }
0x32: {  	s10 =	sld [smem:$0x3FA5];
	_ =	sdelay $0x3  }
0x33: {  	p0 =	seq.s32 s10, $0x1;
	s10 =	sld [smem:$0x3FA7];
	_ =	sdelay $0x3  }
0x34: {  	[smem:$0x3FA7] =	sst s10  }
0x35: {  	s10 =	sld [smem:$0x3FA6];
	_ =	sdelay $0x3  }
0x36: {  	p1 =	seq.s32 s10, $0x1;
	s10 =	sld [smem:$0x3FA7];
	_ =	sdelay $0x3  }
0x37: {  	[smem:$0x3FA7] =	sst s10  }
0x38: {  	s10 =	sld [smem:$0x3FA8]  }
0x39: {  	_ = 	snop;
	(pc) =	sbr.ind lr, $3  }
0x3a: {  	_ = 	snop  }
0x3b: {  	_ = 	snop  }
0x3c: {  	p2 =	seq.s32 s10, $0x1;
	s10 =	sld [smem:$0x3FA7]  }
0x3d: {  	_ =	shalt  }
0x3e: {  	_ =	shalt  }
0x3f: {  	_ =	shalt  }
0x40: {  	_ =	shalt  }
0x41: {  	_ =	shalt  }
0x42: {  	_ =	shalt  }
0x43: {  	_ =	shalt  }
0x44: {  	_ =	shalt  }
0x45: {  	_ =	shalt  }
0x46: {  	_ =	shalt  }
0x47: {  	_ =	shalt  }
0x48: {  	_ =	shalt  }
0x49: {  	_ =	shalt  }
0x4a: {  	_ =	shalt  }
0x4b: {  	_ =	shalt  }
0x4c: {  	_ =	shalt  }
0x4d: {  	_ =	shalt  }
0x4e: {  	_ =	shalt  }
0x4f: {  	_ =	shalt  }
0x50: {  	_ =	shalt  }
0x51: {  	_ =	shalt  }
0x52: {  	_ =	shalt  }
0x53: {  	_ =	shalt  }
0x54: {  	_ =	shalt  }
0x55: {  	_ =	shalt  }
0x56: {  	_ =	shalt  }
0x57: {  	_ =	shalt  }
0x58: {  	_ =	shalt  }
0x59: {  	_ =	shalt  }
0x5a: {  	_ =	shalt  }
0x5b: {  	_ =	shalt  }
0x5c: {  	_ =	shalt  }
0x5d: {  	_ =	shalt  }
0x5e: {  	_ =	shalt  }
0x5f: {  	_ =	shalt  }
0x60: {  	_ =	shalt  }
0x61: {  	_ =	shalt  }
0x62: {  	_ =	shalt  }
0x63: {  	_ =	shalt  }
0x64: {  	_ =	shalt  }
0x65: {  	_ =	shalt  }
0x66: {  	_ =	shalt  }
0x67: {  	_ =	shalt  }
0x68: {  	_ =	shalt  }
0x69: {  	_ =	shalt  }
0x6a: {  	_ =	shalt  }
0x6b: {  	_ =	shalt  }
0x6c: {  	_ =	shalt  }
0x6d: {  	_ =	shalt  }
0x6e: {  	_ =	shalt  }
0x6f: {  	_ =	shalt  }
0x70: {  	_ =	shalt  }
0x71: {  	_ =	shalt  }
0x72: {  	_ =	shalt  }
0x73: {  	_ =	shalt  }
0x74: {  	_ =	shalt  }
0x75: {  	_ =	shalt  }
0x76: {  	_ =	shalt  }
0x77: {  	_ =	shalt  }
0x78: {  	_ =	shalt  }
0x79: {  	_ =	shalt  }
0x7a: {  	_ =	shalt  }
0x7b: {  	_ =	shalt  }
0x7c: {  	_ =	shalt  }
0x7d: {  	_ =	shalt  }
0x7e: {  	_ =	shalt  }
0x7f: {  	_ =	shalt  }
0x80: {  	_ =	shalt  }
0x81: {  	_ =	shalt  }
0x82: {  	_ =	shalt  }
0x83: {  	_ =	shalt  }
0x84: {  	_ =	shalt  }
0x85: {  	_ =	shalt  }
0x86: {  	_ =	shalt  }
0x87: {  	_ =	shalt  }
.Lfunc_end0:
.L_simem_size_0:
called_computation.2_lowered:
.L_overlay_start_0:
0x88: {  	s2 =	sld [smem:$0x3FD9]  }
0x89: {  	s3 =	sld [smem:$0x3FFE];
	_ =	sdelay $0x1  }
0x8a: {  	s1 =	srdreg.scid  }
0x8b: {  	s0 =	sand.u32 $0x1, s1  }
0x8c: {  	s14 =	sshll.u32 s0, $0xA;
	s2 =	sadd.s32 s3, s2  }
0x8d: {  	s2 =	sadd.s32 s2, s14  }
0x8e: {  	[smem:$0x3FB3] =	sst s2  }
0x8f: {  	_ = 	snop  }
0x90: {  	s2 =	sld [smem:$0x3FD0];
	_ =	sdelay $0x2  }
0x91: {  	s15 =	simm.s32 $0xA;
	s4 =	simm.s32 $0x10  }
0x92: {  	[smem:s4], [sflag:s15] =	dma.local [hbm:s2], $0x1  }
0x93: {  	_ =	swait.eq [sflag:s15], $0x1  }
0x94: {  	[sflag:s15] =	ssyncset.done $0x0  }
0x95: {  	s16 =	sld [smem:$0x10];
	[sflag:s15] =	ssyncadd.s32 $0xFFFFFFFF  }
0x96: {  	s17 =	sld [smem:$0x11];
	(tm) =	ssettm $0x1  }
0x97: {  	s18 =	sld [smem:$0x3FFB];
	_ =	sdelay $0x3  }
0x98: {  	_ =	strace s18  }
0x99: {  	s4 =	sld [smem:$0x3FFC];
	_ =	sdelay $0x3  }
0x9a: {  	_ =	strace s4  }
0x9b: {  	s4 =	sld [smem:$0x3FFD];
	_ =	sdelay $0x3  }
0x9c: {  	_ =	strace s4  }
0x9d: {  	_ =	strace $0x8FFFFFFF  }
0x9e: {  	s19 =	sld [smem:$0x3FDB];
	_ =	sdelay $0x1  }
0x9f: {  	s5 =	simm.s32 $_scs_section_size  }
0xa0: {  	s6 =	simm.s32 $_size__tile_overlayer_lowered;
	s7 =	simm.s32 $_tile_overlayer_lowered  }
0xa1: {  	s22 =	simm.s32 $0x1BFF;
	s21 =	sshll.u32 s7, $0x1;
	s4 =	sadd.s32 s5, s19  }
0xa2: {  	s8 =	simm.s32 $0x0;
	s20 =	sshll.u32 s6, $0x1;
	s6 =	sadd.s32 s21, s4  }
0xa3: {  	[timem:s8], [sflag:s22] =	dma.local [hbm:s6], s20  }
0xa4: {  	_ =	swait.ge [sflag:s22], s20  }
0xa5: {  	s5 =	ssub.s32 $0x0, s20;
	[sflag:s22] =	ssyncset.done $0x0  }
0xa6: {  	[sflag:s22] =	ssyncadd.s32 s5;
	_ =	sdelay $0x1  }
0xa7: {  	s23 =	simm.s32 $0x1B8B  }
0xa8: {  	_ =	swait.ge [sflag:s23], $0x1  }
0xa9: {  	[sflag:s23] =	ssyncset.done $0x0  }
0xaa: {  	s25 =	simm.s32 $0x1B8E;
	s24 =	sld [smem:$0x3FFE];
	[sflag:s23] =	ssyncadd.s32 $0xFFFFFFFF  }
0xab: {  	s26 =	simm.s32 $execute0_lowered;
	[smem:$0x3FD2] =	sst s25  }
0xac: {  	s6 =	sshll.u32 s26, $0x1;
	_ =	strace $0x8000004C;
	[dreg:$0x1] =	wrdreg $0xFFFFFFFF  }
0xad: {  	s28 =	simm.s32 $_size_execute0_lowered;
	s4 =	sadd.s32 s4, s6;
	[dreg:$0x0] =	wrdreg $0x0  }
0xae: {  	s6 =	sshll.u32 s28, $0x1;
	[dreg:$0x2] =	wrdreg s4  }
0xaf: {  	[dreg:$0x3] =	wrdreg s6  }
0xb0: {  	[dreg:$0x4] =	wrdreg $0xC0  }
0xb1: {  	_ =	task [dreg:s8], $0x5FFFF  }
0xb2: {  	[dreg:$0x1] =	wrdreg $0xFFFFFFFF  }
0xb3: {  	[dreg:$0x0] =	wrdreg $0x60  }
0xb4: {  	[dreg:$0x2] =	wrdreg s24  }
0xb5: {  	[dreg:$0x3] =	wrdreg s16  }
0xb6: {  	[dreg:$0x4] =	wrdreg s17  }
0xb7: {  	[dreg:$0x5] =	wrdreg $0x150000  }
0xb8: {  	[dreg:$0x6] =	wrdreg $0x9  }
0xb9: {  	_ =	task.clear_ibuf [dreg:s8], $0x7FFFF;
	_ =	strace $0x9000004C  }
0xba: {  	s29 =	simm.s32 $0x9;
	_ =	strace $0x8000004E  }
0xbb: {  	_ =	swait.ge [sflag:s29], $0x1  }
0xbc: {  	[sflag:s29] =	ssyncadd.s32 $0xFFFFFFFF  }
0xbd: {  	_ =	strace $0x9000004E  }
0xbe: {  	_ =	sfence  }
0xbf: {  	s30 =	sld [smem:$0x0];
	_ =	sdelay $0x2  }
0xc0: {  	s31 =	sshll.u32 s1, $0xD;
	s1 =	sshrl.u32 s1, $0x2  }
0xc1: {  	s3 =	sand.u32 $0x4000, s31;
	s1 =	sadd.s32 s1, s30  }
0xc2: {  	s0 =	sor.u32 s3, s0;
	s1 =	sshll.u32 s1, $0x11  }
0xc3: {  	s0 =	sor.u32 s1, s0  }
0xc4: {  	s0 =	sadd.s32 $0x8F2B, s0  }
0xc5: {  	[sflag:s0] =	ssyncadd.remote.s32 $0x1  }
0xc6: {  	_ =	sfence.sel $0xFFFF  }
0xc7: {  	[dreg:$0x0] =	wrdreg $0xFFFFFFFF;
	(pc) =	sbr.abs _section_cstart, $3  }
0xc8: {  	[dreg:$0x1] =	wrdreg $0xFFFFFFFF  }
0xc9: {  	_ =	task.clear_ibuf [dreg:s8], $0x2FFFF;
	_ =	strace $0x9FFFFFFF  }
0xca: {  	(tm) =	ssettm $0x7FFFFFFF  }
0xcb: {  	_ =	shalt  }
tec
execute0_lowered:
.L_overlay_start_1:
0x0: {  	(tag) =	ssettag $0x1  }
0x1: {  	s0 =	rddreg [dreg:$0x0]  }
0x2: {  	s1 =	rddreg [dreg:$0x1]  }
0x3: {  	s4 =	rddreg [dreg:$0x3]  }
0x4: {  	s2 =	srdreg.scid;
	s5 =	simm.s32 $0x0;
	s9 =	stileid.u32  }
0x5: {  	s17 =	simm.s32 $0x3;
	s19 =	simm.s32 $0x10000;
	s20 =	simm.s32 $0x50  }
0x6: {  	s21 =	simm.s32 $0x80;
	s22 =	simm.s32 $0x12800;
	s23 =	simm.s32 $0x1  }
0x7: {  	s28 =	simm.s32 $0xFB80;
	s29 =	simm.s32 $0x7C80;
	s30 =	simm.s32 $0xFC00  }
0x8: {  	s31 =	simm.s32 $0xFC80;
	s2 =	sand.u32 $0x1, s2;
	s8 =	smul.u32 $0x28000, s9  }
0x9: {  	[smem:$0x7FF] =	sst s5;
	s6 =	sshll.u32 s9, $0xC;
	s11 =	smul.u32 $0xA000, s9  }
0xa: {  	s3 =	sshll.u32 s2, $0x10;
	_ =	strace $0x8000004D;
	s24 =	ssub.s32 $0x2, s2  }
0xb: {  	s2 =	smul.u32 $0xA0000, s2;
	s3 =	sor.u32 s6, s3;
	s7 =	sshrl.u32 s24, $0x1  }
0xc: {  	s8 =	sshrl.u32 s8, $0x2;
	s25 =	sadd.s32 $0x2800, s11;
	s13 =	sadd.s32 $0x5000, s11  }
0xd: {  	s14 =	sadd.s32 $0x7800, s11;
	s3 =	sadd.s32 s3, s0;
	s0 =	sadd.s32 $0x6BC00, s0  }
0xe: {  	s16 =	ssub.s32 s24, s7;
	s8 =	sadd.s32 s8, s4;
	s9 =	sadd.s32 s25, s4  }
0xf: {  	s12 =	sadd.s32 s11, s2;
	s10 =	sadd.s32 s13, s4;
	s11 =	sadd.s32 s14, s4  }
0x10: {  	s15 =	sadd.s32 s2, s13;
	s24 =	simm.s32 $0x2;
	s6 =	sadd.s32 $0x4A00, s3  }
0x11: {  	s7 =	sadd.s32 $0x24A00, s3;
	s12 =	sshrl.u32 s12, $0x3;
	s3 =	sadd.s32 s2, s25  }
0x12: {  	s2 =	sadd.s32 s2, s14;
	s26 =	sshrl.u32 s15, $0x3;
	s16 =	smax.u32 s16, $0x1  }
0x13: {  	s25 =	simm.s32 $0xFB00;
	s12 =	sadd.s32 s0, s12;
	s3 =	sshrl.u32 s3, $0x3  }
0x14: {  	s2 =	sshrl.u32 s2, $0x3;
	s14 =	sadd.s32 s0, s26;
	s26 =	simm.s32 $0x7C00  }
0x15: {  	s13 =	sadd.s32 s0, s3;
	s15 =	sadd.s32 s0, s2;
	s0 =	simm.s32 $0x0  }
.LBB2_1:
0x16: {  	[tilespmem:s5], [sflag:$0x3] =	stream.linear.gather [hbm4b:s6+s5], $0x7D00, $0x38;
	[tilespmem:$0x1F280] =	vst v63  }
0x17: {  	_ =	swait.ge [sflag:s17], $0x7D00  }
0x18: {  	[sflag:s17] =	ssyncset.done $0x0  }
0x19: {  	s2 =	simm.s32 $0x8000;
	[sflag:s17] =	ssyncadd.s32 $0xFFFF8300  }
0x1a: {  	[tilespmem:s2], [sflag:$0x3] =	stream.linear.gather [hbm4b:s7+s5], $0x7D00, $0x38;
	[tilespmem:$0x1F280] =	vst v63  }
0x1b: {  	_ =	swait.ge [sflag:s17], $0x7D00  }
0x1c: {  	[sflag:s17] =	ssyncset.done $0x0  }
0x1d: {  	[sflag:s17] =	ssyncadd.s32 $0xFFFF8300  }
0x1e: {  	s3 =	rddreg [dreg:$0x2]  }
0x1f: {  	[tilespmem:s19], [sflag:$0x3] =	stream.linear.gather [hbm4b:s3+s5], $0x2800, $0x38;
	[tilespmem:$0x1F280] =	vst v63  }
0x20: {  	_ =	swait.ge [sflag:s17], $0x2800  }
0x21: {  	[sflag:s17] =	ssyncset.done $0x0  }
0x22: {  	[sflag:s17] =	ssyncadd.s32 $0xFFFFD800  }
0x23: {  	[spmem:s8] =	stream.linear.scatter [tilespmem:s19], [sflag:$0x3], $0x2800, $0x38;
	[tilespmem:$0x1F280] =	vst v63  }
0x24: {  	_ =	swait.ge [sflag:s17], $0x2800  }
0x25: {  	[sflag:s17] =	ssyncset.done $0x0  }
0x26: {  	[sflag:s17] =	ssyncadd.s32 $0xFFFFD800  }
0x27: {  	[spmem:s9] =	stream.linear.scatter [tilespmem:s19], [sflag:$0x3], $0x2800, $0x38;
	[tilespmem:$0x1F280] =	vst v63  }
0x28: {  	_ =	swait.ge [sflag:s17], $0x2800  }
0x29: {  	[sflag:s17] =	ssyncset.done $0x0  }
0x2a: {  	[sflag:s17] =	ssyncadd.s32 $0xFFFFD800  }
0x2b: {  	[spmem:s10] =	stream.linear.scatter [tilespmem:s19], [sflag:$0x3], $0x2800, $0x38;
	[tilespmem:$0x1F280] =	vst v63  }
0x2c: {  	_ =	swait.ge [sflag:s17], $0x2800  }
0x2d: {  	[sflag:s17] =	ssyncset.done $0x0  }
0x2e: {  	[sflag:s17] =	ssyncadd.s32 $0xFFFFD800  }
0x2f: {  	[spmem:s11] =	stream.linear.scatter [tilespmem:s19], [sflag:$0x3], $0x2800, $0x38;
	[tilespmem:$0x1F280] =	vst v63  }
0x30: {  	_ =	swait.ge [sflag:s17], $0x2800  }
0x31: {  	[sflag:s17] =	ssyncset.done $0x0  }
0x32: {  	[sflag:s17] =	ssyncadd.s32 $0xFFFFD800  }
0x33: {  	[bflag:$0x0] =	sbarrier.arrive $0xFFFF  }
0x34: {  	[tilespmem:s19], [sflag:$0x1] =	stream.indirect.gather [hbm4b:s1+s20], $0x80, s5, s20, $0xb8;
	[tilespmem:$0x1F280] =	vst v63  }
0x35: {  	_ = 	snop  }
0x36: {  	[tilespmem:s22], [sflag:$0x2] =	stream.indirect.gather [hbm4b:s1+s20], $0x80, s21, s20, $0xb8;
	[tilespmem:$0x1F280] =	vst v63  }
0x37: {  	_ =	swait.ge [sflag:s23], $0x2800  }
0x38: {  	[sflag:s23] =	ssyncset.done $0x0  }
0x39: {  	s18 =	simm.s32 $0x8000;
	[sflag:s23] =	ssyncadd.s32 $0xFFFFD800  }
0x3a: {  	[spmem:s4] =	stream.indirect.scatter.add.f32 [tilespmem:s19], [sflag:$0x3], $0x80, s18, s20, $0xb8;
	[tilespmem:$0x1F280] =	vst v63  }
0x3b: {  	_ =	swait.ge [sflag:s17], $0x2800  }
0x3c: {  	[sflag:s17] =	ssyncset.done $0x0  }
0x3d: {  	s3 =	simm.s32 $0x100;
	[sflag:s17] =	ssyncadd.s32 $0xFFFFD800  }
0x3e: {  	[tilespmem:s19], [sflag:$0x1] =	stream.indirect.gather [hbm4b:s1+s20], $0x80, s3, s20, $0xb8;
	[tilespmem:$0x1F280] =	vst v63  }
0x3f: {  	_ =	swait.ge [sflag:s24], $0x2800  }
0x40: {  	[sflag:s24] =	ssyncset.done $0x0  }
0x41: {  	s18 =	simm.s32 $0x8080;
	[sflag:s24] =	ssyncadd.s32 $0xFFFFD800  }
0x42: {  	[spmem:s4] =	stream.indirect.scatter.add.f32 [tilespmem:s22], [sflag:$0x3], $0x80, s18, s20, $0xb8;
	[tilespmem:$0x1F280] =	vst v63  }
0x43: {  	_ =	swait.ge [sflag:s17], $0x2800  }
0x44: {  	[sflag:s17] =	ssyncset.done $0x0  }
0x45: {  	s2 =	simm.s32 $0x180;
	s3 =	simm.s32 $0x400;
	[sflag:s17] =	ssyncadd.s32 $0xFFFFD800  }
.LBB2_2:
0x46: {  	[tilespmem:s22], [sflag:$0x2] =	stream.indirect.gather [hbm4b:s1+s20], $0x80, s2, s20, $0xb8;
	[tilespmem:$0x1F280] =	vst v63  }
0x47: {  	s2 =	smov.u32 s3  }
0x48: {  	p0 =	sne.s32 s3, $0x1E800;
	s3 =	sadd.s32 $0x400, s3;
	_ =	swait.ge [sflag:s23], $0x2800  }
0x49: {  	s2 =	sshra.s32 s2, $0x2;
	[sflag:s23] =	ssyncset.done $0x0  }
0x4a: {  	s18 =	sadd.s32 $0x8000, s2;
	[sflag:s23] =	ssyncadd.s32 $0xFFFFD800  }
0x4b: {  	[spmem:s4] =	stream.indirect.scatter.add.f32 [tilespmem:s19], [sflag:$0x3], $0x80, s18, s20, $0xb8;
	[tilespmem:$0x1F280] =	vst v63  }
0x4c: {  	_ =	swait.ge [sflag:s17], $0x2800  }
0x4d: {  	[sflag:s17] =	ssyncset.done $0x0  }
0x4e: {  	s18 =	sadd.s32 $0x100, s2;
	[sflag:s17] =	ssyncadd.s32 $0xFFFFD800  }
0x4f: {  	[tilespmem:s19], [sflag:$0x1] =	stream.indirect.gather [hbm4b:s1+s20], $0x80, s18, s20, $0xb8;
	[tilespmem:$0x1F280] =	vst v63  }
0x50: {  	_ =	swait.ge [sflag:s24], $0x2800  }
0x51: {  	[sflag:s24] =	ssyncset.done $0x0  }
.Ltmp0:
0x52: {  	s18 =	sadd.s32 $0x8080, s2;
	[sflag:s24] =	ssyncadd.s32 $0xFFFFD800;
	(pc) =	sbr.rel @p0 .LBB2_2-.Ltmp0, $4  }
0x53: {  	[spmem:s4] =	stream.indirect.scatter.add.f32 [tilespmem:s22], [sflag:$0x3], $0x80, s18, s20, $0xb8;
	[tilespmem:$0x1F280] =	vst v63  }
0x54: {  	_ =	swait.ge [sflag:s17], $0x2800  }
0x55: {  	[sflag:s17] =	ssyncset.done $0x0  }
0x56: {  	s2 =	sadd.s32 $0x180, s2;
	[sflag:s17] =	ssyncadd.s32 $0xFFFFD800  }
0x57: {  	[tilespmem:s22], [sflag:$0x2] =	stream.indirect.gather [hbm4b:s1+s20], $0x80, s2, s20, $0xb8;
	[tilespmem:$0x1F280] =	vst v63  }
0x58: {  	_ =	swait.ge [sflag:s23], $0x2800  }
0x59: {  	[sflag:s23] =	ssyncset.done $0x0  }
0x5a: {  	[sflag:s23] =	ssyncadd.s32 $0xFFFFD800  }
0x5b: {  	[spmem:s4] =	stream.indirect.scatter.add.f32 [tilespmem:s19], [sflag:$0x3], $0x80, s25, s20, $0xb8;
	[tilespmem:$0x1F280] =	vst v63  }
0x5c: {  	_ =	swait.ge [sflag:s17], $0x2800  }
0x5d: {  	[sflag:s17] =	ssyncset.done $0x0  }
0x5e: {  	[sflag:s17] =	ssyncadd.s32 $0xFFFFD800  }
0x5f: {  	[tilespmem:s19], [sflag:$0x1] =	stream.indirect.gather [hbm4b:s1+s20], $0x80, s26, s20, $0xb8;
	[tilespmem:$0x1F280] =	vst v63  }
0x60: {  	_ =	swait.ge [sflag:s24], $0x2800  }
0x61: {  	[sflag:s24] =	ssyncset.done $0x0  }
0x62: {  	[sflag:s24] =	ssyncadd.s32 $0xFFFFD800  }
0x63: {  	[spmem:s4] =	stream.indirect.scatter.add.f32 [tilespmem:s22], [sflag:$0x3], $0x80, s28, s20, $0xb8;
	[tilespmem:$0x1F280] =	vst v63  }
0x64: {  	_ =	swait.ge [sflag:s17], $0x2800  }
0x65: {  	[sflag:s17] =	ssyncset.done $0x0  }
0x66: {  	[sflag:s17] =	ssyncadd.s32 $0xFFFFD800  }
0x67: {  	[tilespmem:s22], [sflag:$0x2] =	stream.indirect.gather [hbm4b:s1+s20], $0x80, s29, s20, $0xb8;
	[tilespmem:$0x1F280] =	vst v63  }
0x68: {  	_ =	swait.ge [sflag:s23], $0x2800  }
0x69: {  	[sflag:s23] =	ssyncset.done $0x0  }
0x6a: {  	[sflag:s23] =	ssyncadd.s32 $0xFFFFD800  }
0x6b: {  	[spmem:s4] =	stream.indirect.scatter.add.f32 [tilespmem:s19], [sflag:$0x3], $0x80, s30, s20, $0xb8;
	[tilespmem:$0x1F280] =	vst v63  }
0x6c: {  	_ =	swait.ge [sflag:s17], $0x2800  }
0x6d: {  	[sflag:s17] =	ssyncset.done $0x0  }
0x6e: {  	[sflag:s17] =	ssyncadd.s32 $0xFFFFD800  }
0x6f: {  	[tilespmem:s19], [sflag:$0x1] =	stream.indirect.gather [hbm4b:s1+s20], $0x80, s29, s20, $0xb8;
	[tilespmem:$0x1F280] =	vst v63  }
0x70: {  	_ =	swait.ge [sflag:s24], $0x2800  }
0x71: {  	[sflag:s24] =	ssyncset.done $0x0  }
0x72: {  	[sflag:s24] =	ssyncadd.s32 $0xFFFFD800  }
0x73: {  	[spmem:s4] =	stream.indirect.scatter.add.f32 [tilespmem:s22], [sflag:$0x3], $0x80, s31, s20, $0xb8;
	[tilespmem:$0x1F280] =	vst v63  }
0x74: {  	_ =	swait.ge [sflag:s17], $0x2800  }
0x75: {  	[sflag:s17] =	ssyncset.done $0x0  }
0x76: {  	[sflag:s17] =	ssyncadd.s32 $0xFFFFD800  }
0x77: {  	[tilespmem:s22], [sflag:$0x2] =	stream.indirect.gather [hbm4b:s1+s20], $0x80, s29, s20, $0xb8;
	[tilespmem:$0x1F280] =	vst v63  }
0x78: {  	_ =	swait.ge [sflag:s23], $0x2800  }
0x79: {  	[sflag:s23] =	ssyncset.done $0x0  }
0x7a: {  	[sflag:s23] =	ssyncadd.s32 $0xFFFFD800  }
0x7b: {  	_ =	swait.ge [sflag:s24], $0x2800  }
0x7c: {  	[sflag:s24] =	ssyncset.done $0x0  }
0x7d: {  	[sflag:s24] =	ssyncadd.s32 $0xFFFFD800  }
0x7e: {  	[bflag:$0x0] =	sbarrier.arrive $0xFFFF  }
0x7f: {  	[tilespmem:s19], [sflag:$0x3] =	stream.linear.gather [spmem:s8], $0x2800, $0x38;
	[tilespmem:$0x1F280] =	vst v63  }
0x80: {  	_ =	swait.ge [sflag:s17], $0x2800  }
0x81: {  	[sflag:s17] =	ssyncset.done $0x0  }
0x82: {  	[sflag:s17] =	ssyncadd.s32 $0xFFFFD800  }
0x83: {  	[hbm4b:s12+s5] =	stream.linear.scatter [tilespmem:s19], [sflag:$0x3], $0x2800, $0x38;
	[tilespmem:$0x1F280] =	vst v63  }
0x84: {  	_ =	swait.ge [sflag:s17], $0x2800  }
0x85: {  	[sflag:s17] =	ssyncset.done $0x0  }
0x86: {  	[sflag:s17] =	ssyncadd.s32 $0xFFFFD800  }
0x87: {  	[tilespmem:s19], [sflag:$0x3] =	stream.linear.gather [spmem:s9], $0x2800, $0x38;
	[tilespmem:$0x1F280] =	vst v63  }
0x88: {  	_ =	swait.ge [sflag:s17], $0x2800  }
0x89: {  	[sflag:s17] =	ssyncset.done $0x0  }
0x8a: {  	[sflag:s17] =	ssyncadd.s32 $0xFFFFD800  }
0x8b: {  	[hbm4b:s13+s5] =	stream.linear.scatter [tilespmem:s19], [sflag:$0x3], $0x2800, $0x38;
	[tilespmem:$0x1F280] =	vst v63  }
0x8c: {  	_ =	swait.ge [sflag:s17], $0x2800  }
0x8d: {  	[sflag:s17] =	ssyncset.done $0x0  }
0x8e: {  	[sflag:s17] =	ssyncadd.s32 $0xFFFFD800  }
0x8f: {  	[tilespmem:s19], [sflag:$0x3] =	stream.linear.gather [spmem:s10], $0x2800, $0x38;
	[tilespmem:$0x1F280] =	vst v63  }
0x90: {  	_ =	swait.ge [sflag:s17], $0x2800  }
0x91: {  	[sflag:s17] =	ssyncset.done $0x0  }
0x92: {  	[sflag:s17] =	ssyncadd.s32 $0xFFFFD800  }
0x93: {  	[hbm4b:s14+s5] =	stream.linear.scatter [tilespmem:s19], [sflag:$0x3], $0x2800, $0x38;
	[tilespmem:$0x1F280] =	vst v63  }
0x94: {  	_ =	swait.ge [sflag:s17], $0x2800  }
0x95: {  	[sflag:s17] =	ssyncset.done $0x0  }
0x96: {  	[sflag:s17] =	ssyncadd.s32 $0xFFFFD800  }
0x97: {  	[tilespmem:s19], [sflag:$0x3] =	stream.linear.gather [spmem:s11], $0x2800, $0x38;
	[tilespmem:$0x1F280] =	vst v63  }
0x98: {  	s0 =	sadd.s32 $0x1, s0;
	_ =	swait.ge [sflag:s17], $0x2800  }
0x99: {  	p0 =	sne.s32 s0, s16;
	[sflag:s17] =	ssyncset.done $0x0  }
.Ltmp1:
0x9a: {  	[sflag:s17] =	ssyncadd.s32 $0xFFFFD800;
	(pc) =	sbr.rel @p0 .LBB2_1-.Ltmp1, $4  }
0x9b: {  	[hbm4b:s15+s5] =	stream.linear.scatter [tilespmem:s19], [sflag:$0x3], $0x2800, $0x38;
	[tilespmem:$0x1F280] =	vst v63  }
0x9c: {  	_ =	swait.ge [sflag:s17], $0x2800  }
0x9d: {  	[sflag:s17] =	ssyncset.done $0x0  }
0x9e: {  	[sflag:s17] =	ssyncadd.s32 $0xFFFFD800  }
0x9f: {  	_ =	sfence.sel $0x180000  }
0xa0: {  	[bflag:$0x0] =	sbarrier.arrive $0xFFFF  }
0xa1: {  	_ =	strace $0x9000004D  }
0xa2: {  	s0 =	stileid.u32;
	[bflag:$0x2] =	sbarrier.arrive $0xFFFF  }
0xa3: {  	p0 =	sne.s32 s0, $0x0;
	s0 =	rddreg [dreg:$0x4]  }
0xa4: {  	s0 =	sadd.s32 @!p0 $0x100000, s0  }
0xa5: {  	[sflag:s0] =	ssyncadd.tile.s32 @!p0 $0x1;
	_ =	shalt  }
.Lfunc_end2:
_tile_overlayer_lowered:
.L_overlay_start_2:
0xa6: {  	(tag) =	ssettag $0x2  }
0xa7: {  	s0 =	rddreg [dreg:$0x0];
	s2 =	stileid.u32  }
0xa8: {  	s1 =	rddreg [dreg:$0x1];
	p0 =	sne.s32 s2, $0x0  }
0xa9: {  	s3 =	rddreg [dreg:$0x2];
	[bflag:$0x3] =	sbarrier.arrive $0xFFFF;
	s2 =	simm.s32 @!p0 $0x1C03  }
0xaa: {  	[timem:s3], [sflag:s2] =	dma.local @!p0 [hbm:s0], s1  }
0xab: {  	s0 =	simm.s32 @!p0 $0x3  }
0xac: {  	_ =	swait.ge @!p0 [sflag:s0], s1  }
0xad: {  	s1 =	ssub.s32 @!p0 $0x0, s1;
	[sflag:s0] =	ssyncset.done @!p0 $0x0  }
0xae: {  	[sflag:s0] =	ssyncadd.s32 @!p0 s1  }
0xaf: {  	[bflag:$0x3] =	sbarrier.arrive $0xFFFF  }
0xb0: {  	_ =	shalt  }

// kernel: kernel.19.cloned.1.call-start
scs
__scs_entry_jumppad:
0x0: {  	(pc) =	sbr.rel $0x88, $3  }
0x1: {  	(tag) =	ssettag $0x0;
	lr =	simm.s32 $0x1  }
0x2: {  	[smem:$0x3F8C] =	sst lr;
	_ =	strace $0xD0000000  }
0x3: {  	_ = 	snop  }
0x4: {  	_ = 	snop  }
0x5: {  	_ = 	snop  }
0x6: {  	_ = 	snop  }
0x7: {  	_ = 	snop  }
__scs_overlays_trampoline_lowered:
0x8: {  	[smem:$0x3F9B] =	sst s0  }
0x9: {  	[smem:$0x3F9C] =	sst s1  }
0xa: {  	[smem:$0x3F9D] =	sst s2  }
0xb: {  	[smem:$0x3F9E] =	sst s3  }
0xc: {  	[smem:$0x3F9F] =	sst s4  }
0xd: {  	[smem:$0x3FA0] =	sst s5  }
0xe: {  	[smem:$0x3FA1] =	sst s6  }
0xf: {  	[smem:$0x3FA2] =	sst s7  }
0x10: {  	[smem:$0x3FA3] =	sst s8  }
0x11: {  	[smem:$0x3FA4] =	sst s9;
	s0 =	simm.s32 @!p0 $0x0  }
0x12: {  	s1 =	sld [smem:$0x3F8A];
	s0 =	simm.s32 @p0 $0x1  }
0x13: {  	[smem:$0x3FA5] =	sst s0;
	s0 =	simm.s32 @!p1 $0x0  }
0x14: {  	s2 =	sld [smem:$0x3F89];
	s0 =	simm.s32 @p1 $0x1  }
0x15: {  	[smem:$0x3FA6] =	sst s0;
	s0 =	simm.s32 @!p2 $0x0  }
0x16: {  	s3 =	sld [smem:$0x3FDB];
	s0 =	simm.s32 @p2 $0x1  }
0x17: {  	s4 =	simm.s32 $0x1BF5;
	[smem:$0x3FA8] =	sst s0  }
0x18: {  	s0 =	sld [smem:$0x3F8B];
	_ =	swait.ge [sflag:s4], $0x0  }
0x19: {  	s7 =	sld [smem:$0x3F8C]  }
0x1a: {  	s8 =	sadd.s32 $0xFFFFE003, lr  }
0x1b: {  	s9 =	sadd.s32 $0xFFFFFEF7, lr;
	s5 =	simm.s32 $0xFFFFFFFF;
	p2 =	slt.u32 s8, $0xFFFFF086  }
0x1c: {  	p1 =	slt.u32 s9, $0xF7A;
	s5 =	simm.s32 @!p2 $0x0  }
0x1d: {  	s5 =	simm.s32 @p1 $0x1;
	p0 =	seq.s32 s7, s2  }
0x1e: {  	s7 =	smul.u32 @!p0 $0xF7A, s2;
	p2 =	seq.s32 @!p0 s5, $0x0  }
0x1f: {  	s9 =	smul.u32 $0xF7A, s1;
	s8 =	simm.s32 @!p0 $0x1BF5;
	p2 =	por !p2, p0  }
0x20: {  	[sflag:s8] =	ssyncset.s32 @!p0 $0xFFFFF086;
	s6 =	sadd.s32 @!p0 s3, s7;
	s7 =	simm.s32 @!p0 $0x108  }
0x21: {  	s3 =	sadd.s32 s3, s9;
	s6 =	sadd.s32 @!p0 $0x88, s6;
	s7 =	simm.s32 @p2 $0x1082  }
0x22: {  	[simem:s7], [sflag:s8] =	dma.local @!p0 [hbm:s6], $0xF7A  }
0x23: {  	s9 =	sor.u32 $0xD0000000, s2;
	s6 =	simm.s32 $0x108;
	_ =	swait.ge @!p0 [sflag:s8], $0x0  }
0x24: {  	s3 =	sadd.s32 $0x88, s3;
	s6 =	simm.s32 @!p1 $0x1082;
	[sflag:s4] =	ssyncset.s32 $0xFFFFF086  }
0x25: {  	[simem:s6], [sflag:s4] =	dma.local [hbm:s3], $0xF7A  }
0x26: {  	[smem:$0x3F8C] =	sst s1;
	(tag) =	ssettag s2;
	_ =	strace s9  }
0x27: {  	s1 =	sld [smem:$0x3F9C]  }
0x28: {  	s2 =	sld [smem:$0x3F9D]  }
0x29: {  	s4 =	sld [smem:$0x3F9F]  }
0x2a: {  	p0 =	seq.s32 s5, $0x0;
	s5 =	sld [smem:$0x3FA0]  }
0x2b: {  	s6 =	sld [smem:$0x3FA1]  }
0x2c: {  	s7 =	sld [smem:$0x3FA2]  }
0x2d: {  	s3 =	simm.s32 $0x108;
	s8 =	sld [smem:$0x3FA3]  }
0x2e: {  	s3 =	simm.s32 @!p0 $0x1082;
	s9 =	sld [smem:$0x3FA4]  }
0x2f: {  	lr =	sadd.s32 s0, s3;
	s0 =	sld [smem:$0x3F9B]  }
0x30: {  	s3 =	sld [smem:$0x3F9E]  }
0x31: {  	[smem:$0x3FA7] =	sst s10  }
0x32: {  	s10 =	sld [smem:$0x3FA5];
	_ =	sdelay $0x3  }
0x33: {  	p0 =	seq.s32 s10, $0x1;
	s10 =	sld [smem:$0x3FA7];
	_ =	sdelay $0x3  }
0x34: {  	[smem:$0x3FA7] =	sst s10  }
0x35: {  	s10 =	sld [smem:$0x3FA6];
	_ =	sdelay $0x3  }
0x36: {  	p1 =	seq.s32 s10, $0x1;
	s10 =	sld [smem:$0x3FA7];
	_ =	sdelay $0x3  }
0x37: {  	[smem:$0x3FA7] =	sst s10  }
0x38: {  	s10 =	sld [smem:$0x3FA8]  }
0x39: {  	_ = 	snop;
	(pc) =	sbr.ind lr, $3  }
0x3a: {  	_ = 	snop  }
0x3b: {  	_ = 	snop  }
0x3c: {  	p2 =	seq.s32 s10, $0x1;
	s10 =	sld [smem:$0x3FA7]  }
0x3d: {  	_ =	shalt  }
0x3e: {  	_ =	shalt  }
0x3f: {  	_ =	shalt  }
0x40: {  	_ =	shalt  }
0x41: {  	_ =	shalt  }
0x42: {  	_ =	shalt  }
0x43: {  	_ =	shalt  }
0x44: {  	_ =	shalt  }
0x45: {  	_ =	shalt  }
0x46: {  	_ =	shalt  }
0x47: {  	_ =	shalt  }
0x48: {  	_ =	shalt  }
0x49: {  	_ =	shalt  }
0x4a: {  	_ =	shalt  }
0x4b: {  	_ =	shalt  }
0x4c: {  	_ =	shalt  }
0x4d: {  	_ =	shalt  }
0x4e: {  	_ =	shalt  }
0x4f: {  	_ =	shalt  }
0x50: {  	_ =	shalt  }
0x51: {  	_ =	shalt  }
0x52: {  	_ =	shalt  }
0x53: {  	_ =	shalt  }
0x54: {  	_ =	shalt  }
0x55: {  	_ =	shalt  }
0x56: {  	_ =	shalt  }
0x57: {  	_ =	shalt  }
0x58: {  	_ =	shalt  }
0x59: {  	_ =	shalt  }
0x5a: {  	_ =	shalt  }
0x5b: {  	_ =	shalt  }
0x5c: {  	_ =	shalt  }
0x5d: {  	_ =	shalt  }
0x5e: {  	_ =	shalt  }
0x5f: {  	_ =	shalt  }
0x60: {  	_ =	shalt  }
0x61: {  	_ =	shalt  }
0x62: {  	_ =	shalt  }
0x63: {  	_ =	shalt  }
0x64: {  	_ =	shalt  }
0x65: {  	_ =	shalt  }
0x66: {  	_ =	shalt  }
0x67: {  	_ =	shalt  }
0x68: {  	_ =	shalt  }
0x69: {  	_ =	shalt  }
0x6a: {  	_ =	shalt  }
0x6b: {  	_ =	shalt  }
0x6c: {  	_ =	shalt  }
0x6d: {  	_ =	shalt  }
0x6e: {  	_ =	shalt  }
0x6f: {  	_ =	shalt  }
0x70: {  	_ =	shalt  }
0x71: {  	_ =	shalt  }
0x72: {  	_ =	shalt  }
0x73: {  	_ =	shalt  }
0x74: {  	_ =	shalt  }
0x75: {  	_ =	shalt  }
0x76: {  	_ =	shalt  }
0x77: {  	_ =	shalt  }
0x78: {  	_ =	shalt  }
0x79: {  	_ =	shalt  }
0x7a: {  	_ =	shalt  }
0x7b: {  	_ =	shalt  }
0x7c: {  	_ =	shalt  }
0x7d: {  	_ =	shalt  }
0x7e: {  	_ =	shalt  }
0x7f: {  	_ =	shalt  }
0x80: {  	_ =	shalt  }
0x81: {  	_ =	shalt  }
0x82: {  	_ =	shalt  }
0x83: {  	_ =	shalt  }
0x84: {  	_ =	shalt  }
0x85: {  	_ =	shalt  }
0x86: {  	_ =	shalt  }
0x87: {  	_ =	shalt  }
.Lfunc_end0:
.L_simem_size_0:
called_computation.3_lowered:
.L_overlay_start_0:
0x88: {  	s2 =	sld [smem:$0x3FD9]  }
0x89: {  	s3 =	sld [smem:$0x3FFE];
	_ =	sdelay $0x1  }
0x8a: {  	s1 =	srdreg.scid  }
0x8b: {  	s0 =	sand.u32 $0x1, s1  }
0x8c: {  	s14 =	sshll.u32 s0, $0xA;
	s2 =	sadd.s32 s3, s2  }
0x8d: {  	s2 =	sadd.s32 s2, s14  }
0x8e: {  	[smem:$0x3FB3] =	sst s2  }
0x8f: {  	_ = 	snop  }
0x90: {  	s2 =	sld [smem:$0x3FD0];
	_ =	sdelay $0x2  }
0x91: {  	s15 =	simm.s32 $0xA;
	s4 =	simm.s32 $0x10  }
0x92: {  	[smem:s4], [sflag:s15] =	dma.local [hbm:s2], $0x1  }
0x93: {  	_ =	swait.eq [sflag:s15], $0x1  }
0x94: {  	[sflag:s15] =	ssyncset.done $0x0  }
0x95: {  	s16 =	sld [smem:$0x10];
	[sflag:s15] =	ssyncadd.s32 $0xFFFFFFFF  }
0x96: {  	s17 =	sld [smem:$0x11];
	(tm) =	ssettm $0x1  }
0x97: {  	s18 =	sld [smem:$0x3FFB];
	_ =	sdelay $0x3  }
0x98: {  	_ =	strace s18  }
0x99: {  	s4 =	sld [smem:$0x3FFC];
	_ =	sdelay $0x3  }
0x9a: {  	_ =	strace s4  }
0x9b: {  	s4 =	sld [smem:$0x3FFD];
	_ =	sdelay $0x3  }
0x9c: {  	_ =	strace s4  }
0x9d: {  	_ =	strace $0x8FFFFFFF  }
0x9e: {  	s19 =	sld [smem:$0x3FDB];
	_ =	sdelay $0x1  }
0x9f: {  	s5 =	simm.s32 $_scs_section_size  }
0xa0: {  	s6 =	simm.s32 $_size__tile_overlayer_lowered;
	s7 =	simm.s32 $_tile_overlayer_lowered  }
0xa1: {  	s22 =	simm.s32 $0x1BFF;
	s21 =	sshll.u32 s7, $0x1;
	s4 =	sadd.s32 s5, s19  }
0xa2: {  	s8 =	simm.s32 $0x0;
	s20 =	sshll.u32 s6, $0x1;
	s6 =	sadd.s32 s21, s4  }
0xa3: {  	[timem:s8], [sflag:s22] =	dma.local [hbm:s6], s20  }
0xa4: {  	_ =	swait.ge [sflag:s22], s20  }
0xa5: {  	s5 =	ssub.s32 $0x0, s20;
	[sflag:s22] =	ssyncset.done $0x0  }
0xa6: {  	[sflag:s22] =	ssyncadd.s32 s5;
	_ =	sdelay $0x1  }
0xa7: {  	s23 =	simm.s32 $0x1B8B  }
0xa8: {  	_ =	swait.ge [sflag:s23], $0x1  }
0xa9: {  	[sflag:s23] =	ssyncset.done $0x0  }
0xaa: {  	s25 =	simm.s32 $0x1B8E;
	s24 =	sld [smem:$0x3FFE];
	[sflag:s23] =	ssyncadd.s32 $0xFFFFFFFF  }
0xab: {  	s26 =	simm.s32 $execute0_lowered;
	[smem:$0x3FD2] =	sst s25  }
0xac: {  	s6 =	sshll.u32 s26, $0x1;
	_ =	strace $0x8000004F;
	[dreg:$0x1] =	wrdreg $0xFFFFFFFF  }
0xad: {  	s28 =	simm.s32 $_size_execute0_lowered;
	s4 =	sadd.s32 s4, s6;
	[dreg:$0x0] =	wrdreg $0x0  }
0xae: {  	s6 =	sshll.u32 s28, $0x1;
	[dreg:$0x2] =	wrdreg s4  }
0xaf: {  	[dreg:$0x3] =	wrdreg s6  }
0xb0: {  	[dreg:$0x4] =	wrdreg $0xC0  }
0xb1: {  	_ =	task [dreg:s8], $0x5FFFF  }
0xb2: {  	[dreg:$0x1] =	wrdreg $0xFFFFFFFF  }
0xb3: {  	[dreg:$0x0] =	wrdreg $0x60  }
0xb4: {  	[dreg:$0x2] =	wrdreg s24  }
0xb5: {  	[dreg:$0x3] =	wrdreg s16  }
0xb6: {  	[dreg:$0x4] =	wrdreg s17  }
0xb7: {  	[dreg:$0x5] =	wrdreg $0x150000  }
0xb8: {  	[dreg:$0x6] =	wrdreg $0x9  }
0xb9: {  	_ =	task.clear_ibuf [dreg:s8], $0x7FFFF;
	_ =	strace $0x9000004F  }
0xba: {  	s29 =	simm.s32 $0x9;
	_ =	strace $0x80000051  }
0xbb: {  	_ =	swait.ge [sflag:s29], $0x1  }
0xbc: {  	[sflag:s29] =	ssyncadd.s32 $0xFFFFFFFF  }
0xbd: {  	_ =	strace $0x90000051  }
0xbe: {  	_ =	sfence  }
0xbf: {  	s30 =	sld [smem:$0x0];
	_ =	sdelay $0x2  }
0xc0: {  	s31 =	sshll.u32 s1, $0xD;
	s1 =	sshrl.u32 s1, $0x2  }
0xc1: {  	s3 =	sand.u32 $0x4000, s31;
	s1 =	sadd.s32 s1, s30  }
0xc2: {  	s0 =	sor.u32 s3, s0;
	s1 =	sshll.u32 s1, $0x11  }
0xc3: {  	s0 =	sor.u32 s1, s0  }
0xc4: {  	s0 =	sadd.s32 $0x8F2B, s0  }
0xc5: {  	[sflag:s0] =	ssyncadd.remote.s32 $0x1  }
0xc6: {  	_ =	sfence.sel $0xFFFF  }
0xc7: {  	[dreg:$0x0] =	wrdreg $0xFFFFFFFF;
	(pc) =	sbr.abs _section_cstart, $3  }
0xc8: {  	[dreg:$0x1] =	wrdreg $0xFFFFFFFF  }
0xc9: {  	_ =	task.clear_ibuf [dreg:s8], $0x2FFFF;
	_ =	strace $0x9FFFFFFF  }
0xca: {  	(tm) =	ssettm $0x7FFFFFFF  }
0xcb: {  	_ =	shalt  }
tec
execute0_lowered:
.L_overlay_start_1:
0x0: {  	(tag) =	ssettag $0x1  }
0x1: {  	s0 =	rddreg [dreg:$0x0]  }
0x2: {  	s1 =	rddreg [dreg:$0x1]  }
0x3: {  	s4 =	rddreg [dreg:$0x3]  }
0x4: {  	s2 =	srdreg.scid;
	s5 =	simm.s32 $0x0;
	s9 =	stileid.u32  }
0x5: {  	s17 =	simm.s32 $0x3;
	s19 =	simm.s32 $0x10000;
	s20 =	simm.s32 $0x50  }
0x6: {  	s21 =	simm.s32 $0x80;
	s22 =	simm.s32 $0x12800;
	s23 =	simm.s32 $0x1  }
0x7: {  	s28 =	simm.s32 $0xFB80;
	s29 =	simm.s32 $0x7C80;
	s30 =	simm.s32 $0xFC00  }
0x8: {  	s31 =	simm.s32 $0xFC80;
	s2 =	sand.u32 $0x1, s2;
	s8 =	smul.u32 $0x28000, s9  }
0x9: {  	[smem:$0x7FF] =	sst s5;
	s6 =	sshll.u32 s9, $0xC;
	s11 =	smul.u32 $0xA000, s9  }
0xa: {  	s3 =	sshll.u32 s2, $0x10;
	_ =	strace $0x80000050;
	s24 =	ssub.s32 $0x2, s2  }
0xb: {  	s2 =	smul.u32 $0xA0000, s2;
	s3 =	sor.u32 s6, s3;
	s7 =	sshrl.u32 s24, $0x1  }
0xc: {  	s8 =	sshrl.u32 s8, $0x2;
	s25 =	sadd.s32 $0x2800, s11;
	s13 =	sadd.s32 $0x5000, s11  }
0xd: {  	s14 =	sadd.s32 $0x7800, s11;
	s3 =	sadd.s32 s3, s0;
	s0 =	sadd.s32 $0x44A00, s0  }
0xe: {  	s16 =	ssub.s32 s24, s7;
	s8 =	sadd.s32 s8, s4;
	s9 =	sadd.s32 s25, s4  }
0xf: {  	s12 =	sadd.s32 s11, s2;
	s10 =	sadd.s32 s13, s4;
	s11 =	sadd.s32 s14, s4  }
0x10: {  	s15 =	sadd.s32 s2, s13;
	s24 =	simm.s32 $0x2;
	s6 =	sadd.s32 $0x4A00, s3  }
0x11: {  	s7 =	sadd.s32 $0x24A00, s3;
	s12 =	sshrl.u32 s12, $0x3;
	s3 =	sadd.s32 s2, s25  }
0x12: {  	s2 =	sadd.s32 s2, s14;
	s26 =	sshrl.u32 s15, $0x3;
	s16 =	smax.u32 s16, $0x1  }
0x13: {  	s25 =	simm.s32 $0xFB00;
	s12 =	sadd.s32 s0, s12;
	s3 =	sshrl.u32 s3, $0x3  }
0x14: {  	s2 =	sshrl.u32 s2, $0x3;
	s14 =	sadd.s32 s0, s26;
	s26 =	simm.s32 $0x7C00  }
0x15: {  	s13 =	sadd.s32 s0, s3;
	s15 =	sadd.s32 s0, s2;
	s0 =	simm.s32 $0x0  }
.LBB2_1:
0x16: {  	[tilespmem:s5], [sflag:$0x3] =	stream.linear.gather [hbm4b:s6+s5], $0x7D00, $0x38;
	[tilespmem:$0x1F280] =	vst v63  }
0x17: {  	_ =	swait.ge [sflag:s17], $0x7D00  }
0x18: {  	[sflag:s17] =	ssyncset.done $0x0  }
0x19: {  	s2 =	simm.s32 $0x8000;
	[sflag:s17] =	ssyncadd.s32 $0xFFFF8300  }
0x1a: {  	[tilespmem:s2], [sflag:$0x3] =	stream.linear.gather [hbm4b:s7+s5], $0x7D00, $0x38;
	[tilespmem:$0x1F280] =	vst v63  }
0x1b: {  	_ =	swait.ge [sflag:s17], $0x7D00  }
0x1c: {  	[sflag:s17] =	ssyncset.done $0x0  }
0x1d: {  	[sflag:s17] =	ssyncadd.s32 $0xFFFF8300  }
0x1e: {  	s3 =	rddreg [dreg:$0x2]  }
0x1f: {  	[tilespmem:s19], [sflag:$0x3] =	stream.linear.gather [hbm4b:s3+s5], $0x2800, $0x38;
	[tilespmem:$0x1F280] =	vst v63  }
0x20: {  	_ =	swait.ge [sflag:s17], $0x2800  }
0x21: {  	[sflag:s17] =	ssyncset.done $0x0  }
0x22: {  	[sflag:s17] =	ssyncadd.s32 $0xFFFFD800  }
0x23: {  	[spmem:s8] =	stream.linear.scatter [tilespmem:s19], [sflag:$0x3], $0x2800, $0x38;
	[tilespmem:$0x1F280] =	vst v63  }
0x24: {  	_ =	swait.ge [sflag:s17], $0x2800  }
0x25: {  	[sflag:s17] =	ssyncset.done $0x0  }
0x26: {  	[sflag:s17] =	ssyncadd.s32 $0xFFFFD800  }
0x27: {  	[spmem:s9] =	stream.linear.scatter [tilespmem:s19], [sflag:$0x3], $0x2800, $0x38;
	[tilespmem:$0x1F280] =	vst v63  }
0x28: {  	_ =	swait.ge [sflag:s17], $0x2800  }
0x29: {  	[sflag:s17] =	ssyncset.done $0x0  }
0x2a: {  	[sflag:s17] =	ssyncadd.s32 $0xFFFFD800  }
0x2b: {  	[spmem:s10] =	stream.linear.scatter [tilespmem:s19], [sflag:$0x3], $0x2800, $0x38;
	[tilespmem:$0x1F280] =	vst v63  }
0x2c: {  	_ =	swait.ge [sflag:s17], $0x2800  }
0x2d: {  	[sflag:s17] =	ssyncset.done $0x0  }
0x2e: {  	[sflag:s17] =	ssyncadd.s32 $0xFFFFD800  }
0x2f: {  	[spmem:s11] =	stream.linear.scatter [tilespmem:s19], [sflag:$0x3], $0x2800, $0x38;
	[tilespmem:$0x1F280] =	vst v63  }
0x30: {  	_ =	swait.ge [sflag:s17], $0x2800  }
0x31: {  	[sflag:s17] =	ssyncset.done $0x0  }
0x32: {  	[sflag:s17] =	ssyncadd.s32 $0xFFFFD800  }
0x33: {  	[bflag:$0x0] =	sbarrier.arrive $0xFFFF  }
0x34: {  	[tilespmem:s19], [sflag:$0x1] =	stream.indirect.gather [hbm4b:s1+s20], $0x80, s5, s20, $0xb8;
	[tilespmem:$0x1F280] =	vst v63  }
0x35: {  	_ = 	snop  }
0x36: {  	[tilespmem:s22], [sflag:$0x2] =	stream.indirect.gather [hbm4b:s1+s20], $0x80, s21, s20, $0xb8;
	[tilespmem:$0x1F280] =	vst v63  }
0x37: {  	_ =	swait.ge [sflag:s23], $0x2800  }
0x38: {  	[sflag:s23] =	ssyncset.done $0x0  }
0x39: {  	s18 =	simm.s32 $0x8000;
	[sflag:s23] =	ssyncadd.s32 $0xFFFFD800  }
0x3a: {  	[spmem:s4] =	stream.indirect.scatter.add.f32 [tilespmem:s19], [sflag:$0x3], $0x80, s18, s20, $0xb8;
	[tilespmem:$0x1F280] =	vst v63  }
0x3b: {  	_ =	swait.ge [sflag:s17], $0x2800  }
0x3c: {  	[sflag:s17] =	ssyncset.done $0x0  }
0x3d: {  	s3 =	simm.s32 $0x100;
	[sflag:s17] =	ssyncadd.s32 $0xFFFFD800  }
0x3e: {  	[tilespmem:s19], [sflag:$0x1] =	stream.indirect.gather [hbm4b:s1+s20], $0x80, s3, s20, $0xb8;
	[tilespmem:$0x1F280] =	vst v63  }
0x3f: {  	_ =	swait.ge [sflag:s24], $0x2800  }
0x40: {  	[sflag:s24] =	ssyncset.done $0x0  }
0x41: {  	s18 =	simm.s32 $0x8080;
	[sflag:s24] =	ssyncadd.s32 $0xFFFFD800  }
0x42: {  	[spmem:s4] =	stream.indirect.scatter.add.f32 [tilespmem:s22], [sflag:$0x3], $0x80, s18, s20, $0xb8;
	[tilespmem:$0x1F280] =	vst v63  }
0x43: {  	_ =	swait.ge [sflag:s17], $0x2800  }
0x44: {  	[sflag:s17] =	ssyncset.done $0x0  }
0x45: {  	s2 =	simm.s32 $0x180;
	s3 =	simm.s32 $0x400;
	[sflag:s17] =	ssyncadd.s32 $0xFFFFD800  }
.LBB2_2:
0x46: {  	[tilespmem:s22], [sflag:$0x2] =	stream.indirect.gather [hbm4b:s1+s20], $0x80, s2, s20, $0xb8;
	[tilespmem:$0x1F280] =	vst v63  }
0x47: {  	s2 =	smov.u32 s3  }
0x48: {  	p0 =	sne.s32 s3, $0x1E800;
	s3 =	sadd.s32 $0x400, s3;
	_ =	swait.ge [sflag:s23], $0x2800  }
0x49: {  	s2 =	sshra.s32 s2, $0x2;
	[sflag:s23] =	ssyncset.done $0x0  }
0x4a: {  	s18 =	sadd.s32 $0x8000, s2;
	[sflag:s23] =	ssyncadd.s32 $0xFFFFD800  }
0x4b: {  	[spmem:s4] =	stream.indirect.scatter.add.f32 [tilespmem:s19], [sflag:$0x3], $0x80, s18, s20, $0xb8;
	[tilespmem:$0x1F280] =	vst v63  }
0x4c: {  	_ =	swait.ge [sflag:s17], $0x2800  }
0x4d: {  	[sflag:s17] =	ssyncset.done $0x0  }
0x4e: {  	s18 =	sadd.s32 $0x100, s2;
	[sflag:s17] =	ssyncadd.s32 $0xFFFFD800  }
0x4f: {  	[tilespmem:s19], [sflag:$0x1] =	stream.indirect.gather [hbm4b:s1+s20], $0x80, s18, s20, $0xb8;
	[tilespmem:$0x1F280] =	vst v63  }
0x50: {  	_ =	swait.ge [sflag:s24], $0x2800  }
0x51: {  	[sflag:s24] =	ssyncset.done $0x0  }
.Ltmp0:
0x52: {  	s18 =	sadd.s32 $0x8080, s2;
	[sflag:s24] =	ssyncadd.s32 $0xFFFFD800;
	(pc) =	sbr.rel @p0 .LBB2_2-.Ltmp0, $4  }
0x53: {  	[spmem:s4] =	stream.indirect.scatter.add.f32 [tilespmem:s22], [sflag:$0x3], $0x80, s18, s20, $0xb8;
	[tilespmem:$0x1F280] =	vst v63  }
0x54: {  	_ =	swait.ge [sflag:s17], $0x2800  }
0x55: {  	[sflag:s17] =	ssyncset.done $0x0  }
0x56: {  	s2 =	sadd.s32 $0x180, s2;
	[sflag:s17] =	ssyncadd.s32 $0xFFFFD800  }
0x57: {  	[tilespmem:s22], [sflag:$0x2] =	stream.indirect.gather [hbm4b:s1+s20], $0x80, s2, s20, $0xb8;
	[tilespmem:$0x1F280] =	vst v63  }
0x58: {  	_ =	swait.ge [sflag:s23], $0x2800  }
0x59: {  	[sflag:s23] =	ssyncset.done $0x0  }
0x5a: {  	[sflag:s23] =	ssyncadd.s32 $0xFFFFD800  }
0x5b: {  	[spmem:s4] =	stream.indirect.scatter.add.f32 [tilespmem:s19], [sflag:$0x3], $0x80, s25, s20, $0xb8;
	[tilespmem:$0x1F280] =	vst v63  }
0x5c: {  	_ =	swait.ge [sflag:s17], $0x2800  }
0x5d: {  	[sflag:s17] =	ssyncset.done $0x0  }
0x5e: {  	[sflag:s17] =	ssyncadd.s32 $0xFFFFD800  }
0x5f: {  	[tilespmem:s19], [sflag:$0x1] =	stream.indirect.gather [hbm4b:s1+s20], $0x80, s26, s20, $0xb8;
	[tilespmem:$0x1F280] =	vst v63  }
0x60: {  	_ =	swait.ge [sflag:s24], $0x2800  }
0x61: {  	[sflag:s24] =	ssyncset.done $0x0  }
0x62: {  	[sflag:s24] =	ssyncadd.s32 $0xFFFFD800  }
0x63: {  	[spmem:s4] =	stream.indirect.scatter.add.f32 [tilespmem:s22], [sflag:$0x3], $0x80, s28, s20, $0xb8;
	[tilespmem:$0x1F280] =	vst v63  }
0x64: {  	_ =	swait.ge [sflag:s17], $0x2800  }
0x65: {  	[sflag:s17] =	ssyncset.done $0x0  }
0x66: {  	[sflag:s17] =	ssyncadd.s32 $0xFFFFD800  }
0x67: {  	[tilespmem:s22], [sflag:$0x2] =	stream.indirect.gather [hbm4b:s1+s20], $0x80, s29, s20, $0xb8;
	[tilespmem:$0x1F280] =	vst v63  }
0x68: {  	_ =	swait.ge [sflag:s23], $0x2800  }
0x69: {  	[sflag:s23] =	ssyncset.done $0x0  }
0x6a: {  	[sflag:s23] =	ssyncadd.s32 $0xFFFFD800  }
0x6b: {  	[spmem:s4] =	stream.indirect.scatter.add.f32 [tilespmem:s19], [sflag:$0x3], $0x80, s30, s20, $0xb8;
	[tilespmem:$0x1F280] =	vst v63  }
0x6c: {  	_ =	swait.ge [sflag:s17], $0x2800  }
0x6d: {  	[sflag:s17] =	ssyncset.done $0x0  }
0x6e: {  	[sflag:s17] =	ssyncadd.s32 $0xFFFFD800  }
0x6f: {  	[tilespmem:s19], [sflag:$0x1] =	stream.indirect.gather [hbm4b:s1+s20], $0x80, s29, s20, $0xb8;
	[tilespmem:$0x1F280] =	vst v63  }
0x70: {  	_ =	swait.ge [sflag:s24], $0x2800  }
0x71: {  	[sflag:s24] =	ssyncset.done $0x0  }
0x72: {  	[sflag:s24] =	ssyncadd.s32 $0xFFFFD800  }
0x73: {  	[spmem:s4] =	stream.indirect.scatter.add.f32 [tilespmem:s22], [sflag:$0x3], $0x80, s31, s20, $0xb8;
	[tilespmem:$0x1F280] =	vst v63  }
0x74: {  	_ =	swait.ge [sflag:s17], $0x2800  }
0x75: {  	[sflag:s17] =	ssyncset.done $0x0  }
0x76: {  	[sflag:s17] =	ssyncadd.s32 $0xFFFFD800  }
0x77: {  	[tilespmem:s22], [sflag:$0x2] =	stream.indirect.gather [hbm4b:s1+s20], $0x80, s29, s20, $0xb8;
	[tilespmem:$0x1F280] =	vst v63  }
0x78: {  	_ =	swait.ge [sflag:s23], $0x2800  }
0x79: {  	[sflag:s23] =	ssyncset.done $0x0  }
0x7a: {  	[sflag:s23] =	ssyncadd.s32 $0xFFFFD800  }
0x7b: {  	_ =	swait.ge [sflag:s24], $0x2800  }
0x7c: {  	[sflag:s24] =	ssyncset.done $0x0  }
0x7d: {  	[sflag:s24] =	ssyncadd.s32 $0xFFFFD800  }
0x7e: {  	[bflag:$0x0] =	sbarrier.arrive $0xFFFF  }
0x7f: {  	[tilespmem:s19], [sflag:$0x3] =	stream.linear.gather [spmem:s8], $0x2800, $0x38;
	[tilespmem:$0x1F280] =	vst v63  }
0x80: {  	_ =	swait.ge [sflag:s17], $0x2800  }
0x81: {  	[sflag:s17] =	ssyncset.done $0x0  }
0x82: {  	[sflag:s17] =	ssyncadd.s32 $0xFFFFD800  }
0x83: {  	[hbm4b:s12+s5] =	stream.linear.scatter [tilespmem:s19], [sflag:$0x3], $0x2800, $0x38;
	[tilespmem:$0x1F280] =	vst v63  }
0x84: {  	_ =	swait.ge [sflag:s17], $0x2800  }
0x85: {  	[sflag:s17] =	ssyncset.done $0x0  }
0x86: {  	[sflag:s17] =	ssyncadd.s32 $0xFFFFD800  }
0x87: {  	[tilespmem:s19], [sflag:$0x3] =	stream.linear.gather [spmem:s9], $0x2800, $0x38;
	[tilespmem:$0x1F280] =	vst v63  }
0x88: {  	_ =	swait.ge [sflag:s17], $0x2800  }
0x89: {  	[sflag:s17] =	ssyncset.done $0x0  }
0x8a: {  	[sflag:s17] =	ssyncadd.s32 $0xFFFFD800  }
0x8b: {  	[hbm4b:s13+s5] =	stream.linear.scatter [tilespmem:s19], [sflag:$0x3], $0x2800, $0x38;
	[tilespmem:$0x1F280] =	vst v63  }
0x8c: {  	_ =	swait.ge [sflag:s17], $0x2800  }
0x8d: {  	[sflag:s17] =	ssyncset.done $0x0  }
0x8e: {  	[sflag:s17] =	ssyncadd.s32 $0xFFFFD800  }
0x8f: {  	[tilespmem:s19], [sflag:$0x3] =	stream.linear.gather [spmem:s10], $0x2800, $0x38;
	[tilespmem:$0x1F280] =	vst v63  }
0x90: {  	_ =	swait.ge [sflag:s17], $0x2800  }
0x91: {  	[sflag:s17] =	ssyncset.done $0x0  }
0x92: {  	[sflag:s17] =	ssyncadd.s32 $0xFFFFD800  }
0x93: {  	[hbm4b:s14+s5] =	stream.linear.scatter [tilespmem:s19], [sflag:$0x3], $0x2800, $0x38;
	[tilespmem:$0x1F280] =	vst v63  }
0x94: {  	_ =	swait.ge [sflag:s17], $0x2800  }
0x95: {  	[sflag:s17] =	ssyncset.done $0x0  }
0x96: {  	[sflag:s17] =	ssyncadd.s32 $0xFFFFD800  }
0x97: {  	[tilespmem:s19], [sflag:$0x3] =	stream.linear.gather [spmem:s11], $0x2800, $0x38;
	[tilespmem:$0x1F280] =	vst v63  }
0x98: {  	s0 =	sadd.s32 $0x1, s0;
	_ =	swait.ge [sflag:s17], $0x2800  }
0x99: {  	p0 =	sne.s32 s0, s16;
	[sflag:s17] =	ssyncset.done $0x0  }
.Ltmp1:
0x9a: {  	[sflag:s17] =	ssyncadd.s32 $0xFFFFD800;
	(pc) =	sbr.rel @p0 .LBB2_1-.Ltmp1, $4  }
0x9b: {  	[hbm4b:s15+s5] =	stream.linear.scatter [tilespmem:s19], [sflag:$0x3], $0x2800, $0x38;
	[tilespmem:$0x1F280] =	vst v63  }
0x9c: {  	_ =	swait.ge [sflag:s17], $0x2800  }
0x9d: {  	[sflag:s17] =	ssyncset.done $0x0  }
0x9e: {  	[sflag:s17] =	ssyncadd.s32 $0xFFFFD800  }
0x9f: {  	_ =	sfence.sel $0x180000  }
0xa0: {  	[bflag:$0x0] =	sbarrier.arrive $0xFFFF  }
0xa1: {  	_ =	strace $0x90000050  }
0xa2: {  	s0 =	stileid.u32;
	[bflag:$0x2] =	sbarrier.arrive $0xFFFF  }
0xa3: {  	p0 =	sne.s32 s0, $0x0;
	s0 =	rddreg [dreg:$0x4]  }
0xa4: {  	s0 =	sadd.s32 @!p0 $0x100000, s0  }
0xa5: {  	[sflag:s0] =	ssyncadd.tile.s32 @!p0 $0x1;
	_ =	shalt  }
.Lfunc_end2:
_tile_overlayer_lowered:
.L_overlay_start_2:
0xa6: {  	(tag) =	ssettag $0x2  }
0xa7: {  	s0 =	rddreg [dreg:$0x0];
	s2 =	stileid.u32  }
0xa8: {  	s1 =	rddreg [dreg:$0x1];
	p0 =	sne.s32 s2, $0x0  }
0xa9: {  	s3 =	rddreg [dreg:$0x2];
	[bflag:$0x3] =	sbarrier.arrive $0xFFFF;
	s2 =	simm.s32 @!p0 $0x1C03  }
0xaa: {  	[timem:s3], [sflag:s2] =	dma.local @!p0 [hbm:s0], s1  }
0xab: {  	s0 =	simm.s32 @!p0 $0x3  }
0xac: {  	_ =	swait.ge @!p0 [sflag:s0], s1  }
0xad: {  	s1 =	ssub.s32 @!p0 $0x0, s1;
	[sflag:s0] =	ssyncset.done @!p0 $0x0  }
0xae: {  	[sflag:s0] =	ssyncadd.s32 @!p0 s1  }
0xaf: {  	[bflag:$0x3] =	sbarrier.arrive $0xFFFF  }
0xb0: {  	_ =	shalt  }

</sc_bundles>
